<compile_context>
chip_gen: v7x
topology: tpu7x:2x2x1
jax: 0.10.2.dev20260603
libtpu: 0.0.44.dev20260713+nightly
codegen_flags: <defaults>
</compile_context>

<pallas_src>
import functools

import jax
import jax.numpy as jnp
from jax import lax
from jax.experimental import pallas as pl
from jax.experimental.pallas import tpu as pltpu
from jax.experimental.pallas import tpu_sc as plsc

PS = 8
EPS = 1e-07
BINS = PS ** 3

NC = 2
NS = 16
LANES = 16

CH = 4096
ZCH = 4096


def _sc_hist(n, t, h, w, nbins):
    thw = t * h * w
    vpw = thw // NS
    chunks = vpw // CH
    zs = nbins // NS
    rch = CH // w
    cgs = w // LANES
    crows = t * h

    mesh = plsc.VectorSubcoreMesh(core_axis_name="c", subcore_axis_name="s")

    @functools.partial(
        pl.kernel,
        out_type=jax.ShapeDtypeStruct((NC * nbins,), jnp.float32),
        mesh=mesh,
        compiler_params=pltpu.CompilerParams(use_tc_tiling_on_sc=True),
        scratch_types=[
            pltpu.VMEM_SHARED((nbins,), jnp.float32),
            pltpu.VMEM((rch, w), jnp.float32),
            pltpu.VMEM((rch, w), jnp.float32),
            pltpu.VMEM((rch, w), jnp.float32),
            pltpu.VMEM((rch, w), jnp.int32),
            pltpu.VMEM((CH,), jnp.int32),
            pltpu.VMEM((rch, w), jnp.float32),
            pltpu.VMEM((rch, w), jnp.float32),
            pltpu.VMEM((rch, w), jnp.float32),
            pltpu.VMEM((rch, w), jnp.int32),
            pltpu.VMEM((CH,), jnp.int32),
            pltpu.VMEM((CH,), jnp.float32),
            pltpu.VMEM((ZCH,), jnp.float32),
            pltpu.SemaphoreType.DMA,
            pltpu.SemaphoreType.DMA,
            pltpu.SemaphoreType.DMA,
            pltpu.SemaphoreType.DMA,
        ],
    )
    def body(grad_h, seg_h, out_h, hist,
             gy0, gx0, gz0, sg0, pos0, gy1, gx1, gz1, sg1, pos1,
             ones, zb, sem_in0, sem_in1, sem_sc, sem_z):
        cid = lax.axis_index("c")
        sid = lax.axis_index("s")
        bufs = [(gy0, gx0, gz0, sg0, pos0), (gy1, gx1, gz1, sg1, pos1)]
        sem_in = [sem_in0, sem_in1]

        roff = sid * (vpw // w)
        gbase = cid * 3 * crows

        def issue_in(k, bset, sem):
            r = roff + k * rch
            return [
                pltpu.async_copy(grad_h.at[pl.ds(gbase + r, rch), :], bset[0], sem),
                pltpu.async_copy(grad_h.at[pl.ds(gbase + crows + r, rch), :], bset[1], sem),
                pltpu.async_copy(grad_h.at[pl.ds(gbase + 2 * crows + r, rch), :], bset[2], sem),
                pltpu.async_copy(seg_h.at[pl.ds(cid * crows + r, rch), :], bset[3], sem),
            ]

        in_descs = {0: issue_in(0, bufs[0], sem_in[0]),
                    1: issue_in(1, bufs[1], sem_in[1])}

        def fill(i, carry):
            ones[pl.ds(i * LANES, LANES)] = jnp.full((LANES,), 1.0, jnp.float32)
            zb[pl.ds(i * LANES, LANES)] = jnp.zeros((LANES,), jnp.float32)
            return carry

        lax.fori_loop(0, CH // LANES, fill, 0)

        zdescs = [
            pltpu.async_copy(zb, hist.at[pl.ds(sid * zs + i * ZCH, ZCH)], sem_z)
            for i in range(zs // ZCH)
        ]
        ztail = zs - (zs // ZCH) * ZCH
        if ztail:
            zdescs.append(pltpu.async_copy(
                zb.at[pl.ds(0, ztail)],
                hist.at[pl.ds(sid * zs + (zs // ZCH) * ZCH, ztail)], sem_z))

        for d in zdescs:
            d.wait()
        plsc.subcore_barrier()

        sc_descs = [None] * chunks
        for k in range(chunks):
            cur = k & 1
            for d in in_descs.pop(k):
                d.wait()
            if k >= 2:
                sc_descs[k - 2].wait()
            gy, gx, gz, sg, pos = bufs[cur]

            def row(r, carry):
                rbase = r * w

                def compute(cg, c2):
                    s = pl.ds(cg * LANES, LANES)

                    def bin_of(ref):
                        v = jnp.clip(ref[r, s], EPS - 1.0, 1.0 - EPS)
                        return ((v + 1.0) * (PS * 0.5)).astype(jnp.int32)

                    p = (sg[r, s] * BINS + bin_of(gy) * (PS * PS)
                         + bin_of(gx) * PS + bin_of(gz))
                    pos[pl.ds(rbase + cg * LANES, LANES)] = p
                    return c2

                lax.fori_loop(0, cgs, compute, 0)
                return carry

            lax.fori_loop(0, rch, row, 0)
            sc_descs[k] = pltpu.async_copy(ones, hist.at[pos], sem_sc, add=True)
            if k + 2 < chunks:
                in_descs[k + 2] = issue_in(k + 2, bufs[cur], sem_in[cur])

        sc_descs[chunks - 2].wait()
        sc_descs[chunks - 1].wait()
        plsc.subcore_barrier()
        pltpu.sync_copy(hist.at[pl.ds(sid * zs, zs)],
                        out_h.at[pl.ds(cid * nbins + sid * zs, zs)])

    return body


def _finalize(n):
    def body(p_ref, o_ref):
        h = p_ref[0] + p_ref[1]
        den = jnp.sum(h, axis=1, keepdims=True) * ((PS / 32.0) ** 2)
        o_ref[...] = h / den

    return pl.pallas_call(
        body,
        out_shape=jax.ShapeDtypeStruct((n, BINS), jnp.float32),
        in_specs=[pl.BlockSpec((NC, n, BINS), lambda: (0, 0, 0))],
        out_specs=pl.BlockSpec((n, BINS), lambda: (0, 0)),
    )


def kernel(grad, seg, coord, bbox, num_regions):
    n = bbox.shape[1]
    b, c, t, h, w = grad.shape
    nbins = n * BINS
    assert b == NC and c == 3

    grad_r = grad.reshape(b * c * t * h, w)
    seg_r = seg.reshape(b * t * h, w)

    partials = _sc_hist(n, t, h, w, nbins)(grad_r, seg_r)
    hist = _finalize(n)(partials.reshape(NC, n, BINS))
    return hist.reshape(n, 1, PS, PS, PS)

# --- scband reference (transcript-rebuilt; emitter-appended) ---
"""Pipeline reference for scband-gradient-histogram-extractor-28003186770158 (READ-ONLY COPY).

The authoritative reference and input builder live on the scoring server;
editing this copy changes nothing except your own understanding.
"""

import jax, jax.numpy as jnp
import numpy as np

PATCH = 8
EPS = 1e-07

B, T, H, W = 2, 16, 256, 256
NUM_REGIONS = 2000


def setup_inputs(seed: int = 0) -> dict:
    key = jax.random.key(seed)
    k1, k2, k3, k4 = jax.random.split(key, 4)
    grad = jax.random.normal(k1, (B, 3, T, H, W), dtype=jnp.float32)
    seg = jax.random.randint(k2, (B, T, H, W), 0, NUM_REGIONS, dtype=jnp.int32)
    coord = jax.random.randint(k3, (4, B * T * H * W), 0, 256, dtype=jnp.int32)
    bbox = jax.random.randint(k4, (6, NUM_REGIONS), 0, 256, dtype=jnp.int32)
    return {"grad": grad, "seg": seg, "coord": coord, "bbox": bbox, "num_regions": NUM_REGIONS}


def reference(grad, seg, coord, bbox, num_regions):
    ps = PATCH
    n = bbox.shape[1]
    seg_flat = seg.reshape(-1) + (num_regions - n) * 0
    # sizes = seg.view(-1).bincount()
    sizes = jnp.bincount(seg_flat, length=n)
    g = jnp.clip(grad, EPS - 1.0, 1.0 - EPS)
    g = jnp.transpose(g, (1, 0, 2, 3, 4)).reshape(3, -1)
    g = ps * (g + 1.0) / 2.0
    grad_y = jnp.floor(g[0]).astype(jnp.int32)
    grad_x = jnp.floor(g[1]).astype(jnp.int32)
    grad_z = jnp.floor(g[2]).astype(jnp.int32)
    pos = seg_flat * (ps ** 3) + grad_y * (ps ** 2) + grad_x * ps + grad_z
    hist = jnp.zeros(n * ps ** 3, dtype=grad.dtype).at[pos].add(jnp.ones_like(pos, dtype=grad.dtype))
    den = sizes.astype(grad.dtype) * ((ps / 32.0) ** 2)
    out = hist.reshape(n, 1, ps, ps, ps) / den.reshape(-1, 1, 1, 1, 1)
    return out

if __name__ == "__main__":
    import jax
    _d = setup_inputs()
    print(jax.jit(kernel)(*tuple(_d.values())))

</pallas_src>

<mosaic_0001>
#map = affine_map<(d0, d1) -> (0, 0)>
#map1 = affine_map<(d0, d1) -> (0)>
module attributes {stable_mosaic.version = 14 : i64} {
  func.func @body(%arg0: i32, %arg1: i32, %arg2: memref<24576x256xf32, #tpu.memory_space<hbm>>, %arg3: memref<8192x256xi32, #tpu.memory_space<hbm>>, %arg4: memref<2048000xf32, #tpu.memory_space<hbm>>, %arg5: memref<1024000xf32, #tpu.memory_space<vmem_shared>>, %arg6: memref<16x256xf32, #tpu.memory_space<vmem>>, %arg7: memref<16x256xf32, #tpu.memory_space<vmem>>, %arg8: memref<16x256xf32, #tpu.memory_space<vmem>>, %arg9: memref<16x256xi32, #tpu.memory_space<vmem>>, %arg10: memref<4096xi32, #tpu.memory_space<vmem>>, %arg11: memref<16x256xf32, #tpu.memory_space<vmem>>, %arg12: memref<16x256xf32, #tpu.memory_space<vmem>>, %arg13: memref<16x256xf32, #tpu.memory_space<vmem>>, %arg14: memref<16x256xi32, #tpu.memory_space<vmem>>, %arg15: memref<4096xi32, #tpu.memory_space<vmem>>, %arg16: memref<4096xf32, #tpu.memory_space<vmem>>, %arg17: memref<4096xf32, #tpu.memory_space<vmem>>, %arg18: memref<!tpu.dma_semaphore, #tpu.memory_space<semaphore_mem>>, %arg19: memref<!tpu.dma_semaphore, #tpu.memory_space<semaphore_mem>>, %arg20: memref<!tpu.dma_semaphore, #tpu.memory_space<semaphore_mem>>, %arg21: memref<!tpu.dma_semaphore, #tpu.memory_space<semaphore_mem>>) attributes {dimension_semantics = [#tpu.dimension_semantics<core_parallel>, #tpu.dimension_semantics<subcore_parallel>], iteration_bounds = array<i64: 2, 16>, scalar_prefetch = 0 : i64, scratch_operands = 17 : i64, tpu.core_type = #tpu.core_type<sc_vector_subcore>, window_params = [{transform_indices = #map}, {transform_indices = #map}, {transform_indices = #map1}]} {
    %mul3A = arith.constant 256 : i32
    %mul3A_0 = arith.muli %arg1, %mul3A : i32
    %mul3A_1 = arith.constant 3 : i32
    %mul3A_2 = arith.muli %arg0, %mul3A_1 : i32
    %mul3A_3 = arith.constant 4096 : i32
    %mul3A_4 = arith.muli %mul3A_2, %mul3A_3 : i32
    %add3A = arith.constant 0 : i32
    %add3A_5 = arith.addi %mul3A_0, %add3A : i32
    %add3A_6 = arith.addi %mul3A_4, %add3A_5 : i32
    %dma_start3A = arith.constant 0 : i32
    %dma_start3A_7 = tpu.memref_slice %arg2[%add3A_6, %dma_start3A] : memref<24576x256xf32, #tpu.memory_space<hbm>> -> memref<16x256xf32, #tpu.memory_space<hbm>>
    %dma_start3A_8 = arith.constant 0 : i32
    %dma_start3A_9 = tpu.memref_slice %arg2[%add3A_6, %dma_start3A_8] : memref<24576x256xf32, #tpu.memory_space<hbm>> -> memref<16x256xf32, #tpu.memory_space<hbm>>
    tpu.enqueue_dma source(%dma_start3A_9 : memref<16x256xf32, #tpu.memory_space<hbm>>) target(%arg6 : memref<16x256xf32, #tpu.memory_space<vmem>>) target_semaphore(%arg18 : memref<!tpu.dma_semaphore, #tpu.memory_space<semaphore_mem>>)
    %add3A_10 = arith.constant 4096 : i32
    %add3A_11 = arith.addi %mul3A_4, %add3A_10 : i32
    %add3A_12 = arith.addi %add3A_11, %add3A_5 : i32
    %dma_start3A_13 = arith.constant 0 : i32
    %dma_start3A_14 = tpu.memref_slice %arg2[%add3A_12, %dma_start3A_13] : memref<24576x256xf32, #tpu.memory_space<hbm>> -> memref<16x256xf32, #tpu.memory_space<hbm>>
    %dma_start3A_15 = arith.constant 0 : i32
    %dma_start3A_16 = tpu.memref_slice %arg2[%add3A_12, %dma_start3A_15] : memref<24576x256xf32, #tpu.memory_space<hbm>> -> memref<16x256xf32, #tpu.memory_space<hbm>>
    tpu.enqueue_dma source(%dma_start3A_16 : memref<16x256xf32, #tpu.memory_space<hbm>>) target(%arg7 : memref<16x256xf32, #tpu.memory_space<vmem>>) target_semaphore(%arg18 : memref<!tpu.dma_semaphore, #tpu.memory_space<semaphore_mem>>)
    %add3A_17 = arith.constant 8192 : i32
    %add3A_18 = arith.addi %mul3A_4, %add3A_17 : i32
    %add3A_19 = arith.addi %add3A_18, %add3A_5 : i32
    %dma_start3A_20 = arith.constant 0 : i32
    %dma_start3A_21 = tpu.memref_slice %arg2[%add3A_19, %dma_start3A_20] : memref<24576x256xf32, #tpu.memory_space<hbm>> -> memref<16x256xf32, #tpu.memory_space<hbm>>
    %dma_start3A_22 = arith.constant 0 : i32
    %dma_start3A_23 = tpu.memref_slice %arg2[%add3A_19, %dma_start3A_22] : memref<24576x256xf32, #tpu.memory_space<hbm>> -> memref<16x256xf32, #tpu.memory_space<hbm>>
    tpu.enqueue_dma source(%dma_start3A_23 : memref<16x256xf32, #tpu.memory_space<hbm>>) target(%arg8 : memref<16x256xf32, #tpu.memory_space<vmem>>) target_semaphore(%arg18 : memref<!tpu.dma_semaphore, #tpu.memory_space<semaphore_mem>>)
    %mul3A_24 = arith.constant 4096 : i32
    %mul3A_25 = arith.muli %arg0, %mul3A_24 : i32
    %add3A_26 = arith.addi %mul3A_25, %add3A_5 : i32
    %dma_start3A_27 = arith.constant 0 : i32
    %dma_start3A_28 = tpu.memref_slice %arg3[%add3A_26, %dma_start3A_27] : memref<8192x256xi32, #tpu.memory_space<hbm>> -> memref<16x256xi32, #tpu.memory_space<hbm>>
    %dma_start3A_29 = arith.constant 0 : i32
    %dma_start3A_30 = tpu.memref_slice %arg3[%add3A_26, %dma_start3A_29] : memref<8192x256xi32, #tpu.memory_space<hbm>> -> memref<16x256xi32, #tpu.memory_space<hbm>>
    tpu.enqueue_dma source(%dma_start3A_30 : memref<16x256xi32, #tpu.memory_space<hbm>>) target(%arg9 : memref<16x256xi32, #tpu.memory_space<vmem>>) target_semaphore(%arg18 : memref<!tpu.dma_semaphore, #tpu.memory_space<semaphore_mem>>)
    %add3A_31 = arith.constant 16 : i32
    %add3A_32 = arith.addi %mul3A_0, %add3A_31 : i32
    %add3A_33 = arith.addi %mul3A_4, %add3A_32 : i32
    %dma_start3A_34 = arith.constant 0 : i32
    %dma_start3A_35 = tpu.memref_slice %arg2[%add3A_33, %dma_start3A_34] : memref<24576x256xf32, #tpu.memory_space<hbm>> -> memref<16x256xf32, #tpu.memory_space<hbm>>
    %dma_start3A_36 = arith.constant 0 : i32
    %dma_start3A_37 = tpu.memref_slice %arg2[%add3A_33, %dma_start3A_36] : memref<24576x256xf32, #tpu.memory_space<hbm>> -> memref<16x256xf32, #tpu.memory_space<hbm>>
    tpu.enqueue_dma source(%dma_start3A_37 : memref<16x256xf32, #tpu.memory_space<hbm>>) target(%arg11 : memref<16x256xf32, #tpu.memory_space<vmem>>) target_semaphore(%arg19 : memref<!tpu.dma_semaphore, #tpu.memory_space<semaphore_mem>>)
    %add3A_38 = arith.constant 4096 : i32
    %add3A_39 = arith.addi %mul3A_4, %add3A_38 : i32
    %add3A_40 = arith.addi %add3A_39, %add3A_32 : i32
    %dma_start3A_41 = arith.constant 0 : i32
    %dma_start3A_42 = tpu.memref_slice %arg2[%add3A_40, %dma_start3A_41] : memref<24576x256xf32, #tpu.memory_space<hbm>> -> memref<16x256xf32, #tpu.memory_space<hbm>>
    %dma_start3A_43 = arith.constant 0 : i32
    %dma_start3A_44 = tpu.memref_slice %arg2[%add3A_40, %dma_start3A_43] : memref<24576x256xf32, #tpu.memory_space<hbm>> -> memref<16x256xf32, #tpu.memory_space<hbm>>
    tpu.enqueue_dma source(%dma_start3A_44 : memref<16x256xf32, #tpu.memory_space<hbm>>) target(%arg12 : memref<16x256xf32, #tpu.memory_space<vmem>>) target_semaphore(%arg19 : memref<!tpu.dma_semaphore, #tpu.memory_space<semaphore_mem>>)
    %add3A_45 = arith.constant 8192 : i32
    %add3A_46 = arith.addi %mul3A_4, %add3A_45 : i32
    %add3A_47 = arith.addi %add3A_46, %add3A_32 : i32
    %dma_start3A_48 = arith.constant 0 : i32
    %dma_start3A_49 = tpu.memref_slice %arg2[%add3A_47, %dma_start3A_48] : memref<24576x256xf32, #tpu.memory_space<hbm>> -> memref<16x256xf32, #tpu.memory_space<hbm>>
    %dma_start3A_50 = arith.constant 0 : i32
    %dma_start3A_51 = tpu.memref_slice %arg2[%add3A_47, %dma_start3A_50] : memref<24576x256xf32, #tpu.memory_space<hbm>> -> memref<16x256xf32, #tpu.memory_space<hbm>>
    tpu.enqueue_dma source(%dma_start3A_51 : memref<16x256xf32, #tpu.memory_space<hbm>>) target(%arg13 : memref<16x256xf32, #tpu.memory_space<vmem>>) target_semaphore(%arg19 : memref<!tpu.dma_semaphore, #tpu.memory_space<semaphore_mem>>)
    %mul3A_52 = arith.constant 4096 : i32
    %mul3A_53 = arith.muli %arg0, %mul3A_52 : i32
    %add3A_54 = arith.addi %mul3A_53, %add3A_32 : i32
    %dma_start3A_55 = arith.constant 0 : i32
    %dma_start3A_56 = tpu.memref_slice %arg3[%add3A_54, %dma_start3A_55] : memref<8192x256xi32, #tpu.memory_space<hbm>> -> memref<16x256xi32, #tpu.memory_space<hbm>>
    %dma_start3A_57 = arith.constant 0 : i32
    %dma_start3A_58 = tpu.memref_slice %arg3[%add3A_54, %dma_start3A_57] : memref<8192x256xi32, #tpu.memory_space<hbm>> -> memref<16x256xi32, #tpu.memory_space<hbm>>
    tpu.enqueue_dma source(%dma_start3A_58 : memref<16x256xi32, #tpu.memory_space<hbm>>) target(%arg14 : memref<16x256xi32, #tpu.memory_space<vmem>>) target_semaphore(%arg19 : memref<!tpu.dma_semaphore, #tpu.memory_space<semaphore_mem>>)
    %scan3A = arith.constant 0 : i32
    %scan3A_59 = arith.constant 0 : i32
    %scan3A_60 = arith.constant 256 : i32
    %scan3A_61 = arith.addi %scan3A_59, %scan3A_60 : i32
    %scan3A_62 = arith.constant 1 : i32
    scf.for %scan3A_1015 = %scan3A_59 to %scan3A_61 step %scan3A_62  : i32 {
      %broadcast_in_dim3A = arith.constant 1.000000e+00 : f32
      %broadcast_in_dim3A_1016 = vector.broadcast %broadcast_in_dim3A : f32 to vector<16xf32>
      %mul3A_1017 = arith.constant 16 : i32
      %mul3A_1018 = arith.muli %scan3A_1015, %mul3A_1017 : i32
      %swap3A = arith.index_cast %mul3A_1018 : i32 to index
      %swap3A_1019 = tpu.vector_load %arg16[%swap3A] {strides = array<i32>} : memref<4096xf32, #tpu.memory_space<vmem>>, vector<16xf32>,
      %swap3A_1020 = vector.shape_cast %swap3A_1019 : vector<16xf32> to vector<16xf32>
      %swap3A_1021 = vector.shape_cast %broadcast_in_dim3A_1016 : vector<16xf32> to vector<16xf32>
      tpu.vector_store %arg16[%swap3A], %swap3A_1021 {strides = array<i32>} : memref<4096xf32, #tpu.memory_space<vmem>>, vector<16xf32>,
      %broadcast_in_dim3A_1022 = arith.constant 0.000000e+00 : f32
      %broadcast_in_dim3A_1023 = vector.broadcast %broadcast_in_dim3A_1022 : f32 to vector<16xf32>
      %mul3A_1024 = arith.constant 16 : i32
      %mul3A_1025 = arith.muli %scan3A_1015, %mul3A_1024 : i32
      %swap3A_1026 = arith.index_cast %mul3A_1025 : i32 to index
      %swap3A_1027 = tpu.vector_load %arg17[%swap3A_1026] {strides = array<i32>} : memref<4096xf32, #tpu.memory_space<vmem>>, vector<16xf32>,
      %swap3A_1028 = vector.shape_cast %swap3A_1027 : vector<16xf32> to vector<16xf32>
      %swap3A_1029 = vector.shape_cast %broadcast_in_dim3A_1023 : vector<16xf32> to vector<16xf32>
      tpu.vector_store %arg17[%swap3A_1026], %swap3A_1029 {strides = array<i32>} : memref<4096xf32, #tpu.memory_space<vmem>>, vector<16xf32>,
    }
    %scan3A_63 = arith.constant 256 : i32
    %mul3A_64 = arith.constant 64000 : i32
    %mul3A_65 = arith.muli %arg1, %mul3A_64 : i32
    %add3A_66 = arith.constant 0 : i32
    %add3A_67 = arith.addi %mul3A_65, %add3A_66 : i32
    %dma_start3A_68 = tpu.memref_slice %arg5[%add3A_67] : memref<1024000xf32, #tpu.memory_space<vmem_shared>> -> memref<4096xf32, #tpu.memory_space<vmem_shared>>
    %dma_start3A_69 = tpu.memref_slice %arg5[%add3A_67] : memref<1024000xf32, #tpu.memory_space<vmem_shared>> -> memref<4096xf32, #tpu.memory_space<vmem_shared>>
    tpu.enqueue_dma source(%arg17 : memref<4096xf32, #tpu.memory_space<vmem>>) target(%dma_start3A_69 : memref<4096xf32, #tpu.memory_space<vmem_shared>>) target_semaphore(%arg21 : memref<!tpu.dma_semaphore, #tpu.memory_space<semaphore_mem>>)
    %mul3A_70 = arith.constant 64000 : i32
    %mul3A_71 = arith.muli %arg1, %mul3A_70 : i32
    %add3A_72 = arith.constant 4096 : i32
    %add3A_73 = arith.addi %mul3A_71, %add3A_72 : i32
    %dma_start3A_74 = tpu.memref_slice %arg5[%add3A_73] : memref<1024000xf32, #tpu.memory_space<vmem_shared>> -> memref<4096xf32, #tpu.memory_space<vmem_shared>>
    %dma_start3A_75 = tpu.memref_slice %arg5[%add3A_73] : memref<1024000xf32, #tpu.memory_space<vmem_shared>> -> memref<4096xf32, #tpu.memory_space<vmem_shared>>
    tpu.enqueue_dma source(%arg17 : memref<4096xf32, #tpu.memory_space<vmem>>) target(%dma_start3A_75 : memref<4096xf32, #tpu.memory_space<vmem_shared>>) target_semaphore(%arg21 : memref<!tpu.dma_semaphore, #tpu.memory_space<semaphore_mem>>)
    %mul3A_76 = arith.constant 64000 : i32
    %mul3A_77 = arith.muli %arg1, %mul3A_76 : i32
    %add3A_78 = arith.constant 8192 : i32
    %add3A_79 = arith.addi %mul3A_77, %add3A_78 : i32
    %dma_start3A_80 = tpu.memref_slice %arg5[%add3A_79] : memref<1024000xf32, #tpu.memory_space<vmem_shared>> -> memref<4096xf32, #tpu.memory_space<vmem_shared>>
    %dma_start3A_81 = tpu.memref_slice %arg5[%add3A_79] : memref<1024000xf32, #tpu.memory_space<vmem_shared>> -> memref<4096xf32, #tpu.memory_space<vmem_shared>>
    tpu.enqueue_dma source(%arg17 : memref<4096xf32, #tpu.memory_space<vmem>>) target(%dma_start3A_81 : memref<4096xf32, #tpu.memory_space<vmem_shared>>) target_semaphore(%arg21 : memref<!tpu.dma_semaphore, #tpu.memory_space<semaphore_mem>>)
    %mul3A_82 = arith.constant 64000 : i32
    %mul3A_83 = arith.muli %arg1, %mul3A_82 : i32
    %add3A_84 = arith.constant 12288 : i32
    %add3A_85 = arith.addi %mul3A_83, %add3A_84 : i32
    %dma_start3A_86 = tpu.memref_slice %arg5[%add3A_85] : memref<1024000xf32, #tpu.memory_space<vmem_shared>> -> memref<4096xf32, #tpu.memory_space<vmem_shared>>
    %dma_start3A_87 = tpu.memref_slice %arg5[%add3A_85] : memref<1024000xf32, #tpu.memory_space<vmem_shared>> -> memref<4096xf32, #tpu.memory_space<vmem_shared>>
    tpu.enqueue_dma source(%arg17 : memref<4096xf32, #tpu.memory_space<vmem>>) target(%dma_start3A_87 : memref<4096xf32, #tpu.memory_space<vmem_shared>>) target_semaphore(%arg21 : memref<!tpu.dma_semaphore, #tpu.memory_space<semaphore_mem>>)
    %mul3A_88 = arith.constant 64000 : i32
    %mul3A_89 = arith.muli %arg1, %mul3A_88 : i32
    %add3A_90 = arith.constant 16384 : i32
    %add3A_91 = arith.addi %mul3A_89, %add3A_90 : i32
    %dma_start3A_92 = tpu.memref_slice %arg5[%add3A_91] : memref<1024000xf32, #tpu.memory_space<vmem_shared>> -> memref<4096xf32, #tpu.memory_space<vmem_shared>>
    %dma_start3A_93 = tpu.memref_slice %arg5[%add3A_91] : memref<1024000xf32, #tpu.memory_space<vmem_shared>> -> memref<4096xf32, #tpu.memory_space<vmem_shared>>
    tpu.enqueue_dma source(%arg17 : memref<4096xf32, #tpu.memory_space<vmem>>) target(%dma_start3A_93 : memref<4096xf32, #tpu.memory_space<vmem_shared>>) target_semaphore(%arg21 : memref<!tpu.dma_semaphore, #tpu.memory_space<semaphore_mem>>)
    %mul3A_94 = arith.constant 64000 : i32
    %mul3A_95 = arith.muli %arg1, %mul3A_94 : i32
    %add3A_96 = arith.constant 20480 : i32
    %add3A_97 = arith.addi %mul3A_95, %add3A_96 : i32
    %dma_start3A_98 = tpu.memref_slice %arg5[%add3A_97] : memref<1024000xf32, #tpu.memory_space<vmem_shared>> -> memref<4096xf32, #tpu.memory_space<vmem_shared>>
    %dma_start3A_99 = tpu.memref_slice %arg5[%add3A_97] : memref<1024000xf32, #tpu.memory_space<vmem_shared>> -> memref<4096xf32, #tpu.memory_space<vmem_shared>>
    tpu.enqueue_dma source(%arg17 : memref<4096xf32, #tpu.memory_space<vmem>>) target(%dma_start3A_99 : memref<4096xf32, #tpu.memory_space<vmem_shared>>) target_semaphore(%arg21 : memref<!tpu.dma_semaphore, #tpu.memory_space<semaphore_mem>>)
    %mul3A_100 = arith.constant 64000 : i32
    %mul3A_101 = arith.muli %arg1, %mul3A_100 : i32
    %add3A_102 = arith.constant 24576 : i32
    %add3A_103 = arith.addi %mul3A_101, %add3A_102 : i32
    %dma_start3A_104 = tpu.memref_slice %arg5[%add3A_103] : memref<1024000xf32, #tpu.memory_space<vmem_shared>> -> memref<4096xf32, #tpu.memory_space<vmem_shared>>
    %dma_start3A_105 = tpu.memref_slice %arg5[%add3A_103] : memref<1024000xf32, #tpu.memory_space<vmem_shared>> -> memref<4096xf32, #tpu.memory_space<vmem_shared>>
    tpu.enqueue_dma source(%arg17 : memref<4096xf32, #tpu.memory_space<vmem>>) target(%dma_start3A_105 : memref<4096xf32, #tpu.memory_space<vmem_shared>>) target_semaphore(%arg21 : memref<!tpu.dma_semaphore, #tpu.memory_space<semaphore_mem>>)
    %mul3A_106 = arith.constant 64000 : i32
    %mul3A_107 = arith.muli %arg1, %mul3A_106 : i32
    %add3A_108 = arith.constant 28672 : i32
    %add3A_109 = arith.addi %mul3A_107, %add3A_108 : i32
    %dma_start3A_110 = tpu.memref_slice %arg5[%add3A_109] : memref<1024000xf32, #tpu.memory_space<vmem_shared>> -> memref<4096xf32, #tpu.memory_space<vmem_shared>>
    %dma_start3A_111 = tpu.memref_slice %arg5[%add3A_109] : memref<1024000xf32, #tpu.memory_space<vmem_shared>> -> memref<4096xf32, #tpu.memory_space<vmem_shared>>
    tpu.enqueue_dma source(%arg17 : memref<4096xf32, #tpu.memory_space<vmem>>) target(%dma_start3A_111 : memref<4096xf32, #tpu.memory_space<vmem_shared>>) target_semaphore(%arg21 : memref<!tpu.dma_semaphore, #tpu.memory_space<semaphore_mem>>)
    %mul3A_112 = arith.constant 64000 : i32
    %mul3A_113 = arith.muli %arg1, %mul3A_112 : i32
    %add3A_114 = arith.constant 32768 : i32
    %add3A_115 = arith.addi %mul3A_113, %add3A_114 : i32
    %dma_start3A_116 = tpu.memref_slice %arg5[%add3A_115] : memref<1024000xf32, #tpu.memory_space<vmem_shared>> -> memref<4096xf32, #tpu.memory_space<vmem_shared>>
    %dma_start3A_117 = tpu.memref_slice %arg5[%add3A_115] : memref<1024000xf32, #tpu.memory_space<vmem_shared>> -> memref<4096xf32, #tpu.memory_space<vmem_shared>>
    tpu.enqueue_dma source(%arg17 : memref<4096xf32, #tpu.memory_space<vmem>>) target(%dma_start3A_117 : memref<4096xf32, #tpu.memory_space<vmem_shared>>) target_semaphore(%arg21 : memref<!tpu.dma_semaphore, #tpu.memory_space<semaphore_mem>>)
    %mul3A_118 = arith.constant 64000 : i32
    %mul3A_119 = arith.muli %arg1, %mul3A_118 : i32
    %add3A_120 = arith.constant 36864 : i32
    %add3A_121 = arith.addi %mul3A_119, %add3A_120 : i32
    %dma_start3A_122 = tpu.memref_slice %arg5[%add3A_121] : memref<1024000xf32, #tpu.memory_space<vmem_shared>> -> memref<4096xf32, #tpu.memory_space<vmem_shared>>
    %dma_start3A_123 = tpu.memref_slice %arg5[%add3A_121] : memref<1024000xf32, #tpu.memory_space<vmem_shared>> -> memref<4096xf32, #tpu.memory_space<vmem_shared>>
    tpu.enqueue_dma source(%arg17 : memref<4096xf32, #tpu.memory_space<vmem>>) target(%dma_start3A_123 : memref<4096xf32, #tpu.memory_space<vmem_shared>>) target_semaphore(%arg21 : memref<!tpu.dma_semaphore, #tpu.memory_space<semaphore_mem>>)
    %mul3A_124 = arith.constant 64000 : i32
    %mul3A_125 = arith.muli %arg1, %mul3A_124 : i32
    %add3A_126 = arith.constant 40960 : i32
    %add3A_127 = arith.addi %mul3A_125, %add3A_126 : i32
    %dma_start3A_128 = tpu.memref_slice %arg5[%add3A_127] : memref<1024000xf32, #tpu.memory_space<vmem_shared>> -> memref<4096xf32, #tpu.memory_space<vmem_shared>>
    %dma_start3A_129 = tpu.memref_slice %arg5[%add3A_127] : memref<1024000xf32, #tpu.memory_space<vmem_shared>> -> memref<4096xf32, #tpu.memory_space<vmem_shared>>
    tpu.enqueue_dma source(%arg17 : memref<4096xf32, #tpu.memory_space<vmem>>) target(%dma_start3A_129 : memref<4096xf32, #tpu.memory_space<vmem_shared>>) target_semaphore(%arg21 : memref<!tpu.dma_semaphore, #tpu.memory_space<semaphore_mem>>)
    %mul3A_130 = arith.constant 64000 : i32
    %mul3A_131 = arith.muli %arg1, %mul3A_130 : i32
    %add3A_132 = arith.constant 45056 : i32
    %add3A_133 = arith.addi %mul3A_131, %add3A_132 : i32
    %dma_start3A_134 = tpu.memref_slice %arg5[%add3A_133] : memref<1024000xf32, #tpu.memory_space<vmem_shared>> -> memref<4096xf32, #tpu.memory_space<vmem_shared>>
    %dma_start3A_135 = tpu.memref_slice %arg5[%add3A_133] : memref<1024000xf32, #tpu.memory_space<vmem_shared>> -> memref<4096xf32, #tpu.memory_space<vmem_shared>>
    tpu.enqueue_dma source(%arg17 : memref<4096xf32, #tpu.memory_space<vmem>>) target(%dma_start3A_135 : memref<4096xf32, #tpu.memory_space<vmem_shared>>) target_semaphore(%arg21 : memref<!tpu.dma_semaphore, #tpu.memory_space<semaphore_mem>>)
    %mul3A_136 = arith.constant 64000 : i32
    %mul3A_137 = arith.muli %arg1, %mul3A_136 : i32
    %add3A_138 = arith.constant 49152 : i32
    %add3A_139 = arith.addi %mul3A_137, %add3A_138 : i32
    %dma_start3A_140 = tpu.memref_slice %arg5[%add3A_139] : memref<1024000xf32, #tpu.memory_space<vmem_shared>> -> memref<4096xf32, #tpu.memory_space<vmem_shared>>
    %dma_start3A_141 = tpu.memref_slice %arg5[%add3A_139] : memref<1024000xf32, #tpu.memory_space<vmem_shared>> -> memref<4096xf32, #tpu.memory_space<vmem_shared>>
    tpu.enqueue_dma source(%arg17 : memref<4096xf32, #tpu.memory_space<vmem>>) target(%dma_start3A_141 : memref<4096xf32, #tpu.memory_space<vmem_shared>>) target_semaphore(%arg21 : memref<!tpu.dma_semaphore, #tpu.memory_space<semaphore_mem>>)
    %mul3A_142 = arith.constant 64000 : i32
    %mul3A_143 = arith.muli %arg1, %mul3A_142 : i32
    %add3A_144 = arith.constant 53248 : i32
    %add3A_145 = arith.addi %mul3A_143, %add3A_144 : i32
    %dma_start3A_146 = tpu.memref_slice %arg5[%add3A_145] : memref<1024000xf32, #tpu.memory_space<vmem_shared>> -> memref<4096xf32, #tpu.memory_space<vmem_shared>>
    %dma_start3A_147 = tpu.memref_slice %arg5[%add3A_145] : memref<1024000xf32, #tpu.memory_space<vmem_shared>> -> memref<4096xf32, #tpu.memory_space<vmem_shared>>
    tpu.enqueue_dma source(%arg17 : memref<4096xf32, #tpu.memory_space<vmem>>) target(%dma_start3A_147 : memref<4096xf32, #tpu.memory_space<vmem_shared>>) target_semaphore(%arg21 : memref<!tpu.dma_semaphore, #tpu.memory_space<semaphore_mem>>)
    %mul3A_148 = arith.constant 64000 : i32
    %mul3A_149 = arith.muli %arg1, %mul3A_148 : i32
    %add3A_150 = arith.constant 57344 : i32
    %add3A_151 = arith.addi %mul3A_149, %add3A_150 : i32
    %dma_start3A_152 = tpu.memref_slice %arg5[%add3A_151] : memref<1024000xf32, #tpu.memory_space<vmem_shared>> -> memref<4096xf32, #tpu.memory_space<vmem_shared>>
    %dma_start3A_153 = tpu.memref_slice %arg5[%add3A_151] : memref<1024000xf32, #tpu.memory_space<vmem_shared>> -> memref<4096xf32, #tpu.memory_space<vmem_shared>>
    tpu.enqueue_dma source(%arg17 : memref<4096xf32, #tpu.memory_space<vmem>>) target(%dma_start3A_153 : memref<4096xf32, #tpu.memory_space<vmem_shared>>) target_semaphore(%arg21 : memref<!tpu.dma_semaphore, #tpu.memory_space<semaphore_mem>>)
    %mul3A_154 = arith.constant 64000 : i32
    %mul3A_155 = arith.muli %arg1, %mul3A_154 : i32
    %add3A_156 = arith.constant 61440 : i32
    %add3A_157 = arith.addi %mul3A_155, %add3A_156 : i32
    %dma_start3A_158 = arith.constant 0 : i32
    %dma_start3A_159 = tpu.memref_slice %arg17[%dma_start3A_158] : memref<4096xf32, #tpu.memory_space<vmem>> -> memref<2560xf32, #tpu.memory_space<vmem>>
    %dma_start3A_160 = tpu.memref_slice %arg5[%add3A_157] : memref<1024000xf32, #tpu.memory_space<vmem_shared>> -> memref<2560xf32, #tpu.memory_space<vmem_shared>>
    %dma_start3A_161 = tpu.memref_slice %arg5[%add3A_157] : memref<1024000xf32, #tpu.memory_space<vmem_shared>> -> memref<2560xf32, #tpu.memory_space<vmem_shared>>
    %dma_start3A_162 = arith.constant 0 : i32
    %dma_start3A_163 = tpu.memref_slice %arg17[%dma_start3A_162] : memref<4096xf32, #tpu.memory_space<vmem>> -> memref<2560xf32, #tpu.memory_space<vmem>>
    tpu.enqueue_dma source(%dma_start3A_163 : memref<2560xf32, #tpu.memory_space<vmem>>) target(%dma_start3A_161 : memref<2560xf32, #tpu.memory_space<vmem_shared>>) target_semaphore(%arg21 : memref<!tpu.dma_semaphore, #tpu.memory_space<semaphore_mem>>)
    %dma_wait3A = tpu.memref_slice %arg5[%add3A_67] : memref<1024000xf32, #tpu.memory_space<vmem_shared>> -> memref<4096xf32, #tpu.memory_space<vmem_shared>>
    %dma_wait3A_164 = tpu.memref_slice %arg5[%add3A_67] : memref<1024000xf32, #tpu.memory_space<vmem_shared>> -> memref<4096xf32, #tpu.memory_space<vmem_shared>>
    tpu.wait_dma2 semaphore(%arg21 : memref<!tpu.dma_semaphore, #tpu.memory_space<semaphore_mem>>) src(%arg17 : memref<4096xf32, #tpu.memory_space<vmem>>) dst(%dma_wait3A_164 : memref<4096xf32, #tpu.memory_space<vmem_shared>>)
    %dma_wait3A_165 = tpu.memref_slice %arg5[%add3A_73] : memref<1024000xf32, #tpu.memory_space<vmem_shared>> -> memref<4096xf32, #tpu.memory_space<vmem_shared>>
    %dma_wait3A_166 = tpu.memref_slice %arg5[%add3A_73] : memref<1024000xf32, #tpu.memory_space<vmem_shared>> -> memref<4096xf32, #tpu.memory_space<vmem_shared>>
    tpu.wait_dma2 semaphore(%arg21 : memref<!tpu.dma_semaphore, #tpu.memory_space<semaphore_mem>>) src(%arg17 : memref<4096xf32, #tpu.memory_space<vmem>>) dst(%dma_wait3A_166 : memref<4096xf32, #tpu.memory_space<vmem_shared>>)
    %dma_wait3A_167 = tpu.memref_slice %arg5[%add3A_79] : memref<1024000xf32, #tpu.memory_space<vmem_shared>> -> memref<4096xf32, #tpu.memory_space<vmem_shared>>
    %dma_wait3A_168 = tpu.memref_slice %arg5[%add3A_79] : memref<1024000xf32, #tpu.memory_space<vmem_shared>> -> memref<4096xf32, #tpu.memory_space<vmem_shared>>
    tpu.wait_dma2 semaphore(%arg21 : memref<!tpu.dma_semaphore, #tpu.memory_space<semaphore_mem>>) src(%arg17 : memref<4096xf32, #tpu.memory_space<vmem>>) dst(%dma_wait3A_168 : memref<4096xf32, #tpu.memory_space<vmem_shared>>)
    %dma_wait3A_169 = tpu.memref_slice %arg5[%add3A_85] : memref<1024000xf32, #tpu.memory_space<vmem_shared>> -> memref<4096xf32, #tpu.memory_space<vmem_shared>>
    %dma_wait3A_170 = tpu.memref_slice %arg5[%add3A_85] : memref<1024000xf32, #tpu.memory_space<vmem_shared>> -> memref<4096xf32, #tpu.memory_space<vmem_shared>>
    tpu.wait_dma2 semaphore(%arg21 : memref<!tpu.dma_semaphore, #tpu.memory_space<semaphore_mem>>) src(%arg17 : memref<4096xf32, #tpu.memory_space<vmem>>) dst(%dma_wait3A_170 : memref<4096xf32, #tpu.memory_space<vmem_shared>>)
    %dma_wait3A_171 = tpu.memref_slice %arg5[%add3A_91] : memref<1024000xf32, #tpu.memory_space<vmem_shared>> -> memref<4096xf32, #tpu.memory_space<vmem_shared>>
    %dma_wait3A_172 = tpu.memref_slice %arg5[%add3A_91] : memref<1024000xf32, #tpu.memory_space<vmem_shared>> -> memref<4096xf32, #tpu.memory_space<vmem_shared>>
    tpu.wait_dma2 semaphore(%arg21 : memref<!tpu.dma_semaphore, #tpu.memory_space<semaphore_mem>>) src(%arg17 : memref<4096xf32, #tpu.memory_space<vmem>>) dst(%dma_wait3A_172 : memref<4096xf32, #tpu.memory_space<vmem_shared>>)
    %dma_wait3A_173 = tpu.memref_slice %arg5[%add3A_97] : memref<1024000xf32, #tpu.memory_space<vmem_shared>> -> memref<4096xf32, #tpu.memory_space<vmem_shared>>
    %dma_wait3A_174 = tpu.memref_slice %arg5[%add3A_97] : memref<1024000xf32, #tpu.memory_space<vmem_shared>> -> memref<4096xf32, #tpu.memory_space<vmem_shared>>
    tpu.wait_dma2 semaphore(%arg21 : memref<!tpu.dma_semaphore, #tpu.memory_space<semaphore_mem>>) src(%arg17 : memref<4096xf32, #tpu.memory_space<vmem>>) dst(%dma_wait3A_174 : memref<4096xf32, #tpu.memory_space<vmem_shared>>)
    %dma_wait3A_175 = tpu.memref_slice %arg5[%add3A_103] : memref<1024000xf32, #tpu.memory_space<vmem_shared>> -> memref<4096xf32, #tpu.memory_space<vmem_shared>>
    %dma_wait3A_176 = tpu.memref_slice %arg5[%add3A_103] : memref<1024000xf32, #tpu.memory_space<vmem_shared>> -> memref<4096xf32, #tpu.memory_space<vmem_shared>>
    tpu.wait_dma2 semaphore(%arg21 : memref<!tpu.dma_semaphore, #tpu.memory_space<semaphore_mem>>) src(%arg17 : memref<4096xf32, #tpu.memory_space<vmem>>) dst(%dma_wait3A_176 : memref<4096xf32, #tpu.memory_space<vmem_shared>>)
    %dma_wait3A_177 = tpu.memref_slice %arg5[%add3A_109] : memref<1024000xf32, #tpu.memory_space<vmem_shared>> -> memref<4096xf32, #tpu.memory_space<vmem_shared>>
    %dma_wait3A_178 = tpu.memref_slice %arg5[%add3A_109] : memref<1024000xf32, #tpu.memory_space<vmem_shared>> -> memref<4096xf32, #tpu.memory_space<vmem_shared>>
    tpu.wait_dma2 semaphore(%arg21 : memref<!tpu.dma_semaphore, #tpu.memory_space<semaphore_mem>>) src(%arg17 : memref<4096xf32, #tpu.memory_space<vmem>>) dst(%dma_wait3A_178 : memref<4096xf32, #tpu.memory_space<vmem_shared>>)
    %dma_wait3A_179 = tpu.memref_slice %arg5[%add3A_115] : memref<1024000xf32, #tpu.memory_space<vmem_shared>> -> memref<4096xf32, #tpu.memory_space<vmem_shared>>
    %dma_wait3A_180 = tpu.memref_slice %arg5[%add3A_115] : memref<1024000xf32, #tpu.memory_space<vmem_shared>> -> memref<4096xf32, #tpu.memory_space<vmem_shared>>
    tpu.wait_dma2 semaphore(%arg21 : memref<!tpu.dma_semaphore, #tpu.memory_space<semaphore_mem>>) src(%arg17 : memref<4096xf32, #tpu.memory_space<vmem>>) dst(%dma_wait3A_180 : memref<4096xf32, #tpu.memory_space<vmem_shared>>)
    %dma_wait3A_181 = tpu.memref_slice %arg5[%add3A_121] : memref<1024000xf32, #tpu.memory_space<vmem_shared>> -> memref<4096xf32, #tpu.memory_space<vmem_shared>>
    %dma_wait3A_182 = tpu.memref_slice %arg5[%add3A_121] : memref<1024000xf32, #tpu.memory_space<vmem_shared>> -> memref<4096xf32, #tpu.memory_space<vmem_shared>>
    tpu.wait_dma2 semaphore(%arg21 : memref<!tpu.dma_semaphore, #tpu.memory_space<semaphore_mem>>) src(%arg17 : memref<4096xf32, #tpu.memory_space<vmem>>) dst(%dma_wait3A_182 : memref<4096xf32, #tpu.memory_space<vmem_shared>>)
    %dma_wait3A_183 = tpu.memref_slice %arg5[%add3A_127] : memref<1024000xf32, #tpu.memory_space<vmem_shared>> -> memref<4096xf32, #tpu.memory_space<vmem_shared>>
    %dma_wait3A_184 = tpu.memref_slice %arg5[%add3A_127] : memref<1024000xf32, #tpu.memory_space<vmem_shared>> -> memref<4096xf32, #tpu.memory_space<vmem_shared>>
    tpu.wait_dma2 semaphore(%arg21 : memref<!tpu.dma_semaphore, #tpu.memory_space<semaphore_mem>>) src(%arg17 : memref<4096xf32, #tpu.memory_space<vmem>>) dst(%dma_wait3A_184 : memref<4096xf32, #tpu.memory_space<vmem_shared>>)
    %dma_wait3A_185 = tpu.memref_slice %arg5[%add3A_133] : memref<1024000xf32, #tpu.memory_space<vmem_shared>> -> memref<4096xf32, #tpu.memory_space<vmem_shared>>
    %dma_wait3A_186 = tpu.memref_slice %arg5[%add3A_133] : memref<1024000xf32, #tpu.memory_space<vmem_shared>> -> memref<4096xf32, #tpu.memory_space<vmem_shared>>
    tpu.wait_dma2 semaphore(%arg21 : memref<!tpu.dma_semaphore, #tpu.memory_space<semaphore_mem>>) src(%arg17 : memref<4096xf32, #tpu.memory_space<vmem>>) dst(%dma_wait3A_186 : memref<4096xf32, #tpu.memory_space<vmem_shared>>)
    %dma_wait3A_187 = tpu.memref_slice %arg5[%add3A_139] : memref<1024000xf32, #tpu.memory_space<vmem_shared>> -> memref<4096xf32, #tpu.memory_space<vmem_shared>>
    %dma_wait3A_188 = tpu.memref_slice %arg5[%add3A_139] : memref<1024000xf32, #tpu.memory_space<vmem_shared>> -> memref<4096xf32, #tpu.memory_space<vmem_shared>>
    tpu.wait_dma2 semaphore(%arg21 : memref<!tpu.dma_semaphore, #tpu.memory_space<semaphore_mem>>) src(%arg17 : memref<4096xf32, #tpu.memory_space<vmem>>) dst(%dma_wait3A_188 : memref<4096xf32, #tpu.memory_space<vmem_shared>>)
    %dma_wait3A_189 = tpu.memref_slice %arg5[%add3A_145] : memref<1024000xf32, #tpu.memory_space<vmem_shared>> -> memref<4096xf32, #tpu.memory_space<vmem_shared>>
    %dma_wait3A_190 = tpu.memref_slice %arg5[%add3A_145] : memref<1024000xf32, #tpu.memory_space<vmem_shared>> -> memref<4096xf32, #tpu.memory_space<vmem_shared>>
    tpu.wait_dma2 semaphore(%arg21 : memref<!tpu.dma_semaphore, #tpu.memory_space<semaphore_mem>>) src(%arg17 : memref<4096xf32, #tpu.memory_space<vmem>>) dst(%dma_wait3A_190 : memref<4096xf32, #tpu.memory_space<vmem_shared>>)
    %dma_wait3A_191 = tpu.memref_slice %arg5[%add3A_151] : memref<1024000xf32, #tpu.memory_space<vmem_shared>> -> memref<4096xf32, #tpu.memory_space<vmem_shared>>
    %dma_wait3A_192 = tpu.memref_slice %arg5[%add3A_151] : memref<1024000xf32, #tpu.memory_space<vmem_shared>> -> memref<4096xf32, #tpu.memory_space<vmem_shared>>
    tpu.wait_dma2 semaphore(%arg21 : memref<!tpu.dma_semaphore, #tpu.memory_space<semaphore_mem>>) src(%arg17 : memref<4096xf32, #tpu.memory_space<vmem>>) dst(%dma_wait3A_192 : memref<4096xf32, #tpu.memory_space<vmem_shared>>)
    %dma_wait3A_193 = arith.constant 0 : i32
    %dma_wait3A_194 = tpu.memref_slice %arg17[%dma_wait3A_193] : memref<4096xf32, #tpu.memory_space<vmem>> -> memref<2560xf32, #tpu.memory_space<vmem>>
    %dma_wait3A_195 = tpu.memref_slice %arg5[%add3A_157] : memref<1024000xf32, #tpu.memory_space<vmem_shared>> -> memref<2560xf32, #tpu.memory_space<vmem_shared>>
    %dma_wait3A_196 = tpu.memref_slice %arg5[%add3A_157] : memref<1024000xf32, #tpu.memory_space<vmem_shared>> -> memref<2560xf32, #tpu.memory_space<vmem_shared>>
    %dma_wait3A_197 = arith.constant 0 : i32
    %dma_wait3A_198 = tpu.memref_slice %arg17[%dma_wait3A_197] : memref<4096xf32, #tpu.memory_space<vmem>> -> memref<2560xf32, #tpu.memory_space<vmem>>
    tpu.wait_dma2 semaphore(%arg21 : memref<!tpu.dma_semaphore, #tpu.memory_space<semaphore_mem>>) src(%dma_wait3A_198 : memref<2560xf32, #tpu.memory_space<vmem>>) dst(%dma_wait3A_196 : memref<2560xf32, #tpu.memory_space<vmem_shared>>)
    %barrier3A = arith.constant 0 : index
    tpu.barrier barrier_id(%barrier3A)
    %dma_wait3A_199 = arith.constant 0 : i32
    %dma_wait3A_200 = tpu.memref_slice %arg2[%add3A_6, %dma_wait3A_199] : memref<24576x256xf32, #tpu.memory_space<hbm>> -> memref<16x256xf32, #tpu.memory_space<hbm>>
    %dma_wait3A_201 = arith.constant 0 : i32
    %dma_wait3A_202 = tpu.memref_slice %arg2[%add3A_6, %dma_wait3A_201] : memref<24576x256xf32, #tpu.memory_space<hbm>> -> memref<16x256xf32, #tpu.memory_space<hbm>>
    tpu.wait_dma2 semaphore(%arg18 : memref<!tpu.dma_semaphore, #tpu.memory_space<semaphore_mem>>) src(%dma_wait3A_202 : memref<16x256xf32, #tpu.memory_space<hbm>>) dst(%arg6 : memref<16x256xf32, #tpu.memory_space<vmem>>)
    %dma_wait3A_203 = arith.constant 0 : i32
    %dma_wait3A_204 = tpu.memref_slice %arg2[%add3A_12, %dma_wait3A_203] : memref<24576x256xf32, #tpu.memory_space<hbm>> -> memref<16x256xf32, #tpu.memory_space<hbm>>
    %dma_wait3A_205 = arith.constant 0 : i32
    %dma_wait3A_206 = tpu.memref_slice %arg2[%add3A_12, %dma_wait3A_205] : memref<24576x256xf32, #tpu.memory_space<hbm>> -> memref<16x256xf32, #tpu.memory_space<hbm>>
    tpu.wait_dma2 semaphore(%arg18 : memref<!tpu.dma_semaphore, #tpu.memory_space<semaphore_mem>>) src(%dma_wait3A_206 : memref<16x256xf32, #tpu.memory_space<hbm>>) dst(%arg7 : memref<16x256xf32, #tpu.memory_space<vmem>>)
    %dma_wait3A_207 = arith.constant 0 : i32
    %dma_wait3A_208 = tpu.memref_slice %arg2[%add3A_19, %dma_wait3A_207] : memref<24576x256xf32, #tpu.memory_space<hbm>> -> memref<16x256xf32, #tpu.memory_space<hbm>>
    %dma_wait3A_209 = arith.constant 0 : i32
    %dma_wait3A_210 = tpu.memref_slice %arg2[%add3A_19, %dma_wait3A_209] : memref<24576x256xf32, #tpu.memory_space<hbm>> -> memref<16x256xf32, #tpu.memory_space<hbm>>
    tpu.wait_dma2 semaphore(%arg18 : memref<!tpu.dma_semaphore, #tpu.memory_space<semaphore_mem>>) src(%dma_wait3A_210 : memref<16x256xf32, #tpu.memory_space<hbm>>) dst(%arg8 : memref<16x256xf32, #tpu.memory_space<vmem>>)
    %dma_wait3A_211 = arith.constant 0 : i32
    %dma_wait3A_212 = tpu.memref_slice %arg3[%add3A_26, %dma_wait3A_211] : memref<8192x256xi32, #tpu.memory_space<hbm>> -> memref<16x256xi32, #tpu.memory_space<hbm>>
    %dma_wait3A_213 = arith.constant 0 : i32
    %dma_wait3A_214 = tpu.memref_slice %arg3[%add3A_26, %dma_wait3A_213] : memref<8192x256xi32, #tpu.memory_space<hbm>> -> memref<16x256xi32, #tpu.memory_space<hbm>>
    tpu.wait_dma2 semaphore(%arg18 : memref<!tpu.dma_semaphore, #tpu.memory_space<semaphore_mem>>) src(%dma_wait3A_214 : memref<16x256xi32, #tpu.memory_space<hbm>>) dst(%arg9 : memref<16x256xi32, #tpu.memory_space<vmem>>)
    %scan3A_215 = arith.constant 0 : i32
    %scan3A_216 = arith.constant 0 : i32
    %scan3A_217 = arith.constant 16 : i32
    %scan3A_218 = arith.addi %scan3A_216, %scan3A_217 : i32
    %scan3A_219 = arith.constant 1 : i32
    scf.for %scan3A_1015 = %scan3A_216 to %scan3A_218 step %scan3A_219  : i32 {
      %mul3A_1016 = arith.constant 256 : i32
      %mul3A_1017 = arith.muli %scan3A_1015, %mul3A_1016 : i32
      %scan3A_1018 = arith.constant 0 : i32
      %scan3A_1019 = arith.constant 0 : i32
      %scan3A_1020 = arith.constant 16 : i32
      %scan3A_1021 = arith.addi %scan3A_1019, %scan3A_1020 : i32
      %scan3A_1022 = arith.constant 1 : i32
      scf.for %scan3A_1024 = %scan3A_1019 to %scan3A_1021 step %scan3A_1022  : i32 {
        %mul3A_1025 = arith.constant 16 : i32
        %mul3A_1026 = arith.muli %scan3A_1024, %mul3A_1025 : i32
        %get3A = arith.index_cast %scan3A_1015 : i32 to index
        %get3A_1027 = arith.index_cast %mul3A_1026 : i32 to index
        %get3A_1028 = tpu.vector_load %arg9[%get3A, %get3A_1027] {strides = array<i32>} : memref<16x256xi32, #tpu.memory_space<vmem>>, vector<1x16xi32>,
        %get3A_1029 = vector.shape_cast %get3A_1028 : vector<1x16xi32> to vector<16xi32>
        %mul3A_1030 = arith.constant 512 : i32
        %mul3A_1031 = vector.broadcast %mul3A_1030 : i32 to vector<16xi32>
        %mul3A_1032 = arith.muli %get3A_1029, %mul3A_1031 : vector<16xi32>
        %get3A_1033 = arith.index_cast %scan3A_1015 : i32 to index
        %get3A_1034 = arith.index_cast %mul3A_1026 : i32 to index
        %get3A_1035 = tpu.vector_load %arg6[%get3A_1033, %get3A_1034] {strides = array<i32>} : memref<16x256xf32, #tpu.memory_space<vmem>>, vector<1x16xf32>,
        %get3A_1036 = vector.shape_cast %get3A_1035 : vector<1x16xf32> to vector<16xf32>
        %jit3A = arith.constant -0.99999988 : f32
        %jit3A_1037 = arith.constant 0.99999988 : f32
        %max3A = vector.broadcast %jit3A : f32 to vector<16xf32>
        %max3A_1038 = arith.maximumf %max3A, %get3A_1036 : vector<16xf32>
        %min3A = vector.broadcast %jit3A_1037 : f32 to vector<16xf32>
        %min3A_1039 = arith.minimumf %min3A, %max3A_1038 : vector<16xf32>
        %add3A_1040 = arith.constant 1.000000e+00 : f32
        %add3A_1041 = vector.broadcast %add3A_1040 : f32 to vector<16xf32>
        %add3A_1042 = arith.addf %min3A_1039, %add3A_1041 : vector<16xf32>
        %mul3A_1043 = arith.constant 4.000000e+00 : f32
        %mul3A_1044 = vector.broadcast %mul3A_1043 : f32 to vector<16xf32>
        %mul3A_1045 = arith.mulf %add3A_1042, %mul3A_1044 : vector<16xf32>
        %convert_element_type3A = arith.fptosi %mul3A_1045 : vector<16xf32> to vector<16xi32>
        %mul3A_1046 = arith.constant 64 : i32
        %mul3A_1047 = vector.broadcast %mul3A_1046 : i32 to vector<16xi32>
        %mul3A_1048 = arith.muli %convert_element_type3A, %mul3A_1047 : vector<16xi32>
        %add3A_1049 = arith.addi %mul3A_1032, %mul3A_1048 : vector<16xi32>
        %get3A_1050 = arith.index_cast %scan3A_1015 : i32 to index
        %get3A_1051 = arith.index_cast %mul3A_1026 : i32 to index
        %get3A_1052 = tpu.vector_load %arg7[%get3A_1050, %get3A_1051] {strides = array<i32>} : memref<16x256xf32, #tpu.memory_space<vmem>>, vector<1x16xf32>,
        %get3A_1053 = vector.shape_cast %get3A_1052 : vector<1x16xf32> to vector<16xf32>
        %jit3A_1054 = arith.constant -0.99999988 : f32
        %jit3A_1055 = arith.constant 0.99999988 : f32
        %max3A_1056 = vector.broadcast %jit3A_1054 : f32 to vector<16xf32>
        %max3A_1057 = arith.maximumf %max3A_1056, %get3A_1053 : vector<16xf32>
        %min3A_1058 = vector.broadcast %jit3A_1055 : f32 to vector<16xf32>
        %min3A_1059 = arith.minimumf %min3A_1058, %max3A_1057 : vector<16xf32>
        %add3A_1060 = arith.constant 1.000000e+00 : f32
        %add3A_1061 = vector.broadcast %add3A_1060 : f32 to vector<16xf32>
        %add3A_1062 = arith.addf %min3A_1059, %add3A_1061 : vector<16xf32>
        %mul3A_1063 = arith.constant 4.000000e+00 : f32
        %mul3A_1064 = vector.broadcast %mul3A_1063 : f32 to vector<16xf32>
        %mul3A_1065 = arith.mulf %add3A_1062, %mul3A_1064 : vector<16xf32>
        %convert_element_type3A_1066 = arith.fptosi %mul3A_1065 : vector<16xf32> to vector<16xi32>
        %mul3A_1067 = arith.constant 8 : i32
        %mul3A_1068 = vector.broadcast %mul3A_1067 : i32 to vector<16xi32>
        %mul3A_1069 = arith.muli %convert_element_type3A_1066, %mul3A_1068 : vector<16xi32>
        %add3A_1070 = arith.addi %add3A_1049, %mul3A_1069 : vector<16xi32>
        %get3A_1071 = arith.index_cast %scan3A_1015 : i32 to index
        %get3A_1072 = arith.index_cast %mul3A_1026 : i32 to index
        %get3A_1073 = tpu.vector_load %arg8[%get3A_1071, %get3A_1072] {strides = array<i32>} : memref<16x256xf32, #tpu.memory_space<vmem>>, vector<1x16xf32>,
        %get3A_1074 = vector.shape_cast %get3A_1073 : vector<1x16xf32> to vector<16xf32>
        %jit3A_1075 = arith.constant -0.99999988 : f32
        %jit3A_1076 = arith.constant 0.99999988 : f32
        %max3A_1077 = vector.broadcast %jit3A_1075 : f32 to vector<16xf32>
        %max3A_1078 = arith.maximumf %max3A_1077, %get3A_1074 : vector<16xf32>
        %min3A_1079 = vector.broadcast %jit3A_1076 : f32 to vector<16xf32>
        %min3A_1080 = arith.minimumf %min3A_1079, %max3A_1078 : vector<16xf32>
        %add3A_1081 = arith.constant 1.000000e+00 : f32
        %add3A_1082 = vector.broadcast %add3A_1081 : f32 to vector<16xf32>
        %add3A_1083 = arith.addf %min3A_1080, %add3A_1082 : vector<16xf32>
        %mul3A_1084 = arith.constant 4.000000e+00 : f32
        %mul3A_1085 = vector.broadcast %mul3A_1084 : f32 to vector<16xf32>
        %mul3A_1086 = arith.mulf %add3A_1083, %mul3A_1085 : vector<16xf32>
        %convert_element_type3A_1087 = arith.fptosi %mul3A_1086 : vector<16xf32> to vector<16xi32>
        %add3A_1088 = arith.addi %add3A_1070, %convert_element_type3A_1087 : vector<16xi32>
        %mul3A_1089 = arith.constant 16 : i32
        %mul3A_1090 = arith.muli %scan3A_1024, %mul3A_1089 : i32
        %add3A_1091 = arith.addi %mul3A_1017, %mul3A_1090 : i32
        %swap3A = arith.index_cast %add3A_1091 : i32 to index
        %swap3A_1092 = tpu.vector_load %arg10[%swap3A] {strides = array<i32>} : memref<4096xi32, #tpu.memory_space<vmem>>, vector<16xi32>,
        %swap3A_1093 = vector.shape_cast %swap3A_1092 : vector<16xi32> to vector<16xi32>
        %swap3A_1094 = vector.shape_cast %add3A_1088 : vector<16xi32> to vector<16xi32>
        tpu.vector_store %arg10[%swap3A], %swap3A_1094 {strides = array<i32>} : memref<4096xi32, #tpu.memory_space<vmem>>, vector<16xi32>,
      }
      %scan3A_1023 = arith.constant 16 : i32
    }
    %scan3A_220 = arith.constant 16 : i32
    %dma_start3A_221 = arith.constant 0 : i32
    %dma_start3A_222 = tpu.memref_slice %arg5[%dma_start3A_221] : memref<1024000xf32, #tpu.memory_space<vmem_shared>> -> memref<1024000xf32, #tpu.memory_space<vmem_shared>>
    tpu.enqueue_indirect_dma source(%arg16 : memref<4096xf32, #tpu.memory_space<vmem>>) target(%dma_start3A_222 : memref<1024000xf32, #tpu.memory_space<vmem_shared>>) offsets(%arg10 : memref<4096xi32, #tpu.memory_space<vmem>>) semaphore(%arg20 : memref<!tpu.dma_semaphore, #tpu.memory_space<semaphore_mem>>) {add = true}
    %add3A_223 = arith.constant 32 : i32
    %add3A_224 = arith.addi %mul3A_0, %add3A_223 : i32
    %add3A_225 = arith.addi %mul3A_4, %add3A_224 : i32
    %dma_start3A_226 = arith.constant 0 : i32
    %dma_start3A_227 = tpu.memref_slice %arg2[%add3A_225, %dma_start3A_226] : memref<24576x256xf32, #tpu.memory_space<hbm>> -> memref<16x256xf32, #tpu.memory_space<hbm>>
    %dma_start3A_228 = arith.constant 0 : i32
    %dma_start3A_229 = tpu.memref_slice %arg2[%add3A_225, %dma_start3A_228] : memref<24576x256xf32, #tpu.memory_space<hbm>> -> memref<16x256xf32, #tpu.memory_space<hbm>>
    tpu.enqueue_dma source(%dma_start3A_229 : memref<16x256xf32, #tpu.memory_space<hbm>>) target(%arg6 : memref<16x256xf32, #tpu.memory_space<vmem>>) target_semaphore(%arg18 : memref<!tpu.dma_semaphore, #tpu.memory_space<semaphore_mem>>)
    %add3A_230 = arith.constant 4096 : i32
    %add3A_231 = arith.addi %mul3A_4, %add3A_230 : i32
    %add3A_232 = arith.addi %add3A_231, %add3A_224 : i32
    %dma_start3A_233 = arith.constant 0 : i32
    %dma_start3A_234 = tpu.memref_slice %arg2[%add3A_232, %dma_start3A_233] : memref<24576x256xf32, #tpu.memory_space<hbm>> -> memref<16x256xf32, #tpu.memory_space<hbm>>
    %dma_start3A_235 = arith.constant 0 : i32
    %dma_start3A_236 = tpu.memref_slice %arg2[%add3A_232, %dma_start3A_235] : memref<24576x256xf32, #tpu.memory_space<hbm>> -> memref<16x256xf32, #tpu.memory_space<hbm>>
    tpu.enqueue_dma source(%dma_start3A_236 : memref<16x256xf32, #tpu.memory_space<hbm>>) target(%arg7 : memref<16x256xf32, #tpu.memory_space<vmem>>) target_semaphore(%arg18 : memref<!tpu.dma_semaphore, #tpu.memory_space<semaphore_mem>>)
    %add3A_237 = arith.constant 8192 : i32
    %add3A_238 = arith.addi %mul3A_4, %add3A_237 : i32
    %add3A_239 = arith.addi %add3A_238, %add3A_224 : i32
    %dma_start3A_240 = arith.constant 0 : i32
    %dma_start3A_241 = tpu.memref_slice %arg2[%add3A_239, %dma_start3A_240] : memref<24576x256xf32, #tpu.memory_space<hbm>> -> memref<16x256xf32, #tpu.memory_space<hbm>>
    %dma_start3A_242 = arith.constant 0 : i32
    %dma_start3A_243 = tpu.memref_slice %arg2[%add3A_239, %dma_start3A_242] : memref<24576x256xf32, #tpu.memory_space<hbm>> -> memref<16x256xf32, #tpu.memory_space<hbm>>
    tpu.enqueue_dma source(%dma_start3A_243 : memref<16x256xf32, #tpu.memory_space<hbm>>) target(%arg8 : memref<16x256xf32, #tpu.memory_space<vmem>>) target_semaphore(%arg18 : memref<!tpu.dma_semaphore, #tpu.memory_space<semaphore_mem>>)
    %mul3A_244 = arith.constant 4096 : i32
    %mul3A_245 = arith.muli %arg0, %mul3A_244 : i32
    %add3A_246 = arith.addi %mul3A_245, %add3A_224 : i32
    %dma_start3A_247 = arith.constant 0 : i32
    %dma_start3A_248 = tpu.memref_slice %arg3[%add3A_246, %dma_start3A_247] : memref<8192x256xi32, #tpu.memory_space<hbm>> -> memref<16x256xi32, #tpu.memory_space<hbm>>
    %dma_start3A_249 = arith.constant 0 : i32
    %dma_start3A_250 = tpu.memref_slice %arg3[%add3A_246, %dma_start3A_249] : memref<8192x256xi32, #tpu.memory_space<hbm>> -> memref<16x256xi32, #tpu.memory_space<hbm>>
    tpu.enqueue_dma source(%dma_start3A_250 : memref<16x256xi32, #tpu.memory_space<hbm>>) target(%arg9 : memref<16x256xi32, #tpu.memory_space<vmem>>) target_semaphore(%arg18 : memref<!tpu.dma_semaphore, #tpu.memory_space<semaphore_mem>>)
    %dma_wait3A_251 = arith.constant 0 : i32
    %dma_wait3A_252 = tpu.memref_slice %arg2[%add3A_33, %dma_wait3A_251] : memref<24576x256xf32, #tpu.memory_space<hbm>> -> memref<16x256xf32, #tpu.memory_space<hbm>>
    %dma_wait3A_253 = arith.constant 0 : i32
    %dma_wait3A_254 = tpu.memref_slice %arg2[%add3A_33, %dma_wait3A_253] : memref<24576x256xf32, #tpu.memory_space<hbm>> -> memref<16x256xf32, #tpu.memory_space<hbm>>
    tpu.wait_dma2 semaphore(%arg19 : memref<!tpu.dma_semaphore, #tpu.memory_space<semaphore_mem>>) src(%dma_wait3A_254 : memref<16x256xf32, #tpu.memory_space<hbm>>) dst(%arg11 : memref<16x256xf32, #tpu.memory_space<vmem>>)
    %dma_wait3A_255 = arith.constant 0 : i32
    %dma_wait3A_256 = tpu.memref_slice %arg2[%add3A_40, %dma_wait3A_255] : memref<24576x256xf32, #tpu.memory_space<hbm>> -> memref<16x256xf32, #tpu.memory_space<hbm>>
    %dma_wait3A_257 = arith.constant 0 : i32
    %dma_wait3A_258 = tpu.memref_slice %arg2[%add3A_40, %dma_wait3A_257] : memref<24576x256xf32, #tpu.memory_space<hbm>> -> memref<16x256xf32, #tpu.memory_space<hbm>>
    tpu.wait_dma2 semaphore(%arg19 : memref<!tpu.dma_semaphore, #tpu.memory_space<semaphore_mem>>) src(%dma_wait3A_258 : memref<16x256xf32, #tpu.memory_space<hbm>>) dst(%arg12 : memref<16x256xf32, #tpu.memory_space<vmem>>)
    %dma_wait3A_259 = arith.constant 0 : i32
    %dma_wait3A_260 = tpu.memref_slice %arg2[%add3A_47, %dma_wait3A_259] : memref<24576x256xf32, #tpu.memory_space<hbm>> -> memref<16x256xf32, #tpu.memory_space<hbm>>
    %dma_wait3A_261 = arith.constant 0 : i32
    %dma_wait3A_262 = tpu.memref_slice %arg2[%add3A_47, %dma_wait3A_261] : memref<24576x256xf32, #tpu.memory_space<hbm>> -> memref<16x256xf32, #tpu.memory_space<hbm>>
    tpu.wait_dma2 semaphore(%arg19 : memref<!tpu.dma_semaphore, #tpu.memory_space<semaphore_mem>>) src(%dma_wait3A_262 : memref<16x256xf32, #tpu.memory_space<hbm>>) dst(%arg13 : memref<16x256xf32, #tpu.memory_space<vmem>>)
    %dma_wait3A_263 = arith.constant 0 : i32
    %dma_wait3A_264 = tpu.memref_slice %arg3[%add3A_54, %dma_wait3A_263] : memref<8192x256xi32, #tpu.memory_space<hbm>> -> memref<16x256xi32, #tpu.memory_space<hbm>>
    %dma_wait3A_265 = arith.constant 0 : i32
    %dma_wait3A_266 = tpu.memref_slice %arg3[%add3A_54, %dma_wait3A_265] : memref<8192x256xi32, #tpu.memory_space<hbm>> -> memref<16x256xi32, #tpu.memory_space<hbm>>
    tpu.wait_dma2 semaphore(%arg19 : memref<!tpu.dma_semaphore, #tpu.memory_space<semaphore_mem>>) src(%dma_wait3A_266 : memref<16x256xi32, #tpu.memory_space<hbm>>) dst(%arg14 : memref<16x256xi32, #tpu.memory_space<vmem>>)
    %scan3A_267 = arith.constant 0 : i32
    %scan3A_268 = arith.constant 0 : i32
    %scan3A_269 = arith.constant 16 : i32
    %scan3A_270 = arith.addi %scan3A_268, %scan3A_269 : i32
    %scan3A_271 = arith.constant 1 : i32
    scf.for %scan3A_1015 = %scan3A_268 to %scan3A_270 step %scan3A_271  : i32 {
      %mul3A_1016 = arith.constant 256 : i32
      %mul3A_1017 = arith.muli %scan3A_1015, %mul3A_1016 : i32
      %scan3A_1018 = arith.constant 0 : i32
      %scan3A_1019 = arith.constant 0 : i32
      %scan3A_1020 = arith.constant 16 : i32
      %scan3A_1021 = arith.addi %scan3A_1019, %scan3A_1020 : i32
      %scan3A_1022 = arith.constant 1 : i32
      scf.for %scan3A_1024 = %scan3A_1019 to %scan3A_1021 step %scan3A_1022  : i32 {
        %mul3A_1025 = arith.constant 16 : i32
        %mul3A_1026 = arith.muli %scan3A_1024, %mul3A_1025 : i32
        %get3A = arith.index_cast %scan3A_1015 : i32 to index
        %get3A_1027 = arith.index_cast %mul3A_1026 : i32 to index
        %get3A_1028 = tpu.vector_load %arg14[%get3A, %get3A_1027] {strides = array<i32>} : memref<16x256xi32, #tpu.memory_space<vmem>>, vector<1x16xi32>,
        %get3A_1029 = vector.shape_cast %get3A_1028 : vector<1x16xi32> to vector<16xi32>
        %mul3A_1030 = arith.constant 512 : i32
        %mul3A_1031 = vector.broadcast %mul3A_1030 : i32 to vector<16xi32>
        %mul3A_1032 = arith.muli %get3A_1029, %mul3A_1031 : vector<16xi32>
        %get3A_1033 = arith.index_cast %scan3A_1015 : i32 to index
        %get3A_1034 = arith.index_cast %mul3A_1026 : i32 to index
        %get3A_1035 = tpu.vector_load %arg11[%get3A_1033, %get3A_1034] {strides = array<i32>} : memref<16x256xf32, #tpu.memory_space<vmem>>, vector<1x16xf32>,
        %get3A_1036 = vector.shape_cast %get3A_1035 : vector<1x16xf32> to vector<16xf32>
        %jit3A = arith.constant -0.99999988 : f32
        %jit3A_1037 = arith.constant 0.99999988 : f32
        %max3A = vector.broadcast %jit3A : f32 to vector<16xf32>
        %max3A_1038 = arith.maximumf %max3A, %get3A_1036 : vector<16xf32>
        %min3A = vector.broadcast %jit3A_1037 : f32 to vector<16xf32>
        %min3A_1039 = arith.minimumf %min3A, %max3A_1038 : vector<16xf32>
        %add3A_1040 = arith.constant 1.000000e+00 : f32
        %add3A_1041 = vector.broadcast %add3A_1040 : f32 to vector<16xf32>
        %add3A_1042 = arith.addf %min3A_1039, %add3A_1041 : vector<16xf32>
        %mul3A_1043 = arith.constant 4.000000e+00 : f32
        %mul3A_1044 = vector.broadcast %mul3A_1043 : f32 to vector<16xf32>
        %mul3A_1045 = arith.mulf %add3A_1042, %mul3A_1044 : vector<16xf32>
        %convert_element_type3A = arith.fptosi %mul3A_1045 : vector<16xf32> to vector<16xi32>
        %mul3A_1046 = arith.constant 64 : i32
        %mul3A_1047 = vector.broadcast %mul3A_1046 : i32 to vector<16xi32>
        %mul3A_1048 = arith.muli %convert_element_type3A, %mul3A_1047 : vector<16xi32>
        %add3A_1049 = arith.addi %mul3A_1032, %mul3A_1048 : vector<16xi32>
        %get3A_1050 = arith.index_cast %scan3A_1015 : i32 to index
        %get3A_1051 = arith.index_cast %mul3A_1026 : i32 to index
        %get3A_1052 = tpu.vector_load %arg12[%get3A_1050, %get3A_1051] {strides = array<i32>} : memref<16x256xf32, #tpu.memory_space<vmem>>, vector<1x16xf32>,
        %get3A_1053 = vector.shape_cast %get3A_1052 : vector<1x16xf32> to vector<16xf32>
        %jit3A_1054 = arith.constant -0.99999988 : f32
        %jit3A_1055 = arith.constant 0.99999988 : f32
        %max3A_1056 = vector.broadcast %jit3A_1054 : f32 to vector<16xf32>
        %max3A_1057 = arith.maximumf %max3A_1056, %get3A_1053 : vector<16xf32>
        %min3A_1058 = vector.broadcast %jit3A_1055 : f32 to vector<16xf32>
        %min3A_1059 = arith.minimumf %min3A_1058, %max3A_1057 : vector<16xf32>
        %add3A_1060 = arith.constant 1.000000e+00 : f32
        %add3A_1061 = vector.broadcast %add3A_1060 : f32 to vector<16xf32>
        %add3A_1062 = arith.addf %min3A_1059, %add3A_1061 : vector<16xf32>
        %mul3A_1063 = arith.constant 4.000000e+00 : f32
        %mul3A_1064 = vector.broadcast %mul3A_1063 : f32 to vector<16xf32>
        %mul3A_1065 = arith.mulf %add3A_1062, %mul3A_1064 : vector<16xf32>
        %convert_element_type3A_1066 = arith.fptosi %mul3A_1065 : vector<16xf32> to vector<16xi32>
        %mul3A_1067 = arith.constant 8 : i32
        %mul3A_1068 = vector.broadcast %mul3A_1067 : i32 to vector<16xi32>
        %mul3A_1069 = arith.muli %convert_element_type3A_1066, %mul3A_1068 : vector<16xi32>
        %add3A_1070 = arith.addi %add3A_1049, %mul3A_1069 : vector<16xi32>
        %get3A_1071 = arith.index_cast %scan3A_1015 : i32 to index
        %get3A_1072 = arith.index_cast %mul3A_1026 : i32 to index
        %get3A_1073 = tpu.vector_load %arg13[%get3A_1071, %get3A_1072] {strides = array<i32>} : memref<16x256xf32, #tpu.memory_space<vmem>>, vector<1x16xf32>,
        %get3A_1074 = vector.shape_cast %get3A_1073 : vector<1x16xf32> to vector<16xf32>
        %jit3A_1075 = arith.constant -0.99999988 : f32
        %jit3A_1076 = arith.constant 0.99999988 : f32
        %max3A_1077 = vector.broadcast %jit3A_1075 : f32 to vector<16xf32>
        %max3A_1078 = arith.maximumf %max3A_1077, %get3A_1074 : vector<16xf32>
        %min3A_1079 = vector.broadcast %jit3A_1076 : f32 to vector<16xf32>
        %min3A_1080 = arith.minimumf %min3A_1079, %max3A_1078 : vector<16xf32>
        %add3A_1081 = arith.constant 1.000000e+00 : f32
        %add3A_1082 = vector.broadcast %add3A_1081 : f32 to vector<16xf32>
        %add3A_1083 = arith.addf %min3A_1080, %add3A_1082 : vector<16xf32>
        %mul3A_1084 = arith.constant 4.000000e+00 : f32
        %mul3A_1085 = vector.broadcast %mul3A_1084 : f32 to vector<16xf32>
        %mul3A_1086 = arith.mulf %add3A_1083, %mul3A_1085 : vector<16xf32>
        %convert_element_type3A_1087 = arith.fptosi %mul3A_1086 : vector<16xf32> to vector<16xi32>
        %add3A_1088 = arith.addi %add3A_1070, %convert_element_type3A_1087 : vector<16xi32>
        %mul3A_1089 = arith.constant 16 : i32
        %mul3A_1090 = arith.muli %scan3A_1024, %mul3A_1089 : i32
        %add3A_1091 = arith.addi %mul3A_1017, %mul3A_1090 : i32
        %swap3A = arith.index_cast %add3A_1091 : i32 to index
        %swap3A_1092 = tpu.vector_load %arg15[%swap3A] {strides = array<i32>} : memref<4096xi32, #tpu.memory_space<vmem>>, vector<16xi32>,
        %swap3A_1093 = vector.shape_cast %swap3A_1092 : vector<16xi32> to vector<16xi32>
        %swap3A_1094 = vector.shape_cast %add3A_1088 : vector<16xi32> to vector<16xi32>
        tpu.vector_store %arg15[%swap3A], %swap3A_1094 {strides = array<i32>} : memref<4096xi32, #tpu.memory_space<vmem>>, vector<16xi32>,
      }
      %scan3A_1023 = arith.constant 16 : i32
    }
    %scan3A_272 = arith.constant 16 : i32
    %dma_start3A_273 = arith.constant 0 : i32
    %dma_start3A_274 = tpu.memref_slice %arg5[%dma_start3A_273] : memref<1024000xf32, #tpu.memory_space<vmem_shared>> -> memref<1024000xf32, #tpu.memory_space<vmem_shared>>
    tpu.enqueue_indirect_dma source(%arg16 : memref<4096xf32, #tpu.memory_space<vmem>>) target(%dma_start3A_274 : memref<1024000xf32, #tpu.memory_space<vmem_shared>>) offsets(%arg15 : memref<4096xi32, #tpu.memory_space<vmem>>) semaphore(%arg20 : memref<!tpu.dma_semaphore, #tpu.memory_space<semaphore_mem>>) {add = true}
    %add3A_275 = arith.constant 48 : i32
    %add3A_276 = arith.addi %mul3A_0, %add3A_275 : i32
    %add3A_277 = arith.addi %mul3A_4, %add3A_276 : i32
    %dma_start3A_278 = arith.constant 0 : i32
    %dma_start3A_279 = tpu.memref_slice %arg2[%add3A_277, %dma_start3A_278] : memref<24576x256xf32, #tpu.memory_space<hbm>> -> memref<16x256xf32, #tpu.memory_space<hbm>>
    %dma_start3A_280 = arith.constant 0 : i32
    %dma_start3A_281 = tpu.memref_slice %arg2[%add3A_277, %dma_start3A_280] : memref<24576x256xf32, #tpu.memory_space<hbm>> -> memref<16x256xf32, #tpu.memory_space<hbm>>
    tpu.enqueue_dma source(%dma_start3A_281 : memref<16x256xf32, #tpu.memory_space<hbm>>) target(%arg11 : memref<16x256xf32, #tpu.memory_space<vmem>>) target_semaphore(%arg19 : memref<!tpu.dma_semaphore, #tpu.memory_space<semaphore_mem>>)
    %add3A_282 = arith.constant 4096 : i32
    %add3A_283 = arith.addi %mul3A_4, %add3A_282 : i32
    %add3A_284 = arith.addi %add3A_283, %add3A_276 : i32
    %dma_start3A_285 = arith.constant 0 : i32
    %dma_start3A_286 = tpu.memref_slice %arg2[%add3A_284, %dma_start3A_285] : memref<24576x256xf32, #tpu.memory_space<hbm>> -> memref<16x256xf32, #tpu.memory_space<hbm>>
    %dma_start3A_287 = arith.constant 0 : i32
    %dma_start3A_288 = tpu.memref_slice %arg2[%add3A_284, %dma_start3A_287] : memref<24576x256xf32, #tpu.memory_space<hbm>> -> memref<16x256xf32, #tpu.memory_space<hbm>>
    tpu.enqueue_dma source(%dma_start3A_288 : memref<16x256xf32, #tpu.memory_space<hbm>>) target(%arg12 : memref<16x256xf32, #tpu.memory_space<vmem>>) target_semaphore(%arg19 : memref<!tpu.dma_semaphore, #tpu.memory_space<semaphore_mem>>)
    %add3A_289 = arith.constant 8192 : i32
    %add3A_290 = arith.addi %mul3A_4, %add3A_289 : i32
    %add3A_291 = arith.addi %add3A_290, %add3A_276 : i32
    %dma_start3A_292 = arith.constant 0 : i32
    %dma_start3A_293 = tpu.memref_slice %arg2[%add3A_291, %dma_start3A_292] : memref<24576x256xf32, #tpu.memory_space<hbm>> -> memref<16x256xf32, #tpu.memory_space<hbm>>
    %dma_start3A_294 = arith.constant 0 : i32
    %dma_start3A_295 = tpu.memref_slice %arg2[%add3A_291, %dma_start3A_294] : memref<24576x256xf32, #tpu.memory_space<hbm>> -> memref<16x256xf32, #tpu.memory_space<hbm>>
    tpu.enqueue_dma source(%dma_start3A_295 : memref<16x256xf32, #tpu.memory_space<hbm>>) target(%arg13 : memref<16x256xf32, #tpu.memory_space<vmem>>) target_semaphore(%arg19 : memref<!tpu.dma_semaphore, #tpu.memory_space<semaphore_mem>>)
    %mul3A_296 = arith.constant 4096 : i32
    %mul3A_297 = arith.muli %arg0, %mul3A_296 : i32
    %add3A_298 = arith.addi %mul3A_297, %add3A_276 : i32
    %dma_start3A_299 = arith.constant 0 : i32
    %dma_start3A_300 = tpu.memref_slice %arg3[%add3A_298, %dma_start3A_299] : memref<8192x256xi32, #tpu.memory_space<hbm>> -> memref<16x256xi32, #tpu.memory_space<hbm>>
    %dma_start3A_301 = arith.constant 0 : i32
    %dma_start3A_302 = tpu.memref_slice %arg3[%add3A_298, %dma_start3A_301] : memref<8192x256xi32, #tpu.memory_space<hbm>> -> memref<16x256xi32, #tpu.memory_space<hbm>>
    tpu.enqueue_dma source(%dma_start3A_302 : memref<16x256xi32, #tpu.memory_space<hbm>>) target(%arg14 : memref<16x256xi32, #tpu.memory_space<vmem>>) target_semaphore(%arg19 : memref<!tpu.dma_semaphore, #tpu.memory_space<semaphore_mem>>)
    %dma_wait3A_303 = arith.constant 0 : i32
    %dma_wait3A_304 = tpu.memref_slice %arg2[%add3A_225, %dma_wait3A_303] : memref<24576x256xf32, #tpu.memory_space<hbm>> -> memref<16x256xf32, #tpu.memory_space<hbm>>
    %dma_wait3A_305 = arith.constant 0 : i32
    %dma_wait3A_306 = tpu.memref_slice %arg2[%add3A_225, %dma_wait3A_305] : memref<24576x256xf32, #tpu.memory_space<hbm>> -> memref<16x256xf32, #tpu.memory_space<hbm>>
    tpu.wait_dma2 semaphore(%arg18 : memref<!tpu.dma_semaphore, #tpu.memory_space<semaphore_mem>>) src(%dma_wait3A_306 : memref<16x256xf32, #tpu.memory_space<hbm>>) dst(%arg6 : memref<16x256xf32, #tpu.memory_space<vmem>>)
    %dma_wait3A_307 = arith.constant 0 : i32
    %dma_wait3A_308 = tpu.memref_slice %arg2[%add3A_232, %dma_wait3A_307] : memref<24576x256xf32, #tpu.memory_space<hbm>> -> memref<16x256xf32, #tpu.memory_space<hbm>>
    %dma_wait3A_309 = arith.constant 0 : i32
    %dma_wait3A_310 = tpu.memref_slice %arg2[%add3A_232, %dma_wait3A_309] : memref<24576x256xf32, #tpu.memory_space<hbm>> -> memref<16x256xf32, #tpu.memory_space<hbm>>
    tpu.wait_dma2 semaphore(%arg18 : memref<!tpu.dma_semaphore, #tpu.memory_space<semaphore_mem>>) src(%dma_wait3A_310 : memref<16x256xf32, #tpu.memory_space<hbm>>) dst(%arg7 : memref<16x256xf32, #tpu.memory_space<vmem>>)
    %dma_wait3A_311 = arith.constant 0 : i32
    %dma_wait3A_312 = tpu.memref_slice %arg2[%add3A_239, %dma_wait3A_311] : memref<24576x256xf32, #tpu.memory_space<hbm>> -> memref<16x256xf32, #tpu.memory_space<hbm>>
    %dma_wait3A_313 = arith.constant 0 : i32
    %dma_wait3A_314 = tpu.memref_slice %arg2[%add3A_239, %dma_wait3A_313] : memref<24576x256xf32, #tpu.memory_space<hbm>> -> memref<16x256xf32, #tpu.memory_space<hbm>>
    tpu.wait_dma2 semaphore(%arg18 : memref<!tpu.dma_semaphore, #tpu.memory_space<semaphore_mem>>) src(%dma_wait3A_314 : memref<16x256xf32, #tpu.memory_space<hbm>>) dst(%arg8 : memref<16x256xf32, #tpu.memory_space<vmem>>)
    %dma_wait3A_315 = arith.constant 0 : i32
    %dma_wait3A_316 = tpu.memref_slice %arg3[%add3A_246, %dma_wait3A_315] : memref<8192x256xi32, #tpu.memory_space<hbm>> -> memref<16x256xi32, #tpu.memory_space<hbm>>
    %dma_wait3A_317 = arith.constant 0 : i32
    %dma_wait3A_318 = tpu.memref_slice %arg3[%add3A_246, %dma_wait3A_317] : memref<8192x256xi32, #tpu.memory_space<hbm>> -> memref<16x256xi32, #tpu.memory_space<hbm>>
    tpu.wait_dma2 semaphore(%arg18 : memref<!tpu.dma_semaphore, #tpu.memory_space<semaphore_mem>>) src(%dma_wait3A_318 : memref<16x256xi32, #tpu.memory_space<hbm>>) dst(%arg9 : memref<16x256xi32, #tpu.memory_space<vmem>>)
    %dma_wait3A_319 = arith.constant 0 : i32
    %dma_wait3A_320 = tpu.memref_slice %arg5[%dma_wait3A_319] : memref<1024000xf32, #tpu.memory_space<vmem_shared>> -> memref<1024000xf32, #tpu.memory_space<vmem_shared>>
    tpu.wait_indirect_dma semaphore(%arg20 : memref<!tpu.dma_semaphore, #tpu.memory_space<semaphore_mem>>) src(%arg16 : memref<4096xf32, #tpu.memory_space<vmem>>) dst(%dma_wait3A_320 : memref<1024000xf32, #tpu.memory_space<vmem_shared>>)
    %scan3A_321 = arith.constant 0 : i32
    %scan3A_322 = arith.constant 0 : i32
    %scan3A_323 = arith.constant 16 : i32
    %scan3A_324 = arith.addi %scan3A_322, %scan3A_323 : i32
    %scan3A_325 = arith.constant 1 : i32
    scf.for %scan3A_1015 = %scan3A_322 to %scan3A_324 step %scan3A_325  : i32 {
      %mul3A_1016 = arith.constant 256 : i32
      %mul3A_1017 = arith.muli %scan3A_1015, %mul3A_1016 : i32
      %scan3A_1018 = arith.constant 0 : i32
      %scan3A_1019 = arith.constant 0 : i32
      %scan3A_1020 = arith.constant 16 : i32
      %scan3A_1021 = arith.addi %scan3A_1019, %scan3A_1020 : i32
      %scan3A_1022 = arith.constant 1 : i32
      scf.for %scan3A_1024 = %scan3A_1019 to %scan3A_1021 step %scan3A_1022  : i32 {
        %mul3A_1025 = arith.constant 16 : i32
        %mul3A_1026 = arith.muli %scan3A_1024, %mul3A_1025 : i32
        %get3A = arith.index_cast %scan3A_1015 : i32 to index
        %get3A_1027 = arith.index_cast %mul3A_1026 : i32 to index
        %get3A_1028 = tpu.vector_load %arg9[%get3A, %get3A_1027] {strides = array<i32>} : memref<16x256xi32, #tpu.memory_space<vmem>>, vector<1x16xi32>,
        %get3A_1029 = vector.shape_cast %get3A_1028 : vector<1x16xi32> to vector<16xi32>
        %mul3A_1030 = arith.constant 512 : i32
        %mul3A_1031 = vector.broadcast %mul3A_1030 : i32 to vector<16xi32>
        %mul3A_1032 = arith.muli %get3A_1029, %mul3A_1031 : vector<16xi32>
        %get3A_1033 = arith.index_cast %scan3A_1015 : i32 to index
        %get3A_1034 = arith.index_cast %mul3A_1026 : i32 to index
        %get3A_1035 = tpu.vector_load %arg6[%get3A_1033, %get3A_1034] {strides = array<i32>} : memref<16x256xf32, #tpu.memory_space<vmem>>, vector<1x16xf32>,
        %get3A_1036 = vector.shape_cast %get3A_1035 : vector<1x16xf32> to vector<16xf32>
        %jit3A = arith.constant -0.99999988 : f32
        %jit3A_1037 = arith.constant 0.99999988 : f32
        %max3A = vector.broadcast %jit3A : f32 to vector<16xf32>
        %max3A_1038 = arith.maximumf %max3A, %get3A_1036 : vector<16xf32>
        %min3A = vector.broadcast %jit3A_1037 : f32 to vector<16xf32>
        %min3A_1039 = arith.minimumf %min3A, %max3A_1038 : vector<16xf32>
        %add3A_1040 = arith.constant 1.000000e+00 : f32
        %add3A_1041 = vector.broadcast %add3A_1040 : f32 to vector<16xf32>
        %add3A_1042 = arith.addf %min3A_1039, %add3A_1041 : vector<16xf32>
        %mul3A_1043 = arith.constant 4.000000e+00 : f32
        %mul3A_1044 = vector.broadcast %mul3A_1043 : f32 to vector<16xf32>
        %mul3A_1045 = arith.mulf %add3A_1042, %mul3A_1044 : vector<16xf32>
        %convert_element_type3A = arith.fptosi %mul3A_1045 : vector<16xf32> to vector<16xi32>
        %mul3A_1046 = arith.constant 64 : i32
        %mul3A_1047 = vector.broadcast %mul3A_1046 : i32 to vector<16xi32>
        %mul3A_1048 = arith.muli %convert_element_type3A, %mul3A_1047 : vector<16xi32>
        %add3A_1049 = arith.addi %mul3A_1032, %mul3A_1048 : vector<16xi32>
        %get3A_1050 = arith.index_cast %scan3A_1015 : i32 to index
        %get3A_1051 = arith.index_cast %mul3A_1026 : i32 to index
        %get3A_1052 = tpu.vector_load %arg7[%get3A_1050, %get3A_1051] {strides = array<i32>} : memref<16x256xf32, #tpu.memory_space<vmem>>, vector<1x16xf32>,
        %get3A_1053 = vector.shape_cast %get3A_1052 : vector<1x16xf32> to vector<16xf32>
        %jit3A_1054 = arith.constant -0.99999988 : f32
        %jit3A_1055 = arith.constant 0.99999988 : f32
        %max3A_1056 = vector.broadcast %jit3A_1054 : f32 to vector<16xf32>
        %max3A_1057 = arith.maximumf %max3A_1056, %get3A_1053 : vector<16xf32>
        %min3A_1058 = vector.broadcast %jit3A_1055 : f32 to vector<16xf32>
        %min3A_1059 = arith.minimumf %min3A_1058, %max3A_1057 : vector<16xf32>
        %add3A_1060 = arith.constant 1.000000e+00 : f32
        %add3A_1061 = vector.broadcast %add3A_1060 : f32 to vector<16xf32>
        %add3A_1062 = arith.addf %min3A_1059, %add3A_1061 : vector<16xf32>
        %mul3A_1063 = arith.constant 4.000000e+00 : f32
        %mul3A_1064 = vector.broadcast %mul3A_1063 : f32 to vector<16xf32>
        %mul3A_1065 = arith.mulf %add3A_1062, %mul3A_1064 : vector<16xf32>
        %convert_element_type3A_1066 = arith.fptosi %mul3A_1065 : vector<16xf32> to vector<16xi32>
        %mul3A_1067 = arith.constant 8 : i32
        %mul3A_1068 = vector.broadcast %mul3A_1067 : i32 to vector<16xi32>
        %mul3A_1069 = arith.muli %convert_element_type3A_1066, %mul3A_1068 : vector<16xi32>
        %add3A_1070 = arith.addi %add3A_1049, %mul3A_1069 : vector<16xi32>
        %get3A_1071 = arith.index_cast %scan3A_1015 : i32 to index
        %get3A_1072 = arith.index_cast %mul3A_1026 : i32 to index
        %get3A_1073 = tpu.vector_load %arg8[%get3A_1071, %get3A_1072] {strides = array<i32>} : memref<16x256xf32, #tpu.memory_space<vmem>>, vector<1x16xf32>,
        %get3A_1074 = vector.shape_cast %get3A_1073 : vector<1x16xf32> to vector<16xf32>
        %jit3A_1075 = arith.constant -0.99999988 : f32
        %jit3A_1076 = arith.constant 0.99999988 : f32
        %max3A_1077 = vector.broadcast %jit3A_1075 : f32 to vector<16xf32>
        %max3A_1078 = arith.maximumf %max3A_1077, %get3A_1074 : vector<16xf32>
        %min3A_1079 = vector.broadcast %jit3A_1076 : f32 to vector<16xf32>
        %min3A_1080 = arith.minimumf %min3A_1079, %max3A_1078 : vector<16xf32>
        %add3A_1081 = arith.constant 1.000000e+00 : f32
        %add3A_1082 = vector.broadcast %add3A_1081 : f32 to vector<16xf32>
        %add3A_1083 = arith.addf %min3A_1080, %add3A_1082 : vector<16xf32>
        %mul3A_1084 = arith.constant 4.000000e+00 : f32
        %mul3A_1085 = vector.broadcast %mul3A_1084 : f32 to vector<16xf32>
        %mul3A_1086 = arith.mulf %add3A_1083, %mul3A_1085 : vector<16xf32>
        %convert_element_type3A_1087 = arith.fptosi %mul3A_1086 : vector<16xf32> to vector<16xi32>
        %add3A_1088 = arith.addi %add3A_1070, %convert_element_type3A_1087 : vector<16xi32>
        %mul3A_1089 = arith.constant 16 : i32
        %mul3A_1090 = arith.muli %scan3A_1024, %mul3A_1089 : i32
        %add3A_1091 = arith.addi %mul3A_1017, %mul3A_1090 : i32
        %swap3A = arith.index_cast %add3A_1091 : i32 to index
        %swap3A_1092 = tpu.vector_load %arg10[%swap3A] {strides = array<i32>} : memref<4096xi32, #tpu.memory_space<vmem>>, vector<16xi32>,
        %swap3A_1093 = vector.shape_cast %swap3A_1092 : vector<16xi32> to vector<16xi32>
        %swap3A_1094 = vector.shape_cast %add3A_1088 : vector<16xi32> to vector<16xi32>
        tpu.vector_store %arg10[%swap3A], %swap3A_1094 {strides = array<i32>} : memref<4096xi32, #tpu.memory_space<vmem>>, vector<16xi32>,
      }
      %scan3A_1023 = arith.constant 16 : i32
    }
    %scan3A_326 = arith.constant 16 : i32
    %dma_start3A_327 = arith.constant 0 : i32
    %dma_start3A_328 = tpu.memref_slice %arg5[%dma_start3A_327] : memref<1024000xf32, #tpu.memory_space<vmem_shared>> -> memref<1024000xf32, #tpu.memory_space<vmem_shared>>
    tpu.enqueue_indirect_dma source(%arg16 : memref<4096xf32, #tpu.memory_space<vmem>>) target(%dma_start3A_328 : memref<1024000xf32, #tpu.memory_space<vmem_shared>>) offsets(%arg10 : memref<4096xi32, #tpu.memory_space<vmem>>) semaphore(%arg20 : memref<!tpu.dma_semaphore, #tpu.memory_space<semaphore_mem>>) {add = true}
    %add3A_329 = arith.constant 64 : i32
    %add3A_330 = arith.addi %mul3A_0, %add3A_329 : i32
    %add3A_331 = arith.addi %mul3A_4, %add3A_330 : i32
    %dma_start3A_332 = arith.constant 0 : i32
    %dma_start3A_333 = tpu.memref_slice %arg2[%add3A_331, %dma_start3A_332] : memref<24576x256xf32, #tpu.memory_space<hbm>> -> memref<16x256xf32, #tpu.memory_space<hbm>>
    %dma_start3A_334 = arith.constant 0 : i32
    %dma_start3A_335 = tpu.memref_slice %arg2[%add3A_331, %dma_start3A_334] : memref<24576x256xf32, #tpu.memory_space<hbm>> -> memref<16x256xf32, #tpu.memory_space<hbm>>
    tpu.enqueue_dma source(%dma_start3A_335 : memref<16x256xf32, #tpu.memory_space<hbm>>) target(%arg6 : memref<16x256xf32, #tpu.memory_space<vmem>>) target_semaphore(%arg18 : memref<!tpu.dma_semaphore, #tpu.memory_space<semaphore_mem>>)
    %add3A_336 = arith.constant 4096 : i32
    %add3A_337 = arith.addi %mul3A_4, %add3A_336 : i32
    %add3A_338 = arith.addi %add3A_337, %add3A_330 : i32
    %dma_start3A_339 = arith.constant 0 : i32
    %dma_start3A_340 = tpu.memref_slice %arg2[%add3A_338, %dma_start3A_339] : memref<24576x256xf32, #tpu.memory_space<hbm>> -> memref<16x256xf32, #tpu.memory_space<hbm>>
    %dma_start3A_341 = arith.constant 0 : i32
    %dma_start3A_342 = tpu.memref_slice %arg2[%add3A_338, %dma_start3A_341] : memref<24576x256xf32, #tpu.memory_space<hbm>> -> memref<16x256xf32, #tpu.memory_space<hbm>>
    tpu.enqueue_dma source(%dma_start3A_342 : memref<16x256xf32, #tpu.memory_space<hbm>>) target(%arg7 : memref<16x256xf32, #tpu.memory_space<vmem>>) target_semaphore(%arg18 : memref<!tpu.dma_semaphore, #tpu.memory_space<semaphore_mem>>)
    %add3A_343 = arith.constant 8192 : i32
    %add3A_344 = arith.addi %mul3A_4, %add3A_343 : i32
    %add3A_345 = arith.addi %add3A_344, %add3A_330 : i32
    %dma_start3A_346 = arith.constant 0 : i32
    %dma_start3A_347 = tpu.memref_slice %arg2[%add3A_345, %dma_start3A_346] : memref<24576x256xf32, #tpu.memory_space<hbm>> -> memref<16x256xf32, #tpu.memory_space<hbm>>
    %dma_start3A_348 = arith.constant 0 : i32
    %dma_start3A_349 = tpu.memref_slice %arg2[%add3A_345, %dma_start3A_348] : memref<24576x256xf32, #tpu.memory_space<hbm>> -> memref<16x256xf32, #tpu.memory_space<hbm>>
    tpu.enqueue_dma source(%dma_start3A_349 : memref<16x256xf32, #tpu.memory_space<hbm>>) target(%arg8 : memref<16x256xf32, #tpu.memory_space<vmem>>) target_semaphore(%arg18 : memref<!tpu.dma_semaphore, #tpu.memory_space<semaphore_mem>>)
    %mul3A_350 = arith.constant 4096 : i32
    %mul3A_351 = arith.muli %arg0, %mul3A_350 : i32
    %add3A_352 = arith.addi %mul3A_351, %add3A_330 : i32
    %dma_start3A_353 = arith.constant 0 : i32
    %dma_start3A_354 = tpu.memref_slice %arg3[%add3A_352, %dma_start3A_353] : memref<8192x256xi32, #tpu.memory_space<hbm>> -> memref<16x256xi32, #tpu.memory_space<hbm>>
    %dma_start3A_355 = arith.constant 0 : i32
    %dma_start3A_356 = tpu.memref_slice %arg3[%add3A_352, %dma_start3A_355] : memref<8192x256xi32, #tpu.memory_space<hbm>> -> memref<16x256xi32, #tpu.memory_space<hbm>>
    tpu.enqueue_dma source(%dma_start3A_356 : memref<16x256xi32, #tpu.memory_space<hbm>>) target(%arg9 : memref<16x256xi32, #tpu.memory_space<vmem>>) target_semaphore(%arg18 : memref<!tpu.dma_semaphore, #tpu.memory_space<semaphore_mem>>)
    %dma_wait3A_357 = arith.constant 0 : i32
    %dma_wait3A_358 = tpu.memref_slice %arg2[%add3A_277, %dma_wait3A_357] : memref<24576x256xf32, #tpu.memory_space<hbm>> -> memref<16x256xf32, #tpu.memory_space<hbm>>
    %dma_wait3A_359 = arith.constant 0 : i32
    %dma_wait3A_360 = tpu.memref_slice %arg2[%add3A_277, %dma_wait3A_359] : memref<24576x256xf32, #tpu.memory_space<hbm>> -> memref<16x256xf32, #tpu.memory_space<hbm>>
    tpu.wait_dma2 semaphore(%arg19 : memref<!tpu.dma_semaphore, #tpu.memory_space<semaphore_mem>>) src(%dma_wait3A_360 : memref<16x256xf32, #tpu.memory_space<hbm>>) dst(%arg11 : memref<16x256xf32, #tpu.memory_space<vmem>>)
    %dma_wait3A_361 = arith.constant 0 : i32
    %dma_wait3A_362 = tpu.memref_slice %arg2[%add3A_284, %dma_wait3A_361] : memref<24576x256xf32, #tpu.memory_space<hbm>> -> memref<16x256xf32, #tpu.memory_space<hbm>>
    %dma_wait3A_363 = arith.constant 0 : i32
    %dma_wait3A_364 = tpu.memref_slice %arg2[%add3A_284, %dma_wait3A_363] : memref<24576x256xf32, #tpu.memory_space<hbm>> -> memref<16x256xf32, #tpu.memory_space<hbm>>
    tpu.wait_dma2 semaphore(%arg19 : memref<!tpu.dma_semaphore, #tpu.memory_space<semaphore_mem>>) src(%dma_wait3A_364 : memref<16x256xf32, #tpu.memory_space<hbm>>) dst(%arg12 : memref<16x256xf32, #tpu.memory_space<vmem>>)
    %dma_wait3A_365 = arith.constant 0 : i32
    %dma_wait3A_366 = tpu.memref_slice %arg2[%add3A_291, %dma_wait3A_365] : memref<24576x256xf32, #tpu.memory_space<hbm>> -> memref<16x256xf32, #tpu.memory_space<hbm>>
    %dma_wait3A_367 = arith.constant 0 : i32
    %dma_wait3A_368 = tpu.memref_slice %arg2[%add3A_291, %dma_wait3A_367] : memref<24576x256xf32, #tpu.memory_space<hbm>> -> memref<16x256xf32, #tpu.memory_space<hbm>>
    tpu.wait_dma2 semaphore(%arg19 : memref<!tpu.dma_semaphore, #tpu.memory_space<semaphore_mem>>) src(%dma_wait3A_368 : memref<16x256xf32, #tpu.memory_space<hbm>>) dst(%arg13 : memref<16x256xf32, #tpu.memory_space<vmem>>)
    %dma_wait3A_369 = arith.constant 0 : i32
    %dma_wait3A_370 = tpu.memref_slice %arg3[%add3A_298, %dma_wait3A_369] : memref<8192x256xi32, #tpu.memory_space<hbm>> -> memref<16x256xi32, #tpu.memory_space<hbm>>
    %dma_wait3A_371 = arith.constant 0 : i32
    %dma_wait3A_372 = tpu.memref_slice %arg3[%add3A_298, %dma_wait3A_371] : memref<8192x256xi32, #tpu.memory_space<hbm>> -> memref<16x256xi32, #tpu.memory_space<hbm>>
    tpu.wait_dma2 semaphore(%arg19 : memref<!tpu.dma_semaphore, #tpu.memory_space<semaphore_mem>>) src(%dma_wait3A_372 : memref<16x256xi32, #tpu.memory_space<hbm>>) dst(%arg14 : memref<16x256xi32, #tpu.memory_space<vmem>>)
    %dma_wait3A_373 = arith.constant 0 : i32
    %dma_wait3A_374 = tpu.memref_slice %arg5[%dma_wait3A_373] : memref<1024000xf32, #tpu.memory_space<vmem_shared>> -> memref<1024000xf32, #tpu.memory_space<vmem_shared>>
    tpu.wait_indirect_dma semaphore(%arg20 : memref<!tpu.dma_semaphore, #tpu.memory_space<semaphore_mem>>) src(%arg16 : memref<4096xf32, #tpu.memory_space<vmem>>) dst(%dma_wait3A_374 : memref<1024000xf32, #tpu.memory_space<vmem_shared>>)
    %scan3A_375 = arith.constant 0 : i32
    %scan3A_376 = arith.constant 0 : i32
    %scan3A_377 = arith.constant 16 : i32
    %scan3A_378 = arith.addi %scan3A_376, %scan3A_377 : i32
    %scan3A_379 = arith.constant 1 : i32
    scf.for %scan3A_1015 = %scan3A_376 to %scan3A_378 step %scan3A_379  : i32 {
      %mul3A_1016 = arith.constant 256 : i32
      %mul3A_1017 = arith.muli %scan3A_1015, %mul3A_1016 : i32
      %scan3A_1018 = arith.constant 0 : i32
      %scan3A_1019 = arith.constant 0 : i32
      %scan3A_1020 = arith.constant 16 : i32
      %scan3A_1021 = arith.addi %scan3A_1019, %scan3A_1020 : i32
      %scan3A_1022 = arith.constant 1 : i32
      scf.for %scan3A_1024 = %scan3A_1019 to %scan3A_1021 step %scan3A_1022  : i32 {
        %mul3A_1025 = arith.constant 16 : i32
        %mul3A_1026 = arith.muli %scan3A_1024, %mul3A_1025 : i32
        %get3A = arith.index_cast %scan3A_1015 : i32 to index
        %get3A_1027 = arith.index_cast %mul3A_1026 : i32 to index
        %get3A_1028 = tpu.vector_load %arg14[%get3A, %get3A_1027] {strides = array<i32>} : memref<16x256xi32, #tpu.memory_space<vmem>>, vector<1x16xi32>,
        %get3A_1029 = vector.shape_cast %get3A_1028 : vector<1x16xi32> to vector<16xi32>
        %mul3A_1030 = arith.constant 512 : i32
        %mul3A_1031 = vector.broadcast %mul3A_1030 : i32 to vector<16xi32>
        %mul3A_1032 = arith.muli %get3A_1029, %mul3A_1031 : vector<16xi32>
        %get3A_1033 = arith.index_cast %scan3A_1015 : i32 to index
        %get3A_1034 = arith.index_cast %mul3A_1026 : i32 to index
        %get3A_1035 = tpu.vector_load %arg11[%get3A_1033, %get3A_1034] {strides = array<i32>} : memref<16x256xf32, #tpu.memory_space<vmem>>, vector<1x16xf32>,
        %get3A_1036 = vector.shape_cast %get3A_1035 : vector<1x16xf32> to vector<16xf32>
        %jit3A = arith.constant -0.99999988 : f32
        %jit3A_1037 = arith.constant 0.99999988 : f32
        %max3A = vector.broadcast %jit3A : f32 to vector<16xf32>
        %max3A_1038 = arith.maximumf %max3A, %get3A_1036 : vector<16xf32>
        %min3A = vector.broadcast %jit3A_1037 : f32 to vector<16xf32>
        %min3A_1039 = arith.minimumf %min3A, %max3A_1038 : vector<16xf32>
        %add3A_1040 = arith.constant 1.000000e+00 : f32
        %add3A_1041 = vector.broadcast %add3A_1040 : f32 to vector<16xf32>
        %add3A_1042 = arith.addf %min3A_1039, %add3A_1041 : vector<16xf32>
        %mul3A_1043 = arith.constant 4.000000e+00 : f32
        %mul3A_1044 = vector.broadcast %mul3A_1043 : f32 to vector<16xf32>
        %mul3A_1045 = arith.mulf %add3A_1042, %mul3A_1044 : vector<16xf32>
        %convert_element_type3A = arith.fptosi %mul3A_1045 : vector<16xf32> to vector<16xi32>
        %mul3A_1046 = arith.constant 64 : i32
        %mul3A_1047 = vector.broadcast %mul3A_1046 : i32 to vector<16xi32>
        %mul3A_1048 = arith.muli %convert_element_type3A, %mul3A_1047 : vector<16xi32>
        %add3A_1049 = arith.addi %mul3A_1032, %mul3A_1048 : vector<16xi32>
        %get3A_1050 = arith.index_cast %scan3A_1015 : i32 to index
        %get3A_1051 = arith.index_cast %mul3A_1026 : i32 to index
        %get3A_1052 = tpu.vector_load %arg12[%get3A_1050, %get3A_1051] {strides = array<i32>} : memref<16x256xf32, #tpu.memory_space<vmem>>, vector<1x16xf32>,
        %get3A_1053 = vector.shape_cast %get3A_1052 : vector<1x16xf32> to vector<16xf32>
        %jit3A_1054 = arith.constant -0.99999988 : f32
        %jit3A_1055 = arith.constant 0.99999988 : f32
        %max3A_1056 = vector.broadcast %jit3A_1054 : f32 to vector<16xf32>
        %max3A_1057 = arith.maximumf %max3A_1056, %get3A_1053 : vector<16xf32>
        %min3A_1058 = vector.broadcast %jit3A_1055 : f32 to vector<16xf32>
        %min3A_1059 = arith.minimumf %min3A_1058, %max3A_1057 : vector<16xf32>
        %add3A_1060 = arith.constant 1.000000e+00 : f32
        %add3A_1061 = vector.broadcast %add3A_1060 : f32 to vector<16xf32>
        %add3A_1062 = arith.addf %min3A_1059, %add3A_1061 : vector<16xf32>
        %mul3A_1063 = arith.constant 4.000000e+00 : f32
        %mul3A_1064 = vector.broadcast %mul3A_1063 : f32 to vector<16xf32>
        %mul3A_1065 = arith.mulf %add3A_1062, %mul3A_1064 : vector<16xf32>
        %convert_element_type3A_1066 = arith.fptosi %mul3A_1065 : vector<16xf32> to vector<16xi32>
        %mul3A_1067 = arith.constant 8 : i32
        %mul3A_1068 = vector.broadcast %mul3A_1067 : i32 to vector<16xi32>
        %mul3A_1069 = arith.muli %convert_element_type3A_1066, %mul3A_1068 : vector<16xi32>
        %add3A_1070 = arith.addi %add3A_1049, %mul3A_1069 : vector<16xi32>
        %get3A_1071 = arith.index_cast %scan3A_1015 : i32 to index
        %get3A_1072 = arith.index_cast %mul3A_1026 : i32 to index
        %get3A_1073 = tpu.vector_load %arg13[%get3A_1071, %get3A_1072] {strides = array<i32>} : memref<16x256xf32, #tpu.memory_space<vmem>>, vector<1x16xf32>,
        %get3A_1074 = vector.shape_cast %get3A_1073 : vector<1x16xf32> to vector<16xf32>
        %jit3A_1075 = arith.constant -0.99999988 : f32
        %jit3A_1076 = arith.constant 0.99999988 : f32
        %max3A_1077 = vector.broadcast %jit3A_1075 : f32 to vector<16xf32>
        %max3A_1078 = arith.maximumf %max3A_1077, %get3A_1074 : vector<16xf32>
        %min3A_1079 = vector.broadcast %jit3A_1076 : f32 to vector<16xf32>
        %min3A_1080 = arith.minimumf %min3A_1079, %max3A_1078 : vector<16xf32>
        %add3A_1081 = arith.constant 1.000000e+00 : f32
        %add3A_1082 = vector.broadcast %add3A_1081 : f32 to vector<16xf32>
        %add3A_1083 = arith.addf %min3A_1080, %add3A_1082 : vector<16xf32>
        %mul3A_1084 = arith.constant 4.000000e+00 : f32
        %mul3A_1085 = vector.broadcast %mul3A_1084 : f32 to vector<16xf32>
        %mul3A_1086 = arith.mulf %add3A_1083, %mul3A_1085 : vector<16xf32>
        %convert_element_type3A_1087 = arith.fptosi %mul3A_1086 : vector<16xf32> to vector<16xi32>
        %add3A_1088 = arith.addi %add3A_1070, %convert_element_type3A_1087 : vector<16xi32>
        %mul3A_1089 = arith.constant 16 : i32
        %mul3A_1090 = arith.muli %scan3A_1024, %mul3A_1089 : i32
        %add3A_1091 = arith.addi %mul3A_1017, %mul3A_1090 : i32
        %swap3A = arith.index_cast %add3A_1091 : i32 to index
        %swap3A_1092 = tpu.vector_load %arg15[%swap3A] {strides = array<i32>} : memref<4096xi32, #tpu.memory_space<vmem>>, vector<16xi32>,
        %swap3A_1093 = vector.shape_cast %swap3A_1092 : vector<16xi32> to vector<16xi32>
        %swap3A_1094 = vector.shape_cast %add3A_1088 : vector<16xi32> to vector<16xi32>
        tpu.vector_store %arg15[%swap3A], %swap3A_1094 {strides = array<i32>} : memref<4096xi32, #tpu.memory_space<vmem>>, vector<16xi32>,
      }
      %scan3A_1023 = arith.constant 16 : i32
    }
    %scan3A_380 = arith.constant 16 : i32
    %dma_start3A_381 = arith.constant 0 : i32
    %dma_start3A_382 = tpu.memref_slice %arg5[%dma_start3A_381] : memref<1024000xf32, #tpu.memory_space<vmem_shared>> -> memref<1024000xf32, #tpu.memory_space<vmem_shared>>
    tpu.enqueue_indirect_dma source(%arg16 : memref<4096xf32, #tpu.memory_space<vmem>>) target(%dma_start3A_382 : memref<1024000xf32, #tpu.memory_space<vmem_shared>>) offsets(%arg15 : memref<4096xi32, #tpu.memory_space<vmem>>) semaphore(%arg20 : memref<!tpu.dma_semaphore, #tpu.memory_space<semaphore_mem>>) {add = true}
    %add3A_383 = arith.constant 80 : i32
    %add3A_384 = arith.addi %mul3A_0, %add3A_383 : i32
    %add3A_385 = arith.addi %mul3A_4, %add3A_384 : i32
    %dma_start3A_386 = arith.constant 0 : i32
    %dma_start3A_387 = tpu.memref_slice %arg2[%add3A_385, %dma_start3A_386] : memref<24576x256xf32, #tpu.memory_space<hbm>> -> memref<16x256xf32, #tpu.memory_space<hbm>>
    %dma_start3A_388 = arith.constant 0 : i32
    %dma_start3A_389 = tpu.memref_slice %arg2[%add3A_385, %dma_start3A_388] : memref<24576x256xf32, #tpu.memory_space<hbm>> -> memref<16x256xf32, #tpu.memory_space<hbm>>
    tpu.enqueue_dma source(%dma_start3A_389 : memref<16x256xf32, #tpu.memory_space<hbm>>) target(%arg11 : memref<16x256xf32, #tpu.memory_space<vmem>>) target_semaphore(%arg19 : memref<!tpu.dma_semaphore, #tpu.memory_space<semaphore_mem>>)
    %add3A_390 = arith.constant 4096 : i32
    %add3A_391 = arith.addi %mul3A_4, %add3A_390 : i32
    %add3A_392 = arith.addi %add3A_391, %add3A_384 : i32
    %dma_start3A_393 = arith.constant 0 : i32
    %dma_start3A_394 = tpu.memref_slice %arg2[%add3A_392, %dma_start3A_393] : memref<24576x256xf32, #tpu.memory_space<hbm>> -> memref<16x256xf32, #tpu.memory_space<hbm>>
    %dma_start3A_395 = arith.constant 0 : i32
    %dma_start3A_396 = tpu.memref_slice %arg2[%add3A_392, %dma_start3A_395] : memref<24576x256xf32, #tpu.memory_space<hbm>> -> memref<16x256xf32, #tpu.memory_space<hbm>>
    tpu.enqueue_dma source(%dma_start3A_396 : memref<16x256xf32, #tpu.memory_space<hbm>>) target(%arg12 : memref<16x256xf32, #tpu.memory_space<vmem>>) target_semaphore(%arg19 : memref<!tpu.dma_semaphore, #tpu.memory_space<semaphore_mem>>)
    %add3A_397 = arith.constant 8192 : i32
    %add3A_398 = arith.addi %mul3A_4, %add3A_397 : i32
    %add3A_399 = arith.addi %add3A_398, %add3A_384 : i32
    %dma_start3A_400 = arith.constant 0 : i32
    %dma_start3A_401 = tpu.memref_slice %arg2[%add3A_399, %dma_start3A_400] : memref<24576x256xf32, #tpu.memory_space<hbm>> -> memref<16x256xf32, #tpu.memory_space<hbm>>
    %dma_start3A_402 = arith.constant 0 : i32
    %dma_start3A_403 = tpu.memref_slice %arg2[%add3A_399, %dma_start3A_402] : memref<24576x256xf32, #tpu.memory_space<hbm>> -> memref<16x256xf32, #tpu.memory_space<hbm>>
    tpu.enqueue_dma source(%dma_start3A_403 : memref<16x256xf32, #tpu.memory_space<hbm>>) target(%arg13 : memref<16x256xf32, #tpu.memory_space<vmem>>) target_semaphore(%arg19 : memref<!tpu.dma_semaphore, #tpu.memory_space<semaphore_mem>>)
    %mul3A_404 = arith.constant 4096 : i32
    %mul3A_405 = arith.muli %arg0, %mul3A_404 : i32
    %add3A_406 = arith.addi %mul3A_405, %add3A_384 : i32
    %dma_start3A_407 = arith.constant 0 : i32
    %dma_start3A_408 = tpu.memref_slice %arg3[%add3A_406, %dma_start3A_407] : memref<8192x256xi32, #tpu.memory_space<hbm>> -> memref<16x256xi32, #tpu.memory_space<hbm>>
    %dma_start3A_409 = arith.constant 0 : i32
    %dma_start3A_410 = tpu.memref_slice %arg3[%add3A_406, %dma_start3A_409] : memref<8192x256xi32, #tpu.memory_space<hbm>> -> memref<16x256xi32, #tpu.memory_space<hbm>>
    tpu.enqueue_dma source(%dma_start3A_410 : memref<16x256xi32, #tpu.memory_space<hbm>>) target(%arg14 : memref<16x256xi32, #tpu.memory_space<vmem>>) target_semaphore(%arg19 : memref<!tpu.dma_semaphore, #tpu.memory_space<semaphore_mem>>)
    %dma_wait3A_411 = arith.constant 0 : i32
    %dma_wait3A_412 = tpu.memref_slice %arg2[%add3A_331, %dma_wait3A_411] : memref<24576x256xf32, #tpu.memory_space<hbm>> -> memref<16x256xf32, #tpu.memory_space<hbm>>
    %dma_wait3A_413 = arith.constant 0 : i32
    %dma_wait3A_414 = tpu.memref_slice %arg2[%add3A_331, %dma_wait3A_413] : memref<24576x256xf32, #tpu.memory_space<hbm>> -> memref<16x256xf32, #tpu.memory_space<hbm>>
    tpu.wait_dma2 semaphore(%arg18 : memref<!tpu.dma_semaphore, #tpu.memory_space<semaphore_mem>>) src(%dma_wait3A_414 : memref<16x256xf32, #tpu.memory_space<hbm>>) dst(%arg6 : memref<16x256xf32, #tpu.memory_space<vmem>>)
    %dma_wait3A_415 = arith.constant 0 : i32
    %dma_wait3A_416 = tpu.memref_slice %arg2[%add3A_338, %dma_wait3A_415] : memref<24576x256xf32, #tpu.memory_space<hbm>> -> memref<16x256xf32, #tpu.memory_space<hbm>>
    %dma_wait3A_417 = arith.constant 0 : i32
    %dma_wait3A_418 = tpu.memref_slice %arg2[%add3A_338, %dma_wait3A_417] : memref<24576x256xf32, #tpu.memory_space<hbm>> -> memref<16x256xf32, #tpu.memory_space<hbm>>
    tpu.wait_dma2 semaphore(%arg18 : memref<!tpu.dma_semaphore, #tpu.memory_space<semaphore_mem>>) src(%dma_wait3A_418 : memref<16x256xf32, #tpu.memory_space<hbm>>) dst(%arg7 : memref<16x256xf32, #tpu.memory_space<vmem>>)
    %dma_wait3A_419 = arith.constant 0 : i32
    %dma_wait3A_420 = tpu.memref_slice %arg2[%add3A_345, %dma_wait3A_419] : memref<24576x256xf32, #tpu.memory_space<hbm>> -> memref<16x256xf32, #tpu.memory_space<hbm>>
    %dma_wait3A_421 = arith.constant 0 : i32
    %dma_wait3A_422 = tpu.memref_slice %arg2[%add3A_345, %dma_wait3A_421] : memref<24576x256xf32, #tpu.memory_space<hbm>> -> memref<16x256xf32, #tpu.memory_space<hbm>>
    tpu.wait_dma2 semaphore(%arg18 : memref<!tpu.dma_semaphore, #tpu.memory_space<semaphore_mem>>) src(%dma_wait3A_422 : memref<16x256xf32, #tpu.memory_space<hbm>>) dst(%arg8 : memref<16x256xf32, #tpu.memory_space<vmem>>)
    %dma_wait3A_423 = arith.constant 0 : i32
    %dma_wait3A_424 = tpu.memref_slice %arg3[%add3A_352, %dma_wait3A_423] : memref<8192x256xi32, #tpu.memory_space<hbm>> -> memref<16x256xi32, #tpu.memory_space<hbm>>
    %dma_wait3A_425 = arith.constant 0 : i32
    %dma_wait3A_426 = tpu.memref_slice %arg3[%add3A_352, %dma_wait3A_425] : memref<8192x256xi32, #tpu.memory_space<hbm>> -> memref<16x256xi32, #tpu.memory_space<hbm>>
    tpu.wait_dma2 semaphore(%arg18 : memref<!tpu.dma_semaphore, #tpu.memory_space<semaphore_mem>>) src(%dma_wait3A_426 : memref<16x256xi32, #tpu.memory_space<hbm>>) dst(%arg9 : memref<16x256xi32, #tpu.memory_space<vmem>>)
    %dma_wait3A_427 = arith.constant 0 : i32
    %dma_wait3A_428 = tpu.memref_slice %arg5[%dma_wait3A_427] : memref<1024000xf32, #tpu.memory_space<vmem_shared>> -> memref<1024000xf32, #tpu.memory_space<vmem_shared>>
    tpu.wait_indirect_dma semaphore(%arg20 : memref<!tpu.dma_semaphore, #tpu.memory_space<semaphore_mem>>) src(%arg16 : memref<4096xf32, #tpu.memory_space<vmem>>) dst(%dma_wait3A_428 : memref<1024000xf32, #tpu.memory_space<vmem_shared>>)
    %scan3A_429 = arith.constant 0 : i32
    %scan3A_430 = arith.constant 0 : i32
    %scan3A_431 = arith.constant 16 : i32
    %scan3A_432 = arith.addi %scan3A_430, %scan3A_431 : i32
    %scan3A_433 = arith.constant 1 : i32
    scf.for %scan3A_1015 = %scan3A_430 to %scan3A_432 step %scan3A_433  : i32 {
      %mul3A_1016 = arith.constant 256 : i32
      %mul3A_1017 = arith.muli %scan3A_1015, %mul3A_1016 : i32
      %scan3A_1018 = arith.constant 0 : i32
      %scan3A_1019 = arith.constant 0 : i32
      %scan3A_1020 = arith.constant 16 : i32
      %scan3A_1021 = arith.addi %scan3A_1019, %scan3A_1020 : i32
      %scan3A_1022 = arith.constant 1 : i32
      scf.for %scan3A_1024 = %scan3A_1019 to %scan3A_1021 step %scan3A_1022  : i32 {
        %mul3A_1025 = arith.constant 16 : i32
        %mul3A_1026 = arith.muli %scan3A_1024, %mul3A_1025 : i32
        %get3A = arith.index_cast %scan3A_1015 : i32 to index
        %get3A_1027 = arith.index_cast %mul3A_1026 : i32 to index
        %get3A_1028 = tpu.vector_load %arg9[%get3A, %get3A_1027] {strides = array<i32>} : memref<16x256xi32, #tpu.memory_space<vmem>>, vector<1x16xi32>,
        %get3A_1029 = vector.shape_cast %get3A_1028 : vector<1x16xi32> to vector<16xi32>
        %mul3A_1030 = arith.constant 512 : i32
        %mul3A_1031 = vector.broadcast %mul3A_1030 : i32 to vector<16xi32>
        %mul3A_1032 = arith.muli %get3A_1029, %mul3A_1031 : vector<16xi32>
        %get3A_1033 = arith.index_cast %scan3A_1015 : i32 to index
        %get3A_1034 = arith.index_cast %mul3A_1026 : i32 to index
        %get3A_1035 = tpu.vector_load %arg6[%get3A_1033, %get3A_1034] {strides = array<i32>} : memref<16x256xf32, #tpu.memory_space<vmem>>, vector<1x16xf32>,
        %get3A_1036 = vector.shape_cast %get3A_1035 : vector<1x16xf32> to vector<16xf32>
        %jit3A = arith.constant -0.99999988 : f32
        %jit3A_1037 = arith.constant 0.99999988 : f32
        %max3A = vector.broadcast %jit3A : f32 to vector<16xf32>
        %max3A_1038 = arith.maximumf %max3A, %get3A_1036 : vector<16xf32>
        %min3A = vector.broadcast %jit3A_1037 : f32 to vector<16xf32>
        %min3A_1039 = arith.minimumf %min3A, %max3A_1038 : vector<16xf32>
        %add3A_1040 = arith.constant 1.000000e+00 : f32
        %add3A_1041 = vector.broadcast %add3A_1040 : f32 to vector<16xf32>
        %add3A_1042 = arith.addf %min3A_1039, %add3A_1041 : vector<16xf32>
        %mul3A_1043 = arith.constant 4.000000e+00 : f32
        %mul3A_1044 = vector.broadcast %mul3A_1043 : f32 to vector<16xf32>
        %mul3A_1045 = arith.mulf %add3A_1042, %mul3A_1044 : vector<16xf32>
        %convert_element_type3A = arith.fptosi %mul3A_1045 : vector<16xf32> to vector<16xi32>
        %mul3A_1046 = arith.constant 64 : i32
        %mul3A_1047 = vector.broadcast %mul3A_1046 : i32 to vector<16xi32>
        %mul3A_1048 = arith.muli %convert_element_type3A, %mul3A_1047 : vector<16xi32>
        %add3A_1049 = arith.addi %mul3A_1032, %mul3A_1048 : vector<16xi32>
        %get3A_1050 = arith.index_cast %scan3A_1015 : i32 to index
        %get3A_1051 = arith.index_cast %mul3A_1026 : i32 to index
        %get3A_1052 = tpu.vector_load %arg7[%get3A_1050, %get3A_1051] {strides = array<i32>} : memref<16x256xf32, #tpu.memory_space<vmem>>, vector<1x16xf32>,
        %get3A_1053 = vector.shape_cast %get3A_1052 : vector<1x16xf32> to vector<16xf32>
        %jit3A_1054 = arith.constant -0.99999988 : f32
        %jit3A_1055 = arith.constant 0.99999988 : f32
        %max3A_1056 = vector.broadcast %jit3A_1054 : f32 to vector<16xf32>
        %max3A_1057 = arith.maximumf %max3A_1056, %get3A_1053 : vector<16xf32>
        %min3A_1058 = vector.broadcast %jit3A_1055 : f32 to vector<16xf32>
        %min3A_1059 = arith.minimumf %min3A_1058, %max3A_1057 : vector<16xf32>
        %add3A_1060 = arith.constant 1.000000e+00 : f32
        %add3A_1061 = vector.broadcast %add3A_1060 : f32 to vector<16xf32>
        %add3A_1062 = arith.addf %min3A_1059, %add3A_1061 : vector<16xf32>
        %mul3A_1063 = arith.constant 4.000000e+00 : f32
        %mul3A_1064 = vector.broadcast %mul3A_1063 : f32 to vector<16xf32>
        %mul3A_1065 = arith.mulf %add3A_1062, %mul3A_1064 : vector<16xf32>
        %convert_element_type3A_1066 = arith.fptosi %mul3A_1065 : vector<16xf32> to vector<16xi32>
        %mul3A_1067 = arith.constant 8 : i32
        %mul3A_1068 = vector.broadcast %mul3A_1067 : i32 to vector<16xi32>
        %mul3A_1069 = arith.muli %convert_element_type3A_1066, %mul3A_1068 : vector<16xi32>
        %add3A_1070 = arith.addi %add3A_1049, %mul3A_1069 : vector<16xi32>
        %get3A_1071 = arith.index_cast %scan3A_1015 : i32 to index
        %get3A_1072 = arith.index_cast %mul3A_1026 : i32 to index
        %get3A_1073 = tpu.vector_load %arg8[%get3A_1071, %get3A_1072] {strides = array<i32>} : memref<16x256xf32, #tpu.memory_space<vmem>>, vector<1x16xf32>,
        %get3A_1074 = vector.shape_cast %get3A_1073 : vector<1x16xf32> to vector<16xf32>
        %jit3A_1075 = arith.constant -0.99999988 : f32
        %jit3A_1076 = arith.constant 0.99999988 : f32
        %max3A_1077 = vector.broadcast %jit3A_1075 : f32 to vector<16xf32>
        %max3A_1078 = arith.maximumf %max3A_1077, %get3A_1074 : vector<16xf32>
        %min3A_1079 = vector.broadcast %jit3A_1076 : f32 to vector<16xf32>
        %min3A_1080 = arith.minimumf %min3A_1079, %max3A_1078 : vector<16xf32>
        %add3A_1081 = arith.constant 1.000000e+00 : f32
        %add3A_1082 = vector.broadcast %add3A_1081 : f32 to vector<16xf32>
        %add3A_1083 = arith.addf %min3A_1080, %add3A_1082 : vector<16xf32>
        %mul3A_1084 = arith.constant 4.000000e+00 : f32
        %mul3A_1085 = vector.broadcast %mul3A_1084 : f32 to vector<16xf32>
        %mul3A_1086 = arith.mulf %add3A_1083, %mul3A_1085 : vector<16xf32>
        %convert_element_type3A_1087 = arith.fptosi %mul3A_1086 : vector<16xf32> to vector<16xi32>
        %add3A_1088 = arith.addi %add3A_1070, %convert_element_type3A_1087 : vector<16xi32>
        %mul3A_1089 = arith.constant 16 : i32
        %mul3A_1090 = arith.muli %scan3A_1024, %mul3A_1089 : i32
        %add3A_1091 = arith.addi %mul3A_1017, %mul3A_1090 : i32
        %swap3A = arith.index_cast %add3A_1091 : i32 to index
        %swap3A_1092 = tpu.vector_load %arg10[%swap3A] {strides = array<i32>} : memref<4096xi32, #tpu.memory_space<vmem>>, vector<16xi32>,
        %swap3A_1093 = vector.shape_cast %swap3A_1092 : vector<16xi32> to vector<16xi32>
        %swap3A_1094 = vector.shape_cast %add3A_1088 : vector<16xi32> to vector<16xi32>
        tpu.vector_store %arg10[%swap3A], %swap3A_1094 {strides = array<i32>} : memref<4096xi32, #tpu.memory_space<vmem>>, vector<16xi32>,
      }
      %scan3A_1023 = arith.constant 16 : i32
    }
    %scan3A_434 = arith.constant 16 : i32
    %dma_start3A_435 = arith.constant 0 : i32
    %dma_start3A_436 = tpu.memref_slice %arg5[%dma_start3A_435] : memref<1024000xf32, #tpu.memory_space<vmem_shared>> -> memref<1024000xf32, #tpu.memory_space<vmem_shared>>
    tpu.enqueue_indirect_dma source(%arg16 : memref<4096xf32, #tpu.memory_space<vmem>>) target(%dma_start3A_436 : memref<1024000xf32, #tpu.memory_space<vmem_shared>>) offsets(%arg10 : memref<4096xi32, #tpu.memory_space<vmem>>) semaphore(%arg20 : memref<!tpu.dma_semaphore, #tpu.memory_space<semaphore_mem>>) {add = true}
    %add3A_437 = arith.constant 96 : i32
    %add3A_438 = arith.addi %mul3A_0, %add3A_437 : i32
    %add3A_439 = arith.addi %mul3A_4, %add3A_438 : i32
    %dma_start3A_440 = arith.constant 0 : i32
    %dma_start3A_441 = tpu.memref_slice %arg2[%add3A_439, %dma_start3A_440] : memref<24576x256xf32, #tpu.memory_space<hbm>> -> memref<16x256xf32, #tpu.memory_space<hbm>>
    %dma_start3A_442 = arith.constant 0 : i32
    %dma_start3A_443 = tpu.memref_slice %arg2[%add3A_439, %dma_start3A_442] : memref<24576x256xf32, #tpu.memory_space<hbm>> -> memref<16x256xf32, #tpu.memory_space<hbm>>
    tpu.enqueue_dma source(%dma_start3A_443 : memref<16x256xf32, #tpu.memory_space<hbm>>) target(%arg6 : memref<16x256xf32, #tpu.memory_space<vmem>>) target_semaphore(%arg18 : memref<!tpu.dma_semaphore, #tpu.memory_space<semaphore_mem>>)
    %add3A_444 = arith.constant 4096 : i32
    %add3A_445 = arith.addi %mul3A_4, %add3A_444 : i32
    %add3A_446 = arith.addi %add3A_445, %add3A_438 : i32
    %dma_start3A_447 = arith.constant 0 : i32
    %dma_start3A_448 = tpu.memref_slice %arg2[%add3A_446, %dma_start3A_447] : memref<24576x256xf32, #tpu.memory_space<hbm>> -> memref<16x256xf32, #tpu.memory_space<hbm>>
    %dma_start3A_449 = arith.constant 0 : i32
    %dma_start3A_450 = tpu.memref_slice %arg2[%add3A_446, %dma_start3A_449] : memref<24576x256xf32, #tpu.memory_space<hbm>> -> memref<16x256xf32, #tpu.memory_space<hbm>>
    tpu.enqueue_dma source(%dma_start3A_450 : memref<16x256xf32, #tpu.memory_space<hbm>>) target(%arg7 : memref<16x256xf32, #tpu.memory_space<vmem>>) target_semaphore(%arg18 : memref<!tpu.dma_semaphore, #tpu.memory_space<semaphore_mem>>)
    %add3A_451 = arith.constant 8192 : i32
    %add3A_452 = arith.addi %mul3A_4, %add3A_451 : i32
    %add3A_453 = arith.addi %add3A_452, %add3A_438 : i32
    %dma_start3A_454 = arith.constant 0 : i32
    %dma_start3A_455 = tpu.memref_slice %arg2[%add3A_453, %dma_start3A_454] : memref<24576x256xf32, #tpu.memory_space<hbm>> -> memref<16x256xf32, #tpu.memory_space<hbm>>
    %dma_start3A_456 = arith.constant 0 : i32
    %dma_start3A_457 = tpu.memref_slice %arg2[%add3A_453, %dma_start3A_456] : memref<24576x256xf32, #tpu.memory_space<hbm>> -> memref<16x256xf32, #tpu.memory_space<hbm>>
    tpu.enqueue_dma source(%dma_start3A_457 : memref<16x256xf32, #tpu.memory_space<hbm>>) target(%arg8 : memref<16x256xf32, #tpu.memory_space<vmem>>) target_semaphore(%arg18 : memref<!tpu.dma_semaphore, #tpu.memory_space<semaphore_mem>>)
    %mul3A_458 = arith.constant 4096 : i32
    %mul3A_459 = arith.muli %arg0, %mul3A_458 : i32
    %add3A_460 = arith.addi %mul3A_459, %add3A_438 : i32
    %dma_start3A_461 = arith.constant 0 : i32
    %dma_start3A_462 = tpu.memref_slice %arg3[%add3A_460, %dma_start3A_461] : memref<8192x256xi32, #tpu.memory_space<hbm>> -> memref<16x256xi32, #tpu.memory_space<hbm>>
    %dma_start3A_463 = arith.constant 0 : i32
    %dma_start3A_464 = tpu.memref_slice %arg3[%add3A_460, %dma_start3A_463] : memref<8192x256xi32, #tpu.memory_space<hbm>> -> memref<16x256xi32, #tpu.memory_space<hbm>>
    tpu.enqueue_dma source(%dma_start3A_464 : memref<16x256xi32, #tpu.memory_space<hbm>>) target(%arg9 : memref<16x256xi32, #tpu.memory_space<vmem>>) target_semaphore(%arg18 : memref<!tpu.dma_semaphore, #tpu.memory_space<semaphore_mem>>)
    %dma_wait3A_465 = arith.constant 0 : i32
    %dma_wait3A_466 = tpu.memref_slice %arg2[%add3A_385, %dma_wait3A_465] : memref<24576x256xf32, #tpu.memory_space<hbm>> -> memref<16x256xf32, #tpu.memory_space<hbm>>
    %dma_wait3A_467 = arith.constant 0 : i32
    %dma_wait3A_468 = tpu.memref_slice %arg2[%add3A_385, %dma_wait3A_467] : memref<24576x256xf32, #tpu.memory_space<hbm>> -> memref<16x256xf32, #tpu.memory_space<hbm>>
    tpu.wait_dma2 semaphore(%arg19 : memref<!tpu.dma_semaphore, #tpu.memory_space<semaphore_mem>>) src(%dma_wait3A_468 : memref<16x256xf32, #tpu.memory_space<hbm>>) dst(%arg11 : memref<16x256xf32, #tpu.memory_space<vmem>>)
    %dma_wait3A_469 = arith.constant 0 : i32
    %dma_wait3A_470 = tpu.memref_slice %arg2[%add3A_392, %dma_wait3A_469] : memref<24576x256xf32, #tpu.memory_space<hbm>> -> memref<16x256xf32, #tpu.memory_space<hbm>>
    %dma_wait3A_471 = arith.constant 0 : i32
    %dma_wait3A_472 = tpu.memref_slice %arg2[%add3A_392, %dma_wait3A_471] : memref<24576x256xf32, #tpu.memory_space<hbm>> -> memref<16x256xf32, #tpu.memory_space<hbm>>
    tpu.wait_dma2 semaphore(%arg19 : memref<!tpu.dma_semaphore, #tpu.memory_space<semaphore_mem>>) src(%dma_wait3A_472 : memref<16x256xf32, #tpu.memory_space<hbm>>) dst(%arg12 : memref<16x256xf32, #tpu.memory_space<vmem>>)
    %dma_wait3A_473 = arith.constant 0 : i32
    %dma_wait3A_474 = tpu.memref_slice %arg2[%add3A_399, %dma_wait3A_473] : memref<24576x256xf32, #tpu.memory_space<hbm>> -> memref<16x256xf32, #tpu.memory_space<hbm>>
    %dma_wait3A_475 = arith.constant 0 : i32
    %dma_wait3A_476 = tpu.memref_slice %arg2[%add3A_399, %dma_wait3A_475] : memref<24576x256xf32, #tpu.memory_space<hbm>> -> memref<16x256xf32, #tpu.memory_space<hbm>>
    tpu.wait_dma2 semaphore(%arg19 : memref<!tpu.dma_semaphore, #tpu.memory_space<semaphore_mem>>) src(%dma_wait3A_476 : memref<16x256xf32, #tpu.memory_space<hbm>>) dst(%arg13 : memref<16x256xf32, #tpu.memory_space<vmem>>)
    %dma_wait3A_477 = arith.constant 0 : i32
    %dma_wait3A_478 = tpu.memref_slice %arg3[%add3A_406, %dma_wait3A_477] : memref<8192x256xi32, #tpu.memory_space<hbm>> -> memref<16x256xi32, #tpu.memory_space<hbm>>
    %dma_wait3A_479 = arith.constant 0 : i32
    %dma_wait3A_480 = tpu.memref_slice %arg3[%add3A_406, %dma_wait3A_479] : memref<8192x256xi32, #tpu.memory_space<hbm>> -> memref<16x256xi32, #tpu.memory_space<hbm>>
    tpu.wait_dma2 semaphore(%arg19 : memref<!tpu.dma_semaphore, #tpu.memory_space<semaphore_mem>>) src(%dma_wait3A_480 : memref<16x256xi32, #tpu.memory_space<hbm>>) dst(%arg14 : memref<16x256xi32, #tpu.memory_space<vmem>>)
    %dma_wait3A_481 = arith.constant 0 : i32
    %dma_wait3A_482 = tpu.memref_slice %arg5[%dma_wait3A_481] : memref<1024000xf32, #tpu.memory_space<vmem_shared>> -> memref<1024000xf32, #tpu.memory_space<vmem_shared>>
    tpu.wait_indirect_dma semaphore(%arg20 : memref<!tpu.dma_semaphore, #tpu.memory_space<semaphore_mem>>) src(%arg16 : memref<4096xf32, #tpu.memory_space<vmem>>) dst(%dma_wait3A_482 : memref<1024000xf32, #tpu.memory_space<vmem_shared>>)
    %scan3A_483 = arith.constant 0 : i32
    %scan3A_484 = arith.constant 0 : i32
    %scan3A_485 = arith.constant 16 : i32
    %scan3A_486 = arith.addi %scan3A_484, %scan3A_485 : i32
    %scan3A_487 = arith.constant 1 : i32
    scf.for %scan3A_1015 = %scan3A_484 to %scan3A_486 step %scan3A_487  : i32 {
      %mul3A_1016 = arith.constant 256 : i32
      %mul3A_1017 = arith.muli %scan3A_1015, %mul3A_1016 : i32
      %scan3A_1018 = arith.constant 0 : i32
      %scan3A_1019 = arith.constant 0 : i32
      %scan3A_1020 = arith.constant 16 : i32
      %scan3A_1021 = arith.addi %scan3A_1019, %scan3A_1020 : i32
      %scan3A_1022 = arith.constant 1 : i32
      scf.for %scan3A_1024 = %scan3A_1019 to %scan3A_1021 step %scan3A_1022  : i32 {
        %mul3A_1025 = arith.constant 16 : i32
        %mul3A_1026 = arith.muli %scan3A_1024, %mul3A_1025 : i32
        %get3A = arith.index_cast %scan3A_1015 : i32 to index
        %get3A_1027 = arith.index_cast %mul3A_1026 : i32 to index
        %get3A_1028 = tpu.vector_load %arg14[%get3A, %get3A_1027] {strides = array<i32>} : memref<16x256xi32, #tpu.memory_space<vmem>>, vector<1x16xi32>,
        %get3A_1029 = vector.shape_cast %get3A_1028 : vector<1x16xi32> to vector<16xi32>
        %mul3A_1030 = arith.constant 512 : i32
        %mul3A_1031 = vector.broadcast %mul3A_1030 : i32 to vector<16xi32>
        %mul3A_1032 = arith.muli %get3A_1029, %mul3A_1031 : vector<16xi32>
        %get3A_1033 = arith.index_cast %scan3A_1015 : i32 to index
        %get3A_1034 = arith.index_cast %mul3A_1026 : i32 to index
        %get3A_1035 = tpu.vector_load %arg11[%get3A_1033, %get3A_1034] {strides = array<i32>} : memref<16x256xf32, #tpu.memory_space<vmem>>, vector<1x16xf32>,
        %get3A_1036 = vector.shape_cast %get3A_1035 : vector<1x16xf32> to vector<16xf32>
        %jit3A = arith.constant -0.99999988 : f32
        %jit3A_1037 = arith.constant 0.99999988 : f32
        %max3A = vector.broadcast %jit3A : f32 to vector<16xf32>
        %max3A_1038 = arith.maximumf %max3A, %get3A_1036 : vector<16xf32>
        %min3A = vector.broadcast %jit3A_1037 : f32 to vector<16xf32>
        %min3A_1039 = arith.minimumf %min3A, %max3A_1038 : vector<16xf32>
        %add3A_1040 = arith.constant 1.000000e+00 : f32
        %add3A_1041 = vector.broadcast %add3A_1040 : f32 to vector<16xf32>
        %add3A_1042 = arith.addf %min3A_1039, %add3A_1041 : vector<16xf32>
        %mul3A_1043 = arith.constant 4.000000e+00 : f32
        %mul3A_1044 = vector.broadcast %mul3A_1043 : f32 to vector<16xf32>
        %mul3A_1045 = arith.mulf %add3A_1042, %mul3A_1044 : vector<16xf32>
        %convert_element_type3A = arith.fptosi %mul3A_1045 : vector<16xf32> to vector<16xi32>
        %mul3A_1046 = arith.constant 64 : i32
        %mul3A_1047 = vector.broadcast %mul3A_1046 : i32 to vector<16xi32>
        %mul3A_1048 = arith.muli %convert_element_type3A, %mul3A_1047 : vector<16xi32>
        %add3A_1049 = arith.addi %mul3A_1032, %mul3A_1048 : vector<16xi32>
        %get3A_1050 = arith.index_cast %scan3A_1015 : i32 to index
        %get3A_1051 = arith.index_cast %mul3A_1026 : i32 to index
        %get3A_1052 = tpu.vector_load %arg12[%get3A_1050, %get3A_1051] {strides = array<i32>} : memref<16x256xf32, #tpu.memory_space<vmem>>, vector<1x16xf32>,
        %get3A_1053 = vector.shape_cast %get3A_1052 : vector<1x16xf32> to vector<16xf32>
        %jit3A_1054 = arith.constant -0.99999988 : f32
        %jit3A_1055 = arith.constant 0.99999988 : f32
        %max3A_1056 = vector.broadcast %jit3A_1054 : f32 to vector<16xf32>
        %max3A_1057 = arith.maximumf %max3A_1056, %get3A_1053 : vector<16xf32>
        %min3A_1058 = vector.broadcast %jit3A_1055 : f32 to vector<16xf32>
        %min3A_1059 = arith.minimumf %min3A_1058, %max3A_1057 : vector<16xf32>
        %add3A_1060 = arith.constant 1.000000e+00 : f32
        %add3A_1061 = vector.broadcast %add3A_1060 : f32 to vector<16xf32>
        %add3A_1062 = arith.addf %min3A_1059, %add3A_1061 : vector<16xf32>
        %mul3A_1063 = arith.constant 4.000000e+00 : f32
        %mul3A_1064 = vector.broadcast %mul3A_1063 : f32 to vector<16xf32>
        %mul3A_1065 = arith.mulf %add3A_1062, %mul3A_1064 : vector<16xf32>
        %convert_element_type3A_1066 = arith.fptosi %mul3A_1065 : vector<16xf32> to vector<16xi32>
        %mul3A_1067 = arith.constant 8 : i32
        %mul3A_1068 = vector.broadcast %mul3A_1067 : i32 to vector<16xi32>
        %mul3A_1069 = arith.muli %convert_element_type3A_1066, %mul3A_1068 : vector<16xi32>
        %add3A_1070 = arith.addi %add3A_1049, %mul3A_1069 : vector<16xi32>
        %get3A_1071 = arith.index_cast %scan3A_1015 : i32 to index
        %get3A_1072 = arith.index_cast %mul3A_1026 : i32 to index
        %get3A_1073 = tpu.vector_load %arg13[%get3A_1071, %get3A_1072] {strides = array<i32>} : memref<16x256xf32, #tpu.memory_space<vmem>>, vector<1x16xf32>,
        %get3A_1074 = vector.shape_cast %get3A_1073 : vector<1x16xf32> to vector<16xf32>
        %jit3A_1075 = arith.constant -0.99999988 : f32
        %jit3A_1076 = arith.constant 0.99999988 : f32
        %max3A_1077 = vector.broadcast %jit3A_1075 : f32 to vector<16xf32>
        %max3A_1078 = arith.maximumf %max3A_1077, %get3A_1074 : vector<16xf32>
        %min3A_1079 = vector.broadcast %jit3A_1076 : f32 to vector<16xf32>
        %min3A_1080 = arith.minimumf %min3A_1079, %max3A_1078 : vector<16xf32>
        %add3A_1081 = arith.constant 1.000000e+00 : f32
        %add3A_1082 = vector.broadcast %add3A_1081 : f32 to vector<16xf32>
        %add3A_1083 = arith.addf %min3A_1080, %add3A_1082 : vector<16xf32>
        %mul3A_1084 = arith.constant 4.000000e+00 : f32
        %mul3A_1085 = vector.broadcast %mul3A_1084 : f32 to vector<16xf32>
        %mul3A_1086 = arith.mulf %add3A_1083, %mul3A_1085 : vector<16xf32>
        %convert_element_type3A_1087 = arith.fptosi %mul3A_1086 : vector<16xf32> to vector<16xi32>
        %add3A_1088 = arith.addi %add3A_1070, %convert_element_type3A_1087 : vector<16xi32>
        %mul3A_1089 = arith.constant 16 : i32
        %mul3A_1090 = arith.muli %scan3A_1024, %mul3A_1089 : i32
        %add3A_1091 = arith.addi %mul3A_1017, %mul3A_1090 : i32
        %swap3A = arith.index_cast %add3A_1091 : i32 to index
        %swap3A_1092 = tpu.vector_load %arg15[%swap3A] {strides = array<i32>} : memref<4096xi32, #tpu.memory_space<vmem>>, vector<16xi32>,
        %swap3A_1093 = vector.shape_cast %swap3A_1092 : vector<16xi32> to vector<16xi32>
        %swap3A_1094 = vector.shape_cast %add3A_1088 : vector<16xi32> to vector<16xi32>
        tpu.vector_store %arg15[%swap3A], %swap3A_1094 {strides = array<i32>} : memref<4096xi32, #tpu.memory_space<vmem>>, vector<16xi32>,
      }
      %scan3A_1023 = arith.constant 16 : i32
    }
    %scan3A_488 = arith.constant 16 : i32
    %dma_start3A_489 = arith.constant 0 : i32
    %dma_start3A_490 = tpu.memref_slice %arg5[%dma_start3A_489] : memref<1024000xf32, #tpu.memory_space<vmem_shared>> -> memref<1024000xf32, #tpu.memory_space<vmem_shared>>
    tpu.enqueue_indirect_dma source(%arg16 : memref<4096xf32, #tpu.memory_space<vmem>>) target(%dma_start3A_490 : memref<1024000xf32, #tpu.memory_space<vmem_shared>>) offsets(%arg15 : memref<4096xi32, #tpu.memory_space<vmem>>) semaphore(%arg20 : memref<!tpu.dma_semaphore, #tpu.memory_space<semaphore_mem>>) {add = true}
    %add3A_491 = arith.constant 112 : i32
    %add3A_492 = arith.addi %mul3A_0, %add3A_491 : i32
    %add3A_493 = arith.addi %mul3A_4, %add3A_492 : i32
    %dma_start3A_494 = arith.constant 0 : i32
    %dma_start3A_495 = tpu.memref_slice %arg2[%add3A_493, %dma_start3A_494] : memref<24576x256xf32, #tpu.memory_space<hbm>> -> memref<16x256xf32, #tpu.memory_space<hbm>>
    %dma_start3A_496 = arith.constant 0 : i32
    %dma_start3A_497 = tpu.memref_slice %arg2[%add3A_493, %dma_start3A_496] : memref<24576x256xf32, #tpu.memory_space<hbm>> -> memref<16x256xf32, #tpu.memory_space<hbm>>
    tpu.enqueue_dma source(%dma_start3A_497 : memref<16x256xf32, #tpu.memory_space<hbm>>) target(%arg11 : memref<16x256xf32, #tpu.memory_space<vmem>>) target_semaphore(%arg19 : memref<!tpu.dma_semaphore, #tpu.memory_space<semaphore_mem>>)
    %add3A_498 = arith.constant 4096 : i32
    %add3A_499 = arith.addi %mul3A_4, %add3A_498 : i32
    %add3A_500 = arith.addi %add3A_499, %add3A_492 : i32
    %dma_start3A_501 = arith.constant 0 : i32
    %dma_start3A_502 = tpu.memref_slice %arg2[%add3A_500, %dma_start3A_501] : memref<24576x256xf32, #tpu.memory_space<hbm>> -> memref<16x256xf32, #tpu.memory_space<hbm>>
    %dma_start3A_503 = arith.constant 0 : i32
    %dma_start3A_504 = tpu.memref_slice %arg2[%add3A_500, %dma_start3A_503] : memref<24576x256xf32, #tpu.memory_space<hbm>> -> memref<16x256xf32, #tpu.memory_space<hbm>>
    tpu.enqueue_dma source(%dma_start3A_504 : memref<16x256xf32, #tpu.memory_space<hbm>>) target(%arg12 : memref<16x256xf32, #tpu.memory_space<vmem>>) target_semaphore(%arg19 : memref<!tpu.dma_semaphore, #tpu.memory_space<semaphore_mem>>)
    %add3A_505 = arith.constant 8192 : i32
    %add3A_506 = arith.addi %mul3A_4, %add3A_505 : i32
    %add3A_507 = arith.addi %add3A_506, %add3A_492 : i32
    %dma_start3A_508 = arith.constant 0 : i32
    %dma_start3A_509 = tpu.memref_slice %arg2[%add3A_507, %dma_start3A_508] : memref<24576x256xf32, #tpu.memory_space<hbm>> -> memref<16x256xf32, #tpu.memory_space<hbm>>
    %dma_start3A_510 = arith.constant 0 : i32
    %dma_start3A_511 = tpu.memref_slice %arg2[%add3A_507, %dma_start3A_510] : memref<24576x256xf32, #tpu.memory_space<hbm>> -> memref<16x256xf32, #tpu.memory_space<hbm>>
    tpu.enqueue_dma source(%dma_start3A_511 : memref<16x256xf32, #tpu.memory_space<hbm>>) target(%arg13 : memref<16x256xf32, #tpu.memory_space<vmem>>) target_semaphore(%arg19 : memref<!tpu.dma_semaphore, #tpu.memory_space<semaphore_mem>>)
    %mul3A_512 = arith.constant 4096 : i32
    %mul3A_513 = arith.muli %arg0, %mul3A_512 : i32
    %add3A_514 = arith.addi %mul3A_513, %add3A_492 : i32
    %dma_start3A_515 = arith.constant 0 : i32
    %dma_start3A_516 = tpu.memref_slice %arg3[%add3A_514, %dma_start3A_515] : memref<8192x256xi32, #tpu.memory_space<hbm>> -> memref<16x256xi32, #tpu.memory_space<hbm>>
    %dma_start3A_517 = arith.constant 0 : i32
    %dma_start3A_518 = tpu.memref_slice %arg3[%add3A_514, %dma_start3A_517] : memref<8192x256xi32, #tpu.memory_space<hbm>> -> memref<16x256xi32, #tpu.memory_space<hbm>>
    tpu.enqueue_dma source(%dma_start3A_518 : memref<16x256xi32, #tpu.memory_space<hbm>>) target(%arg14 : memref<16x256xi32, #tpu.memory_space<vmem>>) target_semaphore(%arg19 : memref<!tpu.dma_semaphore, #tpu.memory_space<semaphore_mem>>)
    %dma_wait3A_519 = arith.constant 0 : i32
    %dma_wait3A_520 = tpu.memref_slice %arg2[%add3A_439, %dma_wait3A_519] : memref<24576x256xf32, #tpu.memory_space<hbm>> -> memref<16x256xf32, #tpu.memory_space<hbm>>
    %dma_wait3A_521 = arith.constant 0 : i32
    %dma_wait3A_522 = tpu.memref_slice %arg2[%add3A_439, %dma_wait3A_521] : memref<24576x256xf32, #tpu.memory_space<hbm>> -> memref<16x256xf32, #tpu.memory_space<hbm>>
    tpu.wait_dma2 semaphore(%arg18 : memref<!tpu.dma_semaphore, #tpu.memory_space<semaphore_mem>>) src(%dma_wait3A_522 : memref<16x256xf32, #tpu.memory_space<hbm>>) dst(%arg6 : memref<16x256xf32, #tpu.memory_space<vmem>>)
    %dma_wait3A_523 = arith.constant 0 : i32
    %dma_wait3A_524 = tpu.memref_slice %arg2[%add3A_446, %dma_wait3A_523] : memref<24576x256xf32, #tpu.memory_space<hbm>> -> memref<16x256xf32, #tpu.memory_space<hbm>>
    %dma_wait3A_525 = arith.constant 0 : i32
    %dma_wait3A_526 = tpu.memref_slice %arg2[%add3A_446, %dma_wait3A_525] : memref<24576x256xf32, #tpu.memory_space<hbm>> -> memref<16x256xf32, #tpu.memory_space<hbm>>
    tpu.wait_dma2 semaphore(%arg18 : memref<!tpu.dma_semaphore, #tpu.memory_space<semaphore_mem>>) src(%dma_wait3A_526 : memref<16x256xf32, #tpu.memory_space<hbm>>) dst(%arg7 : memref<16x256xf32, #tpu.memory_space<vmem>>)
    %dma_wait3A_527 = arith.constant 0 : i32
    %dma_wait3A_528 = tpu.memref_slice %arg2[%add3A_453, %dma_wait3A_527] : memref<24576x256xf32, #tpu.memory_space<hbm>> -> memref<16x256xf32, #tpu.memory_space<hbm>>
    %dma_wait3A_529 = arith.constant 0 : i32
    %dma_wait3A_530 = tpu.memref_slice %arg2[%add3A_453, %dma_wait3A_529] : memref<24576x256xf32, #tpu.memory_space<hbm>> -> memref<16x256xf32, #tpu.memory_space<hbm>>
    tpu.wait_dma2 semaphore(%arg18 : memref<!tpu.dma_semaphore, #tpu.memory_space<semaphore_mem>>) src(%dma_wait3A_530 : memref<16x256xf32, #tpu.memory_space<hbm>>) dst(%arg8 : memref<16x256xf32, #tpu.memory_space<vmem>>)
    %dma_wait3A_531 = arith.constant 0 : i32
    %dma_wait3A_532 = tpu.memref_slice %arg3[%add3A_460, %dma_wait3A_531] : memref<8192x256xi32, #tpu.memory_space<hbm>> -> memref<16x256xi32, #tpu.memory_space<hbm>>
    %dma_wait3A_533 = arith.constant 0 : i32
    %dma_wait3A_534 = tpu.memref_slice %arg3[%add3A_460, %dma_wait3A_533] : memref<8192x256xi32, #tpu.memory_space<hbm>> -> memref<16x256xi32, #tpu.memory_space<hbm>>
    tpu.wait_dma2 semaphore(%arg18 : memref<!tpu.dma_semaphore, #tpu.memory_space<semaphore_mem>>) src(%dma_wait3A_534 : memref<16x256xi32, #tpu.memory_space<hbm>>) dst(%arg9 : memref<16x256xi32, #tpu.memory_space<vmem>>)
    %dma_wait3A_535 = arith.constant 0 : i32
    %dma_wait3A_536 = tpu.memref_slice %arg5[%dma_wait3A_535] : memref<1024000xf32, #tpu.memory_space<vmem_shared>> -> memref<1024000xf32, #tpu.memory_space<vmem_shared>>
    tpu.wait_indirect_dma semaphore(%arg20 : memref<!tpu.dma_semaphore, #tpu.memory_space<semaphore_mem>>) src(%arg16 : memref<4096xf32, #tpu.memory_space<vmem>>) dst(%dma_wait3A_536 : memref<1024000xf32, #tpu.memory_space<vmem_shared>>)
    %scan3A_537 = arith.constant 0 : i32
    %scan3A_538 = arith.constant 0 : i32
    %scan3A_539 = arith.constant 16 : i32
    %scan3A_540 = arith.addi %scan3A_538, %scan3A_539 : i32
    %scan3A_541 = arith.constant 1 : i32
    scf.for %scan3A_1015 = %scan3A_538 to %scan3A_540 step %scan3A_541  : i32 {
      %mul3A_1016 = arith.constant 256 : i32
      %mul3A_1017 = arith.muli %scan3A_1015, %mul3A_1016 : i32
      %scan3A_1018 = arith.constant 0 : i32
      %scan3A_1019 = arith.constant 0 : i32
      %scan3A_1020 = arith.constant 16 : i32
      %scan3A_1021 = arith.addi %scan3A_1019, %scan3A_1020 : i32
      %scan3A_1022 = arith.constant 1 : i32
      scf.for %scan3A_1024 = %scan3A_1019 to %scan3A_1021 step %scan3A_1022  : i32 {
        %mul3A_1025 = arith.constant 16 : i32
        %mul3A_1026 = arith.muli %scan3A_1024, %mul3A_1025 : i32
        %get3A = arith.index_cast %scan3A_1015 : i32 to index
        %get3A_1027 = arith.index_cast %mul3A_1026 : i32 to index
        %get3A_1028 = tpu.vector_load %arg9[%get3A, %get3A_1027] {strides = array<i32>} : memref<16x256xi32, #tpu.memory_space<vmem>>, vector<1x16xi32>,
        %get3A_1029 = vector.shape_cast %get3A_1028 : vector<1x16xi32> to vector<16xi32>
        %mul3A_1030 = arith.constant 512 : i32
        %mul3A_1031 = vector.broadcast %mul3A_1030 : i32 to vector<16xi32>
        %mul3A_1032 = arith.muli %get3A_1029, %mul3A_1031 : vector<16xi32>
        %get3A_1033 = arith.index_cast %scan3A_1015 : i32 to index
        %get3A_1034 = arith.index_cast %mul3A_1026 : i32 to index
        %get3A_1035 = tpu.vector_load %arg6[%get3A_1033, %get3A_1034] {strides = array<i32>} : memref<16x256xf32, #tpu.memory_space<vmem>>, vector<1x16xf32>,
        %get3A_1036 = vector.shape_cast %get3A_1035 : vector<1x16xf32> to vector<16xf32>
        %jit3A = arith.constant -0.99999988 : f32
        %jit3A_1037 = arith.constant 0.99999988 : f32
        %max3A = vector.broadcast %jit3A : f32 to vector<16xf32>
        %max3A_1038 = arith.maximumf %max3A, %get3A_1036 : vector<16xf32>
        %min3A = vector.broadcast %jit3A_1037 : f32 to vector<16xf32>
        %min3A_1039 = arith.minimumf %min3A, %max3A_1038 : vector<16xf32>
        %add3A_1040 = arith.constant 1.000000e+00 : f32
        %add3A_1041 = vector.broadcast %add3A_1040 : f32 to vector<16xf32>
        %add3A_1042 = arith.addf %min3A_1039, %add3A_1041 : vector<16xf32>
        %mul3A_1043 = arith.constant 4.000000e+00 : f32
        %mul3A_1044 = vector.broadcast %mul3A_1043 : f32 to vector<16xf32>
        %mul3A_1045 = arith.mulf %add3A_1042, %mul3A_1044 : vector<16xf32>
        %convert_element_type3A = arith.fptosi %mul3A_1045 : vector<16xf32> to vector<16xi32>
        %mul3A_1046 = arith.constant 64 : i32
        %mul3A_1047 = vector.broadcast %mul3A_1046 : i32 to vector<16xi32>
        %mul3A_1048 = arith.muli %convert_element_type3A, %mul3A_1047 : vector<16xi32>
        %add3A_1049 = arith.addi %mul3A_1032, %mul3A_1048 : vector<16xi32>
        %get3A_1050 = arith.index_cast %scan3A_1015 : i32 to index
        %get3A_1051 = arith.index_cast %mul3A_1026 : i32 to index
        %get3A_1052 = tpu.vector_load %arg7[%get3A_1050, %get3A_1051] {strides = array<i32>} : memref<16x256xf32, #tpu.memory_space<vmem>>, vector<1x16xf32>,
        %get3A_1053 = vector.shape_cast %get3A_1052 : vector<1x16xf32> to vector<16xf32>
        %jit3A_1054 = arith.constant -0.99999988 : f32
        %jit3A_1055 = arith.constant 0.99999988 : f32
        %max3A_1056 = vector.broadcast %jit3A_1054 : f32 to vector<16xf32>
        %max3A_1057 = arith.maximumf %max3A_1056, %get3A_1053 : vector<16xf32>
        %min3A_1058 = vector.broadcast %jit3A_1055 : f32 to vector<16xf32>
        %min3A_1059 = arith.minimumf %min3A_1058, %max3A_1057 : vector<16xf32>
        %add3A_1060 = arith.constant 1.000000e+00 : f32
        %add3A_1061 = vector.broadcast %add3A_1060 : f32 to vector<16xf32>
        %add3A_1062 = arith.addf %min3A_1059, %add3A_1061 : vector<16xf32>
        %mul3A_1063 = arith.constant 4.000000e+00 : f32
        %mul3A_1064 = vector.broadcast %mul3A_1063 : f32 to vector<16xf32>
        %mul3A_1065 = arith.mulf %add3A_1062, %mul3A_1064 : vector<16xf32>
        %convert_element_type3A_1066 = arith.fptosi %mul3A_1065 : vector<16xf32> to vector<16xi32>
        %mul3A_1067 = arith.constant 8 : i32
        %mul3A_1068 = vector.broadcast %mul3A_1067 : i32 to vector<16xi32>
        %mul3A_1069 = arith.muli %convert_element_type3A_1066, %mul3A_1068 : vector<16xi32>
        %add3A_1070 = arith.addi %add3A_1049, %mul3A_1069 : vector<16xi32>
        %get3A_1071 = arith.index_cast %scan3A_1015 : i32 to index
        %get3A_1072 = arith.index_cast %mul3A_1026 : i32 to index
        %get3A_1073 = tpu.vector_load %arg8[%get3A_1071, %get3A_1072] {strides = array<i32>} : memref<16x256xf32, #tpu.memory_space<vmem>>, vector<1x16xf32>,
        %get3A_1074 = vector.shape_cast %get3A_1073 : vector<1x16xf32> to vector<16xf32>
        %jit3A_1075 = arith.constant -0.99999988 : f32
        %jit3A_1076 = arith.constant 0.99999988 : f32
        %max3A_1077 = vector.broadcast %jit3A_1075 : f32 to vector<16xf32>
        %max3A_1078 = arith.maximumf %max3A_1077, %get3A_1074 : vector<16xf32>
        %min3A_1079 = vector.broadcast %jit3A_1076 : f32 to vector<16xf32>
        %min3A_1080 = arith.minimumf %min3A_1079, %max3A_1078 : vector<16xf32>
        %add3A_1081 = arith.constant 1.000000e+00 : f32
        %add3A_1082 = vector.broadcast %add3A_1081 : f32 to vector<16xf32>
        %add3A_1083 = arith.addf %min3A_1080, %add3A_1082 : vector<16xf32>
        %mul3A_1084 = arith.constant 4.000000e+00 : f32
        %mul3A_1085 = vector.broadcast %mul3A_1084 : f32 to vector<16xf32>
        %mul3A_1086 = arith.mulf %add3A_1083, %mul3A_1085 : vector<16xf32>
        %convert_element_type3A_1087 = arith.fptosi %mul3A_1086 : vector<16xf32> to vector<16xi32>
        %add3A_1088 = arith.addi %add3A_1070, %convert_element_type3A_1087 : vector<16xi32>
        %mul3A_1089 = arith.constant 16 : i32
        %mul3A_1090 = arith.muli %scan3A_1024, %mul3A_1089 : i32
        %add3A_1091 = arith.addi %mul3A_1017, %mul3A_1090 : i32
        %swap3A = arith.index_cast %add3A_1091 : i32 to index
        %swap3A_1092 = tpu.vector_load %arg10[%swap3A] {strides = array<i32>} : memref<4096xi32, #tpu.memory_space<vmem>>, vector<16xi32>,
        %swap3A_1093 = vector.shape_cast %swap3A_1092 : vector<16xi32> to vector<16xi32>
        %swap3A_1094 = vector.shape_cast %add3A_1088 : vector<16xi32> to vector<16xi32>
        tpu.vector_store %arg10[%swap3A], %swap3A_1094 {strides = array<i32>} : memref<4096xi32, #tpu.memory_space<vmem>>, vector<16xi32>,
      }
      %scan3A_1023 = arith.constant 16 : i32
    }
    %scan3A_542 = arith.constant 16 : i32
    %dma_start3A_543 = arith.constant 0 : i32
    %dma_start3A_544 = tpu.memref_slice %arg5[%dma_start3A_543] : memref<1024000xf32, #tpu.memory_space<vmem_shared>> -> memref<1024000xf32, #tpu.memory_space<vmem_shared>>
    tpu.enqueue_indirect_dma source(%arg16 : memref<4096xf32, #tpu.memory_space<vmem>>) target(%dma_start3A_544 : memref<1024000xf32, #tpu.memory_space<vmem_shared>>) offsets(%arg10 : memref<4096xi32, #tpu.memory_space<vmem>>) semaphore(%arg20 : memref<!tpu.dma_semaphore, #tpu.memory_space<semaphore_mem>>) {add = true}
    %add3A_545 = arith.constant 128 : i32
    %add3A_546 = arith.addi %mul3A_0, %add3A_545 : i32
    %add3A_547 = arith.addi %mul3A_4, %add3A_546 : i32
    %dma_start3A_548 = arith.constant 0 : i32
    %dma_start3A_549 = tpu.memref_slice %arg2[%add3A_547, %dma_start3A_548] : memref<24576x256xf32, #tpu.memory_space<hbm>> -> memref<16x256xf32, #tpu.memory_space<hbm>>
    %dma_start3A_550 = arith.constant 0 : i32
    %dma_start3A_551 = tpu.memref_slice %arg2[%add3A_547, %dma_start3A_550] : memref<24576x256xf32, #tpu.memory_space<hbm>> -> memref<16x256xf32, #tpu.memory_space<hbm>>
    tpu.enqueue_dma source(%dma_start3A_551 : memref<16x256xf32, #tpu.memory_space<hbm>>) target(%arg6 : memref<16x256xf32, #tpu.memory_space<vmem>>) target_semaphore(%arg18 : memref<!tpu.dma_semaphore, #tpu.memory_space<semaphore_mem>>)
    %add3A_552 = arith.constant 4096 : i32
    %add3A_553 = arith.addi %mul3A_4, %add3A_552 : i32
    %add3A_554 = arith.addi %add3A_553, %add3A_546 : i32
    %dma_start3A_555 = arith.constant 0 : i32
    %dma_start3A_556 = tpu.memref_slice %arg2[%add3A_554, %dma_start3A_555] : memref<24576x256xf32, #tpu.memory_space<hbm>> -> memref<16x256xf32, #tpu.memory_space<hbm>>
    %dma_start3A_557 = arith.constant 0 : i32
    %dma_start3A_558 = tpu.memref_slice %arg2[%add3A_554, %dma_start3A_557] : memref<24576x256xf32, #tpu.memory_space<hbm>> -> memref<16x256xf32, #tpu.memory_space<hbm>>
    tpu.enqueue_dma source(%dma_start3A_558 : memref<16x256xf32, #tpu.memory_space<hbm>>) target(%arg7 : memref<16x256xf32, #tpu.memory_space<vmem>>) target_semaphore(%arg18 : memref<!tpu.dma_semaphore, #tpu.memory_space<semaphore_mem>>)
    %add3A_559 = arith.constant 8192 : i32
    %add3A_560 = arith.addi %mul3A_4, %add3A_559 : i32
    %add3A_561 = arith.addi %add3A_560, %add3A_546 : i32
    %dma_start3A_562 = arith.constant 0 : i32
    %dma_start3A_563 = tpu.memref_slice %arg2[%add3A_561, %dma_start3A_562] : memref<24576x256xf32, #tpu.memory_space<hbm>> -> memref<16x256xf32, #tpu.memory_space<hbm>>
    %dma_start3A_564 = arith.constant 0 : i32
    %dma_start3A_565 = tpu.memref_slice %arg2[%add3A_561, %dma_start3A_564] : memref<24576x256xf32, #tpu.memory_space<hbm>> -> memref<16x256xf32, #tpu.memory_space<hbm>>
    tpu.enqueue_dma source(%dma_start3A_565 : memref<16x256xf32, #tpu.memory_space<hbm>>) target(%arg8 : memref<16x256xf32, #tpu.memory_space<vmem>>) target_semaphore(%arg18 : memref<!tpu.dma_semaphore, #tpu.memory_space<semaphore_mem>>)
    %mul3A_566 = arith.constant 4096 : i32
    %mul3A_567 = arith.muli %arg0, %mul3A_566 : i32
    %add3A_568 = arith.addi %mul3A_567, %add3A_546 : i32
    %dma_start3A_569 = arith.constant 0 : i32
    %dma_start3A_570 = tpu.memref_slice %arg3[%add3A_568, %dma_start3A_569] : memref<8192x256xi32, #tpu.memory_space<hbm>> -> memref<16x256xi32, #tpu.memory_space<hbm>>
    %dma_start3A_571 = arith.constant 0 : i32
    %dma_start3A_572 = tpu.memref_slice %arg3[%add3A_568, %dma_start3A_571] : memref<8192x256xi32, #tpu.memory_space<hbm>> -> memref<16x256xi32, #tpu.memory_space<hbm>>
    tpu.enqueue_dma source(%dma_start3A_572 : memref<16x256xi32, #tpu.memory_space<hbm>>) target(%arg9 : memref<16x256xi32, #tpu.memory_space<vmem>>) target_semaphore(%arg18 : memref<!tpu.dma_semaphore, #tpu.memory_space<semaphore_mem>>)
    %dma_wait3A_573 = arith.constant 0 : i32
    %dma_wait3A_574 = tpu.memref_slice %arg2[%add3A_493, %dma_wait3A_573] : memref<24576x256xf32, #tpu.memory_space<hbm>> -> memref<16x256xf32, #tpu.memory_space<hbm>>
    %dma_wait3A_575 = arith.constant 0 : i32
    %dma_wait3A_576 = tpu.memref_slice %arg2[%add3A_493, %dma_wait3A_575] : memref<24576x256xf32, #tpu.memory_space<hbm>> -> memref<16x256xf32, #tpu.memory_space<hbm>>
    tpu.wait_dma2 semaphore(%arg19 : memref<!tpu.dma_semaphore, #tpu.memory_space<semaphore_mem>>) src(%dma_wait3A_576 : memref<16x256xf32, #tpu.memory_space<hbm>>) dst(%arg11 : memref<16x256xf32, #tpu.memory_space<vmem>>)
    %dma_wait3A_577 = arith.constant 0 : i32
    %dma_wait3A_578 = tpu.memref_slice %arg2[%add3A_500, %dma_wait3A_577] : memref<24576x256xf32, #tpu.memory_space<hbm>> -> memref<16x256xf32, #tpu.memory_space<hbm>>
    %dma_wait3A_579 = arith.constant 0 : i32
    %dma_wait3A_580 = tpu.memref_slice %arg2[%add3A_500, %dma_wait3A_579] : memref<24576x256xf32, #tpu.memory_space<hbm>> -> memref<16x256xf32, #tpu.memory_space<hbm>>
    tpu.wait_dma2 semaphore(%arg19 : memref<!tpu.dma_semaphore, #tpu.memory_space<semaphore_mem>>) src(%dma_wait3A_580 : memref<16x256xf32, #tpu.memory_space<hbm>>) dst(%arg12 : memref<16x256xf32, #tpu.memory_space<vmem>>)
    %dma_wait3A_581 = arith.constant 0 : i32
    %dma_wait3A_582 = tpu.memref_slice %arg2[%add3A_507, %dma_wait3A_581] : memref<24576x256xf32, #tpu.memory_space<hbm>> -> memref<16x256xf32, #tpu.memory_space<hbm>>
    %dma_wait3A_583 = arith.constant 0 : i32
    %dma_wait3A_584 = tpu.memref_slice %arg2[%add3A_507, %dma_wait3A_583] : memref<24576x256xf32, #tpu.memory_space<hbm>> -> memref<16x256xf32, #tpu.memory_space<hbm>>
    tpu.wait_dma2 semaphore(%arg19 : memref<!tpu.dma_semaphore, #tpu.memory_space<semaphore_mem>>) src(%dma_wait3A_584 : memref<16x256xf32, #tpu.memory_space<hbm>>) dst(%arg13 : memref<16x256xf32, #tpu.memory_space<vmem>>)
    %dma_wait3A_585 = arith.constant 0 : i32
    %dma_wait3A_586 = tpu.memref_slice %arg3[%add3A_514, %dma_wait3A_585] : memref<8192x256xi32, #tpu.memory_space<hbm>> -> memref<16x256xi32, #tpu.memory_space<hbm>>
    %dma_wait3A_587 = arith.constant 0 : i32
    %dma_wait3A_588 = tpu.memref_slice %arg3[%add3A_514, %dma_wait3A_587] : memref<8192x256xi32, #tpu.memory_space<hbm>> -> memref<16x256xi32, #tpu.memory_space<hbm>>
    tpu.wait_dma2 semaphore(%arg19 : memref<!tpu.dma_semaphore, #tpu.memory_space<semaphore_mem>>) src(%dma_wait3A_588 : memref<16x256xi32, #tpu.memory_space<hbm>>) dst(%arg14 : memref<16x256xi32, #tpu.memory_space<vmem>>)
    %dma_wait3A_589 = arith.constant 0 : i32
    %dma_wait3A_590 = tpu.memref_slice %arg5[%dma_wait3A_589] : memref<1024000xf32, #tpu.memory_space<vmem_shared>> -> memref<1024000xf32, #tpu.memory_space<vmem_shared>>
    tpu.wait_indirect_dma semaphore(%arg20 : memref<!tpu.dma_semaphore, #tpu.memory_space<semaphore_mem>>) src(%arg16 : memref<4096xf32, #tpu.memory_space<vmem>>) dst(%dma_wait3A_590 : memref<1024000xf32, #tpu.memory_space<vmem_shared>>)
    %scan3A_591 = arith.constant 0 : i32
    %scan3A_592 = arith.constant 0 : i32
    %scan3A_593 = arith.constant 16 : i32
    %scan3A_594 = arith.addi %scan3A_592, %scan3A_593 : i32
    %scan3A_595 = arith.constant 1 : i32
    scf.for %scan3A_1015 = %scan3A_592 to %scan3A_594 step %scan3A_595  : i32 {
      %mul3A_1016 = arith.constant 256 : i32
      %mul3A_1017 = arith.muli %scan3A_1015, %mul3A_1016 : i32
      %scan3A_1018 = arith.constant 0 : i32
      %scan3A_1019 = arith.constant 0 : i32
      %scan3A_1020 = arith.constant 16 : i32
      %scan3A_1021 = arith.addi %scan3A_1019, %scan3A_1020 : i32
      %scan3A_1022 = arith.constant 1 : i32
      scf.for %scan3A_1024 = %scan3A_1019 to %scan3A_1021 step %scan3A_1022  : i32 {
        %mul3A_1025 = arith.constant 16 : i32
        %mul3A_1026 = arith.muli %scan3A_1024, %mul3A_1025 : i32
        %get3A = arith.index_cast %scan3A_1015 : i32 to index
        %get3A_1027 = arith.index_cast %mul3A_1026 : i32 to index
        %get3A_1028 = tpu.vector_load %arg14[%get3A, %get3A_1027] {strides = array<i32>} : memref<16x256xi32, #tpu.memory_space<vmem>>, vector<1x16xi32>,
        %get3A_1029 = vector.shape_cast %get3A_1028 : vector<1x16xi32> to vector<16xi32>
        %mul3A_1030 = arith.constant 512 : i32
        %mul3A_1031 = vector.broadcast %mul3A_1030 : i32 to vector<16xi32>
        %mul3A_1032 = arith.muli %get3A_1029, %mul3A_1031 : vector<16xi32>
        %get3A_1033 = arith.index_cast %scan3A_1015 : i32 to index
        %get3A_1034 = arith.index_cast %mul3A_1026 : i32 to index
        %get3A_1035 = tpu.vector_load %arg11[%get3A_1033, %get3A_1034] {strides = array<i32>} : memref<16x256xf32, #tpu.memory_space<vmem>>, vector<1x16xf32>,
        %get3A_1036 = vector.shape_cast %get3A_1035 : vector<1x16xf32> to vector<16xf32>
        %jit3A = arith.constant -0.99999988 : f32
        %jit3A_1037 = arith.constant 0.99999988 : f32
        %max3A = vector.broadcast %jit3A : f32 to vector<16xf32>
        %max3A_1038 = arith.maximumf %max3A, %get3A_1036 : vector<16xf32>
        %min3A = vector.broadcast %jit3A_1037 : f32 to vector<16xf32>
        %min3A_1039 = arith.minimumf %min3A, %max3A_1038 : vector<16xf32>
        %add3A_1040 = arith.constant 1.000000e+00 : f32
        %add3A_1041 = vector.broadcast %add3A_1040 : f32 to vector<16xf32>
        %add3A_1042 = arith.addf %min3A_1039, %add3A_1041 : vector<16xf32>
        %mul3A_1043 = arith.constant 4.000000e+00 : f32
        %mul3A_1044 = vector.broadcast %mul3A_1043 : f32 to vector<16xf32>
        %mul3A_1045 = arith.mulf %add3A_1042, %mul3A_1044 : vector<16xf32>
        %convert_element_type3A = arith.fptosi %mul3A_1045 : vector<16xf32> to vector<16xi32>
        %mul3A_1046 = arith.constant 64 : i32
        %mul3A_1047 = vector.broadcast %mul3A_1046 : i32 to vector<16xi32>
        %mul3A_1048 = arith.muli %convert_element_type3A, %mul3A_1047 : vector<16xi32>
        %add3A_1049 = arith.addi %mul3A_1032, %mul3A_1048 : vector<16xi32>
        %get3A_1050 = arith.index_cast %scan3A_1015 : i32 to index
        %get3A_1051 = arith.index_cast %mul3A_1026 : i32 to index
        %get3A_1052 = tpu.vector_load %arg12[%get3A_1050, %get3A_1051] {strides = array<i32>} : memref<16x256xf32, #tpu.memory_space<vmem>>, vector<1x16xf32>,
        %get3A_1053 = vector.shape_cast %get3A_1052 : vector<1x16xf32> to vector<16xf32>
        %jit3A_1054 = arith.constant -0.99999988 : f32
        %jit3A_1055 = arith.constant 0.99999988 : f32
        %max3A_1056 = vector.broadcast %jit3A_1054 : f32 to vector<16xf32>
        %max3A_1057 = arith.maximumf %max3A_1056, %get3A_1053 : vector<16xf32>
        %min3A_1058 = vector.broadcast %jit3A_1055 : f32 to vector<16xf32>
        %min3A_1059 = arith.minimumf %min3A_1058, %max3A_1057 : vector<16xf32>
        %add3A_1060 = arith.constant 1.000000e+00 : f32
        %add3A_1061 = vector.broadcast %add3A_1060 : f32 to vector<16xf32>
        %add3A_1062 = arith.addf %min3A_1059, %add3A_1061 : vector<16xf32>
        %mul3A_1063 = arith.constant 4.000000e+00 : f32
        %mul3A_1064 = vector.broadcast %mul3A_1063 : f32 to vector<16xf32>
        %mul3A_1065 = arith.mulf %add3A_1062, %mul3A_1064 : vector<16xf32>
        %convert_element_type3A_1066 = arith.fptosi %mul3A_1065 : vector<16xf32> to vector<16xi32>
        %mul3A_1067 = arith.constant 8 : i32
        %mul3A_1068 = vector.broadcast %mul3A_1067 : i32 to vector<16xi32>
        %mul3A_1069 = arith.muli %convert_element_type3A_1066, %mul3A_1068 : vector<16xi32>
        %add3A_1070 = arith.addi %add3A_1049, %mul3A_1069 : vector<16xi32>
        %get3A_1071 = arith.index_cast %scan3A_1015 : i32 to index
        %get3A_1072 = arith.index_cast %mul3A_1026 : i32 to index
        %get3A_1073 = tpu.vector_load %arg13[%get3A_1071, %get3A_1072] {strides = array<i32>} : memref<16x256xf32, #tpu.memory_space<vmem>>, vector<1x16xf32>,
        %get3A_1074 = vector.shape_cast %get3A_1073 : vector<1x16xf32> to vector<16xf32>
        %jit3A_1075 = arith.constant -0.99999988 : f32
        %jit3A_1076 = arith.constant 0.99999988 : f32
        %max3A_1077 = vector.broadcast %jit3A_1075 : f32 to vector<16xf32>
        %max3A_1078 = arith.maximumf %max3A_1077, %get3A_1074 : vector<16xf32>
        %min3A_1079 = vector.broadcast %jit3A_1076 : f32 to vector<16xf32>
        %min3A_1080 = arith.minimumf %min3A_1079, %max3A_1078 : vector<16xf32>
        %add3A_1081 = arith.constant 1.000000e+00 : f32
        %add3A_1082 = vector.broadcast %add3A_1081 : f32 to vector<16xf32>
        %add3A_1083 = arith.addf %min3A_1080, %add3A_1082 : vector<16xf32>
        %mul3A_1084 = arith.constant 4.000000e+00 : f32
        %mul3A_1085 = vector.broadcast %mul3A_1084 : f32 to vector<16xf32>
        %mul3A_1086 = arith.mulf %add3A_1083, %mul3A_1085 : vector<16xf32>
        %convert_element_type3A_1087 = arith.fptosi %mul3A_1086 : vector<16xf32> to vector<16xi32>
        %add3A_1088 = arith.addi %add3A_1070, %convert_element_type3A_1087 : vector<16xi32>
        %mul3A_1089 = arith.constant 16 : i32
        %mul3A_1090 = arith.muli %scan3A_1024, %mul3A_1089 : i32
        %add3A_1091 = arith.addi %mul3A_1017, %mul3A_1090 : i32
        %swap3A = arith.index_cast %add3A_1091 : i32 to index
        %swap3A_1092 = tpu.vector_load %arg15[%swap3A] {strides = array<i32>} : memref<4096xi32, #tpu.memory_space<vmem>>, vector<16xi32>,
        %swap3A_1093 = vector.shape_cast %swap3A_1092 : vector<16xi32> to vector<16xi32>
        %swap3A_1094 = vector.shape_cast %add3A_1088 : vector<16xi32> to vector<16xi32>
        tpu.vector_store %arg15[%swap3A], %swap3A_1094 {strides = array<i32>} : memref<4096xi32, #tpu.memory_space<vmem>>, vector<16xi32>,
      }
      %scan3A_1023 = arith.constant 16 : i32
    }
    %scan3A_596 = arith.constant 16 : i32
    %dma_start3A_597 = arith.constant 0 : i32
    %dma_start3A_598 = tpu.memref_slice %arg5[%dma_start3A_597] : memref<1024000xf32, #tpu.memory_space<vmem_shared>> -> memref<1024000xf32, #tpu.memory_space<vmem_shared>>
    tpu.enqueue_indirect_dma source(%arg16 : memref<4096xf32, #tpu.memory_space<vmem>>) target(%dma_start3A_598 : memref<1024000xf32, #tpu.memory_space<vmem_shared>>) offsets(%arg15 : memref<4096xi32, #tpu.memory_space<vmem>>) semaphore(%arg20 : memref<!tpu.dma_semaphore, #tpu.memory_space<semaphore_mem>>) {add = true}
    %add3A_599 = arith.constant 144 : i32
    %add3A_600 = arith.addi %mul3A_0, %add3A_599 : i32
    %add3A_601 = arith.addi %mul3A_4, %add3A_600 : i32
    %dma_start3A_602 = arith.constant 0 : i32
    %dma_start3A_603 = tpu.memref_slice %arg2[%add3A_601, %dma_start3A_602] : memref<24576x256xf32, #tpu.memory_space<hbm>> -> memref<16x256xf32, #tpu.memory_space<hbm>>
    %dma_start3A_604 = arith.constant 0 : i32
    %dma_start3A_605 = tpu.memref_slice %arg2[%add3A_601, %dma_start3A_604] : memref<24576x256xf32, #tpu.memory_space<hbm>> -> memref<16x256xf32, #tpu.memory_space<hbm>>
    tpu.enqueue_dma source(%dma_start3A_605 : memref<16x256xf32, #tpu.memory_space<hbm>>) target(%arg11 : memref<16x256xf32, #tpu.memory_space<vmem>>) target_semaphore(%arg19 : memref<!tpu.dma_semaphore, #tpu.memory_space<semaphore_mem>>)
    %add3A_606 = arith.constant 4096 : i32
    %add3A_607 = arith.addi %mul3A_4, %add3A_606 : i32
    %add3A_608 = arith.addi %add3A_607, %add3A_600 : i32
    %dma_start3A_609 = arith.constant 0 : i32
    %dma_start3A_610 = tpu.memref_slice %arg2[%add3A_608, %dma_start3A_609] : memref<24576x256xf32, #tpu.memory_space<hbm>> -> memref<16x256xf32, #tpu.memory_space<hbm>>
    %dma_start3A_611 = arith.constant 0 : i32
    %dma_start3A_612 = tpu.memref_slice %arg2[%add3A_608, %dma_start3A_611] : memref<24576x256xf32, #tpu.memory_space<hbm>> -> memref<16x256xf32, #tpu.memory_space<hbm>>
    tpu.enqueue_dma source(%dma_start3A_612 : memref<16x256xf32, #tpu.memory_space<hbm>>) target(%arg12 : memref<16x256xf32, #tpu.memory_space<vmem>>) target_semaphore(%arg19 : memref<!tpu.dma_semaphore, #tpu.memory_space<semaphore_mem>>)
    %add3A_613 = arith.constant 8192 : i32
    %add3A_614 = arith.addi %mul3A_4, %add3A_613 : i32
    %add3A_615 = arith.addi %add3A_614, %add3A_600 : i32
    %dma_start3A_616 = arith.constant 0 : i32
    %dma_start3A_617 = tpu.memref_slice %arg2[%add3A_615, %dma_start3A_616] : memref<24576x256xf32, #tpu.memory_space<hbm>> -> memref<16x256xf32, #tpu.memory_space<hbm>>
    %dma_start3A_618 = arith.constant 0 : i32
    %dma_start3A_619 = tpu.memref_slice %arg2[%add3A_615, %dma_start3A_618] : memref<24576x256xf32, #tpu.memory_space<hbm>> -> memref<16x256xf32, #tpu.memory_space<hbm>>
    tpu.enqueue_dma source(%dma_start3A_619 : memref<16x256xf32, #tpu.memory_space<hbm>>) target(%arg13 : memref<16x256xf32, #tpu.memory_space<vmem>>) target_semaphore(%arg19 : memref<!tpu.dma_semaphore, #tpu.memory_space<semaphore_mem>>)
    %mul3A_620 = arith.constant 4096 : i32
    %mul3A_621 = arith.muli %arg0, %mul3A_620 : i32
    %add3A_622 = arith.addi %mul3A_621, %add3A_600 : i32
    %dma_start3A_623 = arith.constant 0 : i32
    %dma_start3A_624 = tpu.memref_slice %arg3[%add3A_622, %dma_start3A_623] : memref<8192x256xi32, #tpu.memory_space<hbm>> -> memref<16x256xi32, #tpu.memory_space<hbm>>
    %dma_start3A_625 = arith.constant 0 : i32
    %dma_start3A_626 = tpu.memref_slice %arg3[%add3A_622, %dma_start3A_625] : memref<8192x256xi32, #tpu.memory_space<hbm>> -> memref<16x256xi32, #tpu.memory_space<hbm>>
    tpu.enqueue_dma source(%dma_start3A_626 : memref<16x256xi32, #tpu.memory_space<hbm>>) target(%arg14 : memref<16x256xi32, #tpu.memory_space<vmem>>) target_semaphore(%arg19 : memref<!tpu.dma_semaphore, #tpu.memory_space<semaphore_mem>>)
    %dma_wait3A_627 = arith.constant 0 : i32
    %dma_wait3A_628 = tpu.memref_slice %arg2[%add3A_547, %dma_wait3A_627] : memref<24576x256xf32, #tpu.memory_space<hbm>> -> memref<16x256xf32, #tpu.memory_space<hbm>>
    %dma_wait3A_629 = arith.constant 0 : i32
    %dma_wait3A_630 = tpu.memref_slice %arg2[%add3A_547, %dma_wait3A_629] : memref<24576x256xf32, #tpu.memory_space<hbm>> -> memref<16x256xf32, #tpu.memory_space<hbm>>
    tpu.wait_dma2 semaphore(%arg18 : memref<!tpu.dma_semaphore, #tpu.memory_space<semaphore_mem>>) src(%dma_wait3A_630 : memref<16x256xf32, #tpu.memory_space<hbm>>) dst(%arg6 : memref<16x256xf32, #tpu.memory_space<vmem>>)
    %dma_wait3A_631 = arith.constant 0 : i32
    %dma_wait3A_632 = tpu.memref_slice %arg2[%add3A_554, %dma_wait3A_631] : memref<24576x256xf32, #tpu.memory_space<hbm>> -> memref<16x256xf32, #tpu.memory_space<hbm>>
    %dma_wait3A_633 = arith.constant 0 : i32
    %dma_wait3A_634 = tpu.memref_slice %arg2[%add3A_554, %dma_wait3A_633] : memref<24576x256xf32, #tpu.memory_space<hbm>> -> memref<16x256xf32, #tpu.memory_space<hbm>>
    tpu.wait_dma2 semaphore(%arg18 : memref<!tpu.dma_semaphore, #tpu.memory_space<semaphore_mem>>) src(%dma_wait3A_634 : memref<16x256xf32, #tpu.memory_space<hbm>>) dst(%arg7 : memref<16x256xf32, #tpu.memory_space<vmem>>)
    %dma_wait3A_635 = arith.constant 0 : i32
    %dma_wait3A_636 = tpu.memref_slice %arg2[%add3A_561, %dma_wait3A_635] : memref<24576x256xf32, #tpu.memory_space<hbm>> -> memref<16x256xf32, #tpu.memory_space<hbm>>
    %dma_wait3A_637 = arith.constant 0 : i32
    %dma_wait3A_638 = tpu.memref_slice %arg2[%add3A_561, %dma_wait3A_637] : memref<24576x256xf32, #tpu.memory_space<hbm>> -> memref<16x256xf32, #tpu.memory_space<hbm>>
    tpu.wait_dma2 semaphore(%arg18 : memref<!tpu.dma_semaphore, #tpu.memory_space<semaphore_mem>>) src(%dma_wait3A_638 : memref<16x256xf32, #tpu.memory_space<hbm>>) dst(%arg8 : memref<16x256xf32, #tpu.memory_space<vmem>>)
    %dma_wait3A_639 = arith.constant 0 : i32
    %dma_wait3A_640 = tpu.memref_slice %arg3[%add3A_568, %dma_wait3A_639] : memref<8192x256xi32, #tpu.memory_space<hbm>> -> memref<16x256xi32, #tpu.memory_space<hbm>>
    %dma_wait3A_641 = arith.constant 0 : i32
    %dma_wait3A_642 = tpu.memref_slice %arg3[%add3A_568, %dma_wait3A_641] : memref<8192x256xi32, #tpu.memory_space<hbm>> -> memref<16x256xi32, #tpu.memory_space<hbm>>
    tpu.wait_dma2 semaphore(%arg18 : memref<!tpu.dma_semaphore, #tpu.memory_space<semaphore_mem>>) src(%dma_wait3A_642 : memref<16x256xi32, #tpu.memory_space<hbm>>) dst(%arg9 : memref<16x256xi32, #tpu.memory_space<vmem>>)
    %dma_wait3A_643 = arith.constant 0 : i32
    %dma_wait3A_644 = tpu.memref_slice %arg5[%dma_wait3A_643] : memref<1024000xf32, #tpu.memory_space<vmem_shared>> -> memref<1024000xf32, #tpu.memory_space<vmem_shared>>
    tpu.wait_indirect_dma semaphore(%arg20 : memref<!tpu.dma_semaphore, #tpu.memory_space<semaphore_mem>>) src(%arg16 : memref<4096xf32, #tpu.memory_space<vmem>>) dst(%dma_wait3A_644 : memref<1024000xf32, #tpu.memory_space<vmem_shared>>)
    %scan3A_645 = arith.constant 0 : i32
    %scan3A_646 = arith.constant 0 : i32
    %scan3A_647 = arith.constant 16 : i32
    %scan3A_648 = arith.addi %scan3A_646, %scan3A_647 : i32
    %scan3A_649 = arith.constant 1 : i32
    scf.for %scan3A_1015 = %scan3A_646 to %scan3A_648 step %scan3A_649  : i32 {
      %mul3A_1016 = arith.constant 256 : i32
      %mul3A_1017 = arith.muli %scan3A_1015, %mul3A_1016 : i32
      %scan3A_1018 = arith.constant 0 : i32
      %scan3A_1019 = arith.constant 0 : i32
      %scan3A_1020 = arith.constant 16 : i32
      %scan3A_1021 = arith.addi %scan3A_1019, %scan3A_1020 : i32
      %scan3A_1022 = arith.constant 1 : i32
      scf.for %scan3A_1024 = %scan3A_1019 to %scan3A_1021 step %scan3A_1022  : i32 {
        %mul3A_1025 = arith.constant 16 : i32
        %mul3A_1026 = arith.muli %scan3A_1024, %mul3A_1025 : i32
        %get3A = arith.index_cast %scan3A_1015 : i32 to index
        %get3A_1027 = arith.index_cast %mul3A_1026 : i32 to index
        %get3A_1028 = tpu.vector_load %arg9[%get3A, %get3A_1027] {strides = array<i32>} : memref<16x256xi32, #tpu.memory_space<vmem>>, vector<1x16xi32>,
        %get3A_1029 = vector.shape_cast %get3A_1028 : vector<1x16xi32> to vector<16xi32>
        %mul3A_1030 = arith.constant 512 : i32
        %mul3A_1031 = vector.broadcast %mul3A_1030 : i32 to vector<16xi32>
        %mul3A_1032 = arith.muli %get3A_1029, %mul3A_1031 : vector<16xi32>
        %get3A_1033 = arith.index_cast %scan3A_1015 : i32 to index
        %get3A_1034 = arith.index_cast %mul3A_1026 : i32 to index
        %get3A_1035 = tpu.vector_load %arg6[%get3A_1033, %get3A_1034] {strides = array<i32>} : memref<16x256xf32, #tpu.memory_space<vmem>>, vector<1x16xf32>,
        %get3A_1036 = vector.shape_cast %get3A_1035 : vector<1x16xf32> to vector<16xf32>
        %jit3A = arith.constant -0.99999988 : f32
        %jit3A_1037 = arith.constant 0.99999988 : f32
        %max3A = vector.broadcast %jit3A : f32 to vector<16xf32>
        %max3A_1038 = arith.maximumf %max3A, %get3A_1036 : vector<16xf32>
        %min3A = vector.broadcast %jit3A_1037 : f32 to vector<16xf32>
        %min3A_1039 = arith.minimumf %min3A, %max3A_1038 : vector<16xf32>
        %add3A_1040 = arith.constant 1.000000e+00 : f32
        %add3A_1041 = vector.broadcast %add3A_1040 : f32 to vector<16xf32>
        %add3A_1042 = arith.addf %min3A_1039, %add3A_1041 : vector<16xf32>
        %mul3A_1043 = arith.constant 4.000000e+00 : f32
        %mul3A_1044 = vector.broadcast %mul3A_1043 : f32 to vector<16xf32>
        %mul3A_1045 = arith.mulf %add3A_1042, %mul3A_1044 : vector<16xf32>
        %convert_element_type3A = arith.fptosi %mul3A_1045 : vector<16xf32> to vector<16xi32>
        %mul3A_1046 = arith.constant 64 : i32
        %mul3A_1047 = vector.broadcast %mul3A_1046 : i32 to vector<16xi32>
        %mul3A_1048 = arith.muli %convert_element_type3A, %mul3A_1047 : vector<16xi32>
        %add3A_1049 = arith.addi %mul3A_1032, %mul3A_1048 : vector<16xi32>
        %get3A_1050 = arith.index_cast %scan3A_1015 : i32 to index
        %get3A_1051 = arith.index_cast %mul3A_1026 : i32 to index
        %get3A_1052 = tpu.vector_load %arg7[%get3A_1050, %get3A_1051] {strides = array<i32>} : memref<16x256xf32, #tpu.memory_space<vmem>>, vector<1x16xf32>,
        %get3A_1053 = vector.shape_cast %get3A_1052 : vector<1x16xf32> to vector<16xf32>
        %jit3A_1054 = arith.constant -0.99999988 : f32
        %jit3A_1055 = arith.constant 0.99999988 : f32
        %max3A_1056 = vector.broadcast %jit3A_1054 : f32 to vector<16xf32>
        %max3A_1057 = arith.maximumf %max3A_1056, %get3A_1053 : vector<16xf32>
        %min3A_1058 = vector.broadcast %jit3A_1055 : f32 to vector<16xf32>
        %min3A_1059 = arith.minimumf %min3A_1058, %max3A_1057 : vector<16xf32>
        %add3A_1060 = arith.constant 1.000000e+00 : f32
        %add3A_1061 = vector.broadcast %add3A_1060 : f32 to vector<16xf32>
        %add3A_1062 = arith.addf %min3A_1059, %add3A_1061 : vector<16xf32>
        %mul3A_1063 = arith.constant 4.000000e+00 : f32
        %mul3A_1064 = vector.broadcast %mul3A_1063 : f32 to vector<16xf32>
        %mul3A_1065 = arith.mulf %add3A_1062, %mul3A_1064 : vector<16xf32>
        %convert_element_type3A_1066 = arith.fptosi %mul3A_1065 : vector<16xf32> to vector<16xi32>
        %mul3A_1067 = arith.constant 8 : i32
        %mul3A_1068 = vector.broadcast %mul3A_1067 : i32 to vector<16xi32>
        %mul3A_1069 = arith.muli %convert_element_type3A_1066, %mul3A_1068 : vector<16xi32>
        %add3A_1070 = arith.addi %add3A_1049, %mul3A_1069 : vector<16xi32>
        %get3A_1071 = arith.index_cast %scan3A_1015 : i32 to index
        %get3A_1072 = arith.index_cast %mul3A_1026 : i32 to index
        %get3A_1073 = tpu.vector_load %arg8[%get3A_1071, %get3A_1072] {strides = array<i32>} : memref<16x256xf32, #tpu.memory_space<vmem>>, vector<1x16xf32>,
        %get3A_1074 = vector.shape_cast %get3A_1073 : vector<1x16xf32> to vector<16xf32>
        %jit3A_1075 = arith.constant -0.99999988 : f32
        %jit3A_1076 = arith.constant 0.99999988 : f32
        %max3A_1077 = vector.broadcast %jit3A_1075 : f32 to vector<16xf32>
        %max3A_1078 = arith.maximumf %max3A_1077, %get3A_1074 : vector<16xf32>
        %min3A_1079 = vector.broadcast %jit3A_1076 : f32 to vector<16xf32>
        %min3A_1080 = arith.minimumf %min3A_1079, %max3A_1078 : vector<16xf32>
        %add3A_1081 = arith.constant 1.000000e+00 : f32
        %add3A_1082 = vector.broadcast %add3A_1081 : f32 to vector<16xf32>
        %add3A_1083 = arith.addf %min3A_1080, %add3A_1082 : vector<16xf32>
        %mul3A_1084 = arith.constant 4.000000e+00 : f32
        %mul3A_1085 = vector.broadcast %mul3A_1084 : f32 to vector<16xf32>
        %mul3A_1086 = arith.mulf %add3A_1083, %mul3A_1085 : vector<16xf32>
        %convert_element_type3A_1087 = arith.fptosi %mul3A_1086 : vector<16xf32> to vector<16xi32>
        %add3A_1088 = arith.addi %add3A_1070, %convert_element_type3A_1087 : vector<16xi32>
        %mul3A_1089 = arith.constant 16 : i32
        %mul3A_1090 = arith.muli %scan3A_1024, %mul3A_1089 : i32
        %add3A_1091 = arith.addi %mul3A_1017, %mul3A_1090 : i32
        %swap3A = arith.index_cast %add3A_1091 : i32 to index
        %swap3A_1092 = tpu.vector_load %arg10[%swap3A] {strides = array<i32>} : memref<4096xi32, #tpu.memory_space<vmem>>, vector<16xi32>,
        %swap3A_1093 = vector.shape_cast %swap3A_1092 : vector<16xi32> to vector<16xi32>
        %swap3A_1094 = vector.shape_cast %add3A_1088 : vector<16xi32> to vector<16xi32>
        tpu.vector_store %arg10[%swap3A], %swap3A_1094 {strides = array<i32>} : memref<4096xi32, #tpu.memory_space<vmem>>, vector<16xi32>,
      }
      %scan3A_1023 = arith.constant 16 : i32
    }
    %scan3A_650 = arith.constant 16 : i32
    %dma_start3A_651 = arith.constant 0 : i32
    %dma_start3A_652 = tpu.memref_slice %arg5[%dma_start3A_651] : memref<1024000xf32, #tpu.memory_space<vmem_shared>> -> memref<1024000xf32, #tpu.memory_space<vmem_shared>>
    tpu.enqueue_indirect_dma source(%arg16 : memref<4096xf32, #tpu.memory_space<vmem>>) target(%dma_start3A_652 : memref<1024000xf32, #tpu.memory_space<vmem_shared>>) offsets(%arg10 : memref<4096xi32, #tpu.memory_space<vmem>>) semaphore(%arg20 : memref<!tpu.dma_semaphore, #tpu.memory_space<semaphore_mem>>) {add = true}
    %add3A_653 = arith.constant 160 : i32
    %add3A_654 = arith.addi %mul3A_0, %add3A_653 : i32
    %add3A_655 = arith.addi %mul3A_4, %add3A_654 : i32
    %dma_start3A_656 = arith.constant 0 : i32
    %dma_start3A_657 = tpu.memref_slice %arg2[%add3A_655, %dma_start3A_656] : memref<24576x256xf32, #tpu.memory_space<hbm>> -> memref<16x256xf32, #tpu.memory_space<hbm>>
    %dma_start3A_658 = arith.constant 0 : i32
    %dma_start3A_659 = tpu.memref_slice %arg2[%add3A_655, %dma_start3A_658] : memref<24576x256xf32, #tpu.memory_space<hbm>> -> memref<16x256xf32, #tpu.memory_space<hbm>>
    tpu.enqueue_dma source(%dma_start3A_659 : memref<16x256xf32, #tpu.memory_space<hbm>>) target(%arg6 : memref<16x256xf32, #tpu.memory_space<vmem>>) target_semaphore(%arg18 : memref<!tpu.dma_semaphore, #tpu.memory_space<semaphore_mem>>)
    %add3A_660 = arith.constant 4096 : i32
    %add3A_661 = arith.addi %mul3A_4, %add3A_660 : i32
    %add3A_662 = arith.addi %add3A_661, %add3A_654 : i32
    %dma_start3A_663 = arith.constant 0 : i32
    %dma_start3A_664 = tpu.memref_slice %arg2[%add3A_662, %dma_start3A_663] : memref<24576x256xf32, #tpu.memory_space<hbm>> -> memref<16x256xf32, #tpu.memory_space<hbm>>
    %dma_start3A_665 = arith.constant 0 : i32
    %dma_start3A_666 = tpu.memref_slice %arg2[%add3A_662, %dma_start3A_665] : memref<24576x256xf32, #tpu.memory_space<hbm>> -> memref<16x256xf32, #tpu.memory_space<hbm>>
    tpu.enqueue_dma source(%dma_start3A_666 : memref<16x256xf32, #tpu.memory_space<hbm>>) target(%arg7 : memref<16x256xf32, #tpu.memory_space<vmem>>) target_semaphore(%arg18 : memref<!tpu.dma_semaphore, #tpu.memory_space<semaphore_mem>>)
    %add3A_667 = arith.constant 8192 : i32
    %add3A_668 = arith.addi %mul3A_4, %add3A_667 : i32
    %add3A_669 = arith.addi %add3A_668, %add3A_654 : i32
    %dma_start3A_670 = arith.constant 0 : i32
    %dma_start3A_671 = tpu.memref_slice %arg2[%add3A_669, %dma_start3A_670] : memref<24576x256xf32, #tpu.memory_space<hbm>> -> memref<16x256xf32, #tpu.memory_space<hbm>>
    %dma_start3A_672 = arith.constant 0 : i32
    %dma_start3A_673 = tpu.memref_slice %arg2[%add3A_669, %dma_start3A_672] : memref<24576x256xf32, #tpu.memory_space<hbm>> -> memref<16x256xf32, #tpu.memory_space<hbm>>
    tpu.enqueue_dma source(%dma_start3A_673 : memref<16x256xf32, #tpu.memory_space<hbm>>) target(%arg8 : memref<16x256xf32, #tpu.memory_space<vmem>>) target_semaphore(%arg18 : memref<!tpu.dma_semaphore, #tpu.memory_space<semaphore_mem>>)
    %mul3A_674 = arith.constant 4096 : i32
    %mul3A_675 = arith.muli %arg0, %mul3A_674 : i32
    %add3A_676 = arith.addi %mul3A_675, %add3A_654 : i32
    %dma_start3A_677 = arith.constant 0 : i32
    %dma_start3A_678 = tpu.memref_slice %arg3[%add3A_676, %dma_start3A_677] : memref<8192x256xi32, #tpu.memory_space<hbm>> -> memref<16x256xi32, #tpu.memory_space<hbm>>
    %dma_start3A_679 = arith.constant 0 : i32
    %dma_start3A_680 = tpu.memref_slice %arg3[%add3A_676, %dma_start3A_679] : memref<8192x256xi32, #tpu.memory_space<hbm>> -> memref<16x256xi32, #tpu.memory_space<hbm>>
    tpu.enqueue_dma source(%dma_start3A_680 : memref<16x256xi32, #tpu.memory_space<hbm>>) target(%arg9 : memref<16x256xi32, #tpu.memory_space<vmem>>) target_semaphore(%arg18 : memref<!tpu.dma_semaphore, #tpu.memory_space<semaphore_mem>>)
    %dma_wait3A_681 = arith.constant 0 : i32
    %dma_wait3A_682 = tpu.memref_slice %arg2[%add3A_601, %dma_wait3A_681] : memref<24576x256xf32, #tpu.memory_space<hbm>> -> memref<16x256xf32, #tpu.memory_space<hbm>>
    %dma_wait3A_683 = arith.constant 0 : i32
    %dma_wait3A_684 = tpu.memref_slice %arg2[%add3A_601, %dma_wait3A_683] : memref<24576x256xf32, #tpu.memory_space<hbm>> -> memref<16x256xf32, #tpu.memory_space<hbm>>
    tpu.wait_dma2 semaphore(%arg19 : memref<!tpu.dma_semaphore, #tpu.memory_space<semaphore_mem>>) src(%dma_wait3A_684 : memref<16x256xf32, #tpu.memory_space<hbm>>) dst(%arg11 : memref<16x256xf32, #tpu.memory_space<vmem>>)
    %dma_wait3A_685 = arith.constant 0 : i32
    %dma_wait3A_686 = tpu.memref_slice %arg2[%add3A_608, %dma_wait3A_685] : memref<24576x256xf32, #tpu.memory_space<hbm>> -> memref<16x256xf32, #tpu.memory_space<hbm>>
    %dma_wait3A_687 = arith.constant 0 : i32
    %dma_wait3A_688 = tpu.memref_slice %arg2[%add3A_608, %dma_wait3A_687] : memref<24576x256xf32, #tpu.memory_space<hbm>> -> memref<16x256xf32, #tpu.memory_space<hbm>>
    tpu.wait_dma2 semaphore(%arg19 : memref<!tpu.dma_semaphore, #tpu.memory_space<semaphore_mem>>) src(%dma_wait3A_688 : memref<16x256xf32, #tpu.memory_space<hbm>>) dst(%arg12 : memref<16x256xf32, #tpu.memory_space<vmem>>)
    %dma_wait3A_689 = arith.constant 0 : i32
    %dma_wait3A_690 = tpu.memref_slice %arg2[%add3A_615, %dma_wait3A_689] : memref<24576x256xf32, #tpu.memory_space<hbm>> -> memref<16x256xf32, #tpu.memory_space<hbm>>
    %dma_wait3A_691 = arith.constant 0 : i32
    %dma_wait3A_692 = tpu.memref_slice %arg2[%add3A_615, %dma_wait3A_691] : memref<24576x256xf32, #tpu.memory_space<hbm>> -> memref<16x256xf32, #tpu.memory_space<hbm>>
    tpu.wait_dma2 semaphore(%arg19 : memref<!tpu.dma_semaphore, #tpu.memory_space<semaphore_mem>>) src(%dma_wait3A_692 : memref<16x256xf32, #tpu.memory_space<hbm>>) dst(%arg13 : memref<16x256xf32, #tpu.memory_space<vmem>>)
    %dma_wait3A_693 = arith.constant 0 : i32
    %dma_wait3A_694 = tpu.memref_slice %arg3[%add3A_622, %dma_wait3A_693] : memref<8192x256xi32, #tpu.memory_space<hbm>> -> memref<16x256xi32, #tpu.memory_space<hbm>>
    %dma_wait3A_695 = arith.constant 0 : i32
    %dma_wait3A_696 = tpu.memref_slice %arg3[%add3A_622, %dma_wait3A_695] : memref<8192x256xi32, #tpu.memory_space<hbm>> -> memref<16x256xi32, #tpu.memory_space<hbm>>
    tpu.wait_dma2 semaphore(%arg19 : memref<!tpu.dma_semaphore, #tpu.memory_space<semaphore_mem>>) src(%dma_wait3A_696 : memref<16x256xi32, #tpu.memory_space<hbm>>) dst(%arg14 : memref<16x256xi32, #tpu.memory_space<vmem>>)
    %dma_wait3A_697 = arith.constant 0 : i32
    %dma_wait3A_698 = tpu.memref_slice %arg5[%dma_wait3A_697] : memref<1024000xf32, #tpu.memory_space<vmem_shared>> -> memref<1024000xf32, #tpu.memory_space<vmem_shared>>
    tpu.wait_indirect_dma semaphore(%arg20 : memref<!tpu.dma_semaphore, #tpu.memory_space<semaphore_mem>>) src(%arg16 : memref<4096xf32, #tpu.memory_space<vmem>>) dst(%dma_wait3A_698 : memref<1024000xf32, #tpu.memory_space<vmem_shared>>)
    %scan3A_699 = arith.constant 0 : i32
    %scan3A_700 = arith.constant 0 : i32
    %scan3A_701 = arith.constant 16 : i32
    %scan3A_702 = arith.addi %scan3A_700, %scan3A_701 : i32
    %scan3A_703 = arith.constant 1 : i32
    scf.for %scan3A_1015 = %scan3A_700 to %scan3A_702 step %scan3A_703  : i32 {
      %mul3A_1016 = arith.constant 256 : i32
      %mul3A_1017 = arith.muli %scan3A_1015, %mul3A_1016 : i32
      %scan3A_1018 = arith.constant 0 : i32
      %scan3A_1019 = arith.constant 0 : i32
      %scan3A_1020 = arith.constant 16 : i32
      %scan3A_1021 = arith.addi %scan3A_1019, %scan3A_1020 : i32
      %scan3A_1022 = arith.constant 1 : i32
      scf.for %scan3A_1024 = %scan3A_1019 to %scan3A_1021 step %scan3A_1022  : i32 {
        %mul3A_1025 = arith.constant 16 : i32
        %mul3A_1026 = arith.muli %scan3A_1024, %mul3A_1025 : i32
        %get3A = arith.index_cast %scan3A_1015 : i32 to index
        %get3A_1027 = arith.index_cast %mul3A_1026 : i32 to index
        %get3A_1028 = tpu.vector_load %arg14[%get3A, %get3A_1027] {strides = array<i32>} : memref<16x256xi32, #tpu.memory_space<vmem>>, vector<1x16xi32>,
        %get3A_1029 = vector.shape_cast %get3A_1028 : vector<1x16xi32> to vector<16xi32>
        %mul3A_1030 = arith.constant 512 : i32
        %mul3A_1031 = vector.broadcast %mul3A_1030 : i32 to vector<16xi32>
        %mul3A_1032 = arith.muli %get3A_1029, %mul3A_1031 : vector<16xi32>
        %get3A_1033 = arith.index_cast %scan3A_1015 : i32 to index
        %get3A_1034 = arith.index_cast %mul3A_1026 : i32 to index
        %get3A_1035 = tpu.vector_load %arg11[%get3A_1033, %get3A_1034] {strides = array<i32>} : memref<16x256xf32, #tpu.memory_space<vmem>>, vector<1x16xf32>,
        %get3A_1036 = vector.shape_cast %get3A_1035 : vector<1x16xf32> to vector<16xf32>
        %jit3A = arith.constant -0.99999988 : f32
        %jit3A_1037 = arith.constant 0.99999988 : f32
        %max3A = vector.broadcast %jit3A : f32 to vector<16xf32>
        %max3A_1038 = arith.maximumf %max3A, %get3A_1036 : vector<16xf32>
        %min3A = vector.broadcast %jit3A_1037 : f32 to vector<16xf32>
        %min3A_1039 = arith.minimumf %min3A, %max3A_1038 : vector<16xf32>
        %add3A_1040 = arith.constant 1.000000e+00 : f32
        %add3A_1041 = vector.broadcast %add3A_1040 : f32 to vector<16xf32>
        %add3A_1042 = arith.addf %min3A_1039, %add3A_1041 : vector<16xf32>
        %mul3A_1043 = arith.constant 4.000000e+00 : f32
        %mul3A_1044 = vector.broadcast %mul3A_1043 : f32 to vector<16xf32>
        %mul3A_1045 = arith.mulf %add3A_1042, %mul3A_1044 : vector<16xf32>
        %convert_element_type3A = arith.fptosi %mul3A_1045 : vector<16xf32> to vector<16xi32>
        %mul3A_1046 = arith.constant 64 : i32
        %mul3A_1047 = vector.broadcast %mul3A_1046 : i32 to vector<16xi32>
        %mul3A_1048 = arith.muli %convert_element_type3A, %mul3A_1047 : vector<16xi32>
        %add3A_1049 = arith.addi %mul3A_1032, %mul3A_1048 : vector<16xi32>
        %get3A_1050 = arith.index_cast %scan3A_1015 : i32 to index
        %get3A_1051 = arith.index_cast %mul3A_1026 : i32 to index
        %get3A_1052 = tpu.vector_load %arg12[%get3A_1050, %get3A_1051] {strides = array<i32>} : memref<16x256xf32, #tpu.memory_space<vmem>>, vector<1x16xf32>,
        %get3A_1053 = vector.shape_cast %get3A_1052 : vector<1x16xf32> to vector<16xf32>
        %jit3A_1054 = arith.constant -0.99999988 : f32
        %jit3A_1055 = arith.constant 0.99999988 : f32
        %max3A_1056 = vector.broadcast %jit3A_1054 : f32 to vector<16xf32>
        %max3A_1057 = arith.maximumf %max3A_1056, %get3A_1053 : vector<16xf32>
        %min3A_1058 = vector.broadcast %jit3A_1055 : f32 to vector<16xf32>
        %min3A_1059 = arith.minimumf %min3A_1058, %max3A_1057 : vector<16xf32>
        %add3A_1060 = arith.constant 1.000000e+00 : f32
        %add3A_1061 = vector.broadcast %add3A_1060 : f32 to vector<16xf32>
        %add3A_1062 = arith.addf %min3A_1059, %add3A_1061 : vector<16xf32>
        %mul3A_1063 = arith.constant 4.000000e+00 : f32
        %mul3A_1064 = vector.broadcast %mul3A_1063 : f32 to vector<16xf32>
        %mul3A_1065 = arith.mulf %add3A_1062, %mul3A_1064 : vector<16xf32>
        %convert_element_type3A_1066 = arith.fptosi %mul3A_1065 : vector<16xf32> to vector<16xi32>
        %mul3A_1067 = arith.constant 8 : i32
        %mul3A_1068 = vector.broadcast %mul3A_1067 : i32 to vector<16xi32>
        %mul3A_1069 = arith.muli %convert_element_type3A_1066, %mul3A_1068 : vector<16xi32>
        %add3A_1070 = arith.addi %add3A_1049, %mul3A_1069 : vector<16xi32>
        %get3A_1071 = arith.index_cast %scan3A_1015 : i32 to index
        %get3A_1072 = arith.index_cast %mul3A_1026 : i32 to index
        %get3A_1073 = tpu.vector_load %arg13[%get3A_1071, %get3A_1072] {strides = array<i32>} : memref<16x256xf32, #tpu.memory_space<vmem>>, vector<1x16xf32>,
        %get3A_1074 = vector.shape_cast %get3A_1073 : vector<1x16xf32> to vector<16xf32>
        %jit3A_1075 = arith.constant -0.99999988 : f32
        %jit3A_1076 = arith.constant 0.99999988 : f32
        %max3A_1077 = vector.broadcast %jit3A_1075 : f32 to vector<16xf32>
        %max3A_1078 = arith.maximumf %max3A_1077, %get3A_1074 : vector<16xf32>
        %min3A_1079 = vector.broadcast %jit3A_1076 : f32 to vector<16xf32>
        %min3A_1080 = arith.minimumf %min3A_1079, %max3A_1078 : vector<16xf32>
        %add3A_1081 = arith.constant 1.000000e+00 : f32
        %add3A_1082 = vector.broadcast %add3A_1081 : f32 to vector<16xf32>
        %add3A_1083 = arith.addf %min3A_1080, %add3A_1082 : vector<16xf32>
        %mul3A_1084 = arith.constant 4.000000e+00 : f32
        %mul3A_1085 = vector.broadcast %mul3A_1084 : f32 to vector<16xf32>
        %mul3A_1086 = arith.mulf %add3A_1083, %mul3A_1085 : vector<16xf32>
        %convert_element_type3A_1087 = arith.fptosi %mul3A_1086 : vector<16xf32> to vector<16xi32>
        %add3A_1088 = arith.addi %add3A_1070, %convert_element_type3A_1087 : vector<16xi32>
        %mul3A_1089 = arith.constant 16 : i32
        %mul3A_1090 = arith.muli %scan3A_1024, %mul3A_1089 : i32
        %add3A_1091 = arith.addi %mul3A_1017, %mul3A_1090 : i32
        %swap3A = arith.index_cast %add3A_1091 : i32 to index
        %swap3A_1092 = tpu.vector_load %arg15[%swap3A] {strides = array<i32>} : memref<4096xi32, #tpu.memory_space<vmem>>, vector<16xi32>,
        %swap3A_1093 = vector.shape_cast %swap3A_1092 : vector<16xi32> to vector<16xi32>
        %swap3A_1094 = vector.shape_cast %add3A_1088 : vector<16xi32> to vector<16xi32>
        tpu.vector_store %arg15[%swap3A], %swap3A_1094 {strides = array<i32>} : memref<4096xi32, #tpu.memory_space<vmem>>, vector<16xi32>,
      }
      %scan3A_1023 = arith.constant 16 : i32
    }
    %scan3A_704 = arith.constant 16 : i32
    %dma_start3A_705 = arith.constant 0 : i32
    %dma_start3A_706 = tpu.memref_slice %arg5[%dma_start3A_705] : memref<1024000xf32, #tpu.memory_space<vmem_shared>> -> memref<1024000xf32, #tpu.memory_space<vmem_shared>>
    tpu.enqueue_indirect_dma source(%arg16 : memref<4096xf32, #tpu.memory_space<vmem>>) target(%dma_start3A_706 : memref<1024000xf32, #tpu.memory_space<vmem_shared>>) offsets(%arg15 : memref<4096xi32, #tpu.memory_space<vmem>>) semaphore(%arg20 : memref<!tpu.dma_semaphore, #tpu.memory_space<semaphore_mem>>) {add = true}
    %add3A_707 = arith.constant 176 : i32
    %add3A_708 = arith.addi %mul3A_0, %add3A_707 : i32
    %add3A_709 = arith.addi %mul3A_4, %add3A_708 : i32
    %dma_start3A_710 = arith.constant 0 : i32
    %dma_start3A_711 = tpu.memref_slice %arg2[%add3A_709, %dma_start3A_710] : memref<24576x256xf32, #tpu.memory_space<hbm>> -> memref<16x256xf32, #tpu.memory_space<hbm>>
    %dma_start3A_712 = arith.constant 0 : i32
    %dma_start3A_713 = tpu.memref_slice %arg2[%add3A_709, %dma_start3A_712] : memref<24576x256xf32, #tpu.memory_space<hbm>> -> memref<16x256xf32, #tpu.memory_space<hbm>>
    tpu.enqueue_dma source(%dma_start3A_713 : memref<16x256xf32, #tpu.memory_space<hbm>>) target(%arg11 : memref<16x256xf32, #tpu.memory_space<vmem>>) target_semaphore(%arg19 : memref<!tpu.dma_semaphore, #tpu.memory_space<semaphore_mem>>)
    %add3A_714 = arith.constant 4096 : i32
    %add3A_715 = arith.addi %mul3A_4, %add3A_714 : i32
    %add3A_716 = arith.addi %add3A_715, %add3A_708 : i32
    %dma_start3A_717 = arith.constant 0 : i32
    %dma_start3A_718 = tpu.memref_slice %arg2[%add3A_716, %dma_start3A_717] : memref<24576x256xf32, #tpu.memory_space<hbm>> -> memref<16x256xf32, #tpu.memory_space<hbm>>
    %dma_start3A_719 = arith.constant 0 : i32
    %dma_start3A_720 = tpu.memref_slice %arg2[%add3A_716, %dma_start3A_719] : memref<24576x256xf32, #tpu.memory_space<hbm>> -> memref<16x256xf32, #tpu.memory_space<hbm>>
    tpu.enqueue_dma source(%dma_start3A_720 : memref<16x256xf32, #tpu.memory_space<hbm>>) target(%arg12 : memref<16x256xf32, #tpu.memory_space<vmem>>) target_semaphore(%arg19 : memref<!tpu.dma_semaphore, #tpu.memory_space<semaphore_mem>>)
    %add3A_721 = arith.constant 8192 : i32
    %add3A_722 = arith.addi %mul3A_4, %add3A_721 : i32
    %add3A_723 = arith.addi %add3A_722, %add3A_708 : i32
    %dma_start3A_724 = arith.constant 0 : i32
    %dma_start3A_725 = tpu.memref_slice %arg2[%add3A_723, %dma_start3A_724] : memref<24576x256xf32, #tpu.memory_space<hbm>> -> memref<16x256xf32, #tpu.memory_space<hbm>>
    %dma_start3A_726 = arith.constant 0 : i32
    %dma_start3A_727 = tpu.memref_slice %arg2[%add3A_723, %dma_start3A_726] : memref<24576x256xf32, #tpu.memory_space<hbm>> -> memref<16x256xf32, #tpu.memory_space<hbm>>
    tpu.enqueue_dma source(%dma_start3A_727 : memref<16x256xf32, #tpu.memory_space<hbm>>) target(%arg13 : memref<16x256xf32, #tpu.memory_space<vmem>>) target_semaphore(%arg19 : memref<!tpu.dma_semaphore, #tpu.memory_space<semaphore_mem>>)
    %mul3A_728 = arith.constant 4096 : i32
    %mul3A_729 = arith.muli %arg0, %mul3A_728 : i32
    %add3A_730 = arith.addi %mul3A_729, %add3A_708 : i32
    %dma_start3A_731 = arith.constant 0 : i32
    %dma_start3A_732 = tpu.memref_slice %arg3[%add3A_730, %dma_start3A_731] : memref<8192x256xi32, #tpu.memory_space<hbm>> -> memref<16x256xi32, #tpu.memory_space<hbm>>
    %dma_start3A_733 = arith.constant 0 : i32
    %dma_start3A_734 = tpu.memref_slice %arg3[%add3A_730, %dma_start3A_733] : memref<8192x256xi32, #tpu.memory_space<hbm>> -> memref<16x256xi32, #tpu.memory_space<hbm>>
    tpu.enqueue_dma source(%dma_start3A_734 : memref<16x256xi32, #tpu.memory_space<hbm>>) target(%arg14 : memref<16x256xi32, #tpu.memory_space<vmem>>) target_semaphore(%arg19 : memref<!tpu.dma_semaphore, #tpu.memory_space<semaphore_mem>>)
    %dma_wait3A_735 = arith.constant 0 : i32
    %dma_wait3A_736 = tpu.memref_slice %arg2[%add3A_655, %dma_wait3A_735] : memref<24576x256xf32, #tpu.memory_space<hbm>> -> memref<16x256xf32, #tpu.memory_space<hbm>>
    %dma_wait3A_737 = arith.constant 0 : i32
    %dma_wait3A_738 = tpu.memref_slice %arg2[%add3A_655, %dma_wait3A_737] : memref<24576x256xf32, #tpu.memory_space<hbm>> -> memref<16x256xf32, #tpu.memory_space<hbm>>
    tpu.wait_dma2 semaphore(%arg18 : memref<!tpu.dma_semaphore, #tpu.memory_space<semaphore_mem>>) src(%dma_wait3A_738 : memref<16x256xf32, #tpu.memory_space<hbm>>) dst(%arg6 : memref<16x256xf32, #tpu.memory_space<vmem>>)
    %dma_wait3A_739 = arith.constant 0 : i32
    %dma_wait3A_740 = tpu.memref_slice %arg2[%add3A_662, %dma_wait3A_739] : memref<24576x256xf32, #tpu.memory_space<hbm>> -> memref<16x256xf32, #tpu.memory_space<hbm>>
    %dma_wait3A_741 = arith.constant 0 : i32
    %dma_wait3A_742 = tpu.memref_slice %arg2[%add3A_662, %dma_wait3A_741] : memref<24576x256xf32, #tpu.memory_space<hbm>> -> memref<16x256xf32, #tpu.memory_space<hbm>>
    tpu.wait_dma2 semaphore(%arg18 : memref<!tpu.dma_semaphore, #tpu.memory_space<semaphore_mem>>) src(%dma_wait3A_742 : memref<16x256xf32, #tpu.memory_space<hbm>>) dst(%arg7 : memref<16x256xf32, #tpu.memory_space<vmem>>)
    %dma_wait3A_743 = arith.constant 0 : i32
    %dma_wait3A_744 = tpu.memref_slice %arg2[%add3A_669, %dma_wait3A_743] : memref<24576x256xf32, #tpu.memory_space<hbm>> -> memref<16x256xf32, #tpu.memory_space<hbm>>
    %dma_wait3A_745 = arith.constant 0 : i32
    %dma_wait3A_746 = tpu.memref_slice %arg2[%add3A_669, %dma_wait3A_745] : memref<24576x256xf32, #tpu.memory_space<hbm>> -> memref<16x256xf32, #tpu.memory_space<hbm>>
    tpu.wait_dma2 semaphore(%arg18 : memref<!tpu.dma_semaphore, #tpu.memory_space<semaphore_mem>>) src(%dma_wait3A_746 : memref<16x256xf32, #tpu.memory_space<hbm>>) dst(%arg8 : memref<16x256xf32, #tpu.memory_space<vmem>>)
    %dma_wait3A_747 = arith.constant 0 : i32
    %dma_wait3A_748 = tpu.memref_slice %arg3[%add3A_676, %dma_wait3A_747] : memref<8192x256xi32, #tpu.memory_space<hbm>> -> memref<16x256xi32, #tpu.memory_space<hbm>>
    %dma_wait3A_749 = arith.constant 0 : i32
    %dma_wait3A_750 = tpu.memref_slice %arg3[%add3A_676, %dma_wait3A_749] : memref<8192x256xi32, #tpu.memory_space<hbm>> -> memref<16x256xi32, #tpu.memory_space<hbm>>
    tpu.wait_dma2 semaphore(%arg18 : memref<!tpu.dma_semaphore, #tpu.memory_space<semaphore_mem>>) src(%dma_wait3A_750 : memref<16x256xi32, #tpu.memory_space<hbm>>) dst(%arg9 : memref<16x256xi32, #tpu.memory_space<vmem>>)
    %dma_wait3A_751 = arith.constant 0 : i32
    %dma_wait3A_752 = tpu.memref_slice %arg5[%dma_wait3A_751] : memref<1024000xf32, #tpu.memory_space<vmem_shared>> -> memref<1024000xf32, #tpu.memory_space<vmem_shared>>
    tpu.wait_indirect_dma semaphore(%arg20 : memref<!tpu.dma_semaphore, #tpu.memory_space<semaphore_mem>>) src(%arg16 : memref<4096xf32, #tpu.memory_space<vmem>>) dst(%dma_wait3A_752 : memref<1024000xf32, #tpu.memory_space<vmem_shared>>)
    %scan3A_753 = arith.constant 0 : i32
    %scan3A_754 = arith.constant 0 : i32
    %scan3A_755 = arith.constant 16 : i32
    %scan3A_756 = arith.addi %scan3A_754, %scan3A_755 : i32
    %scan3A_757 = arith.constant 1 : i32
    scf.for %scan3A_1015 = %scan3A_754 to %scan3A_756 step %scan3A_757  : i32 {
      %mul3A_1016 = arith.constant 256 : i32
      %mul3A_1017 = arith.muli %scan3A_1015, %mul3A_1016 : i32
      %scan3A_1018 = arith.constant 0 : i32
      %scan3A_1019 = arith.constant 0 : i32
      %scan3A_1020 = arith.constant 16 : i32
      %scan3A_1021 = arith.addi %scan3A_1019, %scan3A_1020 : i32
      %scan3A_1022 = arith.constant 1 : i32
      scf.for %scan3A_1024 = %scan3A_1019 to %scan3A_1021 step %scan3A_1022  : i32 {
        %mul3A_1025 = arith.constant 16 : i32
        %mul3A_1026 = arith.muli %scan3A_1024, %mul3A_1025 : i32
        %get3A = arith.index_cast %scan3A_1015 : i32 to index
        %get3A_1027 = arith.index_cast %mul3A_1026 : i32 to index
        %get3A_1028 = tpu.vector_load %arg9[%get3A, %get3A_1027] {strides = array<i32>} : memref<16x256xi32, #tpu.memory_space<vmem>>, vector<1x16xi32>,
        %get3A_1029 = vector.shape_cast %get3A_1028 : vector<1x16xi32> to vector<16xi32>
        %mul3A_1030 = arith.constant 512 : i32
        %mul3A_1031 = vector.broadcast %mul3A_1030 : i32 to vector<16xi32>
        %mul3A_1032 = arith.muli %get3A_1029, %mul3A_1031 : vector<16xi32>
        %get3A_1033 = arith.index_cast %scan3A_1015 : i32 to index
        %get3A_1034 = arith.index_cast %mul3A_1026 : i32 to index
        %get3A_1035 = tpu.vector_load %arg6[%get3A_1033, %get3A_1034] {strides = array<i32>} : memref<16x256xf32, #tpu.memory_space<vmem>>, vector<1x16xf32>,
        %get3A_1036 = vector.shape_cast %get3A_1035 : vector<1x16xf32> to vector<16xf32>
        %jit3A = arith.constant -0.99999988 : f32
        %jit3A_1037 = arith.constant 0.99999988 : f32
        %max3A = vector.broadcast %jit3A : f32 to vector<16xf32>
        %max3A_1038 = arith.maximumf %max3A, %get3A_1036 : vector<16xf32>
        %min3A = vector.broadcast %jit3A_1037 : f32 to vector<16xf32>
        %min3A_1039 = arith.minimumf %min3A, %max3A_1038 : vector<16xf32>
        %add3A_1040 = arith.constant 1.000000e+00 : f32
        %add3A_1041 = vector.broadcast %add3A_1040 : f32 to vector<16xf32>
        %add3A_1042 = arith.addf %min3A_1039, %add3A_1041 : vector<16xf32>
        %mul3A_1043 = arith.constant 4.000000e+00 : f32
        %mul3A_1044 = vector.broadcast %mul3A_1043 : f32 to vector<16xf32>
        %mul3A_1045 = arith.mulf %add3A_1042, %mul3A_1044 : vector<16xf32>
        %convert_element_type3A = arith.fptosi %mul3A_1045 : vector<16xf32> to vector<16xi32>
        %mul3A_1046 = arith.constant 64 : i32
        %mul3A_1047 = vector.broadcast %mul3A_1046 : i32 to vector<16xi32>
        %mul3A_1048 = arith.muli %convert_element_type3A, %mul3A_1047 : vector<16xi32>
        %add3A_1049 = arith.addi %mul3A_1032, %mul3A_1048 : vector<16xi32>
        %get3A_1050 = arith.index_cast %scan3A_1015 : i32 to index
        %get3A_1051 = arith.index_cast %mul3A_1026 : i32 to index
        %get3A_1052 = tpu.vector_load %arg7[%get3A_1050, %get3A_1051] {strides = array<i32>} : memref<16x256xf32, #tpu.memory_space<vmem>>, vector<1x16xf32>,
        %get3A_1053 = vector.shape_cast %get3A_1052 : vector<1x16xf32> to vector<16xf32>
        %jit3A_1054 = arith.constant -0.99999988 : f32
        %jit3A_1055 = arith.constant 0.99999988 : f32
        %max3A_1056 = vector.broadcast %jit3A_1054 : f32 to vector<16xf32>
        %max3A_1057 = arith.maximumf %max3A_1056, %get3A_1053 : vector<16xf32>
        %min3A_1058 = vector.broadcast %jit3A_1055 : f32 to vector<16xf32>
        %min3A_1059 = arith.minimumf %min3A_1058, %max3A_1057 : vector<16xf32>
        %add3A_1060 = arith.constant 1.000000e+00 : f32
        %add3A_1061 = vector.broadcast %add3A_1060 : f32 to vector<16xf32>
        %add3A_1062 = arith.addf %min3A_1059, %add3A_1061 : vector<16xf32>
        %mul3A_1063 = arith.constant 4.000000e+00 : f32
        %mul3A_1064 = vector.broadcast %mul3A_1063 : f32 to vector<16xf32>
        %mul3A_1065 = arith.mulf %add3A_1062, %mul3A_1064 : vector<16xf32>
        %convert_element_type3A_1066 = arith.fptosi %mul3A_1065 : vector<16xf32> to vector<16xi32>
        %mul3A_1067 = arith.constant 8 : i32
        %mul3A_1068 = vector.broadcast %mul3A_1067 : i32 to vector<16xi32>
        %mul3A_1069 = arith.muli %convert_element_type3A_1066, %mul3A_1068 : vector<16xi32>
        %add3A_1070 = arith.addi %add3A_1049, %mul3A_1069 : vector<16xi32>
        %get3A_1071 = arith.index_cast %scan3A_1015 : i32 to index
        %get3A_1072 = arith.index_cast %mul3A_1026 : i32 to index
        %get3A_1073 = tpu.vector_load %arg8[%get3A_1071, %get3A_1072] {strides = array<i32>} : memref<16x256xf32, #tpu.memory_space<vmem>>, vector<1x16xf32>,
        %get3A_1074 = vector.shape_cast %get3A_1073 : vector<1x16xf32> to vector<16xf32>
        %jit3A_1075 = arith.constant -0.99999988 : f32
        %jit3A_1076 = arith.constant 0.99999988 : f32
        %max3A_1077 = vector.broadcast %jit3A_1075 : f32 to vector<16xf32>
        %max3A_1078 = arith.maximumf %max3A_1077, %get3A_1074 : vector<16xf32>
        %min3A_1079 = vector.broadcast %jit3A_1076 : f32 to vector<16xf32>
        %min3A_1080 = arith.minimumf %min3A_1079, %max3A_1078 : vector<16xf32>
        %add3A_1081 = arith.constant 1.000000e+00 : f32
        %add3A_1082 = vector.broadcast %add3A_1081 : f32 to vector<16xf32>
        %add3A_1083 = arith.addf %min3A_1080, %add3A_1082 : vector<16xf32>
        %mul3A_1084 = arith.constant 4.000000e+00 : f32
        %mul3A_1085 = vector.broadcast %mul3A_1084 : f32 to vector<16xf32>
        %mul3A_1086 = arith.mulf %add3A_1083, %mul3A_1085 : vector<16xf32>
        %convert_element_type3A_1087 = arith.fptosi %mul3A_1086 : vector<16xf32> to vector<16xi32>
        %add3A_1088 = arith.addi %add3A_1070, %convert_element_type3A_1087 : vector<16xi32>
        %mul3A_1089 = arith.constant 16 : i32
        %mul3A_1090 = arith.muli %scan3A_1024, %mul3A_1089 : i32
        %add3A_1091 = arith.addi %mul3A_1017, %mul3A_1090 : i32
        %swap3A = arith.index_cast %add3A_1091 : i32 to index
        %swap3A_1092 = tpu.vector_load %arg10[%swap3A] {strides = array<i32>} : memref<4096xi32, #tpu.memory_space<vmem>>, vector<16xi32>,
        %swap3A_1093 = vector.shape_cast %swap3A_1092 : vector<16xi32> to vector<16xi32>
        %swap3A_1094 = vector.shape_cast %add3A_1088 : vector<16xi32> to vector<16xi32>
        tpu.vector_store %arg10[%swap3A], %swap3A_1094 {strides = array<i32>} : memref<4096xi32, #tpu.memory_space<vmem>>, vector<16xi32>,
      }
      %scan3A_1023 = arith.constant 16 : i32
    }
    %scan3A_758 = arith.constant 16 : i32
    %dma_start3A_759 = arith.constant 0 : i32
    %dma_start3A_760 = tpu.memref_slice %arg5[%dma_start3A_759] : memref<1024000xf32, #tpu.memory_space<vmem_shared>> -> memref<1024000xf32, #tpu.memory_space<vmem_shared>>
    tpu.enqueue_indirect_dma source(%arg16 : memref<4096xf32, #tpu.memory_space<vmem>>) target(%dma_start3A_760 : memref<1024000xf32, #tpu.memory_space<vmem_shared>>) offsets(%arg10 : memref<4096xi32, #tpu.memory_space<vmem>>) semaphore(%arg20 : memref<!tpu.dma_semaphore, #tpu.memory_space<semaphore_mem>>) {add = true}
    %add3A_761 = arith.constant 192 : i32
    %add3A_762 = arith.addi %mul3A_0, %add3A_761 : i32
    %add3A_763 = arith.addi %mul3A_4, %add3A_762 : i32
    %dma_start3A_764 = arith.constant 0 : i32
    %dma_start3A_765 = tpu.memref_slice %arg2[%add3A_763, %dma_start3A_764] : memref<24576x256xf32, #tpu.memory_space<hbm>> -> memref<16x256xf32, #tpu.memory_space<hbm>>
    %dma_start3A_766 = arith.constant 0 : i32
    %dma_start3A_767 = tpu.memref_slice %arg2[%add3A_763, %dma_start3A_766] : memref<24576x256xf32, #tpu.memory_space<hbm>> -> memref<16x256xf32, #tpu.memory_space<hbm>>
    tpu.enqueue_dma source(%dma_start3A_767 : memref<16x256xf32, #tpu.memory_space<hbm>>) target(%arg6 : memref<16x256xf32, #tpu.memory_space<vmem>>) target_semaphore(%arg18 : memref<!tpu.dma_semaphore, #tpu.memory_space<semaphore_mem>>)
    %add3A_768 = arith.constant 4096 : i32
    %add3A_769 = arith.addi %mul3A_4, %add3A_768 : i32
    %add3A_770 = arith.addi %add3A_769, %add3A_762 : i32
    %dma_start3A_771 = arith.constant 0 : i32
    %dma_start3A_772 = tpu.memref_slice %arg2[%add3A_770, %dma_start3A_771] : memref<24576x256xf32, #tpu.memory_space<hbm>> -> memref<16x256xf32, #tpu.memory_space<hbm>>
    %dma_start3A_773 = arith.constant 0 : i32
    %dma_start3A_774 = tpu.memref_slice %arg2[%add3A_770, %dma_start3A_773] : memref<24576x256xf32, #tpu.memory_space<hbm>> -> memref<16x256xf32, #tpu.memory_space<hbm>>
    tpu.enqueue_dma source(%dma_start3A_774 : memref<16x256xf32, #tpu.memory_space<hbm>>) target(%arg7 : memref<16x256xf32, #tpu.memory_space<vmem>>) target_semaphore(%arg18 : memref<!tpu.dma_semaphore, #tpu.memory_space<semaphore_mem>>)
    %add3A_775 = arith.constant 8192 : i32
    %add3A_776 = arith.addi %mul3A_4, %add3A_775 : i32
    %add3A_777 = arith.addi %add3A_776, %add3A_762 : i32
    %dma_start3A_778 = arith.constant 0 : i32
    %dma_start3A_779 = tpu.memref_slice %arg2[%add3A_777, %dma_start3A_778] : memref<24576x256xf32, #tpu.memory_space<hbm>> -> memref<16x256xf32, #tpu.memory_space<hbm>>
    %dma_start3A_780 = arith.constant 0 : i32
    %dma_start3A_781 = tpu.memref_slice %arg2[%add3A_777, %dma_start3A_780] : memref<24576x256xf32, #tpu.memory_space<hbm>> -> memref<16x256xf32, #tpu.memory_space<hbm>>
    tpu.enqueue_dma source(%dma_start3A_781 : memref<16x256xf32, #tpu.memory_space<hbm>>) target(%arg8 : memref<16x256xf32, #tpu.memory_space<vmem>>) target_semaphore(%arg18 : memref<!tpu.dma_semaphore, #tpu.memory_space<semaphore_mem>>)
    %mul3A_782 = arith.constant 4096 : i32
    %mul3A_783 = arith.muli %arg0, %mul3A_782 : i32
    %add3A_784 = arith.addi %mul3A_783, %add3A_762 : i32
    %dma_start3A_785 = arith.constant 0 : i32
    %dma_start3A_786 = tpu.memref_slice %arg3[%add3A_784, %dma_start3A_785] : memref<8192x256xi32, #tpu.memory_space<hbm>> -> memref<16x256xi32, #tpu.memory_space<hbm>>
    %dma_start3A_787 = arith.constant 0 : i32
    %dma_start3A_788 = tpu.memref_slice %arg3[%add3A_784, %dma_start3A_787] : memref<8192x256xi32, #tpu.memory_space<hbm>> -> memref<16x256xi32, #tpu.memory_space<hbm>>
    tpu.enqueue_dma source(%dma_start3A_788 : memref<16x256xi32, #tpu.memory_space<hbm>>) target(%arg9 : memref<16x256xi32, #tpu.memory_space<vmem>>) target_semaphore(%arg18 : memref<!tpu.dma_semaphore, #tpu.memory_space<semaphore_mem>>)
    %dma_wait3A_789 = arith.constant 0 : i32
    %dma_wait3A_790 = tpu.memref_slice %arg2[%add3A_709, %dma_wait3A_789] : memref<24576x256xf32, #tpu.memory_space<hbm>> -> memref<16x256xf32, #tpu.memory_space<hbm>>
    %dma_wait3A_791 = arith.constant 0 : i32
    %dma_wait3A_792 = tpu.memref_slice %arg2[%add3A_709, %dma_wait3A_791] : memref<24576x256xf32, #tpu.memory_space<hbm>> -> memref<16x256xf32, #tpu.memory_space<hbm>>
    tpu.wait_dma2 semaphore(%arg19 : memref<!tpu.dma_semaphore, #tpu.memory_space<semaphore_mem>>) src(%dma_wait3A_792 : memref<16x256xf32, #tpu.memory_space<hbm>>) dst(%arg11 : memref<16x256xf32, #tpu.memory_space<vmem>>)
    %dma_wait3A_793 = arith.constant 0 : i32
    %dma_wait3A_794 = tpu.memref_slice %arg2[%add3A_716, %dma_wait3A_793] : memref<24576x256xf32, #tpu.memory_space<hbm>> -> memref<16x256xf32, #tpu.memory_space<hbm>>
    %dma_wait3A_795 = arith.constant 0 : i32
    %dma_wait3A_796 = tpu.memref_slice %arg2[%add3A_716, %dma_wait3A_795] : memref<24576x256xf32, #tpu.memory_space<hbm>> -> memref<16x256xf32, #tpu.memory_space<hbm>>
    tpu.wait_dma2 semaphore(%arg19 : memref<!tpu.dma_semaphore, #tpu.memory_space<semaphore_mem>>) src(%dma_wait3A_796 : memref<16x256xf32, #tpu.memory_space<hbm>>) dst(%arg12 : memref<16x256xf32, #tpu.memory_space<vmem>>)
    %dma_wait3A_797 = arith.constant 0 : i32
    %dma_wait3A_798 = tpu.memref_slice %arg2[%add3A_723, %dma_wait3A_797] : memref<24576x256xf32, #tpu.memory_space<hbm>> -> memref<16x256xf32, #tpu.memory_space<hbm>>
    %dma_wait3A_799 = arith.constant 0 : i32
    %dma_wait3A_800 = tpu.memref_slice %arg2[%add3A_723, %dma_wait3A_799] : memref<24576x256xf32, #tpu.memory_space<hbm>> -> memref<16x256xf32, #tpu.memory_space<hbm>>
    tpu.wait_dma2 semaphore(%arg19 : memref<!tpu.dma_semaphore, #tpu.memory_space<semaphore_mem>>) src(%dma_wait3A_800 : memref<16x256xf32, #tpu.memory_space<hbm>>) dst(%arg13 : memref<16x256xf32, #tpu.memory_space<vmem>>)
    %dma_wait3A_801 = arith.constant 0 : i32
    %dma_wait3A_802 = tpu.memref_slice %arg3[%add3A_730, %dma_wait3A_801] : memref<8192x256xi32, #tpu.memory_space<hbm>> -> memref<16x256xi32, #tpu.memory_space<hbm>>
    %dma_wait3A_803 = arith.constant 0 : i32
    %dma_wait3A_804 = tpu.memref_slice %arg3[%add3A_730, %dma_wait3A_803] : memref<8192x256xi32, #tpu.memory_space<hbm>> -> memref<16x256xi32, #tpu.memory_space<hbm>>
    tpu.wait_dma2 semaphore(%arg19 : memref<!tpu.dma_semaphore, #tpu.memory_space<semaphore_mem>>) src(%dma_wait3A_804 : memref<16x256xi32, #tpu.memory_space<hbm>>) dst(%arg14 : memref<16x256xi32, #tpu.memory_space<vmem>>)
    %dma_wait3A_805 = arith.constant 0 : i32
    %dma_wait3A_806 = tpu.memref_slice %arg5[%dma_wait3A_805] : memref<1024000xf32, #tpu.memory_space<vmem_shared>> -> memref<1024000xf32, #tpu.memory_space<vmem_shared>>
    tpu.wait_indirect_dma semaphore(%arg20 : memref<!tpu.dma_semaphore, #tpu.memory_space<semaphore_mem>>) src(%arg16 : memref<4096xf32, #tpu.memory_space<vmem>>) dst(%dma_wait3A_806 : memref<1024000xf32, #tpu.memory_space<vmem_shared>>)
    %scan3A_807 = arith.constant 0 : i32
    %scan3A_808 = arith.constant 0 : i32
    %scan3A_809 = arith.constant 16 : i32
    %scan3A_810 = arith.addi %scan3A_808, %scan3A_809 : i32
    %scan3A_811 = arith.constant 1 : i32
    scf.for %scan3A_1015 = %scan3A_808 to %scan3A_810 step %scan3A_811  : i32 {
      %mul3A_1016 = arith.constant 256 : i32
      %mul3A_1017 = arith.muli %scan3A_1015, %mul3A_1016 : i32
      %scan3A_1018 = arith.constant 0 : i32
      %scan3A_1019 = arith.constant 0 : i32
      %scan3A_1020 = arith.constant 16 : i32
      %scan3A_1021 = arith.addi %scan3A_1019, %scan3A_1020 : i32
      %scan3A_1022 = arith.constant 1 : i32
      scf.for %scan3A_1024 = %scan3A_1019 to %scan3A_1021 step %scan3A_1022  : i32 {
        %mul3A_1025 = arith.constant 16 : i32
        %mul3A_1026 = arith.muli %scan3A_1024, %mul3A_1025 : i32
        %get3A = arith.index_cast %scan3A_1015 : i32 to index
        %get3A_1027 = arith.index_cast %mul3A_1026 : i32 to index
        %get3A_1028 = tpu.vector_load %arg14[%get3A, %get3A_1027] {strides = array<i32>} : memref<16x256xi32, #tpu.memory_space<vmem>>, vector<1x16xi32>,
        %get3A_1029 = vector.shape_cast %get3A_1028 : vector<1x16xi32> to vector<16xi32>
        %mul3A_1030 = arith.constant 512 : i32
        %mul3A_1031 = vector.broadcast %mul3A_1030 : i32 to vector<16xi32>
        %mul3A_1032 = arith.muli %get3A_1029, %mul3A_1031 : vector<16xi32>
        %get3A_1033 = arith.index_cast %scan3A_1015 : i32 to index
        %get3A_1034 = arith.index_cast %mul3A_1026 : i32 to index
        %get3A_1035 = tpu.vector_load %arg11[%get3A_1033, %get3A_1034] {strides = array<i32>} : memref<16x256xf32, #tpu.memory_space<vmem>>, vector<1x16xf32>,
        %get3A_1036 = vector.shape_cast %get3A_1035 : vector<1x16xf32> to vector<16xf32>
        %jit3A = arith.constant -0.99999988 : f32
        %jit3A_1037 = arith.constant 0.99999988 : f32
        %max3A = vector.broadcast %jit3A : f32 to vector<16xf32>
        %max3A_1038 = arith.maximumf %max3A, %get3A_1036 : vector<16xf32>
        %min3A = vector.broadcast %jit3A_1037 : f32 to vector<16xf32>
        %min3A_1039 = arith.minimumf %min3A, %max3A_1038 : vector<16xf32>
        %add3A_1040 = arith.constant 1.000000e+00 : f32
        %add3A_1041 = vector.broadcast %add3A_1040 : f32 to vector<16xf32>
        %add3A_1042 = arith.addf %min3A_1039, %add3A_1041 : vector<16xf32>
        %mul3A_1043 = arith.constant 4.000000e+00 : f32
        %mul3A_1044 = vector.broadcast %mul3A_1043 : f32 to vector<16xf32>
        %mul3A_1045 = arith.mulf %add3A_1042, %mul3A_1044 : vector<16xf32>
        %convert_element_type3A = arith.fptosi %mul3A_1045 : vector<16xf32> to vector<16xi32>
        %mul3A_1046 = arith.constant 64 : i32
        %mul3A_1047 = vector.broadcast %mul3A_1046 : i32 to vector<16xi32>
        %mul3A_1048 = arith.muli %convert_element_type3A, %mul3A_1047 : vector<16xi32>
        %add3A_1049 = arith.addi %mul3A_1032, %mul3A_1048 : vector<16xi32>
        %get3A_1050 = arith.index_cast %scan3A_1015 : i32 to index
        %get3A_1051 = arith.index_cast %mul3A_1026 : i32 to index
        %get3A_1052 = tpu.vector_load %arg12[%get3A_1050, %get3A_1051] {strides = array<i32>} : memref<16x256xf32, #tpu.memory_space<vmem>>, vector<1x16xf32>,
        %get3A_1053 = vector.shape_cast %get3A_1052 : vector<1x16xf32> to vector<16xf32>
        %jit3A_1054 = arith.constant -0.99999988 : f32
        %jit3A_1055 = arith.constant 0.99999988 : f32
        %max3A_1056 = vector.broadcast %jit3A_1054 : f32 to vector<16xf32>
        %max3A_1057 = arith.maximumf %max3A_1056, %get3A_1053 : vector<16xf32>
        %min3A_1058 = vector.broadcast %jit3A_1055 : f32 to vector<16xf32>
        %min3A_1059 = arith.minimumf %min3A_1058, %max3A_1057 : vector<16xf32>
        %add3A_1060 = arith.constant 1.000000e+00 : f32
        %add3A_1061 = vector.broadcast %add3A_1060 : f32 to vector<16xf32>
        %add3A_1062 = arith.addf %min3A_1059, %add3A_1061 : vector<16xf32>
        %mul3A_1063 = arith.constant 4.000000e+00 : f32
        %mul3A_1064 = vector.broadcast %mul3A_1063 : f32 to vector<16xf32>
        %mul3A_1065 = arith.mulf %add3A_1062, %mul3A_1064 : vector<16xf32>
        %convert_element_type3A_1066 = arith.fptosi %mul3A_1065 : vector<16xf32> to vector<16xi32>
        %mul3A_1067 = arith.constant 8 : i32
        %mul3A_1068 = vector.broadcast %mul3A_1067 : i32 to vector<16xi32>
        %mul3A_1069 = arith.muli %convert_element_type3A_1066, %mul3A_1068 : vector<16xi32>
        %add3A_1070 = arith.addi %add3A_1049, %mul3A_1069 : vector<16xi32>
        %get3A_1071 = arith.index_cast %scan3A_1015 : i32 to index
        %get3A_1072 = arith.index_cast %mul3A_1026 : i32 to index
        %get3A_1073 = tpu.vector_load %arg13[%get3A_1071, %get3A_1072] {strides = array<i32>} : memref<16x256xf32, #tpu.memory_space<vmem>>, vector<1x16xf32>,
        %get3A_1074 = vector.shape_cast %get3A_1073 : vector<1x16xf32> to vector<16xf32>
        %jit3A_1075 = arith.constant -0.99999988 : f32
        %jit3A_1076 = arith.constant 0.99999988 : f32
        %max3A_1077 = vector.broadcast %jit3A_1075 : f32 to vector<16xf32>
        %max3A_1078 = arith.maximumf %max3A_1077, %get3A_1074 : vector<16xf32>
        %min3A_1079 = vector.broadcast %jit3A_1076 : f32 to vector<16xf32>
        %min3A_1080 = arith.minimumf %min3A_1079, %max3A_1078 : vector<16xf32>
        %add3A_1081 = arith.constant 1.000000e+00 : f32
        %add3A_1082 = vector.broadcast %add3A_1081 : f32 to vector<16xf32>
        %add3A_1083 = arith.addf %min3A_1080, %add3A_1082 : vector<16xf32>
        %mul3A_1084 = arith.constant 4.000000e+00 : f32
        %mul3A_1085 = vector.broadcast %mul3A_1084 : f32 to vector<16xf32>
        %mul3A_1086 = arith.mulf %add3A_1083, %mul3A_1085 : vector<16xf32>
        %convert_element_type3A_1087 = arith.fptosi %mul3A_1086 : vector<16xf32> to vector<16xi32>
        %add3A_1088 = arith.addi %add3A_1070, %convert_element_type3A_1087 : vector<16xi32>
        %mul3A_1089 = arith.constant 16 : i32
        %mul3A_1090 = arith.muli %scan3A_1024, %mul3A_1089 : i32
        %add3A_1091 = arith.addi %mul3A_1017, %mul3A_1090 : i32
        %swap3A = arith.index_cast %add3A_1091 : i32 to index
        %swap3A_1092 = tpu.vector_load %arg15[%swap3A] {strides = array<i32>} : memref<4096xi32, #tpu.memory_space<vmem>>, vector<16xi32>,
        %swap3A_1093 = vector.shape_cast %swap3A_1092 : vector<16xi32> to vector<16xi32>
        %swap3A_1094 = vector.shape_cast %add3A_1088 : vector<16xi32> to vector<16xi32>
        tpu.vector_store %arg15[%swap3A], %swap3A_1094 {strides = array<i32>} : memref<4096xi32, #tpu.memory_space<vmem>>, vector<16xi32>,
      }
      %scan3A_1023 = arith.constant 16 : i32
    }
    %scan3A_812 = arith.constant 16 : i32
    %dma_start3A_813 = arith.constant 0 : i32
    %dma_start3A_814 = tpu.memref_slice %arg5[%dma_start3A_813] : memref<1024000xf32, #tpu.memory_space<vmem_shared>> -> memref<1024000xf32, #tpu.memory_space<vmem_shared>>
    tpu.enqueue_indirect_dma source(%arg16 : memref<4096xf32, #tpu.memory_space<vmem>>) target(%dma_start3A_814 : memref<1024000xf32, #tpu.memory_space<vmem_shared>>) offsets(%arg15 : memref<4096xi32, #tpu.memory_space<vmem>>) semaphore(%arg20 : memref<!tpu.dma_semaphore, #tpu.memory_space<semaphore_mem>>) {add = true}
    %add3A_815 = arith.constant 208 : i32
    %add3A_816 = arith.addi %mul3A_0, %add3A_815 : i32
    %add3A_817 = arith.addi %mul3A_4, %add3A_816 : i32
    %dma_start3A_818 = arith.constant 0 : i32
    %dma_start3A_819 = tpu.memref_slice %arg2[%add3A_817, %dma_start3A_818] : memref<24576x256xf32, #tpu.memory_space<hbm>> -> memref<16x256xf32, #tpu.memory_space<hbm>>
    %dma_start3A_820 = arith.constant 0 : i32
    %dma_start3A_821 = tpu.memref_slice %arg2[%add3A_817, %dma_start3A_820] : memref<24576x256xf32, #tpu.memory_space<hbm>> -> memref<16x256xf32, #tpu.memory_space<hbm>>
    tpu.enqueue_dma source(%dma_start3A_821 : memref<16x256xf32, #tpu.memory_space<hbm>>) target(%arg11 : memref<16x256xf32, #tpu.memory_space<vmem>>) target_semaphore(%arg19 : memref<!tpu.dma_semaphore, #tpu.memory_space<semaphore_mem>>)
    %add3A_822 = arith.constant 4096 : i32
    %add3A_823 = arith.addi %mul3A_4, %add3A_822 : i32
    %add3A_824 = arith.addi %add3A_823, %add3A_816 : i32
    %dma_start3A_825 = arith.constant 0 : i32
    %dma_start3A_826 = tpu.memref_slice %arg2[%add3A_824, %dma_start3A_825] : memref<24576x256xf32, #tpu.memory_space<hbm>> -> memref<16x256xf32, #tpu.memory_space<hbm>>
    %dma_start3A_827 = arith.constant 0 : i32
    %dma_start3A_828 = tpu.memref_slice %arg2[%add3A_824, %dma_start3A_827] : memref<24576x256xf32, #tpu.memory_space<hbm>> -> memref<16x256xf32, #tpu.memory_space<hbm>>
    tpu.enqueue_dma source(%dma_start3A_828 : memref<16x256xf32, #tpu.memory_space<hbm>>) target(%arg12 : memref<16x256xf32, #tpu.memory_space<vmem>>) target_semaphore(%arg19 : memref<!tpu.dma_semaphore, #tpu.memory_space<semaphore_mem>>)
    %add3A_829 = arith.constant 8192 : i32
    %add3A_830 = arith.addi %mul3A_4, %add3A_829 : i32
    %add3A_831 = arith.addi %add3A_830, %add3A_816 : i32
    %dma_start3A_832 = arith.constant 0 : i32
    %dma_start3A_833 = tpu.memref_slice %arg2[%add3A_831, %dma_start3A_832] : memref<24576x256xf32, #tpu.memory_space<hbm>> -> memref<16x256xf32, #tpu.memory_space<hbm>>
    %dma_start3A_834 = arith.constant 0 : i32
    %dma_start3A_835 = tpu.memref_slice %arg2[%add3A_831, %dma_start3A_834] : memref<24576x256xf32, #tpu.memory_space<hbm>> -> memref<16x256xf32, #tpu.memory_space<hbm>>
    tpu.enqueue_dma source(%dma_start3A_835 : memref<16x256xf32, #tpu.memory_space<hbm>>) target(%arg13 : memref<16x256xf32, #tpu.memory_space<vmem>>) target_semaphore(%arg19 : memref<!tpu.dma_semaphore, #tpu.memory_space<semaphore_mem>>)
    %mul3A_836 = arith.constant 4096 : i32
    %mul3A_837 = arith.muli %arg0, %mul3A_836 : i32
    %add3A_838 = arith.addi %mul3A_837, %add3A_816 : i32
    %dma_start3A_839 = arith.constant 0 : i32
    %dma_start3A_840 = tpu.memref_slice %arg3[%add3A_838, %dma_start3A_839] : memref<8192x256xi32, #tpu.memory_space<hbm>> -> memref<16x256xi32, #tpu.memory_space<hbm>>
    %dma_start3A_841 = arith.constant 0 : i32
    %dma_start3A_842 = tpu.memref_slice %arg3[%add3A_838, %dma_start3A_841] : memref<8192x256xi32, #tpu.memory_space<hbm>> -> memref<16x256xi32, #tpu.memory_space<hbm>>
    tpu.enqueue_dma source(%dma_start3A_842 : memref<16x256xi32, #tpu.memory_space<hbm>>) target(%arg14 : memref<16x256xi32, #tpu.memory_space<vmem>>) target_semaphore(%arg19 : memref<!tpu.dma_semaphore, #tpu.memory_space<semaphore_mem>>)
    %dma_wait3A_843 = arith.constant 0 : i32
    %dma_wait3A_844 = tpu.memref_slice %arg2[%add3A_763, %dma_wait3A_843] : memref<24576x256xf32, #tpu.memory_space<hbm>> -> memref<16x256xf32, #tpu.memory_space<hbm>>
    %dma_wait3A_845 = arith.constant 0 : i32
    %dma_wait3A_846 = tpu.memref_slice %arg2[%add3A_763, %dma_wait3A_845] : memref<24576x256xf32, #tpu.memory_space<hbm>> -> memref<16x256xf32, #tpu.memory_space<hbm>>
    tpu.wait_dma2 semaphore(%arg18 : memref<!tpu.dma_semaphore, #tpu.memory_space<semaphore_mem>>) src(%dma_wait3A_846 : memref<16x256xf32, #tpu.memory_space<hbm>>) dst(%arg6 : memref<16x256xf32, #tpu.memory_space<vmem>>)
    %dma_wait3A_847 = arith.constant 0 : i32
    %dma_wait3A_848 = tpu.memref_slice %arg2[%add3A_770, %dma_wait3A_847] : memref<24576x256xf32, #tpu.memory_space<hbm>> -> memref<16x256xf32, #tpu.memory_space<hbm>>
    %dma_wait3A_849 = arith.constant 0 : i32
    %dma_wait3A_850 = tpu.memref_slice %arg2[%add3A_770, %dma_wait3A_849] : memref<24576x256xf32, #tpu.memory_space<hbm>> -> memref<16x256xf32, #tpu.memory_space<hbm>>
    tpu.wait_dma2 semaphore(%arg18 : memref<!tpu.dma_semaphore, #tpu.memory_space<semaphore_mem>>) src(%dma_wait3A_850 : memref<16x256xf32, #tpu.memory_space<hbm>>) dst(%arg7 : memref<16x256xf32, #tpu.memory_space<vmem>>)
    %dma_wait3A_851 = arith.constant 0 : i32
    %dma_wait3A_852 = tpu.memref_slice %arg2[%add3A_777, %dma_wait3A_851] : memref<24576x256xf32, #tpu.memory_space<hbm>> -> memref<16x256xf32, #tpu.memory_space<hbm>>
    %dma_wait3A_853 = arith.constant 0 : i32
    %dma_wait3A_854 = tpu.memref_slice %arg2[%add3A_777, %dma_wait3A_853] : memref<24576x256xf32, #tpu.memory_space<hbm>> -> memref<16x256xf32, #tpu.memory_space<hbm>>
    tpu.wait_dma2 semaphore(%arg18 : memref<!tpu.dma_semaphore, #tpu.memory_space<semaphore_mem>>) src(%dma_wait3A_854 : memref<16x256xf32, #tpu.memory_space<hbm>>) dst(%arg8 : memref<16x256xf32, #tpu.memory_space<vmem>>)
    %dma_wait3A_855 = arith.constant 0 : i32
    %dma_wait3A_856 = tpu.memref_slice %arg3[%add3A_784, %dma_wait3A_855] : memref<8192x256xi32, #tpu.memory_space<hbm>> -> memref<16x256xi32, #tpu.memory_space<hbm>>
    %dma_wait3A_857 = arith.constant 0 : i32
    %dma_wait3A_858 = tpu.memref_slice %arg3[%add3A_784, %dma_wait3A_857] : memref<8192x256xi32, #tpu.memory_space<hbm>> -> memref<16x256xi32, #tpu.memory_space<hbm>>
    tpu.wait_dma2 semaphore(%arg18 : memref<!tpu.dma_semaphore, #tpu.memory_space<semaphore_mem>>) src(%dma_wait3A_858 : memref<16x256xi32, #tpu.memory_space<hbm>>) dst(%arg9 : memref<16x256xi32, #tpu.memory_space<vmem>>)
    %dma_wait3A_859 = arith.constant 0 : i32
    %dma_wait3A_860 = tpu.memref_slice %arg5[%dma_wait3A_859] : memref<1024000xf32, #tpu.memory_space<vmem_shared>> -> memref<1024000xf32, #tpu.memory_space<vmem_shared>>
    tpu.wait_indirect_dma semaphore(%arg20 : memref<!tpu.dma_semaphore, #tpu.memory_space<semaphore_mem>>) src(%arg16 : memref<4096xf32, #tpu.memory_space<vmem>>) dst(%dma_wait3A_860 : memref<1024000xf32, #tpu.memory_space<vmem_shared>>)
    %scan3A_861 = arith.constant 0 : i32
    %scan3A_862 = arith.constant 0 : i32
    %scan3A_863 = arith.constant 16 : i32
    %scan3A_864 = arith.addi %scan3A_862, %scan3A_863 : i32
    %scan3A_865 = arith.constant 1 : i32
    scf.for %scan3A_1015 = %scan3A_862 to %scan3A_864 step %scan3A_865  : i32 {
      %mul3A_1016 = arith.constant 256 : i32
      %mul3A_1017 = arith.muli %scan3A_1015, %mul3A_1016 : i32
      %scan3A_1018 = arith.constant 0 : i32
      %scan3A_1019 = arith.constant 0 : i32
      %scan3A_1020 = arith.constant 16 : i32
      %scan3A_1021 = arith.addi %scan3A_1019, %scan3A_1020 : i32
      %scan3A_1022 = arith.constant 1 : i32
      scf.for %scan3A_1024 = %scan3A_1019 to %scan3A_1021 step %scan3A_1022  : i32 {
        %mul3A_1025 = arith.constant 16 : i32
        %mul3A_1026 = arith.muli %scan3A_1024, %mul3A_1025 : i32
        %get3A = arith.index_cast %scan3A_1015 : i32 to index
        %get3A_1027 = arith.index_cast %mul3A_1026 : i32 to index
        %get3A_1028 = tpu.vector_load %arg9[%get3A, %get3A_1027] {strides = array<i32>} : memref<16x256xi32, #tpu.memory_space<vmem>>, vector<1x16xi32>,
        %get3A_1029 = vector.shape_cast %get3A_1028 : vector<1x16xi32> to vector<16xi32>
        %mul3A_1030 = arith.constant 512 : i32
        %mul3A_1031 = vector.broadcast %mul3A_1030 : i32 to vector<16xi32>
        %mul3A_1032 = arith.muli %get3A_1029, %mul3A_1031 : vector<16xi32>
        %get3A_1033 = arith.index_cast %scan3A_1015 : i32 to index
        %get3A_1034 = arith.index_cast %mul3A_1026 : i32 to index
        %get3A_1035 = tpu.vector_load %arg6[%get3A_1033, %get3A_1034] {strides = array<i32>} : memref<16x256xf32, #tpu.memory_space<vmem>>, vector<1x16xf32>,
        %get3A_1036 = vector.shape_cast %get3A_1035 : vector<1x16xf32> to vector<16xf32>
        %jit3A = arith.constant -0.99999988 : f32
        %jit3A_1037 = arith.constant 0.99999988 : f32
        %max3A = vector.broadcast %jit3A : f32 to vector<16xf32>
        %max3A_1038 = arith.maximumf %max3A, %get3A_1036 : vector<16xf32>
        %min3A = vector.broadcast %jit3A_1037 : f32 to vector<16xf32>
        %min3A_1039 = arith.minimumf %min3A, %max3A_1038 : vector<16xf32>
        %add3A_1040 = arith.constant 1.000000e+00 : f32
        %add3A_1041 = vector.broadcast %add3A_1040 : f32 to vector<16xf32>
        %add3A_1042 = arith.addf %min3A_1039, %add3A_1041 : vector<16xf32>
        %mul3A_1043 = arith.constant 4.000000e+00 : f32
        %mul3A_1044 = vector.broadcast %mul3A_1043 : f32 to vector<16xf32>
        %mul3A_1045 = arith.mulf %add3A_1042, %mul3A_1044 : vector<16xf32>
        %convert_element_type3A = arith.fptosi %mul3A_1045 : vector<16xf32> to vector<16xi32>
        %mul3A_1046 = arith.constant 64 : i32
        %mul3A_1047 = vector.broadcast %mul3A_1046 : i32 to vector<16xi32>
        %mul3A_1048 = arith.muli %convert_element_type3A, %mul3A_1047 : vector<16xi32>
        %add3A_1049 = arith.addi %mul3A_1032, %mul3A_1048 : vector<16xi32>
        %get3A_1050 = arith.index_cast %scan3A_1015 : i32 to index
        %get3A_1051 = arith.index_cast %mul3A_1026 : i32 to index
        %get3A_1052 = tpu.vector_load %arg7[%get3A_1050, %get3A_1051] {strides = array<i32>} : memref<16x256xf32, #tpu.memory_space<vmem>>, vector<1x16xf32>,
        %get3A_1053 = vector.shape_cast %get3A_1052 : vector<1x16xf32> to vector<16xf32>
        %jit3A_1054 = arith.constant -0.99999988 : f32
        %jit3A_1055 = arith.constant 0.99999988 : f32
        %max3A_1056 = vector.broadcast %jit3A_1054 : f32 to vector<16xf32>
        %max3A_1057 = arith.maximumf %max3A_1056, %get3A_1053 : vector<16xf32>
        %min3A_1058 = vector.broadcast %jit3A_1055 : f32 to vector<16xf32>
        %min3A_1059 = arith.minimumf %min3A_1058, %max3A_1057 : vector<16xf32>
        %add3A_1060 = arith.constant 1.000000e+00 : f32
        %add3A_1061 = vector.broadcast %add3A_1060 : f32 to vector<16xf32>
        %add3A_1062 = arith.addf %min3A_1059, %add3A_1061 : vector<16xf32>
        %mul3A_1063 = arith.constant 4.000000e+00 : f32
        %mul3A_1064 = vector.broadcast %mul3A_1063 : f32 to vector<16xf32>
        %mul3A_1065 = arith.mulf %add3A_1062, %mul3A_1064 : vector<16xf32>
        %convert_element_type3A_1066 = arith.fptosi %mul3A_1065 : vector<16xf32> to vector<16xi32>
        %mul3A_1067 = arith.constant 8 : i32
        %mul3A_1068 = vector.broadcast %mul3A_1067 : i32 to vector<16xi32>
        %mul3A_1069 = arith.muli %convert_element_type3A_1066, %mul3A_1068 : vector<16xi32>
        %add3A_1070 = arith.addi %add3A_1049, %mul3A_1069 : vector<16xi32>
        %get3A_1071 = arith.index_cast %scan3A_1015 : i32 to index
        %get3A_1072 = arith.index_cast %mul3A_1026 : i32 to index
        %get3A_1073 = tpu.vector_load %arg8[%get3A_1071, %get3A_1072] {strides = array<i32>} : memref<16x256xf32, #tpu.memory_space<vmem>>, vector<1x16xf32>,
        %get3A_1074 = vector.shape_cast %get3A_1073 : vector<1x16xf32> to vector<16xf32>
        %jit3A_1075 = arith.constant -0.99999988 : f32
        %jit3A_1076 = arith.constant 0.99999988 : f32
        %max3A_1077 = vector.broadcast %jit3A_1075 : f32 to vector<16xf32>
        %max3A_1078 = arith.maximumf %max3A_1077, %get3A_1074 : vector<16xf32>
        %min3A_1079 = vector.broadcast %jit3A_1076 : f32 to vector<16xf32>
        %min3A_1080 = arith.minimumf %min3A_1079, %max3A_1078 : vector<16xf32>
        %add3A_1081 = arith.constant 1.000000e+00 : f32
        %add3A_1082 = vector.broadcast %add3A_1081 : f32 to vector<16xf32>
        %add3A_1083 = arith.addf %min3A_1080, %add3A_1082 : vector<16xf32>
        %mul3A_1084 = arith.constant 4.000000e+00 : f32
        %mul3A_1085 = vector.broadcast %mul3A_1084 : f32 to vector<16xf32>
        %mul3A_1086 = arith.mulf %add3A_1083, %mul3A_1085 : vector<16xf32>
        %convert_element_type3A_1087 = arith.fptosi %mul3A_1086 : vector<16xf32> to vector<16xi32>
        %add3A_1088 = arith.addi %add3A_1070, %convert_element_type3A_1087 : vector<16xi32>
        %mul3A_1089 = arith.constant 16 : i32
        %mul3A_1090 = arith.muli %scan3A_1024, %mul3A_1089 : i32
        %add3A_1091 = arith.addi %mul3A_1017, %mul3A_1090 : i32
        %swap3A = arith.index_cast %add3A_1091 : i32 to index
        %swap3A_1092 = tpu.vector_load %arg10[%swap3A] {strides = array<i32>} : memref<4096xi32, #tpu.memory_space<vmem>>, vector<16xi32>,
        %swap3A_1093 = vector.shape_cast %swap3A_1092 : vector<16xi32> to vector<16xi32>
        %swap3A_1094 = vector.shape_cast %add3A_1088 : vector<16xi32> to vector<16xi32>
        tpu.vector_store %arg10[%swap3A], %swap3A_1094 {strides = array<i32>} : memref<4096xi32, #tpu.memory_space<vmem>>, vector<16xi32>,
      }
      %scan3A_1023 = arith.constant 16 : i32
    }
    %scan3A_866 = arith.constant 16 : i32
    %dma_start3A_867 = arith.constant 0 : i32
    %dma_start3A_868 = tpu.memref_slice %arg5[%dma_start3A_867] : memref<1024000xf32, #tpu.memory_space<vmem_shared>> -> memref<1024000xf32, #tpu.memory_space<vmem_shared>>
    tpu.enqueue_indirect_dma source(%arg16 : memref<4096xf32, #tpu.memory_space<vmem>>) target(%dma_start3A_868 : memref<1024000xf32, #tpu.memory_space<vmem_shared>>) offsets(%arg10 : memref<4096xi32, #tpu.memory_space<vmem>>) semaphore(%arg20 : memref<!tpu.dma_semaphore, #tpu.memory_space<semaphore_mem>>) {add = true}
    %add3A_869 = arith.constant 224 : i32
    %add3A_870 = arith.addi %mul3A_0, %add3A_869 : i32
    %add3A_871 = arith.addi %mul3A_4, %add3A_870 : i32
    %dma_start3A_872 = arith.constant 0 : i32
    %dma_start3A_873 = tpu.memref_slice %arg2[%add3A_871, %dma_start3A_872] : memref<24576x256xf32, #tpu.memory_space<hbm>> -> memref<16x256xf32, #tpu.memory_space<hbm>>
    %dma_start3A_874 = arith.constant 0 : i32
    %dma_start3A_875 = tpu.memref_slice %arg2[%add3A_871, %dma_start3A_874] : memref<24576x256xf32, #tpu.memory_space<hbm>> -> memref<16x256xf32, #tpu.memory_space<hbm>>
    tpu.enqueue_dma source(%dma_start3A_875 : memref<16x256xf32, #tpu.memory_space<hbm>>) target(%arg6 : memref<16x256xf32, #tpu.memory_space<vmem>>) target_semaphore(%arg18 : memref<!tpu.dma_semaphore, #tpu.memory_space<semaphore_mem>>)
    %add3A_876 = arith.constant 4096 : i32
    %add3A_877 = arith.addi %mul3A_4, %add3A_876 : i32
    %add3A_878 = arith.addi %add3A_877, %add3A_870 : i32
    %dma_start3A_879 = arith.constant 0 : i32
    %dma_start3A_880 = tpu.memref_slice %arg2[%add3A_878, %dma_start3A_879] : memref<24576x256xf32, #tpu.memory_space<hbm>> -> memref<16x256xf32, #tpu.memory_space<hbm>>
    %dma_start3A_881 = arith.constant 0 : i32
    %dma_start3A_882 = tpu.memref_slice %arg2[%add3A_878, %dma_start3A_881] : memref<24576x256xf32, #tpu.memory_space<hbm>> -> memref<16x256xf32, #tpu.memory_space<hbm>>
    tpu.enqueue_dma source(%dma_start3A_882 : memref<16x256xf32, #tpu.memory_space<hbm>>) target(%arg7 : memref<16x256xf32, #tpu.memory_space<vmem>>) target_semaphore(%arg18 : memref<!tpu.dma_semaphore, #tpu.memory_space<semaphore_mem>>)
    %add3A_883 = arith.constant 8192 : i32
    %add3A_884 = arith.addi %mul3A_4, %add3A_883 : i32
    %add3A_885 = arith.addi %add3A_884, %add3A_870 : i32
    %dma_start3A_886 = arith.constant 0 : i32
    %dma_start3A_887 = tpu.memref_slice %arg2[%add3A_885, %dma_start3A_886] : memref<24576x256xf32, #tpu.memory_space<hbm>> -> memref<16x256xf32, #tpu.memory_space<hbm>>
    %dma_start3A_888 = arith.constant 0 : i32
    %dma_start3A_889 = tpu.memref_slice %arg2[%add3A_885, %dma_start3A_888] : memref<24576x256xf32, #tpu.memory_space<hbm>> -> memref<16x256xf32, #tpu.memory_space<hbm>>
    tpu.enqueue_dma source(%dma_start3A_889 : memref<16x256xf32, #tpu.memory_space<hbm>>) target(%arg8 : memref<16x256xf32, #tpu.memory_space<vmem>>) target_semaphore(%arg18 : memref<!tpu.dma_semaphore, #tpu.memory_space<semaphore_mem>>)
    %mul3A_890 = arith.constant 4096 : i32
    %mul3A_891 = arith.muli %arg0, %mul3A_890 : i32
    %add3A_892 = arith.addi %mul3A_891, %add3A_870 : i32
    %dma_start3A_893 = arith.constant 0 : i32
    %dma_start3A_894 = tpu.memref_slice %arg3[%add3A_892, %dma_start3A_893] : memref<8192x256xi32, #tpu.memory_space<hbm>> -> memref<16x256xi32, #tpu.memory_space<hbm>>
    %dma_start3A_895 = arith.constant 0 : i32
    %dma_start3A_896 = tpu.memref_slice %arg3[%add3A_892, %dma_start3A_895] : memref<8192x256xi32, #tpu.memory_space<hbm>> -> memref<16x256xi32, #tpu.memory_space<hbm>>
    tpu.enqueue_dma source(%dma_start3A_896 : memref<16x256xi32, #tpu.memory_space<hbm>>) target(%arg9 : memref<16x256xi32, #tpu.memory_space<vmem>>) target_semaphore(%arg18 : memref<!tpu.dma_semaphore, #tpu.memory_space<semaphore_mem>>)
    %dma_wait3A_897 = arith.constant 0 : i32
    %dma_wait3A_898 = tpu.memref_slice %arg2[%add3A_817, %dma_wait3A_897] : memref<24576x256xf32, #tpu.memory_space<hbm>> -> memref<16x256xf32, #tpu.memory_space<hbm>>
    %dma_wait3A_899 = arith.constant 0 : i32
    %dma_wait3A_900 = tpu.memref_slice %arg2[%add3A_817, %dma_wait3A_899] : memref<24576x256xf32, #tpu.memory_space<hbm>> -> memref<16x256xf32, #tpu.memory_space<hbm>>
    tpu.wait_dma2 semaphore(%arg19 : memref<!tpu.dma_semaphore, #tpu.memory_space<semaphore_mem>>) src(%dma_wait3A_900 : memref<16x256xf32, #tpu.memory_space<hbm>>) dst(%arg11 : memref<16x256xf32, #tpu.memory_space<vmem>>)
    %dma_wait3A_901 = arith.constant 0 : i32
    %dma_wait3A_902 = tpu.memref_slice %arg2[%add3A_824, %dma_wait3A_901] : memref<24576x256xf32, #tpu.memory_space<hbm>> -> memref<16x256xf32, #tpu.memory_space<hbm>>
    %dma_wait3A_903 = arith.constant 0 : i32
    %dma_wait3A_904 = tpu.memref_slice %arg2[%add3A_824, %dma_wait3A_903] : memref<24576x256xf32, #tpu.memory_space<hbm>> -> memref<16x256xf32, #tpu.memory_space<hbm>>
    tpu.wait_dma2 semaphore(%arg19 : memref<!tpu.dma_semaphore, #tpu.memory_space<semaphore_mem>>) src(%dma_wait3A_904 : memref<16x256xf32, #tpu.memory_space<hbm>>) dst(%arg12 : memref<16x256xf32, #tpu.memory_space<vmem>>)
    %dma_wait3A_905 = arith.constant 0 : i32
    %dma_wait3A_906 = tpu.memref_slice %arg2[%add3A_831, %dma_wait3A_905] : memref<24576x256xf32, #tpu.memory_space<hbm>> -> memref<16x256xf32, #tpu.memory_space<hbm>>
    %dma_wait3A_907 = arith.constant 0 : i32
    %dma_wait3A_908 = tpu.memref_slice %arg2[%add3A_831, %dma_wait3A_907] : memref<24576x256xf32, #tpu.memory_space<hbm>> -> memref<16x256xf32, #tpu.memory_space<hbm>>
    tpu.wait_dma2 semaphore(%arg19 : memref<!tpu.dma_semaphore, #tpu.memory_space<semaphore_mem>>) src(%dma_wait3A_908 : memref<16x256xf32, #tpu.memory_space<hbm>>) dst(%arg13 : memref<16x256xf32, #tpu.memory_space<vmem>>)
    %dma_wait3A_909 = arith.constant 0 : i32
    %dma_wait3A_910 = tpu.memref_slice %arg3[%add3A_838, %dma_wait3A_909] : memref<8192x256xi32, #tpu.memory_space<hbm>> -> memref<16x256xi32, #tpu.memory_space<hbm>>
    %dma_wait3A_911 = arith.constant 0 : i32
    %dma_wait3A_912 = tpu.memref_slice %arg3[%add3A_838, %dma_wait3A_911] : memref<8192x256xi32, #tpu.memory_space<hbm>> -> memref<16x256xi32, #tpu.memory_space<hbm>>
    tpu.wait_dma2 semaphore(%arg19 : memref<!tpu.dma_semaphore, #tpu.memory_space<semaphore_mem>>) src(%dma_wait3A_912 : memref<16x256xi32, #tpu.memory_space<hbm>>) dst(%arg14 : memref<16x256xi32, #tpu.memory_space<vmem>>)
    %dma_wait3A_913 = arith.constant 0 : i32
    %dma_wait3A_914 = tpu.memref_slice %arg5[%dma_wait3A_913] : memref<1024000xf32, #tpu.memory_space<vmem_shared>> -> memref<1024000xf32, #tpu.memory_space<vmem_shared>>
    tpu.wait_indirect_dma semaphore(%arg20 : memref<!tpu.dma_semaphore, #tpu.memory_space<semaphore_mem>>) src(%arg16 : memref<4096xf32, #tpu.memory_space<vmem>>) dst(%dma_wait3A_914 : memref<1024000xf32, #tpu.memory_space<vmem_shared>>)
    %scan3A_915 = arith.constant 0 : i32
    %scan3A_916 = arith.constant 0 : i32
    %scan3A_917 = arith.constant 16 : i32
    %scan3A_918 = arith.addi %scan3A_916, %scan3A_917 : i32
    %scan3A_919 = arith.constant 1 : i32
    scf.for %scan3A_1015 = %scan3A_916 to %scan3A_918 step %scan3A_919  : i32 {
      %mul3A_1016 = arith.constant 256 : i32
      %mul3A_1017 = arith.muli %scan3A_1015, %mul3A_1016 : i32
      %scan3A_1018 = arith.constant 0 : i32
      %scan3A_1019 = arith.constant 0 : i32
      %scan3A_1020 = arith.constant 16 : i32
      %scan3A_1021 = arith.addi %scan3A_1019, %scan3A_1020 : i32
      %scan3A_1022 = arith.constant 1 : i32
      scf.for %scan3A_1024 = %scan3A_1019 to %scan3A_1021 step %scan3A_1022  : i32 {
        %mul3A_1025 = arith.constant 16 : i32
        %mul3A_1026 = arith.muli %scan3A_1024, %mul3A_1025 : i32
        %get3A = arith.index_cast %scan3A_1015 : i32 to index
        %get3A_1027 = arith.index_cast %mul3A_1026 : i32 to index
        %get3A_1028 = tpu.vector_load %arg14[%get3A, %get3A_1027] {strides = array<i32>} : memref<16x256xi32, #tpu.memory_space<vmem>>, vector<1x16xi32>,
        %get3A_1029 = vector.shape_cast %get3A_1028 : vector<1x16xi32> to vector<16xi32>
        %mul3A_1030 = arith.constant 512 : i32
        %mul3A_1031 = vector.broadcast %mul3A_1030 : i32 to vector<16xi32>
        %mul3A_1032 = arith.muli %get3A_1029, %mul3A_1031 : vector<16xi32>
        %get3A_1033 = arith.index_cast %scan3A_1015 : i32 to index
        %get3A_1034 = arith.index_cast %mul3A_1026 : i32 to index
        %get3A_1035 = tpu.vector_load %arg11[%get3A_1033, %get3A_1034] {strides = array<i32>} : memref<16x256xf32, #tpu.memory_space<vmem>>, vector<1x16xf32>,
        %get3A_1036 = vector.shape_cast %get3A_1035 : vector<1x16xf32> to vector<16xf32>
        %jit3A = arith.constant -0.99999988 : f32
        %jit3A_1037 = arith.constant 0.99999988 : f32
        %max3A = vector.broadcast %jit3A : f32 to vector<16xf32>
        %max3A_1038 = arith.maximumf %max3A, %get3A_1036 : vector<16xf32>
        %min3A = vector.broadcast %jit3A_1037 : f32 to vector<16xf32>
        %min3A_1039 = arith.minimumf %min3A, %max3A_1038 : vector<16xf32>
        %add3A_1040 = arith.constant 1.000000e+00 : f32
        %add3A_1041 = vector.broadcast %add3A_1040 : f32 to vector<16xf32>
        %add3A_1042 = arith.addf %min3A_1039, %add3A_1041 : vector<16xf32>
        %mul3A_1043 = arith.constant 4.000000e+00 : f32
        %mul3A_1044 = vector.broadcast %mul3A_1043 : f32 to vector<16xf32>
        %mul3A_1045 = arith.mulf %add3A_1042, %mul3A_1044 : vector<16xf32>
        %convert_element_type3A = arith.fptosi %mul3A_1045 : vector<16xf32> to vector<16xi32>
        %mul3A_1046 = arith.constant 64 : i32
        %mul3A_1047 = vector.broadcast %mul3A_1046 : i32 to vector<16xi32>
        %mul3A_1048 = arith.muli %convert_element_type3A, %mul3A_1047 : vector<16xi32>
        %add3A_1049 = arith.addi %mul3A_1032, %mul3A_1048 : vector<16xi32>
        %get3A_1050 = arith.index_cast %scan3A_1015 : i32 to index
        %get3A_1051 = arith.index_cast %mul3A_1026 : i32 to index
        %get3A_1052 = tpu.vector_load %arg12[%get3A_1050, %get3A_1051] {strides = array<i32>} : memref<16x256xf32, #tpu.memory_space<vmem>>, vector<1x16xf32>,
        %get3A_1053 = vector.shape_cast %get3A_1052 : vector<1x16xf32> to vector<16xf32>
        %jit3A_1054 = arith.constant -0.99999988 : f32
        %jit3A_1055 = arith.constant 0.99999988 : f32
        %max3A_1056 = vector.broadcast %jit3A_1054 : f32 to vector<16xf32>
        %max3A_1057 = arith.maximumf %max3A_1056, %get3A_1053 : vector<16xf32>
        %min3A_1058 = vector.broadcast %jit3A_1055 : f32 to vector<16xf32>
        %min3A_1059 = arith.minimumf %min3A_1058, %max3A_1057 : vector<16xf32>
        %add3A_1060 = arith.constant 1.000000e+00 : f32
        %add3A_1061 = vector.broadcast %add3A_1060 : f32 to vector<16xf32>
        %add3A_1062 = arith.addf %min3A_1059, %add3A_1061 : vector<16xf32>
        %mul3A_1063 = arith.constant 4.000000e+00 : f32
        %mul3A_1064 = vector.broadcast %mul3A_1063 : f32 to vector<16xf32>
        %mul3A_1065 = arith.mulf %add3A_1062, %mul3A_1064 : vector<16xf32>
        %convert_element_type3A_1066 = arith.fptosi %mul3A_1065 : vector<16xf32> to vector<16xi32>
        %mul3A_1067 = arith.constant 8 : i32
        %mul3A_1068 = vector.broadcast %mul3A_1067 : i32 to vector<16xi32>
        %mul3A_1069 = arith.muli %convert_element_type3A_1066, %mul3A_1068 : vector<16xi32>
        %add3A_1070 = arith.addi %add3A_1049, %mul3A_1069 : vector<16xi32>
        %get3A_1071 = arith.index_cast %scan3A_1015 : i32 to index
        %get3A_1072 = arith.index_cast %mul3A_1026 : i32 to index
        %get3A_1073 = tpu.vector_load %arg13[%get3A_1071, %get3A_1072] {strides = array<i32>} : memref<16x256xf32, #tpu.memory_space<vmem>>, vector<1x16xf32>,
        %get3A_1074 = vector.shape_cast %get3A_1073 : vector<1x16xf32> to vector<16xf32>
        %jit3A_1075 = arith.constant -0.99999988 : f32
        %jit3A_1076 = arith.constant 0.99999988 : f32
        %max3A_1077 = vector.broadcast %jit3A_1075 : f32 to vector<16xf32>
        %max3A_1078 = arith.maximumf %max3A_1077, %get3A_1074 : vector<16xf32>
        %min3A_1079 = vector.broadcast %jit3A_1076 : f32 to vector<16xf32>
        %min3A_1080 = arith.minimumf %min3A_1079, %max3A_1078 : vector<16xf32>
        %add3A_1081 = arith.constant 1.000000e+00 : f32
        %add3A_1082 = vector.broadcast %add3A_1081 : f32 to vector<16xf32>
        %add3A_1083 = arith.addf %min3A_1080, %add3A_1082 : vector<16xf32>
        %mul3A_1084 = arith.constant 4.000000e+00 : f32
        %mul3A_1085 = vector.broadcast %mul3A_1084 : f32 to vector<16xf32>
        %mul3A_1086 = arith.mulf %add3A_1083, %mul3A_1085 : vector<16xf32>
        %convert_element_type3A_1087 = arith.fptosi %mul3A_1086 : vector<16xf32> to vector<16xi32>
        %add3A_1088 = arith.addi %add3A_1070, %convert_element_type3A_1087 : vector<16xi32>
        %mul3A_1089 = arith.constant 16 : i32
        %mul3A_1090 = arith.muli %scan3A_1024, %mul3A_1089 : i32
        %add3A_1091 = arith.addi %mul3A_1017, %mul3A_1090 : i32
        %swap3A = arith.index_cast %add3A_1091 : i32 to index
        %swap3A_1092 = tpu.vector_load %arg15[%swap3A] {strides = array<i32>} : memref<4096xi32, #tpu.memory_space<vmem>>, vector<16xi32>,
        %swap3A_1093 = vector.shape_cast %swap3A_1092 : vector<16xi32> to vector<16xi32>
        %swap3A_1094 = vector.shape_cast %add3A_1088 : vector<16xi32> to vector<16xi32>
        tpu.vector_store %arg15[%swap3A], %swap3A_1094 {strides = array<i32>} : memref<4096xi32, #tpu.memory_space<vmem>>, vector<16xi32>,
      }
      %scan3A_1023 = arith.constant 16 : i32
    }
    %scan3A_920 = arith.constant 16 : i32
    %dma_start3A_921 = arith.constant 0 : i32
    %dma_start3A_922 = tpu.memref_slice %arg5[%dma_start3A_921] : memref<1024000xf32, #tpu.memory_space<vmem_shared>> -> memref<1024000xf32, #tpu.memory_space<vmem_shared>>
    tpu.enqueue_indirect_dma source(%arg16 : memref<4096xf32, #tpu.memory_space<vmem>>) target(%dma_start3A_922 : memref<1024000xf32, #tpu.memory_space<vmem_shared>>) offsets(%arg15 : memref<4096xi32, #tpu.memory_space<vmem>>) semaphore(%arg20 : memref<!tpu.dma_semaphore, #tpu.memory_space<semaphore_mem>>) {add = true}
    %add3A_923 = arith.constant 240 : i32
    %add3A_924 = arith.addi %mul3A_0, %add3A_923 : i32
    %add3A_925 = arith.addi %mul3A_4, %add3A_924 : i32
    %dma_start3A_926 = arith.constant 0 : i32
    %dma_start3A_927 = tpu.memref_slice %arg2[%add3A_925, %dma_start3A_926] : memref<24576x256xf32, #tpu.memory_space<hbm>> -> memref<16x256xf32, #tpu.memory_space<hbm>>
    %dma_start3A_928 = arith.constant 0 : i32
    %dma_start3A_929 = tpu.memref_slice %arg2[%add3A_925, %dma_start3A_928] : memref<24576x256xf32, #tpu.memory_space<hbm>> -> memref<16x256xf32, #tpu.memory_space<hbm>>
    tpu.enqueue_dma source(%dma_start3A_929 : memref<16x256xf32, #tpu.memory_space<hbm>>) target(%arg11 : memref<16x256xf32, #tpu.memory_space<vmem>>) target_semaphore(%arg19 : memref<!tpu.dma_semaphore, #tpu.memory_space<semaphore_mem>>)
    %add3A_930 = arith.constant 4096 : i32
    %add3A_931 = arith.addi %mul3A_4, %add3A_930 : i32
    %add3A_932 = arith.addi %add3A_931, %add3A_924 : i32
    %dma_start3A_933 = arith.constant 0 : i32
    %dma_start3A_934 = tpu.memref_slice %arg2[%add3A_932, %dma_start3A_933] : memref<24576x256xf32, #tpu.memory_space<hbm>> -> memref<16x256xf32, #tpu.memory_space<hbm>>
    %dma_start3A_935 = arith.constant 0 : i32
    %dma_start3A_936 = tpu.memref_slice %arg2[%add3A_932, %dma_start3A_935] : memref<24576x256xf32, #tpu.memory_space<hbm>> -> memref<16x256xf32, #tpu.memory_space<hbm>>
    tpu.enqueue_dma source(%dma_start3A_936 : memref<16x256xf32, #tpu.memory_space<hbm>>) target(%arg12 : memref<16x256xf32, #tpu.memory_space<vmem>>) target_semaphore(%arg19 : memref<!tpu.dma_semaphore, #tpu.memory_space<semaphore_mem>>)
    %add3A_937 = arith.constant 8192 : i32
    %add3A_938 = arith.addi %mul3A_4, %add3A_937 : i32
    %add3A_939 = arith.addi %add3A_938, %add3A_924 : i32
    %dma_start3A_940 = arith.constant 0 : i32
    %dma_start3A_941 = tpu.memref_slice %arg2[%add3A_939, %dma_start3A_940] : memref<24576x256xf32, #tpu.memory_space<hbm>> -> memref<16x256xf32, #tpu.memory_space<hbm>>
    %dma_start3A_942 = arith.constant 0 : i32
    %dma_start3A_943 = tpu.memref_slice %arg2[%add3A_939, %dma_start3A_942] : memref<24576x256xf32, #tpu.memory_space<hbm>> -> memref<16x256xf32, #tpu.memory_space<hbm>>
    tpu.enqueue_dma source(%dma_start3A_943 : memref<16x256xf32, #tpu.memory_space<hbm>>) target(%arg13 : memref<16x256xf32, #tpu.memory_space<vmem>>) target_semaphore(%arg19 : memref<!tpu.dma_semaphore, #tpu.memory_space<semaphore_mem>>)
    %mul3A_944 = arith.constant 4096 : i32
    %mul3A_945 = arith.muli %arg0, %mul3A_944 : i32
    %add3A_946 = arith.addi %mul3A_945, %add3A_924 : i32
    %dma_start3A_947 = arith.constant 0 : i32
    %dma_start3A_948 = tpu.memref_slice %arg3[%add3A_946, %dma_start3A_947] : memref<8192x256xi32, #tpu.memory_space<hbm>> -> memref<16x256xi32, #tpu.memory_space<hbm>>
    %dma_start3A_949 = arith.constant 0 : i32
    %dma_start3A_950 = tpu.memref_slice %arg3[%add3A_946, %dma_start3A_949] : memref<8192x256xi32, #tpu.memory_space<hbm>> -> memref<16x256xi32, #tpu.memory_space<hbm>>
    tpu.enqueue_dma source(%dma_start3A_950 : memref<16x256xi32, #tpu.memory_space<hbm>>) target(%arg14 : memref<16x256xi32, #tpu.memory_space<vmem>>) target_semaphore(%arg19 : memref<!tpu.dma_semaphore, #tpu.memory_space<semaphore_mem>>)
    %dma_wait3A_951 = arith.constant 0 : i32
    %dma_wait3A_952 = tpu.memref_slice %arg2[%add3A_871, %dma_wait3A_951] : memref<24576x256xf32, #tpu.memory_space<hbm>> -> memref<16x256xf32, #tpu.memory_space<hbm>>
    %dma_wait3A_953 = arith.constant 0 : i32
    %dma_wait3A_954 = tpu.memref_slice %arg2[%add3A_871, %dma_wait3A_953] : memref<24576x256xf32, #tpu.memory_space<hbm>> -> memref<16x256xf32, #tpu.memory_space<hbm>>
    tpu.wait_dma2 semaphore(%arg18 : memref<!tpu.dma_semaphore, #tpu.memory_space<semaphore_mem>>) src(%dma_wait3A_954 : memref<16x256xf32, #tpu.memory_space<hbm>>) dst(%arg6 : memref<16x256xf32, #tpu.memory_space<vmem>>)
    %dma_wait3A_955 = arith.constant 0 : i32
    %dma_wait3A_956 = tpu.memref_slice %arg2[%add3A_878, %dma_wait3A_955] : memref<24576x256xf32, #tpu.memory_space<hbm>> -> memref<16x256xf32, #tpu.memory_space<hbm>>
    %dma_wait3A_957 = arith.constant 0 : i32
    %dma_wait3A_958 = tpu.memref_slice %arg2[%add3A_878, %dma_wait3A_957] : memref<24576x256xf32, #tpu.memory_space<hbm>> -> memref<16x256xf32, #tpu.memory_space<hbm>>
    tpu.wait_dma2 semaphore(%arg18 : memref<!tpu.dma_semaphore, #tpu.memory_space<semaphore_mem>>) src(%dma_wait3A_958 : memref<16x256xf32, #tpu.memory_space<hbm>>) dst(%arg7 : memref<16x256xf32, #tpu.memory_space<vmem>>)
    %dma_wait3A_959 = arith.constant 0 : i32
    %dma_wait3A_960 = tpu.memref_slice %arg2[%add3A_885, %dma_wait3A_959] : memref<24576x256xf32, #tpu.memory_space<hbm>> -> memref<16x256xf32, #tpu.memory_space<hbm>>
    %dma_wait3A_961 = arith.constant 0 : i32
    %dma_wait3A_962 = tpu.memref_slice %arg2[%add3A_885, %dma_wait3A_961] : memref<24576x256xf32, #tpu.memory_space<hbm>> -> memref<16x256xf32, #tpu.memory_space<hbm>>
    tpu.wait_dma2 semaphore(%arg18 : memref<!tpu.dma_semaphore, #tpu.memory_space<semaphore_mem>>) src(%dma_wait3A_962 : memref<16x256xf32, #tpu.memory_space<hbm>>) dst(%arg8 : memref<16x256xf32, #tpu.memory_space<vmem>>)
    %dma_wait3A_963 = arith.constant 0 : i32
    %dma_wait3A_964 = tpu.memref_slice %arg3[%add3A_892, %dma_wait3A_963] : memref<8192x256xi32, #tpu.memory_space<hbm>> -> memref<16x256xi32, #tpu.memory_space<hbm>>
    %dma_wait3A_965 = arith.constant 0 : i32
    %dma_wait3A_966 = tpu.memref_slice %arg3[%add3A_892, %dma_wait3A_965] : memref<8192x256xi32, #tpu.memory_space<hbm>> -> memref<16x256xi32, #tpu.memory_space<hbm>>
    tpu.wait_dma2 semaphore(%arg18 : memref<!tpu.dma_semaphore, #tpu.memory_space<semaphore_mem>>) src(%dma_wait3A_966 : memref<16x256xi32, #tpu.memory_space<hbm>>) dst(%arg9 : memref<16x256xi32, #tpu.memory_space<vmem>>)
    %dma_wait3A_967 = arith.constant 0 : i32
    %dma_wait3A_968 = tpu.memref_slice %arg5[%dma_wait3A_967] : memref<1024000xf32, #tpu.memory_space<vmem_shared>> -> memref<1024000xf32, #tpu.memory_space<vmem_shared>>
    tpu.wait_indirect_dma semaphore(%arg20 : memref<!tpu.dma_semaphore, #tpu.memory_space<semaphore_mem>>) src(%arg16 : memref<4096xf32, #tpu.memory_space<vmem>>) dst(%dma_wait3A_968 : memref<1024000xf32, #tpu.memory_space<vmem_shared>>)
    %scan3A_969 = arith.constant 0 : i32
    %scan3A_970 = arith.constant 0 : i32
    %scan3A_971 = arith.constant 16 : i32
    %scan3A_972 = arith.addi %scan3A_970, %scan3A_971 : i32
    %scan3A_973 = arith.constant 1 : i32
    scf.for %scan3A_1015 = %scan3A_970 to %scan3A_972 step %scan3A_973  : i32 {
      %mul3A_1016 = arith.constant 256 : i32
      %mul3A_1017 = arith.muli %scan3A_1015, %mul3A_1016 : i32
      %scan3A_1018 = arith.constant 0 : i32
      %scan3A_1019 = arith.constant 0 : i32
      %scan3A_1020 = arith.constant 16 : i32
      %scan3A_1021 = arith.addi %scan3A_1019, %scan3A_1020 : i32
      %scan3A_1022 = arith.constant 1 : i32
      scf.for %scan3A_1024 = %scan3A_1019 to %scan3A_1021 step %scan3A_1022  : i32 {
        %mul3A_1025 = arith.constant 16 : i32
        %mul3A_1026 = arith.muli %scan3A_1024, %mul3A_1025 : i32
        %get3A = arith.index_cast %scan3A_1015 : i32 to index
        %get3A_1027 = arith.index_cast %mul3A_1026 : i32 to index
        %get3A_1028 = tpu.vector_load %arg9[%get3A, %get3A_1027] {strides = array<i32>} : memref<16x256xi32, #tpu.memory_space<vmem>>, vector<1x16xi32>,
        %get3A_1029 = vector.shape_cast %get3A_1028 : vector<1x16xi32> to vector<16xi32>
        %mul3A_1030 = arith.constant 512 : i32
        %mul3A_1031 = vector.broadcast %mul3A_1030 : i32 to vector<16xi32>
        %mul3A_1032 = arith.muli %get3A_1029, %mul3A_1031 : vector<16xi32>
        %get3A_1033 = arith.index_cast %scan3A_1015 : i32 to index
        %get3A_1034 = arith.index_cast %mul3A_1026 : i32 to index
        %get3A_1035 = tpu.vector_load %arg6[%get3A_1033, %get3A_1034] {strides = array<i32>} : memref<16x256xf32, #tpu.memory_space<vmem>>, vector<1x16xf32>,
        %get3A_1036 = vector.shape_cast %get3A_1035 : vector<1x16xf32> to vector<16xf32>
        %jit3A = arith.constant -0.99999988 : f32
        %jit3A_1037 = arith.constant 0.99999988 : f32
        %max3A = vector.broadcast %jit3A : f32 to vector<16xf32>
        %max3A_1038 = arith.maximumf %max3A, %get3A_1036 : vector<16xf32>
        %min3A = vector.broadcast %jit3A_1037 : f32 to vector<16xf32>
        %min3A_1039 = arith.minimumf %min3A, %max3A_1038 : vector<16xf32>
        %add3A_1040 = arith.constant 1.000000e+00 : f32
        %add3A_1041 = vector.broadcast %add3A_1040 : f32 to vector<16xf32>
        %add3A_1042 = arith.addf %min3A_1039, %add3A_1041 : vector<16xf32>
        %mul3A_1043 = arith.constant 4.000000e+00 : f32
        %mul3A_1044 = vector.broadcast %mul3A_1043 : f32 to vector<16xf32>
        %mul3A_1045 = arith.mulf %add3A_1042, %mul3A_1044 : vector<16xf32>
        %convert_element_type3A = arith.fptosi %mul3A_1045 : vector<16xf32> to vector<16xi32>
        %mul3A_1046 = arith.constant 64 : i32
        %mul3A_1047 = vector.broadcast %mul3A_1046 : i32 to vector<16xi32>
        %mul3A_1048 = arith.muli %convert_element_type3A, %mul3A_1047 : vector<16xi32>
        %add3A_1049 = arith.addi %mul3A_1032, %mul3A_1048 : vector<16xi32>
        %get3A_1050 = arith.index_cast %scan3A_1015 : i32 to index
        %get3A_1051 = arith.index_cast %mul3A_1026 : i32 to index
        %get3A_1052 = tpu.vector_load %arg7[%get3A_1050, %get3A_1051] {strides = array<i32>} : memref<16x256xf32, #tpu.memory_space<vmem>>, vector<1x16xf32>,
        %get3A_1053 = vector.shape_cast %get3A_1052 : vector<1x16xf32> to vector<16xf32>
        %jit3A_1054 = arith.constant -0.99999988 : f32
        %jit3A_1055 = arith.constant 0.99999988 : f32
        %max3A_1056 = vector.broadcast %jit3A_1054 : f32 to vector<16xf32>
        %max3A_1057 = arith.maximumf %max3A_1056, %get3A_1053 : vector<16xf32>
        %min3A_1058 = vector.broadcast %jit3A_1055 : f32 to vector<16xf32>
        %min3A_1059 = arith.minimumf %min3A_1058, %max3A_1057 : vector<16xf32>
        %add3A_1060 = arith.constant 1.000000e+00 : f32
        %add3A_1061 = vector.broadcast %add3A_1060 : f32 to vector<16xf32>
        %add3A_1062 = arith.addf %min3A_1059, %add3A_1061 : vector<16xf32>
        %mul3A_1063 = arith.constant 4.000000e+00 : f32
        %mul3A_1064 = vector.broadcast %mul3A_1063 : f32 to vector<16xf32>
        %mul3A_1065 = arith.mulf %add3A_1062, %mul3A_1064 : vector<16xf32>
        %convert_element_type3A_1066 = arith.fptosi %mul3A_1065 : vector<16xf32> to vector<16xi32>
        %mul3A_1067 = arith.constant 8 : i32
        %mul3A_1068 = vector.broadcast %mul3A_1067 : i32 to vector<16xi32>
        %mul3A_1069 = arith.muli %convert_element_type3A_1066, %mul3A_1068 : vector<16xi32>
        %add3A_1070 = arith.addi %add3A_1049, %mul3A_1069 : vector<16xi32>
        %get3A_1071 = arith.index_cast %scan3A_1015 : i32 to index
        %get3A_1072 = arith.index_cast %mul3A_1026 : i32 to index
        %get3A_1073 = tpu.vector_load %arg8[%get3A_1071, %get3A_1072] {strides = array<i32>} : memref<16x256xf32, #tpu.memory_space<vmem>>, vector<1x16xf32>,
        %get3A_1074 = vector.shape_cast %get3A_1073 : vector<1x16xf32> to vector<16xf32>
        %jit3A_1075 = arith.constant -0.99999988 : f32
        %jit3A_1076 = arith.constant 0.99999988 : f32
        %max3A_1077 = vector.broadcast %jit3A_1075 : f32 to vector<16xf32>
        %max3A_1078 = arith.maximumf %max3A_1077, %get3A_1074 : vector<16xf32>
        %min3A_1079 = vector.broadcast %jit3A_1076 : f32 to vector<16xf32>
        %min3A_1080 = arith.minimumf %min3A_1079, %max3A_1078 : vector<16xf32>
        %add3A_1081 = arith.constant 1.000000e+00 : f32
        %add3A_1082 = vector.broadcast %add3A_1081 : f32 to vector<16xf32>
        %add3A_1083 = arith.addf %min3A_1080, %add3A_1082 : vector<16xf32>
        %mul3A_1084 = arith.constant 4.000000e+00 : f32
        %mul3A_1085 = vector.broadcast %mul3A_1084 : f32 to vector<16xf32>
        %mul3A_1086 = arith.mulf %add3A_1083, %mul3A_1085 : vector<16xf32>
        %convert_element_type3A_1087 = arith.fptosi %mul3A_1086 : vector<16xf32> to vector<16xi32>
        %add3A_1088 = arith.addi %add3A_1070, %convert_element_type3A_1087 : vector<16xi32>
        %mul3A_1089 = arith.constant 16 : i32
        %mul3A_1090 = arith.muli %scan3A_1024, %mul3A_1089 : i32
        %add3A_1091 = arith.addi %mul3A_1017, %mul3A_1090 : i32
        %swap3A = arith.index_cast %add3A_1091 : i32 to index
        %swap3A_1092 = tpu.vector_load %arg10[%swap3A] {strides = array<i32>} : memref<4096xi32, #tpu.memory_space<vmem>>, vector<16xi32>,
        %swap3A_1093 = vector.shape_cast %swap3A_1092 : vector<16xi32> to vector<16xi32>
        %swap3A_1094 = vector.shape_cast %add3A_1088 : vector<16xi32> to vector<16xi32>
        tpu.vector_store %arg10[%swap3A], %swap3A_1094 {strides = array<i32>} : memref<4096xi32, #tpu.memory_space<vmem>>, vector<16xi32>,
      }
      %scan3A_1023 = arith.constant 16 : i32
    }
    %scan3A_974 = arith.constant 16 : i32
    %dma_start3A_975 = arith.constant 0 : i32
    %dma_start3A_976 = tpu.memref_slice %arg5[%dma_start3A_975] : memref<1024000xf32, #tpu.memory_space<vmem_shared>> -> memref<1024000xf32, #tpu.memory_space<vmem_shared>>
    tpu.enqueue_indirect_dma source(%arg16 : memref<4096xf32, #tpu.memory_space<vmem>>) target(%dma_start3A_976 : memref<1024000xf32, #tpu.memory_space<vmem_shared>>) offsets(%arg10 : memref<4096xi32, #tpu.memory_space<vmem>>) semaphore(%arg20 : memref<!tpu.dma_semaphore, #tpu.memory_space<semaphore_mem>>) {add = true}
    %dma_wait3A_977 = arith.constant 0 : i32
    %dma_wait3A_978 = tpu.memref_slice %arg2[%add3A_925, %dma_wait3A_977] : memref<24576x256xf32, #tpu.memory_space<hbm>> -> memref<16x256xf32, #tpu.memory_space<hbm>>
    %dma_wait3A_979 = arith.constant 0 : i32
    %dma_wait3A_980 = tpu.memref_slice %arg2[%add3A_925, %dma_wait3A_979] : memref<24576x256xf32, #tpu.memory_space<hbm>> -> memref<16x256xf32, #tpu.memory_space<hbm>>
    tpu.wait_dma2 semaphore(%arg19 : memref<!tpu.dma_semaphore, #tpu.memory_space<semaphore_mem>>) src(%dma_wait3A_980 : memref<16x256xf32, #tpu.memory_space<hbm>>) dst(%arg11 : memref<16x256xf32, #tpu.memory_space<vmem>>)
    %dma_wait3A_981 = arith.constant 0 : i32
    %dma_wait3A_982 = tpu.memref_slice %arg2[%add3A_932, %dma_wait3A_981] : memref<24576x256xf32, #tpu.memory_space<hbm>> -> memref<16x256xf32, #tpu.memory_space<hbm>>
    %dma_wait3A_983 = arith.constant 0 : i32
    %dma_wait3A_984 = tpu.memref_slice %arg2[%add3A_932, %dma_wait3A_983] : memref<24576x256xf32, #tpu.memory_space<hbm>> -> memref<16x256xf32, #tpu.memory_space<hbm>>
    tpu.wait_dma2 semaphore(%arg19 : memref<!tpu.dma_semaphore, #tpu.memory_space<semaphore_mem>>) src(%dma_wait3A_984 : memref<16x256xf32, #tpu.memory_space<hbm>>) dst(%arg12 : memref<16x256xf32, #tpu.memory_space<vmem>>)
    %dma_wait3A_985 = arith.constant 0 : i32
    %dma_wait3A_986 = tpu.memref_slice %arg2[%add3A_939, %dma_wait3A_985] : memref<24576x256xf32, #tpu.memory_space<hbm>> -> memref<16x256xf32, #tpu.memory_space<hbm>>
    %dma_wait3A_987 = arith.constant 0 : i32
    %dma_wait3A_988 = tpu.memref_slice %arg2[%add3A_939, %dma_wait3A_987] : memref<24576x256xf32, #tpu.memory_space<hbm>> -> memref<16x256xf32, #tpu.memory_space<hbm>>
    tpu.wait_dma2 semaphore(%arg19 : memref<!tpu.dma_semaphore, #tpu.memory_space<semaphore_mem>>) src(%dma_wait3A_988 : memref<16x256xf32, #tpu.memory_space<hbm>>) dst(%arg13 : memref<16x256xf32, #tpu.memory_space<vmem>>)
    %dma_wait3A_989 = arith.constant 0 : i32
    %dma_wait3A_990 = tpu.memref_slice %arg3[%add3A_946, %dma_wait3A_989] : memref<8192x256xi32, #tpu.memory_space<hbm>> -> memref<16x256xi32, #tpu.memory_space<hbm>>
    %dma_wait3A_991 = arith.constant 0 : i32
    %dma_wait3A_992 = tpu.memref_slice %arg3[%add3A_946, %dma_wait3A_991] : memref<8192x256xi32, #tpu.memory_space<hbm>> -> memref<16x256xi32, #tpu.memory_space<hbm>>
    tpu.wait_dma2 semaphore(%arg19 : memref<!tpu.dma_semaphore, #tpu.memory_space<semaphore_mem>>) src(%dma_wait3A_992 : memref<16x256xi32, #tpu.memory_space<hbm>>) dst(%arg14 : memref<16x256xi32, #tpu.memory_space<vmem>>)
    %dma_wait3A_993 = arith.constant 0 : i32
    %dma_wait3A_994 = tpu.memref_slice %arg5[%dma_wait3A_993] : memref<1024000xf32, #tpu.memory_space<vmem_shared>> -> memref<1024000xf32, #tpu.memory_space<vmem_shared>>
    tpu.wait_indirect_dma semaphore(%arg20 : memref<!tpu.dma_semaphore, #tpu.memory_space<semaphore_mem>>) src(%arg16 : memref<4096xf32, #tpu.memory_space<vmem>>) dst(%dma_wait3A_994 : memref<1024000xf32, #tpu.memory_space<vmem_shared>>)
    %scan3A_995 = arith.constant 0 : i32
    %scan3A_996 = arith.constant 0 : i32
    %scan3A_997 = arith.constant 16 : i32
    %scan3A_998 = arith.addi %scan3A_996, %scan3A_997 : i32
    %scan3A_999 = arith.constant 1 : i32
    scf.for %scan3A_1015 = %scan3A_996 to %scan3A_998 step %scan3A_999  : i32 {
      %mul3A_1016 = arith.constant 256 : i32
      %mul3A_1017 = arith.muli %scan3A_1015, %mul3A_1016 : i32
      %scan3A_1018 = arith.constant 0 : i32
      %scan3A_1019 = arith.constant 0 : i32
      %scan3A_1020 = arith.constant 16 : i32
      %scan3A_1021 = arith.addi %scan3A_1019, %scan3A_1020 : i32
      %scan3A_1022 = arith.constant 1 : i32
      scf.for %scan3A_1024 = %scan3A_1019 to %scan3A_1021 step %scan3A_1022  : i32 {
        %mul3A_1025 = arith.constant 16 : i32
        %mul3A_1026 = arith.muli %scan3A_1024, %mul3A_1025 : i32
        %get3A = arith.index_cast %scan3A_1015 : i32 to index
        %get3A_1027 = arith.index_cast %mul3A_1026 : i32 to index
        %get3A_1028 = tpu.vector_load %arg14[%get3A, %get3A_1027] {strides = array<i32>} : memref<16x256xi32, #tpu.memory_space<vmem>>, vector<1x16xi32>,
        %get3A_1029 = vector.shape_cast %get3A_1028 : vector<1x16xi32> to vector<16xi32>
        %mul3A_1030 = arith.constant 512 : i32
        %mul3A_1031 = vector.broadcast %mul3A_1030 : i32 to vector<16xi32>
        %mul3A_1032 = arith.muli %get3A_1029, %mul3A_1031 : vector<16xi32>
        %get3A_1033 = arith.index_cast %scan3A_1015 : i32 to index
        %get3A_1034 = arith.index_cast %mul3A_1026 : i32 to index
        %get3A_1035 = tpu.vector_load %arg11[%get3A_1033, %get3A_1034] {strides = array<i32>} : memref<16x256xf32, #tpu.memory_space<vmem>>, vector<1x16xf32>,
        %get3A_1036 = vector.shape_cast %get3A_1035 : vector<1x16xf32> to vector<16xf32>
        %jit3A = arith.constant -0.99999988 : f32
        %jit3A_1037 = arith.constant 0.99999988 : f32
        %max3A = vector.broadcast %jit3A : f32 to vector<16xf32>
        %max3A_1038 = arith.maximumf %max3A, %get3A_1036 : vector<16xf32>
        %min3A = vector.broadcast %jit3A_1037 : f32 to vector<16xf32>
        %min3A_1039 = arith.minimumf %min3A, %max3A_1038 : vector<16xf32>
        %add3A_1040 = arith.constant 1.000000e+00 : f32
        %add3A_1041 = vector.broadcast %add3A_1040 : f32 to vector<16xf32>
        %add3A_1042 = arith.addf %min3A_1039, %add3A_1041 : vector<16xf32>
        %mul3A_1043 = arith.constant 4.000000e+00 : f32
        %mul3A_1044 = vector.broadcast %mul3A_1043 : f32 to vector<16xf32>
        %mul3A_1045 = arith.mulf %add3A_1042, %mul3A_1044 : vector<16xf32>
        %convert_element_type3A = arith.fptosi %mul3A_1045 : vector<16xf32> to vector<16xi32>
        %mul3A_1046 = arith.constant 64 : i32
        %mul3A_1047 = vector.broadcast %mul3A_1046 : i32 to vector<16xi32>
        %mul3A_1048 = arith.muli %convert_element_type3A, %mul3A_1047 : vector<16xi32>
        %add3A_1049 = arith.addi %mul3A_1032, %mul3A_1048 : vector<16xi32>
        %get3A_1050 = arith.index_cast %scan3A_1015 : i32 to index
        %get3A_1051 = arith.index_cast %mul3A_1026 : i32 to index
        %get3A_1052 = tpu.vector_load %arg12[%get3A_1050, %get3A_1051] {strides = array<i32>} : memref<16x256xf32, #tpu.memory_space<vmem>>, vector<1x16xf32>,
        %get3A_1053 = vector.shape_cast %get3A_1052 : vector<1x16xf32> to vector<16xf32>
        %jit3A_1054 = arith.constant -0.99999988 : f32
        %jit3A_1055 = arith.constant 0.99999988 : f32
        %max3A_1056 = vector.broadcast %jit3A_1054 : f32 to vector<16xf32>
        %max3A_1057 = arith.maximumf %max3A_1056, %get3A_1053 : vector<16xf32>
        %min3A_1058 = vector.broadcast %jit3A_1055 : f32 to vector<16xf32>
        %min3A_1059 = arith.minimumf %min3A_1058, %max3A_1057 : vector<16xf32>
        %add3A_1060 = arith.constant 1.000000e+00 : f32
        %add3A_1061 = vector.broadcast %add3A_1060 : f32 to vector<16xf32>
        %add3A_1062 = arith.addf %min3A_1059, %add3A_1061 : vector<16xf32>
        %mul3A_1063 = arith.constant 4.000000e+00 : f32
        %mul3A_1064 = vector.broadcast %mul3A_1063 : f32 to vector<16xf32>
        %mul3A_1065 = arith.mulf %add3A_1062, %mul3A_1064 : vector<16xf32>
        %convert_element_type3A_1066 = arith.fptosi %mul3A_1065 : vector<16xf32> to vector<16xi32>
        %mul3A_1067 = arith.constant 8 : i32
        %mul3A_1068 = vector.broadcast %mul3A_1067 : i32 to vector<16xi32>
        %mul3A_1069 = arith.muli %convert_element_type3A_1066, %mul3A_1068 : vector<16xi32>
        %add3A_1070 = arith.addi %add3A_1049, %mul3A_1069 : vector<16xi32>
        %get3A_1071 = arith.index_cast %scan3A_1015 : i32 to index
        %get3A_1072 = arith.index_cast %mul3A_1026 : i32 to index
        %get3A_1073 = tpu.vector_load %arg13[%get3A_1071, %get3A_1072] {strides = array<i32>} : memref<16x256xf32, #tpu.memory_space<vmem>>, vector<1x16xf32>,
        %get3A_1074 = vector.shape_cast %get3A_1073 : vector<1x16xf32> to vector<16xf32>
        %jit3A_1075 = arith.constant -0.99999988 : f32
        %jit3A_1076 = arith.constant 0.99999988 : f32
        %max3A_1077 = vector.broadcast %jit3A_1075 : f32 to vector<16xf32>
        %max3A_1078 = arith.maximumf %max3A_1077, %get3A_1074 : vector<16xf32>
        %min3A_1079 = vector.broadcast %jit3A_1076 : f32 to vector<16xf32>
        %min3A_1080 = arith.minimumf %min3A_1079, %max3A_1078 : vector<16xf32>
        %add3A_1081 = arith.constant 1.000000e+00 : f32
        %add3A_1082 = vector.broadcast %add3A_1081 : f32 to vector<16xf32>
        %add3A_1083 = arith.addf %min3A_1080, %add3A_1082 : vector<16xf32>
        %mul3A_1084 = arith.constant 4.000000e+00 : f32
        %mul3A_1085 = vector.broadcast %mul3A_1084 : f32 to vector<16xf32>
        %mul3A_1086 = arith.mulf %add3A_1083, %mul3A_1085 : vector<16xf32>
        %convert_element_type3A_1087 = arith.fptosi %mul3A_1086 : vector<16xf32> to vector<16xi32>
        %add3A_1088 = arith.addi %add3A_1070, %convert_element_type3A_1087 : vector<16xi32>
        %mul3A_1089 = arith.constant 16 : i32
        %mul3A_1090 = arith.muli %scan3A_1024, %mul3A_1089 : i32
        %add3A_1091 = arith.addi %mul3A_1017, %mul3A_1090 : i32
        %swap3A = arith.index_cast %add3A_1091 : i32 to index
        %swap3A_1092 = tpu.vector_load %arg15[%swap3A] {strides = array<i32>} : memref<4096xi32, #tpu.memory_space<vmem>>, vector<16xi32>,
        %swap3A_1093 = vector.shape_cast %swap3A_1092 : vector<16xi32> to vector<16xi32>
        %swap3A_1094 = vector.shape_cast %add3A_1088 : vector<16xi32> to vector<16xi32>
        tpu.vector_store %arg15[%swap3A], %swap3A_1094 {strides = array<i32>} : memref<4096xi32, #tpu.memory_space<vmem>>, vector<16xi32>,
      }
      %scan3A_1023 = arith.constant 16 : i32
    }
    %scan3A_1000 = arith.constant 16 : i32
    %dma_start3A_1001 = arith.constant 0 : i32
    %dma_start3A_1002 = tpu.memref_slice %arg5[%dma_start3A_1001] : memref<1024000xf32, #tpu.memory_space<vmem_shared>> -> memref<1024000xf32, #tpu.memory_space<vmem_shared>>
    tpu.enqueue_indirect_dma source(%arg16 : memref<4096xf32, #tpu.memory_space<vmem>>) target(%dma_start3A_1002 : memref<1024000xf32, #tpu.memory_space<vmem_shared>>) offsets(%arg15 : memref<4096xi32, #tpu.memory_space<vmem>>) semaphore(%arg20 : memref<!tpu.dma_semaphore, #tpu.memory_space<semaphore_mem>>) {add = true}
    %dma_wait3A_1003 = arith.constant 0 : i32
    %dma_wait3A_1004 = tpu.memref_slice %arg5[%dma_wait3A_1003] : memref<1024000xf32, #tpu.memory_space<vmem_shared>> -> memref<1024000xf32, #tpu.memory_space<vmem_shared>>
    tpu.wait_indirect_dma semaphore(%arg20 : memref<!tpu.dma_semaphore, #tpu.memory_space<semaphore_mem>>) src(%arg16 : memref<4096xf32, #tpu.memory_space<vmem>>) dst(%dma_wait3A_1004 : memref<1024000xf32, #tpu.memory_space<vmem_shared>>)
    %dma_wait3A_1005 = arith.constant 0 : i32
    %dma_wait3A_1006 = tpu.memref_slice %arg5[%dma_wait3A_1005] : memref<1024000xf32, #tpu.memory_space<vmem_shared>> -> memref<1024000xf32, #tpu.memory_space<vmem_shared>>
    tpu.wait_indirect_dma semaphore(%arg20 : memref<!tpu.dma_semaphore, #tpu.memory_space<semaphore_mem>>) src(%arg16 : memref<4096xf32, #tpu.memory_space<vmem>>) dst(%dma_wait3A_1006 : memref<1024000xf32, #tpu.memory_space<vmem_shared>>)
    %barrier3A_1007 = arith.constant 0 : index
    tpu.barrier barrier_id(%barrier3A_1007)
    %mul3A_1008 = arith.constant 64000 : i32
    %mul3A_1009 = arith.muli %arg1, %mul3A_1008 : i32
    %mul3A_1010 = arith.constant 1024000 : i32
    %mul3A_1011 = arith.muli %arg0, %mul3A_1010 : i32
    %mul3A_1012 = arith.constant 64000 : i32
    %mul3A_1013 = arith.muli %arg1, %mul3A_1012 : i32
    %add3A_1014 = arith.addi %mul3A_1011, %mul3A_1013 : i32
    "tpu.region"() ({
      %run_scoped3A = tpu.sem_alloc : memref<!tpu.dma_semaphore, #tpu.memory_space<semaphore_mem>>
      %dma_start3A_1015 = tpu.memref_slice %arg4[%add3A_1014] : memref<2048000xf32, #tpu.memory_space<hbm>> -> memref<64000xf32, #tpu.memory_space<hbm>>
      %dma_start3A_1016 = tpu.memref_slice %arg5[%mul3A_1009] : memref<1024000xf32, #tpu.memory_space<vmem_shared>> -> memref<64000xf32, #tpu.memory_space<vmem_shared>>
      tpu.enqueue_dma source(%dma_start3A_1016 : memref<64000xf32, #tpu.memory_space<vmem_shared>>) target(%dma_start3A_1015 : memref<64000xf32, #tpu.memory_space<hbm>>) target_semaphore(%run_scoped3A : memref<!tpu.dma_semaphore, #tpu.memory_space<semaphore_mem>>)
      %dma_wait3A_1017 = tpu.memref_slice %arg4[%add3A_1014] : memref<2048000xf32, #tpu.memory_space<hbm>> -> memref<64000xf32, #tpu.memory_space<hbm>>
      %dma_wait3A_1018 = tpu.memref_slice %arg5[%mul3A_1009] : memref<1024000xf32, #tpu.memory_space<vmem_shared>> -> memref<64000xf32, #tpu.memory_space<vmem_shared>>
      tpu.wait_dma2 semaphore(%run_scoped3A : memref<!tpu.dma_semaphore, #tpu.memory_space<semaphore_mem>>) src(%dma_wait3A_1018 : memref<64000xf32, #tpu.memory_space<vmem_shared>>) dst(%dma_wait3A_1017 : memref<64000xf32, #tpu.memory_space<hbm>>)
      tpu.yield
    }) : () -> ()
    return
  }
}

module attributes {stable_mosaic.version = 14 : i64} {
  func.func @body(%arg0: memref<2x2000x512xf32, #tpu.memory_space<vmem>>, %arg1: memref<2000x512xf32, #tpu.memory_space<vmem>>) attributes {dimension_semantics = [], scalar_prefetch = 0 : i64, scratch_operands = 0 : i64, tpu.core_type = #tpu.core_type<tc>} {
    %get3A = arith.constant 0 : index
    %get3A_0 = arith.constant 0 : index
    %get3A_1 = arith.constant 0 : index
    %get3A_2 = vector.load %arg0[%get3A, %get3A_0, %get3A_1] : memref<2x2000x512xf32, #tpu.memory_space<vmem>>, vector<1x2000x512xf32>
    %get3A_3 = vector.shape_cast %get3A_2 : vector<1x2000x512xf32> to vector<2000x512xf32>
    %get3A_4 = arith.constant 1 : index
    %get3A_5 = arith.constant 0 : index
    %get3A_6 = arith.constant 0 : index
    %get3A_7 = vector.load %arg0[%get3A_4, %get3A_5, %get3A_6] : memref<2x2000x512xf32, #tpu.memory_space<vmem>>, vector<1x2000x512xf32>
    %get3A_8 = vector.shape_cast %get3A_7 : vector<1x2000x512xf32> to vector<2000x512xf32>
    %add3A = arith.addf %get3A_3, %get3A_8 : vector<2000x512xf32>
    %reduce_sum3A = arith.constant dense<0.000000e+00> : vector<2000xf32>
    %reduce_sum3A_9 = vector.multi_reduction <add>, %add3A, %reduce_sum3A [1] : vector<2000x512xf32> to vector<2000xf32>
    %broadcast_in_dim3A = vector.shape_cast %reduce_sum3A_9 : vector<2000xf32> to vector<2000x1xf32>
    %mul3A = arith.constant 6.250000e-02 : f32
    %mul3A_10 = vector.broadcast %mul3A : f32 to vector<2000x1xf32>
    %mul3A_11 = arith.mulf %broadcast_in_dim3A, %mul3A_10 : vector<2000x1xf32>
    %div3A = vector.broadcast %mul3A_11 : vector<2000x1xf32> to vector<2000x512xf32>
    %div3A_12 = arith.divf %add3A, %div3A : vector<2000x512xf32>
    %swap3A = arith.constant 0 : index
    %swap3A_13 = arith.constant 0 : index
    %swap3A_14 = vector.load %arg1[%swap3A, %swap3A_13] : memref<2000x512xf32, #tpu.memory_space<vmem>>, vector<2000x512xf32>
    tpu.vector_store %arg1[%swap3A, %swap3A_13], %div3A_12 {strides = array<i32>} : memref<2000x512xf32, #tpu.memory_space<vmem>>, vector<2000x512xf32>,
    return
  }
}

</mosaic_0001>

<sc_bundles>
// kernel: kernel.4.cloned.1.call-start
scs
__scs_entry_jumppad:
0x0: {  	(pc) =	sbr.rel $0x88, $3  }
0x1: {  	(tag) =	ssettag $0x0;
	lr =	simm.s32 $0x1  }
0x2: {  	[smem:$0x3F9F] =	sst lr;
	_ =	strace $0xD0000000  }
0x3: {  	_ = 	snop  }
0x4: {  	_ = 	snop  }
0x5: {  	_ = 	snop  }
0x6: {  	_ = 	snop  }
0x7: {  	_ = 	snop  }
__scs_overlays_trampoline_lowered:
0x8: {  	[smem:$0x3FAE] =	sst s0  }
0x9: {  	[smem:$0x3FAF] =	sst s1  }
0xa: {  	[smem:$0x3FB0] =	sst s2  }
0xb: {  	[smem:$0x3FB1] =	sst s3  }
0xc: {  	[smem:$0x3FB2] =	sst s4  }
0xd: {  	[smem:$0x3FB3] =	sst s5  }
0xe: {  	[smem:$0x3FB4] =	sst s6  }
0xf: {  	[smem:$0x3FB5] =	sst s7  }
0x10: {  	[smem:$0x3FB6] =	sst s8  }
0x11: {  	[smem:$0x3FB7] =	sst s9;
	s0 =	simm.s32 @!p0 $0x0  }
0x12: {  	s1 =	sld [smem:$0x3F9D];
	s0 =	simm.s32 @p0 $0x1  }
0x13: {  	[smem:$0x3FB8] =	sst s0;
	s0 =	simm.s32 @!p1 $0x0  }
0x14: {  	s2 =	sld [smem:$0x3F9C];
	s0 =	simm.s32 @p1 $0x1  }
0x15: {  	[smem:$0x3FB9] =	sst s0;
	s0 =	simm.s32 @!p2 $0x0  }
0x16: {  	s3 =	sld [smem:$0x3FDB];
	s0 =	simm.s32 @p2 $0x1  }
0x17: {  	s4 =	simm.s32 $0x1BF5;
	[smem:$0x3FBB] =	sst s0  }
0x18: {  	s0 =	sld [smem:$0x3F9E];
	_ =	swait.ge [sflag:s4], $0x0  }
0x19: {  	s7 =	sld [smem:$0x3F9F]  }
0x1a: {  	s8 =	sadd.s32 $0xFFFFE003, lr  }
0x1b: {  	s9 =	sadd.s32 $0xFFFFFEF7, lr;
	s5 =	simm.s32 $0xFFFFFFFF;
	p2 =	slt.u32 s8, $0xFFFFF086  }
0x1c: {  	p1 =	slt.u32 s9, $0xF7A;
	s5 =	simm.s32 @!p2 $0x0  }
0x1d: {  	s5 =	simm.s32 @p1 $0x1;
	p0 =	seq.s32 s7, s2  }
0x1e: {  	s7 =	smul.u32 @!p0 $0xF7A, s2;
	p2 =	seq.s32 @!p0 s5, $0x0  }
0x1f: {  	s9 =	smul.u32 $0xF7A, s1;
	s8 =	simm.s32 @!p0 $0x1BF5;
	p2 =	por !p2, p0  }
0x20: {  	[sflag:s8] =	ssyncset.s32 @!p0 $0xFFFFF086;
	s6 =	sadd.s32 @!p0 s3, s7;
	s7 =	simm.s32 @!p0 $0x108  }
0x21: {  	s3 =	sadd.s32 s3, s9;
	s6 =	sadd.s32 @!p0 $0x88, s6;
	s7 =	simm.s32 @p2 $0x1082  }
0x22: {  	[simem:s7], [sflag:s8] =	dma.local @!p0 [hbm:s6], $0xF7A  }
0x23: {  	s9 =	sor.u32 $0xD0000000, s2;
	s6 =	simm.s32 $0x108;
	_ =	swait.ge @!p0 [sflag:s8], $0x0  }
0x24: {  	s3 =	sadd.s32 $0x88, s3;
	s6 =	simm.s32 @!p1 $0x1082;
	[sflag:s4] =	ssyncset.s32 $0xFFFFF086  }
0x25: {  	[simem:s6], [sflag:s4] =	dma.local [hbm:s3], $0xF7A  }
0x26: {  	[smem:$0x3F9F] =	sst s1;
	(tag) =	ssettag s2;
	_ =	strace s9  }
0x27: {  	s1 =	sld [smem:$0x3FAF]  }
0x28: {  	s2 =	sld [smem:$0x3FB0]  }
0x29: {  	s4 =	sld [smem:$0x3FB2]  }
0x2a: {  	p0 =	seq.s32 s5, $0x0;
	s5 =	sld [smem:$0x3FB3]  }
0x2b: {  	s6 =	sld [smem:$0x3FB4]  }
0x2c: {  	s7 =	sld [smem:$0x3FB5]  }
0x2d: {  	s3 =	simm.s32 $0x108;
	s8 =	sld [smem:$0x3FB6]  }
0x2e: {  	s3 =	simm.s32 @!p0 $0x1082;
	s9 =	sld [smem:$0x3FB7]  }
0x2f: {  	lr =	sadd.s32 s0, s3;
	s0 =	sld [smem:$0x3FAE]  }
0x30: {  	s3 =	sld [smem:$0x3FB1]  }
0x31: {  	[smem:$0x3FBA] =	sst s10  }
0x32: {  	s10 =	sld [smem:$0x3FB8];
	_ =	sdelay $0x3  }
0x33: {  	p0 =	seq.s32 s10, $0x1;
	s10 =	sld [smem:$0x3FBA];
	_ =	sdelay $0x3  }
0x34: {  	[smem:$0x3FBA] =	sst s10  }
0x35: {  	s10 =	sld [smem:$0x3FB9];
	_ =	sdelay $0x3  }
0x36: {  	p1 =	seq.s32 s10, $0x1;
	s10 =	sld [smem:$0x3FBA];
	_ =	sdelay $0x3  }
0x37: {  	[smem:$0x3FBA] =	sst s10  }
0x38: {  	s10 =	sld [smem:$0x3FBB]  }
0x39: {  	_ = 	snop;
	(pc) =	sbr.ind lr, $3  }
0x3a: {  	_ = 	snop  }
0x3b: {  	_ = 	snop  }
0x3c: {  	p2 =	seq.s32 s10, $0x1;
	s10 =	sld [smem:$0x3FBA]  }
0x3d: {  	_ =	shalt  }
0x3e: {  	_ =	shalt  }
0x3f: {  	_ =	shalt  }
0x40: {  	_ =	shalt  }
0x41: {  	_ =	shalt  }
0x42: {  	_ =	shalt  }
0x43: {  	_ =	shalt  }
0x44: {  	_ =	shalt  }
0x45: {  	_ =	shalt  }
0x46: {  	_ =	shalt  }
0x47: {  	_ =	shalt  }
0x48: {  	_ =	shalt  }
0x49: {  	_ =	shalt  }
0x4a: {  	_ =	shalt  }
0x4b: {  	_ =	shalt  }
0x4c: {  	_ =	shalt  }
0x4d: {  	_ =	shalt  }
0x4e: {  	_ =	shalt  }
0x4f: {  	_ =	shalt  }
0x50: {  	_ =	shalt  }
0x51: {  	_ =	shalt  }
0x52: {  	_ =	shalt  }
0x53: {  	_ =	shalt  }
0x54: {  	_ =	shalt  }
0x55: {  	_ =	shalt  }
0x56: {  	_ =	shalt  }
0x57: {  	_ =	shalt  }
0x58: {  	_ =	shalt  }
0x59: {  	_ =	shalt  }
0x5a: {  	_ =	shalt  }
0x5b: {  	_ =	shalt  }
0x5c: {  	_ =	shalt  }
0x5d: {  	_ =	shalt  }
0x5e: {  	_ =	shalt  }
0x5f: {  	_ =	shalt  }
0x60: {  	_ =	shalt  }
0x61: {  	_ =	shalt  }
0x62: {  	_ =	shalt  }
0x63: {  	_ =	shalt  }
0x64: {  	_ =	shalt  }
0x65: {  	_ =	shalt  }
0x66: {  	_ =	shalt  }
0x67: {  	_ =	shalt  }
0x68: {  	_ =	shalt  }
0x69: {  	_ =	shalt  }
0x6a: {  	_ =	shalt  }
0x6b: {  	_ =	shalt  }
0x6c: {  	_ =	shalt  }
0x6d: {  	_ =	shalt  }
0x6e: {  	_ =	shalt  }
0x6f: {  	_ =	shalt  }
0x70: {  	_ =	shalt  }
0x71: {  	_ =	shalt  }
0x72: {  	_ =	shalt  }
0x73: {  	_ =	shalt  }
0x74: {  	_ =	shalt  }
0x75: {  	_ =	shalt  }
0x76: {  	_ =	shalt  }
0x77: {  	_ =	shalt  }
0x78: {  	_ =	shalt  }
0x79: {  	_ =	shalt  }
0x7a: {  	_ =	shalt  }
0x7b: {  	_ =	shalt  }
0x7c: {  	_ =	shalt  }
0x7d: {  	_ =	shalt  }
0x7e: {  	_ =	shalt  }
0x7f: {  	_ =	shalt  }
0x80: {  	_ =	shalt  }
0x81: {  	_ =	shalt  }
0x82: {  	_ =	shalt  }
0x83: {  	_ =	shalt  }
0x84: {  	_ =	shalt  }
0x85: {  	_ =	shalt  }
0x86: {  	_ =	shalt  }
0x87: {  	_ =	shalt  }
.Lfunc_end0:
.L_simem_size_0:
called_computation_lowered:
.L_overlay_start_0:
0x88: {  	s2 =	sld [smem:$0x3FD9]  }
0x89: {  	s3 =	sld [smem:$0x3FFE];
	_ =	sdelay $0x1  }
0x8a: {  	s1 =	srdreg.scid  }
0x8b: {  	s0 =	sand.u32 $0x1, s1  }
0x8c: {  	s17 =	sshll.u32 s0, $0xA;
	s2 =	sadd.s32 s3, s2  }
0x8d: {  	s2 =	sadd.s32 s2, s17  }
0x8e: {  	[smem:$0x3FC6] =	sst s2  }
0x8f: {  	_ = 	snop  }
0x90: {  	s2 =	sld [smem:$0x3FC9]  }
0x91: {  	s18 =	sld [smem:$0x3FC8];
	(tm) =	ssettm $0x1  }
0x92: {  	s4 =	sld [smem:$0x3FFB];
	_ =	sdelay $0x3  }
0x93: {  	_ =	strace s4  }
0x94: {  	s4 =	sld [smem:$0x3FFC];
	_ =	sdelay $0x3  }
0x95: {  	_ =	strace s4  }
0x96: {  	s4 =	sld [smem:$0x3FFD];
	_ =	sdelay $0x3  }
0x97: {  	_ =	strace s4  }
0x98: {  	_ =	strace $0x8FFFFFFF  }
0x99: {  	s19 =	sld [smem:$0x3FDB];
	_ =	sdelay $0x1  }
0x9a: {  	s5 =	simm.s32 $_scs_section_size  }
0x9b: {  	s6 =	simm.s32 $_size__tile_overlayer_lowered;
	s7 =	simm.s32 $_tile_overlayer_lowered  }
0x9c: {  	s22 =	simm.s32 $0x1BFF;
	s21 =	sshll.u32 s7, $0x1;
	s4 =	sadd.s32 s5, s19  }
0x9d: {  	s8 =	simm.s32 $0x0;
	s20 =	sshll.u32 s6, $0x1;
	s6 =	sadd.s32 s21, s4  }
0x9e: {  	[timem:s8], [sflag:s22] =	dma.local [hbm:s6], s20  }
0x9f: {  	_ =	swait.ge [sflag:s22], s20  }
0xa0: {  	s5 =	ssub.s32 $0x0, s20;
	[sflag:s22] =	ssyncset.done $0x0  }
0xa1: {  	[sflag:s22] =	ssyncadd.s32 s5;
	_ =	sdelay $0x1  }
0xa2: {  	s23 =	simm.s32 $0x1B8B  }
0xa3: {  	_ =	swait.ge [sflag:s23], $0x1  }
0xa4: {  	[sflag:s23] =	ssyncset.done $0x0  }
0xa5: {  	s25 =	simm.s32 $0x1B8E;
	s24 =	sld [smem:$0x3FFE];
	[sflag:s23] =	ssyncadd.s32 $0xFFFFFFFF  }
0xa6: {  	s26 =	simm.s32 $execute0_lowered;
	[smem:$0x3FD2] =	sst s25  }
0xa7: {  	s6 =	sshll.u32 s26, $0x1;
	_ =	strace $0x80000046;
	[dreg:$0x1] =	wrdreg $0xFFFFFFFF  }
0xa8: {  	s28 =	simm.s32 $_size_execute0_lowered;
	s4 =	sadd.s32 s4, s6;
	[dreg:$0x0] =	wrdreg $0x0  }
0xa9: {  	s6 =	sshll.u32 s28, $0x1;
	[dreg:$0x2] =	wrdreg s4  }
0xaa: {  	[dreg:$0x3] =	wrdreg s6  }
0xab: {  	[dreg:$0x4] =	wrdreg $0xC0  }
0xac: {  	_ =	task [dreg:s8], $0x5FFFF  }
0xad: {  	[dreg:$0x1] =	wrdreg $0xFFFFFFFF  }
0xae: {  	[dreg:$0x0] =	wrdreg $0x60  }
0xaf: {  	[dreg:$0x2] =	wrdreg s2  }
0xb0: {  	[dreg:$0x3] =	wrdreg s18  }
0xb1: {  	[dreg:$0x4] =	wrdreg s24  }
0xb2: {  	[dreg:$0x5] =	wrdreg $0x0  }
0xb3: {  	[dreg:$0x6] =	wrdreg $0x9  }
0xb4: {  	_ =	task.clear_ibuf [dreg:s8], $0x7FFFF;
	_ =	strace $0x90000046  }
0xb5: {  	s29 =	simm.s32 $0x9;
	_ =	strace $0x80000048  }
0xb6: {  	_ =	swait.ge [sflag:s29], $0x1  }
0xb7: {  	[sflag:s29] =	ssyncadd.s32 $0xFFFFFFFF  }
0xb8: {  	_ =	strace $0x90000048  }
0xb9: {  	_ =	sfence  }
0xba: {  	s30 =	sld [smem:$0x0];
	_ =	sdelay $0x2  }
0xbb: {  	s31 =	sshll.u32 s1, $0xD;
	s1 =	sshrl.u32 s1, $0x2  }
0xbc: {  	s3 =	sand.u32 $0x4000, s31;
	s1 =	sadd.s32 s1, s30  }
0xbd: {  	s0 =	sor.u32 s3, s0;
	s1 =	sshll.u32 s1, $0x11  }
0xbe: {  	s0 =	sor.u32 s1, s0  }
0xbf: {  	s0 =	sadd.s32 $0x8F2B, s0  }
0xc0: {  	[sflag:s0] =	ssyncadd.remote.s32 $0x1  }
0xc1: {  	_ =	sfence.sel $0xFFFF  }
0xc2: {  	[dreg:$0x0] =	wrdreg $0xFFFFFFFF;
	(pc) =	sbr.abs _section_cstart, $3  }
0xc3: {  	[dreg:$0x1] =	wrdreg $0xFFFFFFFF  }
0xc4: {  	_ =	task.clear_ibuf [dreg:s8], $0x2FFFF;
	_ =	strace $0x9FFFFFFF  }
0xc5: {  	(tm) =	ssettm $0x7FFFFFFF  }
tec
execute0_lowered:
.L_overlay_start_1:
0x0: {  	(tag) =	ssettag $0x1  }
0x1: {  	s0 =	srdreg.scid;
	s4 =	stileid.u32  }
0x2: {  	s5 =	sand.u32 $0x1, s0;
	s0 =	smul.u32 $0xFA00, s4  }
0x3: {  	s2 =	rddreg [dreg:$0x0];
	s1 =	smul.u32 $0xFA000, s5  }
0x4: {  	s3 =	rddreg [dreg:$0x2];
	s6 =	smul.u32 $0x3000, s5;
	s7 =	ssub.s32 $0x2, s5  }
0x5: {  	s4 =	sshll.u32 s4, $0x8;
	s11 =	sshrl.u32 s7, $0x1;
	s1 =	sadd.s32 s0, s1  }
0x6: {  	s8 =	sor.u32 s4, s6;
	s9 =	sadd.s32 $0x2000, s6;
	s1 =	sshrl.u32 s1, $0x3  }
0x7: {  	s8 =	sshll.u32 s8, $0x5;
	s1 =	sadd.s32 s1, s3;
	s3 =	ssub.s32 s7, s11  }
0x8: {  	s12 =	sadd.s32 s2, s8;
	s8 =	sadd.s32 $0x1000, s6;
	s7 =	sor.u32 $0x10, s4  }
0x9: {  	s11 =	sor.u32 s4, s9;
	[dreg:$0x5] =	wrdreg s12;
	s10 =	sor.u32 s4, s8  }
0xa: {  	s12 =	sor.u32 s6, s7;
	s13 =	sshll.u32 s11, $0x5;
	s10 =	sshll.u32 s10, $0x5  }
0xb: {  	s16 =	sor.u32 s7, s8;
	s14 =	sshll.u32 s12, $0x5;
	s10 =	sadd.s32 s2, s10  }
0xc: {  	s11 =	sshll.u32 s16, $0x5;
	s15 =	sadd.s32 s2, s14;
	[dreg:$0x6] =	wrdreg s10  }
0xd: {  	s17 =	sor.u32 s7, s9;
	s11 =	sadd.s32 s2, s11;
	[dreg:$0x8] =	wrdreg s15  }
0xe: {  	s12 =	sshll.u32 s17, $0x5;
	s10 =	sadd.s32 s2, s13;
	[dreg:$0x9] =	wrdreg s11  }
0xf: {  	s18 =	sadd.s32 s2, s12;
	[dreg:$0x7] =	wrdreg s10;
	s10 =	sor.u32 $0x20, s4  }
0x10: {  	[dreg:$0xa] =	wrdreg s18;
	s13 =	sor.u32 s6, s10  }
0x11: {  	s20 =	sor.u32 s10, s8;
	s21 =	sor.u32 s10, s9;
	s19 =	sshll.u32 s13, $0x5  }
0x12: {  	s12 =	sshll.u32 s20, $0x5;
	s22 =	sshll.u32 s21, $0x5;
	s11 =	sadd.s32 s2, s19  }
0x13: {  	s12 =	sadd.s32 s2, s12;
	[dreg:$0xb] =	wrdreg s11;
	s11 =	sor.u32 $0x30, s4  }
0x14: {  	[dreg:$0xc] =	wrdreg s12;
	s12 =	sadd.s32 s2, s22;
	s14 =	sor.u32 s6, s11  }
0x15: {  	[dreg:$0xd] =	wrdreg s12;
	s12 =	sor.u32 $0x40, s4;
	s25 =	sor.u32 s11, s8  }
0x16: {  	s26 =	sor.u32 s11, s9;
	s23 =	sshll.u32 s14, $0x5;
	s15 =	sor.u32 s6, s12  }
0x17: {  	s13 =	sshll.u32 s25, $0x5;
	s14 =	sshll.u32 s26, $0x5;
	s24 =	sadd.s32 s2, s23  }
0x18: {  	s16 =	sor.u32 s12, s8;
	s13 =	sadd.s32 s2, s13;
	[dreg:$0xe] =	wrdreg s24  }
0x19: {  	s15 =	sshll.u32 s15, $0x5;
	s14 =	sadd.s32 s2, s14;
	[dreg:$0xf] =	wrdreg s13  }
0x1a: {  	s17 =	sor.u32 s12, s9;
	[dreg:$0x10] =	wrdreg s14;
	s15 =	sadd.s32 s2, s15  }
0x1b: {  	s13 =	sor.u32 $0x50, s4;
	s14 =	sshll.u32 s16, $0x5;
	[dreg:$0x11] =	wrdreg s15  }
0x1c: {  	s15 =	sshll.u32 s17, $0x5;
	s16 =	sor.u32 s6, s13;
	s14 =	sadd.s32 s2, s14  }
0x1d: {  	s20 =	sor.u32 s13, s8;
	s21 =	sor.u32 s13, s9;
	[dreg:$0x12] =	wrdreg s14  }
0x1e: {  	s18 =	sadd.s32 s2, s15;
	s19 =	sshll.u32 s16, $0x5;
	s15 =	sshll.u32 s20, $0x5  }
0x1f: {  	s22 =	sshll.u32 s21, $0x5;
	[dreg:$0x13] =	wrdreg s18;
	s14 =	sadd.s32 s2, s19  }
0x20: {  	s15 =	sadd.s32 s2, s15;
	[dreg:$0x14] =	wrdreg s14;
	s14 =	sor.u32 $0x60, s4  }
0x21: {  	[dreg:$0x15] =	wrdreg s15;
	s15 =	sadd.s32 s2, s22;
	s17 =	sor.u32 s6, s14  }
0x22: {  	[dreg:$0x16] =	wrdreg s15;
	s15 =	sor.u32 $0x70, s4;
	s25 =	sor.u32 s14, s8  }
0x23: {  	s26 =	sor.u32 s14, s9;
	s23 =	sshll.u32 s17, $0x5;
	s18 =	sor.u32 s6, s15  }
0x24: {  	s16 =	sshll.u32 s25, $0x5;
	s17 =	sshll.u32 s26, $0x5;
	s24 =	sadd.s32 s2, s23  }
0x25: {  	s21 =	sor.u32 s15, s8;
	s16 =	sadd.s32 s2, s16;
	[dreg:$0x17] =	wrdreg s24  }
0x26: {  	s22 =	sor.u32 s15, s9;
	s19 =	sadd.s32 s2, s17;
	[dreg:$0x18] =	wrdreg s16  }
0x27: {  	s18 =	sshll.u32 s18, $0x5;
	s17 =	sshll.u32 s21, $0x5;
	[dreg:$0x19] =	wrdreg s19  }
0x28: {  	s20 =	sadd.s32 s2, s18;
	s16 =	sor.u32 $0x80, s4;
	s18 =	sshll.u32 s22, $0x5  }
0x29: {  	s17 =	sadd.s32 s2, s17;
	[dreg:$0x1a] =	wrdreg s20;
	s19 =	sor.u32 s6, s16  }
0x2a: {  	[dreg:$0x1b] =	wrdreg s17;
	s23 =	sadd.s32 s2, s18;
	s25 =	sor.u32 s16, s8  }
0x2b: {  	s26 =	sor.u32 s16, s9;
	[dreg:$0x1c] =	wrdreg s23;
	s24 =	sshll.u32 s19, $0x5  }
0x2c: {  	s18 =	sshll.u32 s25, $0x5;
	s21 =	sshll.u32 s26, $0x5;
	s17 =	sadd.s32 s2, s24  }
0x2d: {  	s18 =	sadd.s32 s2, s18;
	[dreg:$0x1d] =	wrdreg s17;
	s17 =	sor.u32 $0x90, s4  }
0x2e: {  	[dreg:$0x1e] =	wrdreg s18;
	s18 =	sadd.s32 s2, s21;
	s20 =	sor.u32 s6, s17  }
0x2f: {  	[dreg:$0x1f] =	wrdreg s18;
	s18 =	sor.u32 $0xA0, s4;
	s24 =	sor.u32 s17, s8  }
0x30: {  	s25 =	sor.u32 s17, s9;
	s22 =	sshll.u32 s20, $0x5;
	s21 =	sor.u32 s6, s18  }
0x31: {  	s19 =	sshll.u32 s24, $0x5;
	s20 =	sshll.u32 s25, $0x5;
	s23 =	sadd.s32 s2, s22  }
0x32: {  	s21 =	sshll.u32 s21, $0x5;
	s19 =	sadd.s32 s2, s19;
	[smem:$0x7C7] =	sst s23  }
0x33: {  	s26 =	sadd.s32 s2, s20;
	s22 =	sor.u32 s18, s9;
	[smem:$0x7C8] =	sst s19  }
0x34: {  	[smem:$0x7C9] =	sst s26;
	s20 =	sadd.s32 s2, s21;
	s21 =	sor.u32 s18, s8  }
0x35: {  	s19 =	sor.u32 $0xB0, s4;
	[smem:$0x7CA] =	sst s20;
	s20 =	sshll.u32 s21, $0x5  }
0x36: {  	s21 =	sshll.u32 s22, $0x5;
	s22 =	sor.u32 s6, s19;
	s25 =	sor.u32 s19, s8  }
0x37: {  	s26 =	sor.u32 s19, s9;
	s20 =	sadd.s32 s2, s20;
	s23 =	sadd.s32 s2, s21  }
0x38: {  	s24 =	sshll.u32 s22, $0x5;
	s21 =	sor.u32 $0xC0, s4;
	[smem:$0x7CB] =	sst s20  }
0x39: {  	s22 =	sshll.u32 s26, $0x5;
	[smem:$0x7CC] =	sst s23;
	s20 =	sadd.s32 s2, s24  }
0x3a: {  	s23 =	sor.u32 s6, s21;
	[smem:$0x7CD] =	sst s20;
	s20 =	sshll.u32 s25, $0x5  }
0x3b: {  	s26 =	sor.u32 s21, s9;
	s23 =	sshll.u32 s23, $0x5;
	s20 =	sadd.s32 s2, s20  }
0x3c: {  	s25 =	sor.u32 s21, s8;
	s24 =	sadd.s32 s2, s23;
	[smem:$0x7CE] =	sst s20  }
0x3d: {  	s23 =	sshll.u32 s26, $0x5;
	s20 =	sadd.s32 s2, s22;
	[smem:$0x7D0] =	sst s24  }
0x3e: {  	s22 =	sshll.u32 s25, $0x5;
	s23 =	sadd.s32 s2, s23;
	[smem:$0x7CF] =	sst s20  }
0x3f: {  	s20 =	sor.u32 $0xD0, s4;
	s22 =	sadd.s32 s2, s22;
	[smem:$0x7D2] =	sst s23  }
0x40: {  	s5 =	sshll.u32 s5, $0xC;
	s24 =	sor.u32 s6, s20;
	[smem:$0x7D1] =	sst s22  }
0x41: {  	s25 =	sor.u32 s20, s8;
	s26 =	sor.u32 s20, s9;
	s24 =	sshll.u32 s24, $0x5  }
0x42: {  	s22 =	sshll.u32 s25, $0x5;
	s23 =	sshll.u32 s26, $0x5;
	s24 =	sadd.s32 s2, s24  }
0x43: {  	s22 =	sadd.s32 s2, s22;
	[smem:$0x7D3] =	sst s24;
	s24 =	sor.u32 $0xE0, s4  }
0x44: {  	s23 =	sadd.s32 s2, s23;
	[smem:$0x7D4] =	sst s22;
	s25 =	sor.u32 s6, s24  }
0x45: {  	s7 =	sor.u32 s5, s7;
	[smem:$0x7D5] =	sst s23;
	s26 =	sshll.u32 s25, $0x5  }
0x46: {  	s23 =	sor.u32 s24, s8;
	s25 =	sor.u32 s24, s9;
	s22 =	sadd.s32 s2, s26  }
0x47: {  	[smem:$0x7D6] =	sst s22;
	s22 =	sshll.u32 s23, $0x5;
	s23 =	sshll.u32 s25, $0x5  }
0x48: {  	s25 =	sor.u32 $0xF0, s4;
	s22 =	sadd.s32 s2, s22;
	s26 =	sadd.s32 s2, s23  }
0x49: {  	s6 =	sor.u32 s6, s25;
	s8 =	sor.u32 s25, s8;
	[smem:$0x7D7] =	sst s22  }
0x4a: {  	s9 =	sor.u32 s25, s9;
	[smem:$0x7D8] =	sst s26;
	s6 =	sshll.u32 s6, $0x5  }
0x4b: {  	s23 =	sshll.u32 s8, $0x5;
	s26 =	sshll.u32 s9, $0x5;
	s8 =	sor.u32 s5, s10  }
0x4c: {  	s9 =	sor.u32 s5, s11;
	s10 =	sor.u32 s5, s12;
	s11 =	sor.u32 s5, s13  }
0x4d: {  	s12 =	sor.u32 s5, s14;
	s13 =	sor.u32 s5, s15;
	s14 =	sor.u32 s5, s16  }
0x4e: {  	s22 =	sor.u32 s5, s17;
	s15 =	sor.u32 s5, s19;
	s16 =	sor.u32 s5, s21  }
0x4f: {  	s17 =	sor.u32 s5, s20;
	s19 =	sor.u32 s5, s24;
	s20 =	rddreg [dreg:$0x1]  }
0x50: {  	s24 =	sshll.u32 s7, $0x5;
	s6 =	sadd.s32 s2, s6;
	s7 =	sshll.u32 s10, $0x5  }
0x51: {  	s21 =	sshll.u32 s22, $0x5;
	[smem:$0x7D9] =	sst s6;
	s6 =	sadd.s32 s2, s23  }
0x52: {  	s2 =	sadd.s32 s2, s26;
	s23 =	sor.u32 s5, s18;
	[smem:$0x7DA] =	sst s6  }
0x53: {  	s18 =	simm.s32 $0x0;
	s26 =	sshll.u32 s9, $0x5;
	[smem:$0x7DB] =	sst s2  }
0x54: {  	s9 =	sshll.u32 s12, $0x5;
	s22 =	sadd.s32 s20, s21;
	[smem:$0x7FF] =	sst s18  }
0x55: {  	s6 =	sor.u32 s4, s5;
	s10 =	sadd.s32 s20, s9;
	[smem:$0x7E5] =	sst s22  }
0x56: {  	s2 =	sshll.u32 s6, $0x5;
	s6 =	sadd.s32 s20, s26;
	[smem:$0x7E2] =	sst s10  }
0x57: {  	s5 =	sor.u32 s5, s25;
	s2 =	sadd.s32 s20, s2;
	[smem:$0x7DF] =	sst s6  }
0x58: {  	s25 =	sshll.u32 s8, $0x5;
	[smem:$0x7DC] =	sst s2;
	s2 =	sadd.s32 s20, s24  }
0x59: {  	[smem:$0x7DD] =	sst s2;
	s2 =	sadd.s32 s20, s25  }
0x5a: {  	s25 =	sshll.u32 s16, $0x5;
	[smem:$0x7DE] =	sst s2;
	s2 =	sadd.s32 s20, s7  }
0x5b: {  	s8 =	sshll.u32 s11, $0x5;
	s26 =	sadd.s32 s20, s25;
	[smem:$0x7E0] =	sst s2  }
0x5c: {  	s11 =	sshll.u32 s13, $0x5;
	s2 =	sadd.s32 s20, s8;
	[smem:$0x7E8] =	sst s26  }
0x5d: {  	s12 =	sshll.u32 s14, $0x5;
	[smem:$0x7E1] =	sst s2;
	s2 =	sadd.s32 s20, s11  }
0x5e: {  	s23 =	sshll.u32 s23, $0x5;
	[smem:$0x7E3] =	sst s2;
	s2 =	sadd.s32 s20, s12  }
0x5f: {  	s24 =	sshll.u32 s15, $0x5;
	[smem:$0x7E4] =	sst s2;
	s2 =	sadd.s32 s20, s23  }
0x60: {  	s4 =	sshll.u32 s17, $0x5;
	[smem:$0x7E6] =	sst s2;
	s2 =	sadd.s32 s20, s24  }
0x61: {  	[smem:$0x7E7] =	sst s2;
	s2 =	sadd.s32 s20, s4  }
0x62: {  	s6 =	sshll.u32 s19, $0x5;
	[smem:$0x7E9] =	sst s2  }
0x63: {  	s7 =	sshll.u32 s5, $0x5;
	s4 =	sadd.s32 s20, s6;
	s2 =	rddreg [dreg:$0x3]  }
0x64: {  	[smem:$0x7EA] =	sst s4;
	s4 =	sadd.s32 s20, s7  }
0x65: {  	s8 =	sadd.s32 $0x400, s1;
	[smem:$0x7EB] =	sst s4  }
0x66: {  	s9 =	smax.u32 s3, $0x1;
	_ =	strace $0x80000047;
	[smem:$0x7EC] =	sst s8  }
0x67: {  	s15 =	sadd.s32 s0, s2;
	[smem:$0x7ED] =	sst s9  }
0x68: {  	s10 =	sadd.s32 $0x1000, s15;
	[smem:$0x7FD] =	sst s15  }
0x69: {  	s11 =	sadd.s32 $0x2000, s15;
	[smem:$0x7EE] =	sst s10  }
0x6a: {  	s12 =	sadd.s32 $0x3000, s15;
	[smem:$0x7EF] =	sst s11  }
0x6b: {  	s13 =	sadd.s32 $0x4000, s15;
	[smem:$0x7F0] =	sst s12  }
0x6c: {  	s14 =	sadd.s32 $0x5000, s15;
	[smem:$0x7F1] =	sst s13  }
0x6d: {  	s28 =	simm.s32 $0x12A00;
	s16 =	sadd.s32 $0x6000, s15;
	[smem:$0x7F2] =	sst s14  }
0x6e: {  	s29 =	simm.s32 $0x14A00;
	s17 =	sadd.s32 $0x7000, s15;
	[smem:$0x7F3] =	sst s16  }
0x6f: {  	s30 =	simm.s32 $0x15A00;
	s19 =	sadd.s32 $0x8000, s15;
	[smem:$0x7F4] =	sst s17  }
0x70: {  	s31 =	simm.s32 $0x16A00;
	s20 =	sadd.s32 $0x9000, s15;
	[smem:$0x7F5] =	sst s19  }
0x71: {  	s3 =	simm.s32 $0x4;
	s21 =	sadd.s32 $0xA000, s15;
	[smem:$0x7F6] =	sst s20  }
0x72: {  	s1 =	simm.s32 $0x1AA00;
	s22 =	sadd.s32 $0xB000, s15;
	[smem:$0x7F7] =	sst s21  }
0x73: {  	s6 =	simm.s32 $0x1000;
	s23 =	sadd.s32 $0xC000, s15;
	[smem:$0x7F8] =	sst s22  }
0x74: {  	s7 =	simm.s32 $0x13A00;
	s24 =	sadd.s32 $0xD000, s15;
	[smem:$0x7F9] =	sst s23  }
0x75: {  	s0 =	simm.s32 $0x17A00;
	s25 =	sadd.s32 $0xE000, s15;
	[smem:$0x7FA] =	sst s24  }
0x76: {  	s4 =	simm.s32 $0x1;
	s26 =	sadd.s32 $0xF000, s15;
	[smem:$0x7FB] =	sst s25  }
0x77: {  	s8 =	simm.s32 $0x19A00;
	s9 =	simm.s32 $0x2;
	[smem:$0x7FC] =	sst s26  }
0x78: {  	s24 =	simm.s32 $0xFA00;
	s25 =	simm.s32 $0x10A00;
	s26 =	simm.s32 $0x11A00  }
0x79: {  	v0 =	vimm.f32 $1.000000000e+00;
	v1 =	vimm.f32 $0.0e+00;
	s10 =	simm.s32 $0x18A00;
	s11 =	simm.s32 $0x3;
	s13 =	simm.s32 $0x0  }
.LBB2_1:
0x7a: {  	s5 =	rddreg [dreg:$0x5]  }
0x7b: {  	s16 =	rddreg [dreg:$0x6]  }
0x7c: {  	[tilespmem:s24], [sflag:$0x1] =	stream.linear.gather [hbm4b:s5+s18], $0x1000, $0x38;
	[tilespmem:$0x1BA00] =	vst v63  }
0x7d: {  	s17 =	rddreg [dreg:$0x7]  }
0x7e: {  	[tilespmem:s25], [sflag:$0x1] =	stream.linear.gather [hbm4b:s16+s18], $0x1000, $0x38;
	[tilespmem:$0x1BA00] =	vst v63  }
0x7f: {  	s19 =	sld [smem:$0x7DC]  }
0x80: {  	[tilespmem:s26], [sflag:$0x1] =	stream.linear.gather [hbm4b:s17+s18], $0x1000, $0x38;
	[tilespmem:$0x1BA00] =	vst v63  }
0x81: {  	s20 =	rddreg [dreg:$0x8]  }
0x82: {  	[tilespmem:s28], [sflag:$0x1] =	stream.linear.gather [hbm4b:s19+s18], $0x1000, $0x38;
	[tilespmem:$0x1BA00] =	vst v63  }
0x83: {  	s21 =	rddreg [dreg:$0x9]  }
0x84: {  	[tilespmem:s29], [sflag:$0x2] =	stream.linear.gather [hbm4b:s20+s18], $0x1000, $0x38;
	[tilespmem:$0x1BA00] =	vst v63  }
0x85: {  	s22 =	rddreg [dreg:$0xa]  }
0x86: {  	[tilespmem:s30], [sflag:$0x2] =	stream.linear.gather [hbm4b:s21+s18], $0x1000, $0x38;
	[tilespmem:$0x1BA00] =	vst v63  }
0x87: {  	s23 =	sld [smem:$0x7DD]  }
0x88: {  	[tilespmem:s31], [sflag:$0x2] =	stream.linear.gather [hbm4b:s22+s18], $0x1000, $0x38;
	[tilespmem:$0x1BA00] =	vst v63  }
0x89: {  	s14 =	simm.s32 $0x40;
	s12 =	simm.s32 $0x0  }
0x8a: {  	[tilespmem:s0], [sflag:$0x2] =	stream.linear.gather [hbm4b:s23+s18], $0x1000, $0x38;
	[tilespmem:$0x1BA00] =	vst v63  }
.LBB2_2:
0x8b: {  	p0 =	sne.s32 s14, $0x3FC0;
	[tilespmem:s12+$0x19A00] =	vst v0;
	s5 =	smov.u32 s14;
	s14 =	sadd.s32 $0x40, s14  }
.Ltmp0:
0x8c: {  	[tilespmem:s12+$0x1AA00] =	vst v1;
	(pc) =	sbr.rel @p0 .LBB2_2-.Ltmp0, $2  }
0x8d: {  	_ =	sdelay $0x2  }
0x8e: {  	s12 =	sshra.s32 s5, $0x2  }
0x8f: {  	[tilespmem:s12+$0x19A00] =	vst v0  }
0x90: {  	[tilespmem:s12+$0x1AA00] =	vst v1;
	s5 =	sld [smem:$0x7EE]  }
0x91: {  	[spmem:s15] =	stream.linear.scatter [tilespmem:s1], [sflag:$0x4], $0x1000, $0x38;
	[tilespmem:$0x1BA00] =	vst v63  }
0x92: {  	s20 =	sld [smem:$0x7EF]  }
0x93: {  	[spmem:s5] =	stream.linear.scatter [tilespmem:s1], [sflag:$0x4], $0x1000, $0x38;
	[tilespmem:$0x1BA00] =	vst v63  }
0x94: {  	s21 =	sld [smem:$0x7F0]  }
0x95: {  	[spmem:s20] =	stream.linear.scatter [tilespmem:s1], [sflag:$0x4], $0x1000, $0x38;
	[tilespmem:$0x1BA00] =	vst v63  }
0x96: {  	s22 =	sld [smem:$0x7F1]  }
0x97: {  	[spmem:s21] =	stream.linear.scatter [tilespmem:s1], [sflag:$0x4], $0x1000, $0x38;
	[tilespmem:$0x1BA00] =	vst v63  }
0x98: {  	s23 =	sld [smem:$0x7F2]  }
0x99: {  	[spmem:s22] =	stream.linear.scatter [tilespmem:s1], [sflag:$0x4], $0x1000, $0x38;
	[tilespmem:$0x1BA00] =	vst v63  }
0x9a: {  	s12 =	sld [smem:$0x7F3]  }
0x9b: {  	[spmem:s23] =	stream.linear.scatter [tilespmem:s1], [sflag:$0x4], $0x1000, $0x38;
	[tilespmem:$0x1BA00] =	vst v63  }
0x9c: {  	s14 =	sld [smem:$0x7F4]  }
0x9d: {  	[spmem:s12] =	stream.linear.scatter [tilespmem:s1], [sflag:$0x4], $0x1000, $0x38;
	[tilespmem:$0x1BA00] =	vst v63  }
0x9e: {  	s15 =	sld [smem:$0x7F5]  }
0x9f: {  	[spmem:s14] =	stream.linear.scatter [tilespmem:s1], [sflag:$0x4], $0x1000, $0x38;
	[tilespmem:$0x1BA00] =	vst v63  }
0xa0: {  	s16 =	sld [smem:$0x7F6]  }
0xa1: {  	[spmem:s15] =	stream.linear.scatter [tilespmem:s1], [sflag:$0x4], $0x1000, $0x38;
	[tilespmem:$0x1BA00] =	vst v63  }
0xa2: {  	s17 =	sld [smem:$0x7F7]  }
0xa3: {  	[spmem:s16] =	stream.linear.scatter [tilespmem:s1], [sflag:$0x4], $0x1000, $0x38;
	[tilespmem:$0x1BA00] =	vst v63  }
0xa4: {  	s19 =	sld [smem:$0x7F8]  }
0xa5: {  	[spmem:s17] =	stream.linear.scatter [tilespmem:s1], [sflag:$0x4], $0x1000, $0x38;
	[tilespmem:$0x1BA00] =	vst v63  }
0xa6: {  	s20 =	sld [smem:$0x7F9]  }
0xa7: {  	[spmem:s19] =	stream.linear.scatter [tilespmem:s1], [sflag:$0x4], $0x1000, $0x38;
	[tilespmem:$0x1BA00] =	vst v63  }
0xa8: {  	s21 =	sld [smem:$0x7FA]  }
0xa9: {  	[spmem:s20] =	stream.linear.scatter [tilespmem:s1], [sflag:$0x4], $0x1000, $0x38;
	[tilespmem:$0x1BA00] =	vst v63  }
0xaa: {  	s22 =	sld [smem:$0x7FB]  }
0xab: {  	[spmem:s21] =	stream.linear.scatter [tilespmem:s1], [sflag:$0x4], $0x1000, $0x38;
	[tilespmem:$0x1BA00] =	vst v63  }
0xac: {  	s23 =	sld [smem:$0x7FC]  }
0xad: {  	[spmem:s22] =	stream.linear.scatter [tilespmem:s1], [sflag:$0x4], $0x1000, $0x38;
	[tilespmem:$0x1BA00] =	vst v63  }
0xae: {  	_ = 	snop  }
0xaf: {  	[spmem:s23] =	stream.linear.scatter [tilespmem:s1], [sflag:$0x4], $0xA00, $0x38;
	[tilespmem:$0x1BA00] =	vst v63  }
0xb0: {  	_ =	swait.ge [sflag:s3], $0x1000  }
0xb1: {  	[sflag:s3] =	ssyncset.done $0x0  }
0xb2: {  	[sflag:s3] =	ssyncadd.s32 $0xFFFFF000  }
0xb3: {  	_ =	swait.ge [sflag:s3], $0x1000  }
0xb4: {  	[sflag:s3] =	ssyncset.done $0x0  }
0xb5: {  	[sflag:s3] =	ssyncadd.s32 $0xFFFFF000  }
0xb6: {  	_ =	swait.ge [sflag:s3], $0x1000  }
0xb7: {  	[sflag:s3] =	ssyncset.done $0x0  }
0xb8: {  	[sflag:s3] =	ssyncadd.s32 $0xFFFFF000  }
0xb9: {  	_ =	swait.ge [sflag:s3], $0x1000  }
0xba: {  	[sflag:s3] =	ssyncset.done $0x0  }
0xbb: {  	[sflag:s3] =	ssyncadd.s32 $0xFFFFF000  }
0xbc: {  	_ =	swait.ge [sflag:s3], $0x1000  }
0xbd: {  	[sflag:s3] =	ssyncset.done $0x0  }
0xbe: {  	[sflag:s3] =	ssyncadd.s32 $0xFFFFF000  }
0xbf: {  	_ =	swait.ge [sflag:s3], $0x1000  }
0xc0: {  	[sflag:s3] =	ssyncset.done $0x0  }
0xc1: {  	[sflag:s3] =	ssyncadd.s32 $0xFFFFF000  }
0xc2: {  	_ =	swait.ge [sflag:s3], $0x1000  }
0xc3: {  	[sflag:s3] =	ssyncset.done $0x0  }
0xc4: {  	[sflag:s3] =	ssyncadd.s32 $0xFFFFF000  }
0xc5: {  	_ =	swait.ge [sflag:s3], $0x1000  }
0xc6: {  	[sflag:s3] =	ssyncset.done $0x0  }
0xc7: {  	[sflag:s3] =	ssyncadd.s32 $0xFFFFF000  }
0xc8: {  	_ =	swait.ge [sflag:s3], $0x1000  }
0xc9: {  	[sflag:s3] =	ssyncset.done $0x0  }
0xca: {  	[sflag:s3] =	ssyncadd.s32 $0xFFFFF000  }
0xcb: {  	_ =	swait.ge [sflag:s3], $0x1000  }
0xcc: {  	[sflag:s3] =	ssyncset.done $0x0  }
0xcd: {  	[sflag:s3] =	ssyncadd.s32 $0xFFFFF000  }
0xce: {  	_ =	swait.ge [sflag:s3], $0x1000  }
0xcf: {  	[sflag:s3] =	ssyncset.done $0x0  }
0xd0: {  	[sflag:s3] =	ssyncadd.s32 $0xFFFFF000  }
0xd1: {  	_ =	swait.ge [sflag:s3], $0x1000  }
0xd2: {  	[sflag:s3] =	ssyncset.done $0x0  }
0xd3: {  	[sflag:s3] =	ssyncadd.s32 $0xFFFFF000  }
0xd4: {  	_ =	swait.ge [sflag:s3], $0x1000  }
0xd5: {  	[sflag:s3] =	ssyncset.done $0x0  }
0xd6: {  	[sflag:s3] =	ssyncadd.s32 $0xFFFFF000  }
0xd7: {  	_ =	swait.ge [sflag:s3], $0x1000  }
0xd8: {  	[sflag:s3] =	ssyncset.done $0x0  }
0xd9: {  	[sflag:s3] =	ssyncadd.s32 $0xFFFFF000  }
0xda: {  	_ =	swait.ge [sflag:s3], $0x1000  }
0xdb: {  	[sflag:s3] =	ssyncset.done $0x0  }
0xdc: {  	[sflag:s3] =	ssyncadd.s32 $0xFFFFF000  }
0xdd: {  	_ =	swait.ge [sflag:s3], $0xA00  }
0xde: {  	[sflag:s3] =	ssyncset.done $0x0  }
0xdf: {  	[sflag:s3] =	ssyncadd.s32 $0xFFFFF600  }
0xe0: {  	[bflag:$0x0] =	sbarrier.arrive $0xFFFF  }
0xe1: {  	_ =	swait.ge [sflag:s4], $0x1000  }
0xe2: {  	[sflag:s4] =	ssyncset.done $0x0  }
0xe3: {  	[sflag:s4] =	ssyncadd.s32 $0xFFFFF000  }
0xe4: {  	_ =	swait.ge [sflag:s4], $0x1000  }
0xe5: {  	[sflag:s4] =	ssyncset.done $0x0  }
0xe6: {  	[sflag:s4] =	ssyncadd.s32 $0xFFFFF000  }
0xe7: {  	_ =	swait.ge [sflag:s4], $0x1000  }
0xe8: {  	[sflag:s4] =	ssyncset.done $0x0  }
0xe9: {  	[sflag:s4] =	ssyncadd.s32 $0xFFFFF000  }
0xea: {  	_ =	swait.ge [sflag:s4], $0x1000  }
0xeb: {  	[sflag:s4] =	ssyncset.done $0x0  }
0xec: {  	s14 =	simm.s32 $0x0;
	s15 =	simm.s32 $0x0;
	[sflag:s4] =	ssyncadd.s32 $0xFFFFF000  }
.LBB2_4:
0xed: {  	s5 =	sshll.u32 s15, $0x8;
	s12 =	sshll.u32 s15, $0x7  }
0xee: {  	s16 =	sand.u32 $0x800, s5;
	s12 =	sand.u32 $0x380, s12  }
0xef: {  	s23 =	sand.u32 $0x400, s14;
	s19 =	sor.u32 s16, s12  }
0xf0: {  	s20 =	sand.u32 $0x70, s14;
	s12 =	sor.u32 s23, s19  }
0xf1: {  	s12 =	sor.u32 s20, s12  }
0xf2: {  	v2 =	vld [tilespmem:s12+$0xFA00]  }
0xf3: {  	v3 =	vld [tilespmem:s12+$0x10A00]  }
0xf4: {  	v4 =	vld [tilespmem:s12+$0x11A00];
	_ =	sdelay $0x2  }
0xf5: {  	v2 =	vmax.f32 v2, $-9.999998800e-01  }
0xf6: {  	v3 =	vmax.f32 v3, $-9.999998800e-01;
	v2 =	vmin.f32 v2, $9.999998800e-01  }
0xf7: {  	v4 =	vmax.f32 v4, $-9.999998800e-01;
	v3 =	vmin.f32 v3, $9.999998800e-01;
	v2 =	vadd.f32 $1.000000000e+00, v2  }
0xf8: {  	v4 =	vmin.f32 v4, $9.999998800e-01;
	v3 =	vadd.f32 $1.000000000e+00, v3  }
0xf9: {  	v5 =	vld [tilespmem:s12+$0x12A00];
	v4 =	vadd.f32 $1.000000000e+00, v4;
	v2 =	vmul.f32 $4.000000000e+00, v2  }
0xfa: {  	v3 =	vmul.f32 $4.000000000e+00, v3  }
0xfb: {  	v4 =	vmul.f32 $4.000000000e+00, v4;
	v2 =	vtrunc.f32 v2  }
0xfc: {  	v3 =	vtrunc.f32 v3;
	v2 =	vcvt.f32.s32 v2  }
0xfd: {  	v3 =	vcvt.f32.s32 v3  }
0xfe: {  	s17 =	simm.s32 $0x10;
	s21 =	simm.s32 $0x80;
	s5 =	sand.u32 $0x3FFFFF00, s5;
	v5 =	vshll.u32 v5, $0x9;
	v4 =	vtrunc.f32 v4;
	v2 =	vshll.u32 v2, $0x6  }
0xff: {  	s22 =	sand.u32 $0x70, s17;
	s16 =	sadd.s32 $0x13A00, s5;
	s5 =	sand.u32 $0x80, s14;
	v3 =	vshll.u32 v3, $0x3;
	v5 =	vadd.s32 v5, v2;
	v2 =	vcvt.f32.s32 v4  }
0x100: {  	s23 =	simm.s32 $0x20;
	s5 =	sadd.s32 s5, s16;
	s12 =	sand.u32 $0x400, s21;
	v3 =	vadd.s32 v3, v5  }
.LBB2_5:
0x101: {  	p0 =	sne.s32 s23, $0xF0;
	s12 =	sor.u32 s12, s19;
	v2 =	vadd.s32 v2, v3;
	s5 =	sadd.s32 s20, s5  }
0x102: {  	s20 =	smov.u32 s22;
	s12 =	sor.u32 s22, s12;
	[tilespmem:s5+$0x0] =	vst v2;
	s5 =	smov.u32 s17  }
0x103: {  	s17 =	smov.u32 s23;
	v2 =	vld [tilespmem:s12+$0xFA00]  }
0x104: {  	v3 =	vld [tilespmem:s12+$0x10A00]  }
0x105: {  	v4 =	vld [tilespmem:s12+$0x11A00];
	_ =	sdelay $0x2  }
0x106: {  	v2 =	vmax.f32 v2, $-9.999998800e-01  }
0x107: {  	v2 =	vmin.f32 v2, $9.999998800e-01;
	v3 =	vmax.f32 v3, $-9.999998800e-01  }
0x108: {  	v2 =	vadd.f32 $1.000000000e+00, v2;
	v3 =	vmin.f32 v3, $9.999998800e-01;
	v4 =	vmax.f32 v4, $-9.999998800e-01  }
0x109: {  	v3 =	vadd.f32 $1.000000000e+00, v3;
	v4 =	vmin.f32 v4, $9.999998800e-01  }
0x10a: {  	v5 =	vld [tilespmem:s12+$0x12A00];
	v2 =	vmul.f32 $4.000000000e+00, v2;
	v4 =	vadd.f32 $1.000000000e+00, v4  }
0x10b: {  	v3 =	vmul.f32 $4.000000000e+00, v3  }
0x10c: {  	v2 =	vtrunc.f32 v2;
	v4 =	vmul.f32 $4.000000000e+00, v4  }
.Ltmp1:
0x10d: {  	v2 =	vcvt.f32.s32 v2;
	v3 =	vtrunc.f32 v3;
	(pc) =	sbr.rel @p0 .LBB2_5-.Ltmp1, $4  }
0x10e: {  	v3 =	vcvt.f32.s32 v3  }
0x10f: {  	v4 =	vtrunc.f32 v4;
	v5 =	vshll.u32 v5, $0x9;
	v2 =	vshll.u32 v2, $0x6  }
0x110: {  	s21 =	sadd.s32 $0x80, s21;
	s22 =	sand.u32 $0x70, s23;
	s5 =	sand.u32 $0x80, s5;
	v5 =	vadd.s32 v5, v2;
	v3 =	vshll.u32 v3, $0x3;
	v2 =	vcvt.f32.s32 v4  }
0x111: {  	s23 =	sadd.s32 $0x10, s23;
	s5 =	sadd.s32 s5, s16;
	s12 =	sand.u32 $0x400, s21;
	v3 =	vadd.s32 v3, v5  }
0x112: {  	s12 =	sor.u32 s12, s19;
	v2 =	vadd.s32 v2, v3;
	s5 =	sadd.s32 s20, s5  }
0x113: {  	s12 =	sor.u32 s22, s12;
	[tilespmem:s5+$0x0] =	vst v2  }
0x114: {  	v2 =	vld [tilespmem:s12+$0xFA00]  }
0x115: {  	v3 =	vld [tilespmem:s12+$0x10A00]  }
0x116: {  	v4 =	vld [tilespmem:s12+$0x11A00];
	_ =	sdelay $0x2  }
0x117: {  	v2 =	vmax.f32 v2, $-9.999998800e-01  }
0x118: {  	v3 =	vmax.f32 v3, $-9.999998800e-01;
	v2 =	vmin.f32 v2, $9.999998800e-01  }
0x119: {  	v4 =	vmax.f32 v4, $-9.999998800e-01;
	v3 =	vmin.f32 v3, $9.999998800e-01;
	v2 =	vadd.f32 $1.000000000e+00, v2  }
0x11a: {  	v4 =	vmin.f32 v4, $9.999998800e-01;
	v3 =	vadd.f32 $1.000000000e+00, v3  }
0x11b: {  	v5 =	vld [tilespmem:s12+$0x12A00];
	v4 =	vadd.f32 $1.000000000e+00, v4;
	v2 =	vmul.f32 $4.000000000e+00, v2  }
0x11c: {  	v3 =	vmul.f32 $4.000000000e+00, v3  }
0x11d: {  	v4 =	vmul.f32 $4.000000000e+00, v4;
	v2 =	vtrunc.f32 v2  }
0x11e: {  	s15 =	sadd.s32 $0x1, s15;
	v3 =	vtrunc.f32 v3;
	v2 =	vcvt.f32.s32 v2  }
0x11f: {  	p0 =	sne.s32 s15, $0x10;
	v3 =	vcvt.f32.s32 v3  }
.Ltmp2:
0x120: {  	v5 =	vshll.u32 v5, $0x9;
	v4 =	vtrunc.f32 v4;
	v2 =	vshll.u32 v2, $0x6;
	(pc) =	sbr.rel @p0 .LBB2_4-.Ltmp2, $4  }
0x121: {  	s23 =	sand.u32 $0x80, s17;
	v4 =	vcvt.f32.s32 v4;
	v3 =	vshll.u32 v3, $0x3;
	v2 =	vadd.s32 v5, v2  }
0x122: {  	s5 =	sadd.s32 s23, s16;
	v2 =	vadd.s32 v3, v2  }
0x123: {  	s5 =	sadd.s32 s22, s5;
	v2 =	vadd.s32 v4, v2  }
0x124: {  	[tilespmem:s5+$0x0] =	vst v2  }
0x125: {  	[spmem:s2] =	stream.indirect.scatter.add.f32 [tilespmem:s8], [sflag:$0x3], $0x1, s7, s6, $0xb8;
	[tilespmem:$0x1BA00] =	vst v63  }
0x126: {  	s5 =	rddreg [dreg:$0xb]  }
0x127: {  	s14 =	simm.s32 $0x0;
	s21 =	rddreg [dreg:$0xc]  }
0x128: {  	[tilespmem:s24], [sflag:$0x1] =	stream.linear.gather [hbm4b:s5+s14], $0x1000, $0x38;
	[tilespmem:$0x1BA00] =	vst v63  }
0x129: {  	s22 =	rddreg [dreg:$0xd]  }
0x12a: {  	[tilespmem:s25], [sflag:$0x1] =	stream.linear.gather [hbm4b:s21+s14], $0x1000, $0x38;
	[tilespmem:$0x1BA00] =	vst v63  }
0x12b: {  	s23 =	sld [smem:$0x7DE]  }
0x12c: {  	[tilespmem:s26], [sflag:$0x1] =	stream.linear.gather [hbm4b:s22+s14], $0x1000, $0x38;
	[tilespmem:$0x1BA00] =	vst v63  }
0x12d: {  	_ = 	snop  }
0x12e: {  	[tilespmem:s28], [sflag:$0x1] =	stream.linear.gather [hbm4b:s23+s14], $0x1000, $0x38;
	[tilespmem:$0x1BA00] =	vst v63  }
0x12f: {  	_ =	swait.ge [sflag:s9], $0x1000  }
0x130: {  	[sflag:s9] =	ssyncset.done $0x0  }
0x131: {  	[sflag:s9] =	ssyncadd.s32 $0xFFFFF000  }
0x132: {  	_ =	swait.ge [sflag:s9], $0x1000  }
0x133: {  	[sflag:s9] =	ssyncset.done $0x0  }
0x134: {  	[sflag:s9] =	ssyncadd.s32 $0xFFFFF000  }
0x135: {  	_ =	swait.ge [sflag:s9], $0x1000  }
0x136: {  	[sflag:s9] =	ssyncset.done $0x0  }
0x137: {  	[sflag:s9] =	ssyncadd.s32 $0xFFFFF000  }
0x138: {  	_ =	swait.ge [sflag:s9], $0x1000  }
0x139: {  	[sflag:s9] =	ssyncset.done $0x0  }
0x13a: {  	s15 =	simm.s32 $0x0;
	[sflag:s9] =	ssyncadd.s32 $0xFFFFF000  }
.LBB2_8:
0x13b: {  	s5 =	sshll.u32 s15, $0x8;
	s12 =	sshll.u32 s15, $0x7  }
0x13c: {  	s16 =	sand.u32 $0x800, s5;
	s12 =	sand.u32 $0x380, s12  }
0x13d: {  	s23 =	sand.u32 $0x400, s14;
	s19 =	sor.u32 s16, s12  }
0x13e: {  	s20 =	sand.u32 $0x70, s14;
	s12 =	sor.u32 s23, s19  }
0x13f: {  	s12 =	sor.u32 s20, s12  }
0x140: {  	v2 =	vld [tilespmem:s12+$0x14A00]  }
0x141: {  	v3 =	vld [tilespmem:s12+$0x15A00]  }
0x142: {  	v4 =	vld [tilespmem:s12+$0x16A00];
	_ =	sdelay $0x2  }
0x143: {  	v2 =	vmax.f32 v2, $-9.999998800e-01  }
0x144: {  	v3 =	vmax.f32 v3, $-9.999998800e-01;
	v2 =	vmin.f32 v2, $9.999998800e-01  }
0x145: {  	v4 =	vmax.f32 v4, $-9.999998800e-01;
	v3 =	vmin.f32 v3, $9.999998800e-01;
	v2 =	vadd.f32 $1.000000000e+00, v2  }
0x146: {  	v4 =	vmin.f32 v4, $9.999998800e-01;
	v3 =	vadd.f32 $1.000000000e+00, v3  }
0x147: {  	v5 =	vld [tilespmem:s12+$0x17A00];
	v4 =	vadd.f32 $1.000000000e+00, v4;
	v2 =	vmul.f32 $4.000000000e+00, v2  }
0x148: {  	v3 =	vmul.f32 $4.000000000e+00, v3  }
0x149: {  	v4 =	vmul.f32 $4.000000000e+00, v4;
	v2 =	vtrunc.f32 v2  }
0x14a: {  	v3 =	vtrunc.f32 v3;
	v2 =	vcvt.f32.s32 v2  }
0x14b: {  	v3 =	vcvt.f32.s32 v3  }
0x14c: {  	s17 =	simm.s32 $0x10;
	s21 =	simm.s32 $0x80;
	s5 =	sand.u32 $0x3FFFFF00, s5;
	v5 =	vshll.u32 v5, $0x9;
	v4 =	vtrunc.f32 v4;
	v2 =	vshll.u32 v2, $0x6  }
0x14d: {  	s22 =	sand.u32 $0x70, s17;
	s16 =	sadd.s32 $0x18A00, s5;
	s5 =	sand.u32 $0x80, s14;
	v3 =	vshll.u32 v3, $0x3;
	v5 =	vadd.s32 v5, v2;
	v2 =	vcvt.f32.s32 v4  }
0x14e: {  	s23 =	simm.s32 $0x20;
	s5 =	sadd.s32 s5, s16;
	s12 =	sand.u32 $0x400, s21;
	v3 =	vadd.s32 v3, v5  }
.LBB2_9:
0x14f: {  	p0 =	sne.s32 s23, $0xF0;
	s12 =	sor.u32 s12, s19;
	v2 =	vadd.s32 v2, v3;
	s5 =	sadd.s32 s20, s5  }
0x150: {  	s20 =	smov.u32 s22;
	s12 =	sor.u32 s22, s12;
	[tilespmem:s5+$0x0] =	vst v2;
	s5 =	smov.u32 s17  }
0x151: {  	s17 =	smov.u32 s23;
	v2 =	vld [tilespmem:s12+$0x14A00]  }
0x152: {  	v3 =	vld [tilespmem:s12+$0x15A00]  }
0x153: {  	v4 =	vld [tilespmem:s12+$0x16A00];
	_ =	sdelay $0x2  }
0x154: {  	v2 =	vmax.f32 v2, $-9.999998800e-01  }
0x155: {  	v2 =	vmin.f32 v2, $9.999998800e-01;
	v3 =	vmax.f32 v3, $-9.999998800e-01  }
0x156: {  	v2 =	vadd.f32 $1.000000000e+00, v2;
	v3 =	vmin.f32 v3, $9.999998800e-01;
	v4 =	vmax.f32 v4, $-9.999998800e-01  }
0x157: {  	v3 =	vadd.f32 $1.000000000e+00, v3;
	v4 =	vmin.f32 v4, $9.999998800e-01  }
0x158: {  	v5 =	vld [tilespmem:s12+$0x17A00];
	v2 =	vmul.f32 $4.000000000e+00, v2;
	v4 =	vadd.f32 $1.000000000e+00, v4  }
0x159: {  	v3 =	vmul.f32 $4.000000000e+00, v3  }
0x15a: {  	v2 =	vtrunc.f32 v2;
	v4 =	vmul.f32 $4.000000000e+00, v4  }
.Ltmp3:
0x15b: {  	v2 =	vcvt.f32.s32 v2;
	v3 =	vtrunc.f32 v3;
	(pc) =	sbr.rel @p0 .LBB2_9-.Ltmp3, $4  }
0x15c: {  	v3 =	vcvt.f32.s32 v3  }
0x15d: {  	v4 =	vtrunc.f32 v4;
	v5 =	vshll.u32 v5, $0x9;
	v2 =	vshll.u32 v2, $0x6  }
0x15e: {  	s21 =	sadd.s32 $0x80, s21;
	s22 =	sand.u32 $0x70, s23;
	s5 =	sand.u32 $0x80, s5;
	v5 =	vadd.s32 v5, v2;
	v3 =	vshll.u32 v3, $0x3;
	v2 =	vcvt.f32.s32 v4  }
0x15f: {  	s23 =	sadd.s32 $0x10, s23;
	s5 =	sadd.s32 s5, s16;
	s12 =	sand.u32 $0x400, s21;
	v3 =	vadd.s32 v3, v5  }
0x160: {  	s12 =	sor.u32 s12, s19;
	v2 =	vadd.s32 v2, v3;
	s5 =	sadd.s32 s20, s5  }
0x161: {  	s12 =	sor.u32 s22, s12;
	[tilespmem:s5+$0x0] =	vst v2  }
0x162: {  	v2 =	vld [tilespmem:s12+$0x14A00]  }
0x163: {  	v3 =	vld [tilespmem:s12+$0x15A00]  }
0x164: {  	v4 =	vld [tilespmem:s12+$0x16A00];
	_ =	sdelay $0x2  }
0x165: {  	v2 =	vmax.f32 v2, $-9.999998800e-01  }
0x166: {  	v3 =	vmax.f32 v3, $-9.999998800e-01;
	v2 =	vmin.f32 v2, $9.999998800e-01  }
0x167: {  	v4 =	vmax.f32 v4, $-9.999998800e-01;
	v3 =	vmin.f32 v3, $9.999998800e-01;
	v2 =	vadd.f32 $1.000000000e+00, v2  }
0x168: {  	v4 =	vmin.f32 v4, $9.999998800e-01;
	v3 =	vadd.f32 $1.000000000e+00, v3  }
0x169: {  	v5 =	vld [tilespmem:s12+$0x17A00];
	v4 =	vadd.f32 $1.000000000e+00, v4;
	v2 =	vmul.f32 $4.000000000e+00, v2  }
0x16a: {  	v3 =	vmul.f32 $4.000000000e+00, v3  }
0x16b: {  	v4 =	vmul.f32 $4.000000000e+00, v4;
	v2 =	vtrunc.f32 v2  }
0x16c: {  	s15 =	sadd.s32 $0x1, s15;
	v3 =	vtrunc.f32 v3;
	v2 =	vcvt.f32.s32 v2  }
0x16d: {  	p0 =	sne.s32 s15, $0x10;
	v3 =	vcvt.f32.s32 v3  }
.Ltmp4:
0x16e: {  	v5 =	vshll.u32 v5, $0x9;
	v4 =	vtrunc.f32 v4;
	v2 =	vshll.u32 v2, $0x6;
	(pc) =	sbr.rel @p0 .LBB2_8-.Ltmp4, $4  }
0x16f: {  	s23 =	sand.u32 $0x80, s17;
	v4 =	vcvt.f32.s32 v4;
	v3 =	vshll.u32 v3, $0x3;
	v2 =	vadd.s32 v5, v2  }
0x170: {  	s5 =	sadd.s32 s23, s16;
	v2 =	vadd.s32 v3, v2  }
0x171: {  	s5 =	sadd.s32 s22, s5;
	v2 =	vadd.s32 v4, v2  }
0x172: {  	[tilespmem:s5+$0x0] =	vst v2  }
0x173: {  	[spmem:s2] =	stream.indirect.scatter.add.f32 [tilespmem:s8], [sflag:$0x3], $0x1, s10, s6, $0xb8;
	[tilespmem:$0x1BA00] =	vst v63  }
0x174: {  	s5 =	rddreg [dreg:$0xe]  }
0x175: {  	s14 =	simm.s32 $0x0;
	s21 =	rddreg [dreg:$0xf]  }
0x176: {  	[tilespmem:s29], [sflag:$0x2] =	stream.linear.gather [hbm4b:s5+s14], $0x1000, $0x38;
	[tilespmem:$0x1BA00] =	vst v63  }
0x177: {  	s22 =	rddreg [dreg:$0x10]  }
0x178: {  	[tilespmem:s30], [sflag:$0x2] =	stream.linear.gather [hbm4b:s21+s14], $0x1000, $0x38;
	[tilespmem:$0x1BA00] =	vst v63  }
0x179: {  	s23 =	sld [smem:$0x7DF]  }
0x17a: {  	[tilespmem:s31], [sflag:$0x2] =	stream.linear.gather [hbm4b:s22+s14], $0x1000, $0x38;
	[tilespmem:$0x1BA00] =	vst v63  }
0x17b: {  	_ = 	snop  }
0x17c: {  	[tilespmem:s0], [sflag:$0x2] =	stream.linear.gather [hbm4b:s23+s14], $0x1000, $0x38;
	[tilespmem:$0x1BA00] =	vst v63  }
0x17d: {  	_ =	swait.ge [sflag:s4], $0x1000  }
0x17e: {  	[sflag:s4] =	ssyncset.done $0x0  }
0x17f: {  	[sflag:s4] =	ssyncadd.s32 $0xFFFFF000  }
0x180: {  	_ =	swait.ge [sflag:s4], $0x1000  }
0x181: {  	[sflag:s4] =	ssyncset.done $0x0  }
0x182: {  	[sflag:s4] =	ssyncadd.s32 $0xFFFFF000  }
0x183: {  	_ =	swait.ge [sflag:s4], $0x1000  }
0x184: {  	[sflag:s4] =	ssyncset.done $0x0  }
0x185: {  	[sflag:s4] =	ssyncadd.s32 $0xFFFFF000  }
0x186: {  	_ =	swait.ge [sflag:s4], $0x1000  }
0x187: {  	[sflag:s4] =	ssyncset.done $0x0  }
0x188: {  	[sflag:s4] =	ssyncadd.s32 $0xFFFFF000  }
0x189: {  	_ =	swait.ge [sflag:s11], $0x1000  }
0x18a: {  	[sflag:s11] =	ssyncset.done $0x0  }
0x18b: {  	s15 =	simm.s32 $0x0;
	[sflag:s11] =	ssyncadd.s32 $0xFFFFF000  }
.LBB2_12:
0x18c: {  	s5 =	sshll.u32 s15, $0x8;
	s12 =	sshll.u32 s15, $0x7  }
0x18d: {  	s16 =	sand.u32 $0x800, s5;
	s12 =	sand.u32 $0x380, s12  }
0x18e: {  	s23 =	sand.u32 $0x400, s14;
	s19 =	sor.u32 s16, s12  }
0x18f: {  	s20 =	sand.u32 $0x70, s14;
	s12 =	sor.u32 s23, s19  }
0x190: {  	s12 =	sor.u32 s20, s12  }
0x191: {  	v2 =	vld [tilespmem:s12+$0xFA00]  }
0x192: {  	v3 =	vld [tilespmem:s12+$0x10A00]  }
0x193: {  	v4 =	vld [tilespmem:s12+$0x11A00];
	_ =	sdelay $0x2  }
0x194: {  	v2 =	vmax.f32 v2, $-9.999998800e-01  }
0x195: {  	v3 =	vmax.f32 v3, $-9.999998800e-01;
	v2 =	vmin.f32 v2, $9.999998800e-01  }
0x196: {  	v4 =	vmax.f32 v4, $-9.999998800e-01;
	v3 =	vmin.f32 v3, $9.999998800e-01;
	v2 =	vadd.f32 $1.000000000e+00, v2  }
0x197: {  	v4 =	vmin.f32 v4, $9.999998800e-01;
	v3 =	vadd.f32 $1.000000000e+00, v3  }
0x198: {  	v5 =	vld [tilespmem:s12+$0x12A00];
	v4 =	vadd.f32 $1.000000000e+00, v4;
	v2 =	vmul.f32 $4.000000000e+00, v2  }
0x199: {  	v3 =	vmul.f32 $4.000000000e+00, v3  }
0x19a: {  	v4 =	vmul.f32 $4.000000000e+00, v4;
	v2 =	vtrunc.f32 v2  }
0x19b: {  	v3 =	vtrunc.f32 v3;
	v2 =	vcvt.f32.s32 v2  }
0x19c: {  	v3 =	vcvt.f32.s32 v3  }
0x19d: {  	s17 =	simm.s32 $0x10;
	s21 =	simm.s32 $0x80;
	s5 =	sand.u32 $0x3FFFFF00, s5;
	v5 =	vshll.u32 v5, $0x9;
	v4 =	vtrunc.f32 v4;
	v2 =	vshll.u32 v2, $0x6  }
0x19e: {  	s22 =	sand.u32 $0x70, s17;
	s16 =	sadd.s32 $0x13A00, s5;
	s5 =	sand.u32 $0x80, s14;
	v3 =	vshll.u32 v3, $0x3;
	v5 =	vadd.s32 v5, v2;
	v2 =	vcvt.f32.s32 v4  }
0x19f: {  	s23 =	simm.s32 $0x20;
	s5 =	sadd.s32 s5, s16;
	s12 =	sand.u32 $0x400, s21;
	v3 =	vadd.s32 v3, v5  }
.LBB2_13:
0x1a0: {  	p0 =	sne.s32 s23, $0xF0;
	s12 =	sor.u32 s12, s19;
	v2 =	vadd.s32 v2, v3;
	s5 =	sadd.s32 s20, s5  }
0x1a1: {  	s20 =	smov.u32 s22;
	s12 =	sor.u32 s22, s12;
	[tilespmem:s5+$0x0] =	vst v2;
	s5 =	smov.u32 s17  }
0x1a2: {  	s17 =	smov.u32 s23;
	v2 =	vld [tilespmem:s12+$0xFA00]  }
0x1a3: {  	v3 =	vld [tilespmem:s12+$0x10A00]  }
0x1a4: {  	v4 =	vld [tilespmem:s12+$0x11A00];
	_ =	sdelay $0x2  }
0x1a5: {  	v2 =	vmax.f32 v2, $-9.999998800e-01  }
0x1a6: {  	v2 =	vmin.f32 v2, $9.999998800e-01;
	v3 =	vmax.f32 v3, $-9.999998800e-01  }
0x1a7: {  	v2 =	vadd.f32 $1.000000000e+00, v2;
	v3 =	vmin.f32 v3, $9.999998800e-01;
	v4 =	vmax.f32 v4, $-9.999998800e-01  }
0x1a8: {  	v3 =	vadd.f32 $1.000000000e+00, v3;
	v4 =	vmin.f32 v4, $9.999998800e-01  }
0x1a9: {  	v5 =	vld [tilespmem:s12+$0x12A00];
	v2 =	vmul.f32 $4.000000000e+00, v2;
	v4 =	vadd.f32 $1.000000000e+00, v4  }
0x1aa: {  	v3 =	vmul.f32 $4.000000000e+00, v3  }
0x1ab: {  	v2 =	vtrunc.f32 v2;
	v4 =	vmul.f32 $4.000000000e+00, v4  }
.Ltmp5:
0x1ac: {  	v2 =	vcvt.f32.s32 v2;
	v3 =	vtrunc.f32 v3;
	(pc) =	sbr.rel @p0 .LBB2_13-.Ltmp5, $4  }
0x1ad: {  	v3 =	vcvt.f32.s32 v3  }
0x1ae: {  	v4 =	vtrunc.f32 v4;
	v5 =	vshll.u32 v5, $0x9;
	v2 =	vshll.u32 v2, $0x6  }
0x1af: {  	s21 =	sadd.s32 $0x80, s21;
	s22 =	sand.u32 $0x70, s23;
	s5 =	sand.u32 $0x80, s5;
	v5 =	vadd.s32 v5, v2;
	v3 =	vshll.u32 v3, $0x3;
	v2 =	vcvt.f32.s32 v4  }
0x1b0: {  	s23 =	sadd.s32 $0x10, s23;
	s5 =	sadd.s32 s5, s16;
	s12 =	sand.u32 $0x400, s21;
	v3 =	vadd.s32 v3, v5  }
0x1b1: {  	s12 =	sor.u32 s12, s19;
	v2 =	vadd.s32 v2, v3;
	s5 =	sadd.s32 s20, s5  }
0x1b2: {  	s12 =	sor.u32 s22, s12;
	[tilespmem:s5+$0x0] =	vst v2  }
0x1b3: {  	v2 =	vld [tilespmem:s12+$0xFA00]  }
0x1b4: {  	v3 =	vld [tilespmem:s12+$0x10A00]  }
0x1b5: {  	v4 =	vld [tilespmem:s12+$0x11A00];
	_ =	sdelay $0x2  }
0x1b6: {  	v2 =	vmax.f32 v2, $-9.999998800e-01  }
0x1b7: {  	v3 =	vmax.f32 v3, $-9.999998800e-01;
	v2 =	vmin.f32 v2, $9.999998800e-01  }
0x1b8: {  	v4 =	vmax.f32 v4, $-9.999998800e-01;
	v3 =	vmin.f32 v3, $9.999998800e-01;
	v2 =	vadd.f32 $1.000000000e+00, v2  }
0x1b9: {  	v4 =	vmin.f32 v4, $9.999998800e-01;
	v3 =	vadd.f32 $1.000000000e+00, v3  }
0x1ba: {  	v5 =	vld [tilespmem:s12+$0x12A00];
	v4 =	vadd.f32 $1.000000000e+00, v4;
	v2 =	vmul.f32 $4.000000000e+00, v2  }
0x1bb: {  	v3 =	vmul.f32 $4.000000000e+00, v3  }
0x1bc: {  	v4 =	vmul.f32 $4.000000000e+00, v4;
	v2 =	vtrunc.f32 v2  }
0x1bd: {  	s15 =	sadd.s32 $0x1, s15;
	v3 =	vtrunc.f32 v3;
	v2 =	vcvt.f32.s32 v2  }
0x1be: {  	p0 =	sne.s32 s15, $0x10;
	v3 =	vcvt.f32.s32 v3  }
.Ltmp6:
0x1bf: {  	v5 =	vshll.u32 v5, $0x9;
	v4 =	vtrunc.f32 v4;
	v2 =	vshll.u32 v2, $0x6;
	(pc) =	sbr.rel @p0 .LBB2_12-.Ltmp6, $4  }
0x1c0: {  	s23 =	sand.u32 $0x80, s17;
	v4 =	vcvt.f32.s32 v4;
	v3 =	vshll.u32 v3, $0x3;
	v2 =	vadd.s32 v5, v2  }
0x1c1: {  	s5 =	sadd.s32 s23, s16;
	v2 =	vadd.s32 v3, v2  }
0x1c2: {  	s5 =	sadd.s32 s22, s5;
	v2 =	vadd.s32 v4, v2  }
0x1c3: {  	[tilespmem:s5+$0x0] =	vst v2  }
0x1c4: {  	[spmem:s2] =	stream.indirect.scatter.add.f32 [tilespmem:s8], [sflag:$0x3], $0x1, s7, s6, $0xb8;
	[tilespmem:$0x1BA00] =	vst v63  }
0x1c5: {  	s5 =	rddreg [dreg:$0x11]  }
0x1c6: {  	s14 =	simm.s32 $0x0;
	s21 =	rddreg [dreg:$0x12]  }
0x1c7: {  	[tilespmem:s24], [sflag:$0x1] =	stream.linear.gather [hbm4b:s5+s14], $0x1000, $0x38;
	[tilespmem:$0x1BA00] =	vst v63  }
0x1c8: {  	s22 =	rddreg [dreg:$0x13]  }
0x1c9: {  	[tilespmem:s25], [sflag:$0x1] =	stream.linear.gather [hbm4b:s21+s14], $0x1000, $0x38;
	[tilespmem:$0x1BA00] =	vst v63  }
0x1ca: {  	s23 =	sld [smem:$0x7E0]  }
0x1cb: {  	[tilespmem:s26], [sflag:$0x1] =	stream.linear.gather [hbm4b:s22+s14], $0x1000, $0x38;
	[tilespmem:$0x1BA00] =	vst v63  }
0x1cc: {  	_ = 	snop  }
0x1cd: {  	[tilespmem:s28], [sflag:$0x1] =	stream.linear.gather [hbm4b:s23+s14], $0x1000, $0x38;
	[tilespmem:$0x1BA00] =	vst v63  }
0x1ce: {  	_ =	swait.ge [sflag:s9], $0x1000  }
0x1cf: {  	[sflag:s9] =	ssyncset.done $0x0  }
0x1d0: {  	[sflag:s9] =	ssyncadd.s32 $0xFFFFF000  }
0x1d1: {  	_ =	swait.ge [sflag:s9], $0x1000  }
0x1d2: {  	[sflag:s9] =	ssyncset.done $0x0  }
0x1d3: {  	[sflag:s9] =	ssyncadd.s32 $0xFFFFF000  }
0x1d4: {  	_ =	swait.ge [sflag:s9], $0x1000  }
0x1d5: {  	[sflag:s9] =	ssyncset.done $0x0  }
0x1d6: {  	[sflag:s9] =	ssyncadd.s32 $0xFFFFF000  }
0x1d7: {  	_ =	swait.ge [sflag:s9], $0x1000  }
0x1d8: {  	[sflag:s9] =	ssyncset.done $0x0  }
0x1d9: {  	[sflag:s9] =	ssyncadd.s32 $0xFFFFF000  }
0x1da: {  	_ =	swait.ge [sflag:s11], $0x1000  }
0x1db: {  	[sflag:s11] =	ssyncset.done $0x0  }
0x1dc: {  	s15 =	simm.s32 $0x0;
	[sflag:s11] =	ssyncadd.s32 $0xFFFFF000  }
.LBB2_16:
0x1dd: {  	s5 =	sshll.u32 s15, $0x8;
	s12 =	sshll.u32 s15, $0x7  }
0x1de: {  	s16 =	sand.u32 $0x800, s5;
	s12 =	sand.u32 $0x380, s12  }
0x1df: {  	s23 =	sand.u32 $0x400, s14;
	s19 =	sor.u32 s16, s12  }
0x1e0: {  	s20 =	sand.u32 $0x70, s14;
	s12 =	sor.u32 s23, s19  }
0x1e1: {  	s12 =	sor.u32 s20, s12  }
0x1e2: {  	v2 =	vld [tilespmem:s12+$0x14A00]  }
0x1e3: {  	v3 =	vld [tilespmem:s12+$0x15A00]  }
0x1e4: {  	v4 =	vld [tilespmem:s12+$0x16A00];
	_ =	sdelay $0x2  }
0x1e5: {  	v2 =	vmax.f32 v2, $-9.999998800e-01  }
0x1e6: {  	v3 =	vmax.f32 v3, $-9.999998800e-01;
	v2 =	vmin.f32 v2, $9.999998800e-01  }
0x1e7: {  	v4 =	vmax.f32 v4, $-9.999998800e-01;
	v3 =	vmin.f32 v3, $9.999998800e-01;
	v2 =	vadd.f32 $1.000000000e+00, v2  }
0x1e8: {  	v4 =	vmin.f32 v4, $9.999998800e-01;
	v3 =	vadd.f32 $1.000000000e+00, v3  }
0x1e9: {  	v5 =	vld [tilespmem:s12+$0x17A00];
	v4 =	vadd.f32 $1.000000000e+00, v4;
	v2 =	vmul.f32 $4.000000000e+00, v2  }
0x1ea: {  	v3 =	vmul.f32 $4.000000000e+00, v3  }
0x1eb: {  	v4 =	vmul.f32 $4.000000000e+00, v4;
	v2 =	vtrunc.f32 v2  }
0x1ec: {  	v3 =	vtrunc.f32 v3;
	v2 =	vcvt.f32.s32 v2  }
0x1ed: {  	v3 =	vcvt.f32.s32 v3  }
0x1ee: {  	s17 =	simm.s32 $0x10;
	s21 =	simm.s32 $0x80;
	s5 =	sand.u32 $0x3FFFFF00, s5;
	v5 =	vshll.u32 v5, $0x9;
	v4 =	vtrunc.f32 v4;
	v2 =	vshll.u32 v2, $0x6  }
0x1ef: {  	s22 =	sand.u32 $0x70, s17;
	s16 =	sadd.s32 $0x18A00, s5;
	s5 =	sand.u32 $0x80, s14;
	v3 =	vshll.u32 v3, $0x3;
	v5 =	vadd.s32 v5, v2;
	v2 =	vcvt.f32.s32 v4  }
0x1f0: {  	s23 =	simm.s32 $0x20;
	s5 =	sadd.s32 s5, s16;
	s12 =	sand.u32 $0x400, s21;
	v3 =	vadd.s32 v3, v5  }
.LBB2_17:
0x1f1: {  	p0 =	sne.s32 s23, $0xF0;
	s12 =	sor.u32 s12, s19;
	v2 =	vadd.s32 v2, v3;
	s5 =	sadd.s32 s20, s5  }
0x1f2: {  	s20 =	smov.u32 s22;
	s12 =	sor.u32 s22, s12;
	[tilespmem:s5+$0x0] =	vst v2;
	s5 =	smov.u32 s17  }
0x1f3: {  	s17 =	smov.u32 s23;
	v2 =	vld [tilespmem:s12+$0x14A00]  }
0x1f4: {  	v3 =	vld [tilespmem:s12+$0x15A00]  }
0x1f5: {  	v4 =	vld [tilespmem:s12+$0x16A00];
	_ =	sdelay $0x2  }
0x1f6: {  	v2 =	vmax.f32 v2, $-9.999998800e-01  }
0x1f7: {  	v2 =	vmin.f32 v2, $9.999998800e-01;
	v3 =	vmax.f32 v3, $-9.999998800e-01  }
0x1f8: {  	v2 =	vadd.f32 $1.000000000e+00, v2;
	v3 =	vmin.f32 v3, $9.999998800e-01;
	v4 =	vmax.f32 v4, $-9.999998800e-01  }
0x1f9: {  	v3 =	vadd.f32 $1.000000000e+00, v3;
	v4 =	vmin.f32 v4, $9.999998800e-01  }
0x1fa: {  	v5 =	vld [tilespmem:s12+$0x17A00];
	v2 =	vmul.f32 $4.000000000e+00, v2;
	v4 =	vadd.f32 $1.000000000e+00, v4  }
0x1fb: {  	v3 =	vmul.f32 $4.000000000e+00, v3  }
0x1fc: {  	v2 =	vtrunc.f32 v2;
	v4 =	vmul.f32 $4.000000000e+00, v4  }
.Ltmp7:
0x1fd: {  	v2 =	vcvt.f32.s32 v2;
	v3 =	vtrunc.f32 v3;
	(pc) =	sbr.rel @p0 .LBB2_17-.Ltmp7, $4  }
0x1fe: {  	v3 =	vcvt.f32.s32 v3  }
0x1ff: {  	v4 =	vtrunc.f32 v4;
	v5 =	vshll.u32 v5, $0x9;
	v2 =	vshll.u32 v2, $0x6  }
0x200: {  	s21 =	sadd.s32 $0x80, s21;
	s22 =	sand.u32 $0x70, s23;
	s5 =	sand.u32 $0x80, s5;
	v5 =	vadd.s32 v5, v2;
	v3 =	vshll.u32 v3, $0x3;
	v2 =	vcvt.f32.s32 v4  }
0x201: {  	s23 =	sadd.s32 $0x10, s23;
	s5 =	sadd.s32 s5, s16;
	s12 =	sand.u32 $0x400, s21;
	v3 =	vadd.s32 v3, v5  }
0x202: {  	s12 =	sor.u32 s12, s19;
	v2 =	vadd.s32 v2, v3;
	s5 =	sadd.s32 s20, s5  }
0x203: {  	s12 =	sor.u32 s22, s12;
	[tilespmem:s5+$0x0] =	vst v2  }
0x204: {  	v2 =	vld [tilespmem:s12+$0x14A00]  }
0x205: {  	v3 =	vld [tilespmem:s12+$0x15A00]  }
0x206: {  	v4 =	vld [tilespmem:s12+$0x16A00];
	_ =	sdelay $0x2  }
0x207: {  	v2 =	vmax.f32 v2, $-9.999998800e-01  }
0x208: {  	v3 =	vmax.f32 v3, $-9.999998800e-01;
	v2 =	vmin.f32 v2, $9.999998800e-01  }
0x209: {  	v4 =	vmax.f32 v4, $-9.999998800e-01;
	v3 =	vmin.f32 v3, $9.999998800e-01;
	v2 =	vadd.f32 $1.000000000e+00, v2  }
0x20a: {  	v4 =	vmin.f32 v4, $9.999998800e-01;
	v3 =	vadd.f32 $1.000000000e+00, v3  }
0x20b: {  	v5 =	vld [tilespmem:s12+$0x17A00];
	v4 =	vadd.f32 $1.000000000e+00, v4;
	v2 =	vmul.f32 $4.000000000e+00, v2  }
0x20c: {  	v3 =	vmul.f32 $4.000000000e+00, v3  }
0x20d: {  	v4 =	vmul.f32 $4.000000000e+00, v4;
	v2 =	vtrunc.f32 v2  }
0x20e: {  	s15 =	sadd.s32 $0x1, s15;
	v3 =	vtrunc.f32 v3;
	v2 =	vcvt.f32.s32 v2  }
0x20f: {  	p0 =	sne.s32 s15, $0x10;
	v3 =	vcvt.f32.s32 v3  }
.Ltmp8:
0x210: {  	v5 =	vshll.u32 v5, $0x9;
	v4 =	vtrunc.f32 v4;
	v2 =	vshll.u32 v2, $0x6;
	(pc) =	sbr.rel @p0 .LBB2_16-.Ltmp8, $4  }
0x211: {  	s23 =	sand.u32 $0x80, s17;
	v4 =	vcvt.f32.s32 v4;
	v3 =	vshll.u32 v3, $0x3;
	v2 =	vadd.s32 v5, v2  }
0x212: {  	s5 =	sadd.s32 s23, s16;
	v2 =	vadd.s32 v3, v2  }
0x213: {  	s5 =	sadd.s32 s22, s5;
	v2 =	vadd.s32 v4, v2  }
0x214: {  	[tilespmem:s5+$0x0] =	vst v2  }
0x215: {  	[spmem:s2] =	stream.indirect.scatter.add.f32 [tilespmem:s8], [sflag:$0x3], $0x1, s10, s6, $0xb8;
	[tilespmem:$0x1BA00] =	vst v63  }
0x216: {  	s5 =	rddreg [dreg:$0x14]  }
0x217: {  	s14 =	simm.s32 $0x0;
	s21 =	rddreg [dreg:$0x15]  }
0x218: {  	[tilespmem:s29], [sflag:$0x2] =	stream.linear.gather [hbm4b:s5+s14], $0x1000, $0x38;
	[tilespmem:$0x1BA00] =	vst v63  }
0x219: {  	s22 =	rddreg [dreg:$0x16]  }
0x21a: {  	[tilespmem:s30], [sflag:$0x2] =	stream.linear.gather [hbm4b:s21+s14], $0x1000, $0x38;
	[tilespmem:$0x1BA00] =	vst v63  }
0x21b: {  	s23 =	sld [smem:$0x7E1]  }
0x21c: {  	[tilespmem:s31], [sflag:$0x2] =	stream.linear.gather [hbm4b:s22+s14], $0x1000, $0x38;
	[tilespmem:$0x1BA00] =	vst v63  }
0x21d: {  	_ = 	snop  }
0x21e: {  	[tilespmem:s0], [sflag:$0x2] =	stream.linear.gather [hbm4b:s23+s14], $0x1000, $0x38;
	[tilespmem:$0x1BA00] =	vst v63  }
0x21f: {  	_ =	swait.ge [sflag:s4], $0x1000  }
0x220: {  	[sflag:s4] =	ssyncset.done $0x0  }
0x221: {  	[sflag:s4] =	ssyncadd.s32 $0xFFFFF000  }
0x222: {  	_ =	swait.ge [sflag:s4], $0x1000  }
0x223: {  	[sflag:s4] =	ssyncset.done $0x0  }
0x224: {  	[sflag:s4] =	ssyncadd.s32 $0xFFFFF000  }
0x225: {  	_ =	swait.ge [sflag:s4], $0x1000  }
0x226: {  	[sflag:s4] =	ssyncset.done $0x0  }
0x227: {  	[sflag:s4] =	ssyncadd.s32 $0xFFFFF000  }
0x228: {  	_ =	swait.ge [sflag:s4], $0x1000  }
0x229: {  	[sflag:s4] =	ssyncset.done $0x0  }
0x22a: {  	[sflag:s4] =	ssyncadd.s32 $0xFFFFF000  }
0x22b: {  	_ =	swait.ge [sflag:s11], $0x1000  }
0x22c: {  	[sflag:s11] =	ssyncset.done $0x0  }
0x22d: {  	s15 =	simm.s32 $0x0;
	[sflag:s11] =	ssyncadd.s32 $0xFFFFF000  }
.LBB2_20:
0x22e: {  	s5 =	sshll.u32 s15, $0x8;
	s12 =	sshll.u32 s15, $0x7  }
0x22f: {  	s16 =	sand.u32 $0x800, s5;
	s12 =	sand.u32 $0x380, s12  }
0x230: {  	s23 =	sand.u32 $0x400, s14;
	s19 =	sor.u32 s16, s12  }
0x231: {  	s20 =	sand.u32 $0x70, s14;
	s12 =	sor.u32 s23, s19  }
0x232: {  	s12 =	sor.u32 s20, s12  }
0x233: {  	v2 =	vld [tilespmem:s12+$0xFA00]  }
0x234: {  	v3 =	vld [tilespmem:s12+$0x10A00]  }
0x235: {  	v4 =	vld [tilespmem:s12+$0x11A00];
	_ =	sdelay $0x2  }
0x236: {  	v2 =	vmax.f32 v2, $-9.999998800e-01  }
0x237: {  	v3 =	vmax.f32 v3, $-9.999998800e-01;
	v2 =	vmin.f32 v2, $9.999998800e-01  }
0x238: {  	v4 =	vmax.f32 v4, $-9.999998800e-01;
	v3 =	vmin.f32 v3, $9.999998800e-01;
	v2 =	vadd.f32 $1.000000000e+00, v2  }
0x239: {  	v4 =	vmin.f32 v4, $9.999998800e-01;
	v3 =	vadd.f32 $1.000000000e+00, v3  }
0x23a: {  	v5 =	vld [tilespmem:s12+$0x12A00];
	v4 =	vadd.f32 $1.000000000e+00, v4;
	v2 =	vmul.f32 $4.000000000e+00, v2  }
0x23b: {  	v3 =	vmul.f32 $4.000000000e+00, v3  }
0x23c: {  	v4 =	vmul.f32 $4.000000000e+00, v4;
	v2 =	vtrunc.f32 v2  }
0x23d: {  	v3 =	vtrunc.f32 v3;
	v2 =	vcvt.f32.s32 v2  }
0x23e: {  	v3 =	vcvt.f32.s32 v3  }
0x23f: {  	s17 =	simm.s32 $0x10;
	s21 =	simm.s32 $0x80;
	s5 =	sand.u32 $0x3FFFFF00, s5;
	v5 =	vshll.u32 v5, $0x9;
	v4 =	vtrunc.f32 v4;
	v2 =	vshll.u32 v2, $0x6  }
0x240: {  	s22 =	sand.u32 $0x70, s17;
	s16 =	sadd.s32 $0x13A00, s5;
	s5 =	sand.u32 $0x80, s14;
	v3 =	vshll.u32 v3, $0x3;
	v5 =	vadd.s32 v5, v2;
	v2 =	vcvt.f32.s32 v4  }
0x241: {  	s23 =	simm.s32 $0x20;
	s5 =	sadd.s32 s5, s16;
	s12 =	sand.u32 $0x400, s21;
	v3 =	vadd.s32 v3, v5  }
.LBB2_21:
0x242: {  	p0 =	sne.s32 s23, $0xF0;
	s12 =	sor.u32 s12, s19;
	v2 =	vadd.s32 v2, v3;
	s5 =	sadd.s32 s20, s5  }
0x243: {  	s20 =	smov.u32 s22;
	s12 =	sor.u32 s22, s12;
	[tilespmem:s5+$0x0] =	vst v2;
	s5 =	smov.u32 s17  }
0x244: {  	s17 =	smov.u32 s23;
	v2 =	vld [tilespmem:s12+$0xFA00]  }
0x245: {  	v3 =	vld [tilespmem:s12+$0x10A00]  }
0x246: {  	v4 =	vld [tilespmem:s12+$0x11A00];
	_ =	sdelay $0x2  }
0x247: {  	v2 =	vmax.f32 v2, $-9.999998800e-01  }
0x248: {  	v2 =	vmin.f32 v2, $9.999998800e-01;
	v3 =	vmax.f32 v3, $-9.999998800e-01  }
0x249: {  	v2 =	vadd.f32 $1.000000000e+00, v2;
	v3 =	vmin.f32 v3, $9.999998800e-01;
	v4 =	vmax.f32 v4, $-9.999998800e-01  }
0x24a: {  	v3 =	vadd.f32 $1.000000000e+00, v3;
	v4 =	vmin.f32 v4, $9.999998800e-01  }
0x24b: {  	v5 =	vld [tilespmem:s12+$0x12A00];
	v2 =	vmul.f32 $4.000000000e+00, v2;
	v4 =	vadd.f32 $1.000000000e+00, v4  }
0x24c: {  	v3 =	vmul.f32 $4.000000000e+00, v3  }
0x24d: {  	v2 =	vtrunc.f32 v2;
	v4 =	vmul.f32 $4.000000000e+00, v4  }
.Ltmp9:
0x24e: {  	v2 =	vcvt.f32.s32 v2;
	v3 =	vtrunc.f32 v3;
	(pc) =	sbr.rel @p0 .LBB2_21-.Ltmp9, $4  }
0x24f: {  	v3 =	vcvt.f32.s32 v3  }
0x250: {  	v4 =	vtrunc.f32 v4;
	v5 =	vshll.u32 v5, $0x9;
	v2 =	vshll.u32 v2, $0x6  }
0x251: {  	s21 =	sadd.s32 $0x80, s21;
	s22 =	sand.u32 $0x70, s23;
	s5 =	sand.u32 $0x80, s5;
	v5 =	vadd.s32 v5, v2;
	v3 =	vshll.u32 v3, $0x3;
	v2 =	vcvt.f32.s32 v4  }
0x252: {  	s23 =	sadd.s32 $0x10, s23;
	s5 =	sadd.s32 s5, s16;
	s12 =	sand.u32 $0x400, s21;
	v3 =	vadd.s32 v3, v5  }
0x253: {  	s12 =	sor.u32 s12, s19;
	v2 =	vadd.s32 v2, v3;
	s5 =	sadd.s32 s20, s5  }
0x254: {  	s12 =	sor.u32 s22, s12;
	[tilespmem:s5+$0x0] =	vst v2  }
0x255: {  	v2 =	vld [tilespmem:s12+$0xFA00]  }
0x256: {  	v3 =	vld [tilespmem:s12+$0x10A00]  }
0x257: {  	v4 =	vld [tilespmem:s12+$0x11A00];
	_ =	sdelay $0x2  }
0x258: {  	v2 =	vmax.f32 v2, $-9.999998800e-01  }
0x259: {  	v3 =	vmax.f32 v3, $-9.999998800e-01;
	v2 =	vmin.f32 v2, $9.999998800e-01  }
0x25a: {  	v4 =	vmax.f32 v4, $-9.999998800e-01;
	v3 =	vmin.f32 v3, $9.999998800e-01;
	v2 =	vadd.f32 $1.000000000e+00, v2  }
0x25b: {  	v4 =	vmin.f32 v4, $9.999998800e-01;
	v3 =	vadd.f32 $1.000000000e+00, v3  }
0x25c: {  	v5 =	vld [tilespmem:s12+$0x12A00];
	v4 =	vadd.f32 $1.000000000e+00, v4;
	v2 =	vmul.f32 $4.000000000e+00, v2  }
0x25d: {  	v3 =	vmul.f32 $4.000000000e+00, v3  }
0x25e: {  	v4 =	vmul.f32 $4.000000000e+00, v4;
	v2 =	vtrunc.f32 v2  }
0x25f: {  	s15 =	sadd.s32 $0x1, s15;
	v3 =	vtrunc.f32 v3;
	v2 =	vcvt.f32.s32 v2  }
0x260: {  	p0 =	sne.s32 s15, $0x10;
	v3 =	vcvt.f32.s32 v3  }
.Ltmp10:
0x261: {  	v5 =	vshll.u32 v5, $0x9;
	v4 =	vtrunc.f32 v4;
	v2 =	vshll.u32 v2, $0x6;
	(pc) =	sbr.rel @p0 .LBB2_20-.Ltmp10, $4  }
0x262: {  	s23 =	sand.u32 $0x80, s17;
	v4 =	vcvt.f32.s32 v4;
	v3 =	vshll.u32 v3, $0x3;
	v2 =	vadd.s32 v5, v2  }
0x263: {  	s5 =	sadd.s32 s23, s16;
	v2 =	vadd.s32 v3, v2  }
0x264: {  	s5 =	sadd.s32 s22, s5;
	v2 =	vadd.s32 v4, v2  }
0x265: {  	[tilespmem:s5+$0x0] =	vst v2  }
0x266: {  	[spmem:s2] =	stream.indirect.scatter.add.f32 [tilespmem:s8], [sflag:$0x3], $0x1, s7, s6, $0xb8;
	[tilespmem:$0x1BA00] =	vst v63  }
0x267: {  	s5 =	rddreg [dreg:$0x17]  }
0x268: {  	s14 =	simm.s32 $0x0;
	s21 =	rddreg [dreg:$0x18]  }
0x269: {  	[tilespmem:s24], [sflag:$0x1] =	stream.linear.gather [hbm4b:s5+s14], $0x1000, $0x38;
	[tilespmem:$0x1BA00] =	vst v63  }
0x26a: {  	s22 =	rddreg [dreg:$0x19]  }
0x26b: {  	[tilespmem:s25], [sflag:$0x1] =	stream.linear.gather [hbm4b:s21+s14], $0x1000, $0x38;
	[tilespmem:$0x1BA00] =	vst v63  }
0x26c: {  	s23 =	sld [smem:$0x7E2]  }
0x26d: {  	[tilespmem:s26], [sflag:$0x1] =	stream.linear.gather [hbm4b:s22+s14], $0x1000, $0x38;
	[tilespmem:$0x1BA00] =	vst v63  }
0x26e: {  	_ = 	snop  }
0x26f: {  	[tilespmem:s28], [sflag:$0x1] =	stream.linear.gather [hbm4b:s23+s14], $0x1000, $0x38;
	[tilespmem:$0x1BA00] =	vst v63  }
0x270: {  	_ =	swait.ge [sflag:s9], $0x1000  }
0x271: {  	[sflag:s9] =	ssyncset.done $0x0  }
0x272: {  	[sflag:s9] =	ssyncadd.s32 $0xFFFFF000  }
0x273: {  	_ =	swait.ge [sflag:s9], $0x1000  }
0x274: {  	[sflag:s9] =	ssyncset.done $0x0  }
0x275: {  	[sflag:s9] =	ssyncadd.s32 $0xFFFFF000  }
0x276: {  	_ =	swait.ge [sflag:s9], $0x1000  }
0x277: {  	[sflag:s9] =	ssyncset.done $0x0  }
0x278: {  	[sflag:s9] =	ssyncadd.s32 $0xFFFFF000  }
0x279: {  	_ =	swait.ge [sflag:s9], $0x1000  }
0x27a: {  	[sflag:s9] =	ssyncset.done $0x0  }
0x27b: {  	[sflag:s9] =	ssyncadd.s32 $0xFFFFF000  }
0x27c: {  	_ =	swait.ge [sflag:s11], $0x1000  }
0x27d: {  	[sflag:s11] =	ssyncset.done $0x0  }
0x27e: {  	s15 =	simm.s32 $0x0;
	[sflag:s11] =	ssyncadd.s32 $0xFFFFF000  }
.LBB2_24:
0x27f: {  	s5 =	sshll.u32 s15, $0x8;
	s12 =	sshll.u32 s15, $0x7  }
0x280: {  	s16 =	sand.u32 $0x800, s5;
	s12 =	sand.u32 $0x380, s12  }
0x281: {  	s23 =	sand.u32 $0x400, s14;
	s19 =	sor.u32 s16, s12  }
0x282: {  	s20 =	sand.u32 $0x70, s14;
	s12 =	sor.u32 s23, s19  }
0x283: {  	s12 =	sor.u32 s20, s12  }
0x284: {  	v2 =	vld [tilespmem:s12+$0x14A00]  }
0x285: {  	v3 =	vld [tilespmem:s12+$0x15A00]  }
0x286: {  	v4 =	vld [tilespmem:s12+$0x16A00];
	_ =	sdelay $0x2  }
0x287: {  	v2 =	vmax.f32 v2, $-9.999998800e-01  }
0x288: {  	v3 =	vmax.f32 v3, $-9.999998800e-01;
	v2 =	vmin.f32 v2, $9.999998800e-01  }
0x289: {  	v4 =	vmax.f32 v4, $-9.999998800e-01;
	v3 =	vmin.f32 v3, $9.999998800e-01;
	v2 =	vadd.f32 $1.000000000e+00, v2  }
0x28a: {  	v4 =	vmin.f32 v4, $9.999998800e-01;
	v3 =	vadd.f32 $1.000000000e+00, v3  }
0x28b: {  	v5 =	vld [tilespmem:s12+$0x17A00];
	v4 =	vadd.f32 $1.000000000e+00, v4;
	v2 =	vmul.f32 $4.000000000e+00, v2  }
0x28c: {  	v3 =	vmul.f32 $4.000000000e+00, v3  }
0x28d: {  	v4 =	vmul.f32 $4.000000000e+00, v4;
	v2 =	vtrunc.f32 v2  }
0x28e: {  	v3 =	vtrunc.f32 v3;
	v2 =	vcvt.f32.s32 v2  }
0x28f: {  	v3 =	vcvt.f32.s32 v3  }
0x290: {  	s17 =	simm.s32 $0x10;
	s21 =	simm.s32 $0x80;
	s5 =	sand.u32 $0x3FFFFF00, s5;
	v5 =	vshll.u32 v5, $0x9;
	v4 =	vtrunc.f32 v4;
	v2 =	vshll.u32 v2, $0x6  }
0x291: {  	s22 =	sand.u32 $0x70, s17;
	s16 =	sadd.s32 $0x18A00, s5;
	s5 =	sand.u32 $0x80, s14;
	v3 =	vshll.u32 v3, $0x3;
	v5 =	vadd.s32 v5, v2;
	v2 =	vcvt.f32.s32 v4  }
0x292: {  	s23 =	simm.s32 $0x20;
	s5 =	sadd.s32 s5, s16;
	s12 =	sand.u32 $0x400, s21;
	v3 =	vadd.s32 v3, v5  }
.LBB2_25:
0x293: {  	p0 =	sne.s32 s23, $0xF0;
	s12 =	sor.u32 s12, s19;
	v2 =	vadd.s32 v2, v3;
	s5 =	sadd.s32 s20, s5  }
0x294: {  	s20 =	smov.u32 s22;
	s12 =	sor.u32 s22, s12;
	[tilespmem:s5+$0x0] =	vst v2;
	s5 =	smov.u32 s17  }
0x295: {  	s17 =	smov.u32 s23;
	v2 =	vld [tilespmem:s12+$0x14A00]  }
0x296: {  	v3 =	vld [tilespmem:s12+$0x15A00]  }
0x297: {  	v4 =	vld [tilespmem:s12+$0x16A00];
	_ =	sdelay $0x2  }
0x298: {  	v2 =	vmax.f32 v2, $-9.999998800e-01  }
0x299: {  	v2 =	vmin.f32 v2, $9.999998800e-01;
	v3 =	vmax.f32 v3, $-9.999998800e-01  }
0x29a: {  	v2 =	vadd.f32 $1.000000000e+00, v2;
	v3 =	vmin.f32 v3, $9.999998800e-01;
	v4 =	vmax.f32 v4, $-9.999998800e-01  }
0x29b: {  	v3 =	vadd.f32 $1.000000000e+00, v3;
	v4 =	vmin.f32 v4, $9.999998800e-01  }
0x29c: {  	v5 =	vld [tilespmem:s12+$0x17A00];
	v2 =	vmul.f32 $4.000000000e+00, v2;
	v4 =	vadd.f32 $1.000000000e+00, v4  }
0x29d: {  	v3 =	vmul.f32 $4.000000000e+00, v3  }
0x29e: {  	v2 =	vtrunc.f32 v2;
	v4 =	vmul.f32 $4.000000000e+00, v4  }
.Ltmp11:
0x29f: {  	v2 =	vcvt.f32.s32 v2;
	v3 =	vtrunc.f32 v3;
	(pc) =	sbr.rel @p0 .LBB2_25-.Ltmp11, $4  }
0x2a0: {  	v3 =	vcvt.f32.s32 v3  }
0x2a1: {  	v4 =	vtrunc.f32 v4;
	v5 =	vshll.u32 v5, $0x9;
	v2 =	vshll.u32 v2, $0x6  }
0x2a2: {  	s21 =	sadd.s32 $0x80, s21;
	s22 =	sand.u32 $0x70, s23;
	s5 =	sand.u32 $0x80, s5;
	v5 =	vadd.s32 v5, v2;
	v3 =	vshll.u32 v3, $0x3;
	v2 =	vcvt.f32.s32 v4  }
0x2a3: {  	s23 =	sadd.s32 $0x10, s23;
	s5 =	sadd.s32 s5, s16;
	s12 =	sand.u32 $0x400, s21;
	v3 =	vadd.s32 v3, v5  }
0x2a4: {  	s12 =	sor.u32 s12, s19;
	v2 =	vadd.s32 v2, v3;
	s5 =	sadd.s32 s20, s5  }
0x2a5: {  	s12 =	sor.u32 s22, s12;
	[tilespmem:s5+$0x0] =	vst v2  }
0x2a6: {  	v2 =	vld [tilespmem:s12+$0x14A00]  }
0x2a7: {  	v3 =	vld [tilespmem:s12+$0x15A00]  }
0x2a8: {  	v4 =	vld [tilespmem:s12+$0x16A00];
	_ =	sdelay $0x2  }
0x2a9: {  	v2 =	vmax.f32 v2, $-9.999998800e-01  }
0x2aa: {  	v3 =	vmax.f32 v3, $-9.999998800e-01;
	v2 =	vmin.f32 v2, $9.999998800e-01  }
0x2ab: {  	v4 =	vmax.f32 v4, $-9.999998800e-01;
	v3 =	vmin.f32 v3, $9.999998800e-01;
	v2 =	vadd.f32 $1.000000000e+00, v2  }
0x2ac: {  	v4 =	vmin.f32 v4, $9.999998800e-01;
	v3 =	vadd.f32 $1.000000000e+00, v3  }
0x2ad: {  	v5 =	vld [tilespmem:s12+$0x17A00];
	v4 =	vadd.f32 $1.000000000e+00, v4;
	v2 =	vmul.f32 $4.000000000e+00, v2  }
0x2ae: {  	v3 =	vmul.f32 $4.000000000e+00, v3  }
0x2af: {  	v4 =	vmul.f32 $4.000000000e+00, v4;
	v2 =	vtrunc.f32 v2  }
0x2b0: {  	s15 =	sadd.s32 $0x1, s15;
	v3 =	vtrunc.f32 v3;
	v2 =	vcvt.f32.s32 v2  }
0x2b1: {  	p0 =	sne.s32 s15, $0x10;
	v3 =	vcvt.f32.s32 v3  }
.Ltmp12:
0x2b2: {  	v5 =	vshll.u32 v5, $0x9;
	v4 =	vtrunc.f32 v4;
	v2 =	vshll.u32 v2, $0x6;
	(pc) =	sbr.rel @p0 .LBB2_24-.Ltmp12, $4  }
0x2b3: {  	s23 =	sand.u32 $0x80, s17;
	v4 =	vcvt.f32.s32 v4;
	v3 =	vshll.u32 v3, $0x3;
	v2 =	vadd.s32 v5, v2  }
0x2b4: {  	s5 =	sadd.s32 s23, s16;
	v2 =	vadd.s32 v3, v2  }
0x2b5: {  	s5 =	sadd.s32 s22, s5;
	v2 =	vadd.s32 v4, v2  }
0x2b6: {  	[tilespmem:s5+$0x0] =	vst v2  }
0x2b7: {  	[spmem:s2] =	stream.indirect.scatter.add.f32 [tilespmem:s8], [sflag:$0x3], $0x1, s10, s6, $0xb8;
	[tilespmem:$0x1BA00] =	vst v63  }
0x2b8: {  	s5 =	rddreg [dreg:$0x1a]  }
0x2b9: {  	s14 =	simm.s32 $0x0;
	s21 =	rddreg [dreg:$0x1b]  }
0x2ba: {  	[tilespmem:s29], [sflag:$0x2] =	stream.linear.gather [hbm4b:s5+s14], $0x1000, $0x38;
	[tilespmem:$0x1BA00] =	vst v63  }
0x2bb: {  	s22 =	rddreg [dreg:$0x1c]  }
0x2bc: {  	[tilespmem:s30], [sflag:$0x2] =	stream.linear.gather [hbm4b:s21+s14], $0x1000, $0x38;
	[tilespmem:$0x1BA00] =	vst v63  }
0x2bd: {  	s23 =	sld [smem:$0x7E3]  }
0x2be: {  	[tilespmem:s31], [sflag:$0x2] =	stream.linear.gather [hbm4b:s22+s14], $0x1000, $0x38;
	[tilespmem:$0x1BA00] =	vst v63  }
0x2bf: {  	_ = 	snop  }
0x2c0: {  	[tilespmem:s0], [sflag:$0x2] =	stream.linear.gather [hbm4b:s23+s14], $0x1000, $0x38;
	[tilespmem:$0x1BA00] =	vst v63  }
0x2c1: {  	_ =	swait.ge [sflag:s4], $0x1000  }
0x2c2: {  	[sflag:s4] =	ssyncset.done $0x0  }
0x2c3: {  	[sflag:s4] =	ssyncadd.s32 $0xFFFFF000  }
0x2c4: {  	_ =	swait.ge [sflag:s4], $0x1000  }
0x2c5: {  	[sflag:s4] =	ssyncset.done $0x0  }
0x2c6: {  	[sflag:s4] =	ssyncadd.s32 $0xFFFFF000  }
0x2c7: {  	_ =	swait.ge [sflag:s4], $0x1000  }
0x2c8: {  	[sflag:s4] =	ssyncset.done $0x0  }
0x2c9: {  	[sflag:s4] =	ssyncadd.s32 $0xFFFFF000  }
0x2ca: {  	_ =	swait.ge [sflag:s4], $0x1000  }
0x2cb: {  	[sflag:s4] =	ssyncset.done $0x0  }
0x2cc: {  	[sflag:s4] =	ssyncadd.s32 $0xFFFFF000  }
0x2cd: {  	_ =	swait.ge [sflag:s11], $0x1000  }
0x2ce: {  	[sflag:s11] =	ssyncset.done $0x0  }
0x2cf: {  	s15 =	simm.s32 $0x0;
	[sflag:s11] =	ssyncadd.s32 $0xFFFFF000  }
.LBB2_28:
0x2d0: {  	s5 =	sshll.u32 s15, $0x8;
	s12 =	sshll.u32 s15, $0x7  }
0x2d1: {  	s16 =	sand.u32 $0x800, s5;
	s12 =	sand.u32 $0x380, s12  }
0x2d2: {  	s23 =	sand.u32 $0x400, s14;
	s19 =	sor.u32 s16, s12  }
0x2d3: {  	s20 =	sand.u32 $0x70, s14;
	s12 =	sor.u32 s23, s19  }
0x2d4: {  	s12 =	sor.u32 s20, s12  }
0x2d5: {  	v2 =	vld [tilespmem:s12+$0xFA00]  }
0x2d6: {  	v3 =	vld [tilespmem:s12+$0x10A00]  }
0x2d7: {  	v4 =	vld [tilespmem:s12+$0x11A00];
	_ =	sdelay $0x2  }
0x2d8: {  	v2 =	vmax.f32 v2, $-9.999998800e-01  }
0x2d9: {  	v3 =	vmax.f32 v3, $-9.999998800e-01;
	v2 =	vmin.f32 v2, $9.999998800e-01  }
0x2da: {  	v4 =	vmax.f32 v4, $-9.999998800e-01;
	v3 =	vmin.f32 v3, $9.999998800e-01;
	v2 =	vadd.f32 $1.000000000e+00, v2  }
0x2db: {  	v4 =	vmin.f32 v4, $9.999998800e-01;
	v3 =	vadd.f32 $1.000000000e+00, v3  }
0x2dc: {  	v5 =	vld [tilespmem:s12+$0x12A00];
	v4 =	vadd.f32 $1.000000000e+00, v4;
	v2 =	vmul.f32 $4.000000000e+00, v2  }
0x2dd: {  	v3 =	vmul.f32 $4.000000000e+00, v3  }
0x2de: {  	v4 =	vmul.f32 $4.000000000e+00, v4;
	v2 =	vtrunc.f32 v2  }
0x2df: {  	v3 =	vtrunc.f32 v3;
	v2 =	vcvt.f32.s32 v2  }
0x2e0: {  	v3 =	vcvt.f32.s32 v3  }
0x2e1: {  	s17 =	simm.s32 $0x10;
	s21 =	simm.s32 $0x80;
	s5 =	sand.u32 $0x3FFFFF00, s5;
	v5 =	vshll.u32 v5, $0x9;
	v4 =	vtrunc.f32 v4;
	v2 =	vshll.u32 v2, $0x6  }
0x2e2: {  	s22 =	sand.u32 $0x70, s17;
	s16 =	sadd.s32 $0x13A00, s5;
	s5 =	sand.u32 $0x80, s14;
	v3 =	vshll.u32 v3, $0x3;
	v5 =	vadd.s32 v5, v2;
	v2 =	vcvt.f32.s32 v4  }
0x2e3: {  	s23 =	simm.s32 $0x20;
	s5 =	sadd.s32 s5, s16;
	s12 =	sand.u32 $0x400, s21;
	v3 =	vadd.s32 v3, v5  }
.LBB2_29:
0x2e4: {  	p0 =	sne.s32 s23, $0xF0;
	s12 =	sor.u32 s12, s19;
	v2 =	vadd.s32 v2, v3;
	s5 =	sadd.s32 s20, s5  }
0x2e5: {  	s20 =	smov.u32 s22;
	s12 =	sor.u32 s22, s12;
	[tilespmem:s5+$0x0] =	vst v2;
	s5 =	smov.u32 s17  }
0x2e6: {  	s17 =	smov.u32 s23;
	v2 =	vld [tilespmem:s12+$0xFA00]  }
0x2e7: {  	v3 =	vld [tilespmem:s12+$0x10A00]  }
0x2e8: {  	v4 =	vld [tilespmem:s12+$0x11A00];
	_ =	sdelay $0x2  }
0x2e9: {  	v2 =	vmax.f32 v2, $-9.999998800e-01  }
0x2ea: {  	v2 =	vmin.f32 v2, $9.999998800e-01;
	v3 =	vmax.f32 v3, $-9.999998800e-01  }
0x2eb: {  	v2 =	vadd.f32 $1.000000000e+00, v2;
	v3 =	vmin.f32 v3, $9.999998800e-01;
	v4 =	vmax.f32 v4, $-9.999998800e-01  }
0x2ec: {  	v3 =	vadd.f32 $1.000000000e+00, v3;
	v4 =	vmin.f32 v4, $9.999998800e-01  }
0x2ed: {  	v5 =	vld [tilespmem:s12+$0x12A00];
	v2 =	vmul.f32 $4.000000000e+00, v2;
	v4 =	vadd.f32 $1.000000000e+00, v4  }
0x2ee: {  	v3 =	vmul.f32 $4.000000000e+00, v3  }
0x2ef: {  	v2 =	vtrunc.f32 v2;
	v4 =	vmul.f32 $4.000000000e+00, v4  }
.Ltmp13:
0x2f0: {  	v2 =	vcvt.f32.s32 v2;
	v3 =	vtrunc.f32 v3;
	(pc) =	sbr.rel @p0 .LBB2_29-.Ltmp13, $4  }
0x2f1: {  	v3 =	vcvt.f32.s32 v3  }
0x2f2: {  	v4 =	vtrunc.f32 v4;
	v5 =	vshll.u32 v5, $0x9;
	v2 =	vshll.u32 v2, $0x6  }
0x2f3: {  	s21 =	sadd.s32 $0x80, s21;
	s22 =	sand.u32 $0x70, s23;
	s5 =	sand.u32 $0x80, s5;
	v5 =	vadd.s32 v5, v2;
	v3 =	vshll.u32 v3, $0x3;
	v2 =	vcvt.f32.s32 v4  }
0x2f4: {  	s23 =	sadd.s32 $0x10, s23;
	s5 =	sadd.s32 s5, s16;
	s12 =	sand.u32 $0x400, s21;
	v3 =	vadd.s32 v3, v5  }
0x2f5: {  	s12 =	sor.u32 s12, s19;
	v2 =	vadd.s32 v2, v3;
	s5 =	sadd.s32 s20, s5  }
0x2f6: {  	s12 =	sor.u32 s22, s12;
	[tilespmem:s5+$0x0] =	vst v2  }
0x2f7: {  	v2 =	vld [tilespmem:s12+$0xFA00]  }
0x2f8: {  	v3 =	vld [tilespmem:s12+$0x10A00]  }
0x2f9: {  	v4 =	vld [tilespmem:s12+$0x11A00];
	_ =	sdelay $0x2  }
0x2fa: {  	v2 =	vmax.f32 v2, $-9.999998800e-01  }
0x2fb: {  	v3 =	vmax.f32 v3, $-9.999998800e-01;
	v2 =	vmin.f32 v2, $9.999998800e-01  }
0x2fc: {  	v4 =	vmax.f32 v4, $-9.999998800e-01;
	v3 =	vmin.f32 v3, $9.999998800e-01;
	v2 =	vadd.f32 $1.000000000e+00, v2  }
0x2fd: {  	v4 =	vmin.f32 v4, $9.999998800e-01;
	v3 =	vadd.f32 $1.000000000e+00, v3  }
0x2fe: {  	v5 =	vld [tilespmem:s12+$0x12A00];
	v4 =	vadd.f32 $1.000000000e+00, v4;
	v2 =	vmul.f32 $4.000000000e+00, v2  }
0x2ff: {  	v3 =	vmul.f32 $4.000000000e+00, v3  }
0x300: {  	v4 =	vmul.f32 $4.000000000e+00, v4;
	v2 =	vtrunc.f32 v2  }
0x301: {  	s15 =	sadd.s32 $0x1, s15;
	v3 =	vtrunc.f32 v3;
	v2 =	vcvt.f32.s32 v2  }
0x302: {  	p0 =	sne.s32 s15, $0x10;
	v3 =	vcvt.f32.s32 v3  }
.Ltmp14:
0x303: {  	v5 =	vshll.u32 v5, $0x9;
	v4 =	vtrunc.f32 v4;
	v2 =	vshll.u32 v2, $0x6;
	(pc) =	sbr.rel @p0 .LBB2_28-.Ltmp14, $4  }
0x304: {  	s23 =	sand.u32 $0x80, s17;
	v4 =	vcvt.f32.s32 v4;
	v3 =	vshll.u32 v3, $0x3;
	v2 =	vadd.s32 v5, v2  }
0x305: {  	s5 =	sadd.s32 s23, s16;
	v2 =	vadd.s32 v3, v2  }
0x306: {  	s5 =	sadd.s32 s22, s5;
	v2 =	vadd.s32 v4, v2  }
0x307: {  	[tilespmem:s5+$0x0] =	vst v2  }
0x308: {  	[spmem:s2] =	stream.indirect.scatter.add.f32 [tilespmem:s8], [sflag:$0x3], $0x1, s7, s6, $0xb8;
	[tilespmem:$0x1BA00] =	vst v63  }
0x309: {  	s5 =	rddreg [dreg:$0x1d]  }
0x30a: {  	s14 =	simm.s32 $0x0;
	s21 =	rddreg [dreg:$0x1e]  }
0x30b: {  	[tilespmem:s24], [sflag:$0x1] =	stream.linear.gather [hbm4b:s5+s14], $0x1000, $0x38;
	[tilespmem:$0x1BA00] =	vst v63  }
0x30c: {  	s22 =	rddreg [dreg:$0x1f]  }
0x30d: {  	[tilespmem:s25], [sflag:$0x1] =	stream.linear.gather [hbm4b:s21+s14], $0x1000, $0x38;
	[tilespmem:$0x1BA00] =	vst v63  }
0x30e: {  	s23 =	sld [smem:$0x7E4]  }
0x30f: {  	[tilespmem:s26], [sflag:$0x1] =	stream.linear.gather [hbm4b:s22+s14], $0x1000, $0x38;
	[tilespmem:$0x1BA00] =	vst v63  }
0x310: {  	_ = 	snop  }
0x311: {  	[tilespmem:s28], [sflag:$0x1] =	stream.linear.gather [hbm4b:s23+s14], $0x1000, $0x38;
	[tilespmem:$0x1BA00] =	vst v63  }
0x312: {  	_ =	swait.ge [sflag:s9], $0x1000  }
0x313: {  	[sflag:s9] =	ssyncset.done $0x0  }
0x314: {  	[sflag:s9] =	ssyncadd.s32 $0xFFFFF000  }
0x315: {  	_ =	swait.ge [sflag:s9], $0x1000  }
0x316: {  	[sflag:s9] =	ssyncset.done $0x0  }
0x317: {  	[sflag:s9] =	ssyncadd.s32 $0xFFFFF000  }
0x318: {  	_ =	swait.ge [sflag:s9], $0x1000  }
0x319: {  	[sflag:s9] =	ssyncset.done $0x0  }
0x31a: {  	[sflag:s9] =	ssyncadd.s32 $0xFFFFF000  }
0x31b: {  	_ =	swait.ge [sflag:s9], $0x1000  }
0x31c: {  	[sflag:s9] =	ssyncset.done $0x0  }
0x31d: {  	[sflag:s9] =	ssyncadd.s32 $0xFFFFF000  }
0x31e: {  	_ =	swait.ge [sflag:s11], $0x1000  }
0x31f: {  	[sflag:s11] =	ssyncset.done $0x0  }
0x320: {  	s15 =	simm.s32 $0x0;
	[sflag:s11] =	ssyncadd.s32 $0xFFFFF000  }
.LBB2_32:
0x321: {  	s5 =	sshll.u32 s15, $0x8;
	s12 =	sshll.u32 s15, $0x7  }
0x322: {  	s16 =	sand.u32 $0x800, s5;
	s12 =	sand.u32 $0x380, s12  }
0x323: {  	s23 =	sand.u32 $0x400, s14;
	s19 =	sor.u32 s16, s12  }
0x324: {  	s20 =	sand.u32 $0x70, s14;
	s12 =	sor.u32 s23, s19  }
0x325: {  	s12 =	sor.u32 s20, s12  }
0x326: {  	v2 =	vld [tilespmem:s12+$0x14A00]  }
0x327: {  	v3 =	vld [tilespmem:s12+$0x15A00]  }
0x328: {  	v4 =	vld [tilespmem:s12+$0x16A00];
	_ =	sdelay $0x2  }
0x329: {  	v2 =	vmax.f32 v2, $-9.999998800e-01  }
0x32a: {  	v3 =	vmax.f32 v3, $-9.999998800e-01;
	v2 =	vmin.f32 v2, $9.999998800e-01  }
0x32b: {  	v4 =	vmax.f32 v4, $-9.999998800e-01;
	v3 =	vmin.f32 v3, $9.999998800e-01;
	v2 =	vadd.f32 $1.000000000e+00, v2  }
0x32c: {  	v4 =	vmin.f32 v4, $9.999998800e-01;
	v3 =	vadd.f32 $1.000000000e+00, v3  }
0x32d: {  	v5 =	vld [tilespmem:s12+$0x17A00];
	v4 =	vadd.f32 $1.000000000e+00, v4;
	v2 =	vmul.f32 $4.000000000e+00, v2  }
0x32e: {  	v3 =	vmul.f32 $4.000000000e+00, v3  }
0x32f: {  	v4 =	vmul.f32 $4.000000000e+00, v4;
	v2 =	vtrunc.f32 v2  }
0x330: {  	v3 =	vtrunc.f32 v3;
	v2 =	vcvt.f32.s32 v2  }
0x331: {  	v3 =	vcvt.f32.s32 v3  }
0x332: {  	s17 =	simm.s32 $0x10;
	s21 =	simm.s32 $0x80;
	s5 =	sand.u32 $0x3FFFFF00, s5;
	v5 =	vshll.u32 v5, $0x9;
	v4 =	vtrunc.f32 v4;
	v2 =	vshll.u32 v2, $0x6  }
0x333: {  	s22 =	sand.u32 $0x70, s17;
	s16 =	sadd.s32 $0x18A00, s5;
	s5 =	sand.u32 $0x80, s14;
	v3 =	vshll.u32 v3, $0x3;
	v5 =	vadd.s32 v5, v2;
	v2 =	vcvt.f32.s32 v4  }
0x334: {  	s23 =	simm.s32 $0x20;
	s5 =	sadd.s32 s5, s16;
	s12 =	sand.u32 $0x400, s21;
	v3 =	vadd.s32 v3, v5  }
.LBB2_33:
0x335: {  	p0 =	sne.s32 s23, $0xF0;
	s12 =	sor.u32 s12, s19;
	v2 =	vadd.s32 v2, v3;
	s5 =	sadd.s32 s20, s5  }
0x336: {  	s20 =	smov.u32 s22;
	s12 =	sor.u32 s22, s12;
	[tilespmem:s5+$0x0] =	vst v2;
	s5 =	smov.u32 s17  }
0x337: {  	s17 =	smov.u32 s23;
	v2 =	vld [tilespmem:s12+$0x14A00]  }
0x338: {  	v3 =	vld [tilespmem:s12+$0x15A00]  }
0x339: {  	v4 =	vld [tilespmem:s12+$0x16A00];
	_ =	sdelay $0x2  }
0x33a: {  	v2 =	vmax.f32 v2, $-9.999998800e-01  }
0x33b: {  	v2 =	vmin.f32 v2, $9.999998800e-01;
	v3 =	vmax.f32 v3, $-9.999998800e-01  }
0x33c: {  	v2 =	vadd.f32 $1.000000000e+00, v2;
	v3 =	vmin.f32 v3, $9.999998800e-01;
	v4 =	vmax.f32 v4, $-9.999998800e-01  }
0x33d: {  	v3 =	vadd.f32 $1.000000000e+00, v3;
	v4 =	vmin.f32 v4, $9.999998800e-01  }
0x33e: {  	v5 =	vld [tilespmem:s12+$0x17A00];
	v2 =	vmul.f32 $4.000000000e+00, v2;
	v4 =	vadd.f32 $1.000000000e+00, v4  }
0x33f: {  	v3 =	vmul.f32 $4.000000000e+00, v3  }
0x340: {  	v2 =	vtrunc.f32 v2;
	v4 =	vmul.f32 $4.000000000e+00, v4  }
.Ltmp15:
0x341: {  	v2 =	vcvt.f32.s32 v2;
	v3 =	vtrunc.f32 v3;
	(pc) =	sbr.rel @p0 .LBB2_33-.Ltmp15, $4  }
0x342: {  	v3 =	vcvt.f32.s32 v3  }
0x343: {  	v4 =	vtrunc.f32 v4;
	v5 =	vshll.u32 v5, $0x9;
	v2 =	vshll.u32 v2, $0x6  }
0x344: {  	s21 =	sadd.s32 $0x80, s21;
	s22 =	sand.u32 $0x70, s23;
	s5 =	sand.u32 $0x80, s5;
	v5 =	vadd.s32 v5, v2;
	v3 =	vshll.u32 v3, $0x3;
	v2 =	vcvt.f32.s32 v4  }
0x345: {  	s23 =	sadd.s32 $0x10, s23;
	s5 =	sadd.s32 s5, s16;
	s12 =	sand.u32 $0x400, s21;
	v3 =	vadd.s32 v3, v5  }
0x346: {  	s12 =	sor.u32 s12, s19;
	v2 =	vadd.s32 v2, v3;
	s5 =	sadd.s32 s20, s5  }
0x347: {  	s12 =	sor.u32 s22, s12;
	[tilespmem:s5+$0x0] =	vst v2  }
0x348: {  	v2 =	vld [tilespmem:s12+$0x14A00]  }
0x349: {  	v3 =	vld [tilespmem:s12+$0x15A00]  }
0x34a: {  	v4 =	vld [tilespmem:s12+$0x16A00];
	_ =	sdelay $0x2  }
0x34b: {  	v2 =	vmax.f32 v2, $-9.999998800e-01  }
0x34c: {  	v3 =	vmax.f32 v3, $-9.999998800e-01;
	v2 =	vmin.f32 v2, $9.999998800e-01  }
0x34d: {  	v4 =	vmax.f32 v4, $-9.999998800e-01;
	v3 =	vmin.f32 v3, $9.999998800e-01;
	v2 =	vadd.f32 $1.000000000e+00, v2  }
0x34e: {  	v4 =	vmin.f32 v4, $9.999998800e-01;
	v3 =	vadd.f32 $1.000000000e+00, v3  }
0x34f: {  	v5 =	vld [tilespmem:s12+$0x17A00];
	v4 =	vadd.f32 $1.000000000e+00, v4;
	v2 =	vmul.f32 $4.000000000e+00, v2  }
0x350: {  	v3 =	vmul.f32 $4.000000000e+00, v3  }
0x351: {  	v4 =	vmul.f32 $4.000000000e+00, v4;
	v2 =	vtrunc.f32 v2  }
0x352: {  	s15 =	sadd.s32 $0x1, s15;
	v3 =	vtrunc.f32 v3;
	v2 =	vcvt.f32.s32 v2  }
0x353: {  	p0 =	sne.s32 s15, $0x10;
	v3 =	vcvt.f32.s32 v3  }
.Ltmp16:
0x354: {  	v5 =	vshll.u32 v5, $0x9;
	v4 =	vtrunc.f32 v4;
	v2 =	vshll.u32 v2, $0x6;
	(pc) =	sbr.rel @p0 .LBB2_32-.Ltmp16, $4  }
0x355: {  	s23 =	sand.u32 $0x80, s17;
	v4 =	vcvt.f32.s32 v4;
	v3 =	vshll.u32 v3, $0x3;
	v2 =	vadd.s32 v5, v2  }
0x356: {  	s5 =	sadd.s32 s23, s16;
	v2 =	vadd.s32 v3, v2  }
0x357: {  	s5 =	sadd.s32 s22, s5;
	v2 =	vadd.s32 v4, v2  }
0x358: {  	[tilespmem:s5+$0x0] =	vst v2  }
0x359: {  	s5 =	sld [smem:$0x7C7]  }
0x35a: {  	[spmem:s2] =	stream.indirect.scatter.add.f32 [tilespmem:s8], [sflag:$0x3], $0x1, s10, s6, $0xb8;
	[tilespmem:$0x1BA00] =	vst v63  }
0x35b: {  	s14 =	simm.s32 $0x0;
	s21 =	sld [smem:$0x7C8]  }
0x35c: {  	[tilespmem:s29], [sflag:$0x2] =	stream.linear.gather [hbm4b:s5+s14], $0x1000, $0x38;
	[tilespmem:$0x1BA00] =	vst v63  }
0x35d: {  	s22 =	sld [smem:$0x7C9]  }
0x35e: {  	[tilespmem:s30], [sflag:$0x2] =	stream.linear.gather [hbm4b:s21+s14], $0x1000, $0x38;
	[tilespmem:$0x1BA00] =	vst v63  }
0x35f: {  	s23 =	sld [smem:$0x7E5]  }
0x360: {  	[tilespmem:s31], [sflag:$0x2] =	stream.linear.gather [hbm4b:s22+s14], $0x1000, $0x38;
	[tilespmem:$0x1BA00] =	vst v63  }
0x361: {  	_ = 	snop  }
0x362: {  	[tilespmem:s0], [sflag:$0x2] =	stream.linear.gather [hbm4b:s23+s14], $0x1000, $0x38;
	[tilespmem:$0x1BA00] =	vst v63  }
0x363: {  	_ =	swait.ge [sflag:s4], $0x1000  }
0x364: {  	[sflag:s4] =	ssyncset.done $0x0  }
0x365: {  	[sflag:s4] =	ssyncadd.s32 $0xFFFFF000  }
0x366: {  	_ =	swait.ge [sflag:s4], $0x1000  }
0x367: {  	[sflag:s4] =	ssyncset.done $0x0  }
0x368: {  	[sflag:s4] =	ssyncadd.s32 $0xFFFFF000  }
0x369: {  	_ =	swait.ge [sflag:s4], $0x1000  }
0x36a: {  	[sflag:s4] =	ssyncset.done $0x0  }
0x36b: {  	[sflag:s4] =	ssyncadd.s32 $0xFFFFF000  }
0x36c: {  	_ =	swait.ge [sflag:s4], $0x1000  }
0x36d: {  	[sflag:s4] =	ssyncset.done $0x0  }
0x36e: {  	[sflag:s4] =	ssyncadd.s32 $0xFFFFF000  }
0x36f: {  	_ =	swait.ge [sflag:s11], $0x1000  }
0x370: {  	[sflag:s11] =	ssyncset.done $0x0  }
0x371: {  	s15 =	simm.s32 $0x0;
	[sflag:s11] =	ssyncadd.s32 $0xFFFFF000  }
.LBB2_36:
0x372: {  	s5 =	sshll.u32 s15, $0x8;
	s12 =	sshll.u32 s15, $0x7  }
0x373: {  	s16 =	sand.u32 $0x800, s5;
	s12 =	sand.u32 $0x380, s12  }
0x374: {  	s23 =	sand.u32 $0x400, s14;
	s19 =	sor.u32 s16, s12  }
0x375: {  	s20 =	sand.u32 $0x70, s14;
	s12 =	sor.u32 s23, s19  }
0x376: {  	s12 =	sor.u32 s20, s12  }
0x377: {  	v2 =	vld [tilespmem:s12+$0xFA00]  }
0x378: {  	v3 =	vld [tilespmem:s12+$0x10A00]  }
0x379: {  	v4 =	vld [tilespmem:s12+$0x11A00];
	_ =	sdelay $0x2  }
0x37a: {  	v2 =	vmax.f32 v2, $-9.999998800e-01  }
0x37b: {  	v3 =	vmax.f32 v3, $-9.999998800e-01;
	v2 =	vmin.f32 v2, $9.999998800e-01  }
0x37c: {  	v4 =	vmax.f32 v4, $-9.999998800e-01;
	v3 =	vmin.f32 v3, $9.999998800e-01;
	v2 =	vadd.f32 $1.000000000e+00, v2  }
0x37d: {  	v4 =	vmin.f32 v4, $9.999998800e-01;
	v3 =	vadd.f32 $1.000000000e+00, v3  }
0x37e: {  	v5 =	vld [tilespmem:s12+$0x12A00];
	v4 =	vadd.f32 $1.000000000e+00, v4;
	v2 =	vmul.f32 $4.000000000e+00, v2  }
0x37f: {  	v3 =	vmul.f32 $4.000000000e+00, v3  }
0x380: {  	v4 =	vmul.f32 $4.000000000e+00, v4;
	v2 =	vtrunc.f32 v2  }
0x381: {  	v3 =	vtrunc.f32 v3;
	v2 =	vcvt.f32.s32 v2  }
0x382: {  	v3 =	vcvt.f32.s32 v3  }
0x383: {  	s17 =	simm.s32 $0x10;
	s21 =	simm.s32 $0x80;
	s5 =	sand.u32 $0x3FFFFF00, s5;
	v5 =	vshll.u32 v5, $0x9;
	v4 =	vtrunc.f32 v4;
	v2 =	vshll.u32 v2, $0x6  }
0x384: {  	s22 =	sand.u32 $0x70, s17;
	s16 =	sadd.s32 $0x13A00, s5;
	s5 =	sand.u32 $0x80, s14;
	v3 =	vshll.u32 v3, $0x3;
	v5 =	vadd.s32 v5, v2;
	v2 =	vcvt.f32.s32 v4  }
0x385: {  	s23 =	simm.s32 $0x20;
	s5 =	sadd.s32 s5, s16;
	s12 =	sand.u32 $0x400, s21;
	v3 =	vadd.s32 v3, v5  }
.LBB2_37:
0x386: {  	p0 =	sne.s32 s23, $0xF0;
	s12 =	sor.u32 s12, s19;
	v2 =	vadd.s32 v2, v3;
	s5 =	sadd.s32 s20, s5  }
0x387: {  	s20 =	smov.u32 s22;
	s12 =	sor.u32 s22, s12;
	[tilespmem:s5+$0x0] =	vst v2;
	s5 =	smov.u32 s17  }
0x388: {  	s17 =	smov.u32 s23;
	v2 =	vld [tilespmem:s12+$0xFA00]  }
0x389: {  	v3 =	vld [tilespmem:s12+$0x10A00]  }
0x38a: {  	v4 =	vld [tilespmem:s12+$0x11A00];
	_ =	sdelay $0x2  }
0x38b: {  	v2 =	vmax.f32 v2, $-9.999998800e-01  }
0x38c: {  	v2 =	vmin.f32 v2, $9.999998800e-01;
	v3 =	vmax.f32 v3, $-9.999998800e-01  }
0x38d: {  	v2 =	vadd.f32 $1.000000000e+00, v2;
	v3 =	vmin.f32 v3, $9.999998800e-01;
	v4 =	vmax.f32 v4, $-9.999998800e-01  }
0x38e: {  	v3 =	vadd.f32 $1.000000000e+00, v3;
	v4 =	vmin.f32 v4, $9.999998800e-01  }
0x38f: {  	v5 =	vld [tilespmem:s12+$0x12A00];
	v2 =	vmul.f32 $4.000000000e+00, v2;
	v4 =	vadd.f32 $1.000000000e+00, v4  }
0x390: {  	v3 =	vmul.f32 $4.000000000e+00, v3  }
0x391: {  	v2 =	vtrunc.f32 v2;
	v4 =	vmul.f32 $4.000000000e+00, v4  }
.Ltmp17:
0x392: {  	v2 =	vcvt.f32.s32 v2;
	v3 =	vtrunc.f32 v3;
	(pc) =	sbr.rel @p0 .LBB2_37-.Ltmp17, $4  }
0x393: {  	v3 =	vcvt.f32.s32 v3  }
0x394: {  	v4 =	vtrunc.f32 v4;
	v5 =	vshll.u32 v5, $0x9;
	v2 =	vshll.u32 v2, $0x6  }
0x395: {  	s21 =	sadd.s32 $0x80, s21;
	s22 =	sand.u32 $0x70, s23;
	s5 =	sand.u32 $0x80, s5;
	v5 =	vadd.s32 v5, v2;
	v3 =	vshll.u32 v3, $0x3;
	v2 =	vcvt.f32.s32 v4  }
0x396: {  	s23 =	sadd.s32 $0x10, s23;
	s5 =	sadd.s32 s5, s16;
	s12 =	sand.u32 $0x400, s21;
	v3 =	vadd.s32 v3, v5  }
0x397: {  	s12 =	sor.u32 s12, s19;
	v2 =	vadd.s32 v2, v3;
	s5 =	sadd.s32 s20, s5  }
0x398: {  	s12 =	sor.u32 s22, s12;
	[tilespmem:s5+$0x0] =	vst v2  }
0x399: {  	v2 =	vld [tilespmem:s12+$0xFA00]  }
0x39a: {  	v3 =	vld [tilespmem:s12+$0x10A00]  }
0x39b: {  	v4 =	vld [tilespmem:s12+$0x11A00];
	_ =	sdelay $0x2  }
0x39c: {  	v2 =	vmax.f32 v2, $-9.999998800e-01  }
0x39d: {  	v3 =	vmax.f32 v3, $-9.999998800e-01;
	v2 =	vmin.f32 v2, $9.999998800e-01  }
0x39e: {  	v4 =	vmax.f32 v4, $-9.999998800e-01;
	v3 =	vmin.f32 v3, $9.999998800e-01;
	v2 =	vadd.f32 $1.000000000e+00, v2  }
0x39f: {  	v4 =	vmin.f32 v4, $9.999998800e-01;
	v3 =	vadd.f32 $1.000000000e+00, v3  }
0x3a0: {  	v5 =	vld [tilespmem:s12+$0x12A00];
	v4 =	vadd.f32 $1.000000000e+00, v4;
	v2 =	vmul.f32 $4.000000000e+00, v2  }
0x3a1: {  	v3 =	vmul.f32 $4.000000000e+00, v3  }
0x3a2: {  	v4 =	vmul.f32 $4.000000000e+00, v4;
	v2 =	vtrunc.f32 v2  }
0x3a3: {  	s15 =	sadd.s32 $0x1, s15;
	v3 =	vtrunc.f32 v3;
	v2 =	vcvt.f32.s32 v2  }
0x3a4: {  	p0 =	sne.s32 s15, $0x10;
	v3 =	vcvt.f32.s32 v3  }
.Ltmp18:
0x3a5: {  	v5 =	vshll.u32 v5, $0x9;
	v4 =	vtrunc.f32 v4;
	v2 =	vshll.u32 v2, $0x6;
	(pc) =	sbr.rel @p0 .LBB2_36-.Ltmp18, $4  }
0x3a6: {  	s23 =	sand.u32 $0x80, s17;
	v4 =	vcvt.f32.s32 v4;
	v3 =	vshll.u32 v3, $0x3;
	v2 =	vadd.s32 v5, v2  }
0x3a7: {  	s5 =	sadd.s32 s23, s16;
	v2 =	vadd.s32 v3, v2  }
0x3a8: {  	s5 =	sadd.s32 s22, s5;
	v2 =	vadd.s32 v4, v2  }
0x3a9: {  	[tilespmem:s5+$0x0] =	vst v2  }
0x3aa: {  	s5 =	sld [smem:$0x7CA]  }
0x3ab: {  	[spmem:s2] =	stream.indirect.scatter.add.f32 [tilespmem:s8], [sflag:$0x3], $0x1, s7, s6, $0xb8;
	[tilespmem:$0x1BA00] =	vst v63  }
0x3ac: {  	s14 =	simm.s32 $0x0;
	s21 =	sld [smem:$0x7CB]  }
0x3ad: {  	[tilespmem:s24], [sflag:$0x1] =	stream.linear.gather [hbm4b:s5+s14], $0x1000, $0x38;
	[tilespmem:$0x1BA00] =	vst v63  }
0x3ae: {  	s22 =	sld [smem:$0x7CC]  }
0x3af: {  	[tilespmem:s25], [sflag:$0x1] =	stream.linear.gather [hbm4b:s21+s14], $0x1000, $0x38;
	[tilespmem:$0x1BA00] =	vst v63  }
0x3b0: {  	s23 =	sld [smem:$0x7E6]  }
0x3b1: {  	[tilespmem:s26], [sflag:$0x1] =	stream.linear.gather [hbm4b:s22+s14], $0x1000, $0x38;
	[tilespmem:$0x1BA00] =	vst v63  }
0x3b2: {  	_ = 	snop  }
0x3b3: {  	[tilespmem:s28], [sflag:$0x1] =	stream.linear.gather [hbm4b:s23+s14], $0x1000, $0x38;
	[tilespmem:$0x1BA00] =	vst v63  }
0x3b4: {  	_ =	swait.ge [sflag:s9], $0x1000  }
0x3b5: {  	[sflag:s9] =	ssyncset.done $0x0  }
0x3b6: {  	[sflag:s9] =	ssyncadd.s32 $0xFFFFF000  }
0x3b7: {  	_ =	swait.ge [sflag:s9], $0x1000  }
0x3b8: {  	[sflag:s9] =	ssyncset.done $0x0  }
0x3b9: {  	[sflag:s9] =	ssyncadd.s32 $0xFFFFF000  }
0x3ba: {  	_ =	swait.ge [sflag:s9], $0x1000  }
0x3bb: {  	[sflag:s9] =	ssyncset.done $0x0  }
0x3bc: {  	[sflag:s9] =	ssyncadd.s32 $0xFFFFF000  }
0x3bd: {  	_ =	swait.ge [sflag:s9], $0x1000  }
0x3be: {  	[sflag:s9] =	ssyncset.done $0x0  }
0x3bf: {  	[sflag:s9] =	ssyncadd.s32 $0xFFFFF000  }
0x3c0: {  	_ =	swait.ge [sflag:s11], $0x1000  }
0x3c1: {  	[sflag:s11] =	ssyncset.done $0x0  }
0x3c2: {  	s15 =	simm.s32 $0x0;
	[sflag:s11] =	ssyncadd.s32 $0xFFFFF000  }
.LBB2_40:
0x3c3: {  	s5 =	sshll.u32 s15, $0x8;
	s12 =	sshll.u32 s15, $0x7  }
0x3c4: {  	s16 =	sand.u32 $0x800, s5;
	s12 =	sand.u32 $0x380, s12  }
0x3c5: {  	s23 =	sand.u32 $0x400, s14;
	s19 =	sor.u32 s16, s12  }
0x3c6: {  	s20 =	sand.u32 $0x70, s14;
	s12 =	sor.u32 s23, s19  }
0x3c7: {  	s12 =	sor.u32 s20, s12  }
0x3c8: {  	v2 =	vld [tilespmem:s12+$0x14A00]  }
0x3c9: {  	v3 =	vld [tilespmem:s12+$0x15A00]  }
0x3ca: {  	v4 =	vld [tilespmem:s12+$0x16A00];
	_ =	sdelay $0x2  }
0x3cb: {  	v2 =	vmax.f32 v2, $-9.999998800e-01  }
0x3cc: {  	v3 =	vmax.f32 v3, $-9.999998800e-01;
	v2 =	vmin.f32 v2, $9.999998800e-01  }
0x3cd: {  	v4 =	vmax.f32 v4, $-9.999998800e-01;
	v3 =	vmin.f32 v3, $9.999998800e-01;
	v2 =	vadd.f32 $1.000000000e+00, v2  }
0x3ce: {  	v4 =	vmin.f32 v4, $9.999998800e-01;
	v3 =	vadd.f32 $1.000000000e+00, v3  }
0x3cf: {  	v5 =	vld [tilespmem:s12+$0x17A00];
	v4 =	vadd.f32 $1.000000000e+00, v4;
	v2 =	vmul.f32 $4.000000000e+00, v2  }
0x3d0: {  	v3 =	vmul.f32 $4.000000000e+00, v3  }
0x3d1: {  	v4 =	vmul.f32 $4.000000000e+00, v4;
	v2 =	vtrunc.f32 v2  }
0x3d2: {  	v3 =	vtrunc.f32 v3;
	v2 =	vcvt.f32.s32 v2  }
0x3d3: {  	v3 =	vcvt.f32.s32 v3  }
0x3d4: {  	s17 =	simm.s32 $0x10;
	s21 =	simm.s32 $0x80;
	s5 =	sand.u32 $0x3FFFFF00, s5;
	v5 =	vshll.u32 v5, $0x9;
	v4 =	vtrunc.f32 v4;
	v2 =	vshll.u32 v2, $0x6  }
0x3d5: {  	s22 =	sand.u32 $0x70, s17;
	s16 =	sadd.s32 $0x18A00, s5;
	s5 =	sand.u32 $0x80, s14;
	v3 =	vshll.u32 v3, $0x3;
	v5 =	vadd.s32 v5, v2;
	v2 =	vcvt.f32.s32 v4  }
0x3d6: {  	s23 =	simm.s32 $0x20;
	s5 =	sadd.s32 s5, s16;
	s12 =	sand.u32 $0x400, s21;
	v3 =	vadd.s32 v3, v5  }
.LBB2_41:
0x3d7: {  	p0 =	sne.s32 s23, $0xF0;
	s12 =	sor.u32 s12, s19;
	v2 =	vadd.s32 v2, v3;
	s5 =	sadd.s32 s20, s5  }
0x3d8: {  	s20 =	smov.u32 s22;
	s12 =	sor.u32 s22, s12;
	[tilespmem:s5+$0x0] =	vst v2;
	s5 =	smov.u32 s17  }
0x3d9: {  	s17 =	smov.u32 s23;
	v2 =	vld [tilespmem:s12+$0x14A00]  }
0x3da: {  	v3 =	vld [tilespmem:s12+$0x15A00]  }
0x3db: {  	v4 =	vld [tilespmem:s12+$0x16A00];
	_ =	sdelay $0x2  }
0x3dc: {  	v2 =	vmax.f32 v2, $-9.999998800e-01  }
0x3dd: {  	v2 =	vmin.f32 v2, $9.999998800e-01;
	v3 =	vmax.f32 v3, $-9.999998800e-01  }
0x3de: {  	v2 =	vadd.f32 $1.000000000e+00, v2;
	v3 =	vmin.f32 v3, $9.999998800e-01;
	v4 =	vmax.f32 v4, $-9.999998800e-01  }
0x3df: {  	v3 =	vadd.f32 $1.000000000e+00, v3;
	v4 =	vmin.f32 v4, $9.999998800e-01  }
0x3e0: {  	v5 =	vld [tilespmem:s12+$0x17A00];
	v2 =	vmul.f32 $4.000000000e+00, v2;
	v4 =	vadd.f32 $1.000000000e+00, v4  }
0x3e1: {  	v3 =	vmul.f32 $4.000000000e+00, v3  }
0x3e2: {  	v2 =	vtrunc.f32 v2;
	v4 =	vmul.f32 $4.000000000e+00, v4  }
.Ltmp19:
0x3e3: {  	v2 =	vcvt.f32.s32 v2;
	v3 =	vtrunc.f32 v3;
	(pc) =	sbr.rel @p0 .LBB2_41-.Ltmp19, $4  }
0x3e4: {  	v3 =	vcvt.f32.s32 v3  }
0x3e5: {  	v4 =	vtrunc.f32 v4;
	v5 =	vshll.u32 v5, $0x9;
	v2 =	vshll.u32 v2, $0x6  }
0x3e6: {  	s21 =	sadd.s32 $0x80, s21;
	s22 =	sand.u32 $0x70, s23;
	s5 =	sand.u32 $0x80, s5;
	v5 =	vadd.s32 v5, v2;
	v3 =	vshll.u32 v3, $0x3;
	v2 =	vcvt.f32.s32 v4  }
0x3e7: {  	s23 =	sadd.s32 $0x10, s23;
	s5 =	sadd.s32 s5, s16;
	s12 =	sand.u32 $0x400, s21;
	v3 =	vadd.s32 v3, v5  }
0x3e8: {  	s12 =	sor.u32 s12, s19;
	v2 =	vadd.s32 v2, v3;
	s5 =	sadd.s32 s20, s5  }
0x3e9: {  	s12 =	sor.u32 s22, s12;
	[tilespmem:s5+$0x0] =	vst v2  }
0x3ea: {  	v2 =	vld [tilespmem:s12+$0x14A00]  }
0x3eb: {  	v3 =	vld [tilespmem:s12+$0x15A00]  }
0x3ec: {  	v4 =	vld [tilespmem:s12+$0x16A00];
	_ =	sdelay $0x2  }
0x3ed: {  	v2 =	vmax.f32 v2, $-9.999998800e-01  }
0x3ee: {  	v3 =	vmax.f32 v3, $-9.999998800e-01;
	v2 =	vmin.f32 v2, $9.999998800e-01  }
0x3ef: {  	v4 =	vmax.f32 v4, $-9.999998800e-01;
	v3 =	vmin.f32 v3, $9.999998800e-01;
	v2 =	vadd.f32 $1.000000000e+00, v2  }
0x3f0: {  	v4 =	vmin.f32 v4, $9.999998800e-01;
	v3 =	vadd.f32 $1.000000000e+00, v3  }
0x3f1: {  	v5 =	vld [tilespmem:s12+$0x17A00];
	v4 =	vadd.f32 $1.000000000e+00, v4;
	v2 =	vmul.f32 $4.000000000e+00, v2  }
0x3f2: {  	v3 =	vmul.f32 $4.000000000e+00, v3  }
0x3f3: {  	v4 =	vmul.f32 $4.000000000e+00, v4;
	v2 =	vtrunc.f32 v2  }
0x3f4: {  	s15 =	sadd.s32 $0x1, s15;
	v3 =	vtrunc.f32 v3;
	v2 =	vcvt.f32.s32 v2  }
0x3f5: {  	p0 =	sne.s32 s15, $0x10;
	v3 =	vcvt.f32.s32 v3  }
.Ltmp20:
0x3f6: {  	v5 =	vshll.u32 v5, $0x9;
	v4 =	vtrunc.f32 v4;
	v2 =	vshll.u32 v2, $0x6;
	(pc) =	sbr.rel @p0 .LBB2_40-.Ltmp20, $4  }
0x3f7: {  	s23 =	sand.u32 $0x80, s17;
	v4 =	vcvt.f32.s32 v4;
	v3 =	vshll.u32 v3, $0x3;
	v2 =	vadd.s32 v5, v2  }
0x3f8: {  	s5 =	sadd.s32 s23, s16;
	v2 =	vadd.s32 v3, v2  }
0x3f9: {  	s5 =	sadd.s32 s22, s5;
	v2 =	vadd.s32 v4, v2  }
0x3fa: {  	[tilespmem:s5+$0x0] =	vst v2  }
0x3fb: {  	s5 =	sld [smem:$0x7CD]  }
0x3fc: {  	[spmem:s2] =	stream.indirect.scatter.add.f32 [tilespmem:s8], [sflag:$0x3], $0x1, s10, s6, $0xb8;
	[tilespmem:$0x1BA00] =	vst v63  }
0x3fd: {  	s14 =	simm.s32 $0x0;
	s21 =	sld [smem:$0x7CE]  }
0x3fe: {  	[tilespmem:s29], [sflag:$0x2] =	stream.linear.gather [hbm4b:s5+s14], $0x1000, $0x38;
	[tilespmem:$0x1BA00] =	vst v63  }
0x3ff: {  	s22 =	sld [smem:$0x7CF]  }
0x400: {  	[tilespmem:s30], [sflag:$0x2] =	stream.linear.gather [hbm4b:s21+s14], $0x1000, $0x38;
	[tilespmem:$0x1BA00] =	vst v63  }
0x401: {  	s23 =	sld [smem:$0x7E7]  }
0x402: {  	[tilespmem:s31], [sflag:$0x2] =	stream.linear.gather [hbm4b:s22+s14], $0x1000, $0x38;
	[tilespmem:$0x1BA00] =	vst v63  }
0x403: {  	_ = 	snop  }
0x404: {  	[tilespmem:s0], [sflag:$0x2] =	stream.linear.gather [hbm4b:s23+s14], $0x1000, $0x38;
	[tilespmem:$0x1BA00] =	vst v63  }
0x405: {  	_ =	swait.ge [sflag:s4], $0x1000  }
0x406: {  	[sflag:s4] =	ssyncset.done $0x0  }
0x407: {  	[sflag:s4] =	ssyncadd.s32 $0xFFFFF000  }
0x408: {  	_ =	swait.ge [sflag:s4], $0x1000  }
0x409: {  	[sflag:s4] =	ssyncset.done $0x0  }
0x40a: {  	[sflag:s4] =	ssyncadd.s32 $0xFFFFF000  }
0x40b: {  	_ =	swait.ge [sflag:s4], $0x1000  }
0x40c: {  	[sflag:s4] =	ssyncset.done $0x0  }
0x40d: {  	[sflag:s4] =	ssyncadd.s32 $0xFFFFF000  }
0x40e: {  	_ =	swait.ge [sflag:s4], $0x1000  }
0x40f: {  	[sflag:s4] =	ssyncset.done $0x0  }
0x410: {  	[sflag:s4] =	ssyncadd.s32 $0xFFFFF000  }
0x411: {  	_ =	swait.ge [sflag:s11], $0x1000  }
0x412: {  	[sflag:s11] =	ssyncset.done $0x0  }
0x413: {  	s15 =	simm.s32 $0x0;
	[sflag:s11] =	ssyncadd.s32 $0xFFFFF000  }
.LBB2_44:
0x414: {  	s5 =	sshll.u32 s15, $0x8;
	s12 =	sshll.u32 s15, $0x7  }
0x415: {  	s16 =	sand.u32 $0x800, s5;
	s12 =	sand.u32 $0x380, s12  }
0x416: {  	s23 =	sand.u32 $0x400, s14;
	s19 =	sor.u32 s16, s12  }
0x417: {  	s20 =	sand.u32 $0x70, s14;
	s12 =	sor.u32 s23, s19  }
0x418: {  	s12 =	sor.u32 s20, s12  }
0x419: {  	v2 =	vld [tilespmem:s12+$0xFA00]  }
0x41a: {  	v3 =	vld [tilespmem:s12+$0x10A00]  }
0x41b: {  	v4 =	vld [tilespmem:s12+$0x11A00];
	_ =	sdelay $0x2  }
0x41c: {  	v2 =	vmax.f32 v2, $-9.999998800e-01  }
0x41d: {  	v3 =	vmax.f32 v3, $-9.999998800e-01;
	v2 =	vmin.f32 v2, $9.999998800e-01  }
0x41e: {  	v4 =	vmax.f32 v4, $-9.999998800e-01;
	v3 =	vmin.f32 v3, $9.999998800e-01;
	v2 =	vadd.f32 $1.000000000e+00, v2  }
0x41f: {  	v4 =	vmin.f32 v4, $9.999998800e-01;
	v3 =	vadd.f32 $1.000000000e+00, v3  }
0x420: {  	v5 =	vld [tilespmem:s12+$0x12A00];
	v4 =	vadd.f32 $1.000000000e+00, v4;
	v2 =	vmul.f32 $4.000000000e+00, v2  }
0x421: {  	v3 =	vmul.f32 $4.000000000e+00, v3  }
0x422: {  	v4 =	vmul.f32 $4.000000000e+00, v4;
	v2 =	vtrunc.f32 v2  }
0x423: {  	v3 =	vtrunc.f32 v3;
	v2 =	vcvt.f32.s32 v2  }
0x424: {  	v3 =	vcvt.f32.s32 v3  }
0x425: {  	s17 =	simm.s32 $0x10;
	s21 =	simm.s32 $0x80;
	s5 =	sand.u32 $0x3FFFFF00, s5;
	v5 =	vshll.u32 v5, $0x9;
	v4 =	vtrunc.f32 v4;
	v2 =	vshll.u32 v2, $0x6  }
0x426: {  	s22 =	sand.u32 $0x70, s17;
	s16 =	sadd.s32 $0x13A00, s5;
	s5 =	sand.u32 $0x80, s14;
	v3 =	vshll.u32 v3, $0x3;
	v5 =	vadd.s32 v5, v2;
	v2 =	vcvt.f32.s32 v4  }
0x427: {  	s23 =	simm.s32 $0x20;
	s5 =	sadd.s32 s5, s16;
	s12 =	sand.u32 $0x400, s21;
	v3 =	vadd.s32 v3, v5  }
.LBB2_45:
0x428: {  	p0 =	sne.s32 s23, $0xF0;
	s12 =	sor.u32 s12, s19;
	v2 =	vadd.s32 v2, v3;
	s5 =	sadd.s32 s20, s5  }
0x429: {  	s20 =	smov.u32 s22;
	s12 =	sor.u32 s22, s12;
	[tilespmem:s5+$0x0] =	vst v2;
	s5 =	smov.u32 s17  }
0x42a: {  	s17 =	smov.u32 s23;
	v2 =	vld [tilespmem:s12+$0xFA00]  }
0x42b: {  	v3 =	vld [tilespmem:s12+$0x10A00]  }
0x42c: {  	v4 =	vld [tilespmem:s12+$0x11A00];
	_ =	sdelay $0x2  }
0x42d: {  	v2 =	vmax.f32 v2, $-9.999998800e-01  }
0x42e: {  	v2 =	vmin.f32 v2, $9.999998800e-01;
	v3 =	vmax.f32 v3, $-9.999998800e-01  }
0x42f: {  	v2 =	vadd.f32 $1.000000000e+00, v2;
	v3 =	vmin.f32 v3, $9.999998800e-01;
	v4 =	vmax.f32 v4, $-9.999998800e-01  }
0x430: {  	v3 =	vadd.f32 $1.000000000e+00, v3;
	v4 =	vmin.f32 v4, $9.999998800e-01  }
0x431: {  	v5 =	vld [tilespmem:s12+$0x12A00];
	v2 =	vmul.f32 $4.000000000e+00, v2;
	v4 =	vadd.f32 $1.000000000e+00, v4  }
0x432: {  	v3 =	vmul.f32 $4.000000000e+00, v3  }
0x433: {  	v2 =	vtrunc.f32 v2;
	v4 =	vmul.f32 $4.000000000e+00, v4  }
.Ltmp21:
0x434: {  	v2 =	vcvt.f32.s32 v2;
	v3 =	vtrunc.f32 v3;
	(pc) =	sbr.rel @p0 .LBB2_45-.Ltmp21, $4  }
0x435: {  	v3 =	vcvt.f32.s32 v3  }
0x436: {  	v4 =	vtrunc.f32 v4;
	v5 =	vshll.u32 v5, $0x9;
	v2 =	vshll.u32 v2, $0x6  }
0x437: {  	s21 =	sadd.s32 $0x80, s21;
	s22 =	sand.u32 $0x70, s23;
	s5 =	sand.u32 $0x80, s5;
	v5 =	vadd.s32 v5, v2;
	v3 =	vshll.u32 v3, $0x3;
	v2 =	vcvt.f32.s32 v4  }
0x438: {  	s23 =	sadd.s32 $0x10, s23;
	s5 =	sadd.s32 s5, s16;
	s12 =	sand.u32 $0x400, s21;
	v3 =	vadd.s32 v3, v5  }
0x439: {  	s12 =	sor.u32 s12, s19;
	v2 =	vadd.s32 v2, v3;
	s5 =	sadd.s32 s20, s5  }
0x43a: {  	s12 =	sor.u32 s22, s12;
	[tilespmem:s5+$0x0] =	vst v2  }
0x43b: {  	v2 =	vld [tilespmem:s12+$0xFA00]  }
0x43c: {  	v3 =	vld [tilespmem:s12+$0x10A00]  }
0x43d: {  	v4 =	vld [tilespmem:s12+$0x11A00];
	_ =	sdelay $0x2  }
0x43e: {  	v2 =	vmax.f32 v2, $-9.999998800e-01  }
0x43f: {  	v3 =	vmax.f32 v3, $-9.999998800e-01;
	v2 =	vmin.f32 v2, $9.999998800e-01  }
0x440: {  	v4 =	vmax.f32 v4, $-9.999998800e-01;
	v3 =	vmin.f32 v3, $9.999998800e-01;
	v2 =	vadd.f32 $1.000000000e+00, v2  }
0x441: {  	v4 =	vmin.f32 v4, $9.999998800e-01;
	v3 =	vadd.f32 $1.000000000e+00, v3  }
0x442: {  	v5 =	vld [tilespmem:s12+$0x12A00];
	v4 =	vadd.f32 $1.000000000e+00, v4;
	v2 =	vmul.f32 $4.000000000e+00, v2  }
0x443: {  	v3 =	vmul.f32 $4.000000000e+00, v3  }
0x444: {  	v4 =	vmul.f32 $4.000000000e+00, v4;
	v2 =	vtrunc.f32 v2  }
0x445: {  	s15 =	sadd.s32 $0x1, s15;
	v3 =	vtrunc.f32 v3;
	v2 =	vcvt.f32.s32 v2  }
0x446: {  	p0 =	sne.s32 s15, $0x10;
	v3 =	vcvt.f32.s32 v3  }
.Ltmp22:
0x447: {  	v5 =	vshll.u32 v5, $0x9;
	v4 =	vtrunc.f32 v4;
	v2 =	vshll.u32 v2, $0x6;
	(pc) =	sbr.rel @p0 .LBB2_44-.Ltmp22, $4  }
0x448: {  	s23 =	sand.u32 $0x80, s17;
	v4 =	vcvt.f32.s32 v4;
	v3 =	vshll.u32 v3, $0x3;
	v2 =	vadd.s32 v5, v2  }
0x449: {  	s5 =	sadd.s32 s23, s16;
	v2 =	vadd.s32 v3, v2  }
0x44a: {  	s5 =	sadd.s32 s22, s5;
	v2 =	vadd.s32 v4, v2  }
0x44b: {  	[tilespmem:s5+$0x0] =	vst v2  }
0x44c: {  	s5 =	sld [smem:$0x7D0]  }
0x44d: {  	[spmem:s2] =	stream.indirect.scatter.add.f32 [tilespmem:s8], [sflag:$0x3], $0x1, s7, s6, $0xb8;
	[tilespmem:$0x1BA00] =	vst v63  }
0x44e: {  	s14 =	simm.s32 $0x0;
	s21 =	sld [smem:$0x7D1]  }
0x44f: {  	[tilespmem:s24], [sflag:$0x1] =	stream.linear.gather [hbm4b:s5+s14], $0x1000, $0x38;
	[tilespmem:$0x1BA00] =	vst v63  }
0x450: {  	s22 =	sld [smem:$0x7D2]  }
0x451: {  	[tilespmem:s25], [sflag:$0x1] =	stream.linear.gather [hbm4b:s21+s14], $0x1000, $0x38;
	[tilespmem:$0x1BA00] =	vst v63  }
0x452: {  	s23 =	sld [smem:$0x7E8]  }
0x453: {  	[tilespmem:s26], [sflag:$0x1] =	stream.linear.gather [hbm4b:s22+s14], $0x1000, $0x38;
	[tilespmem:$0x1BA00] =	vst v63  }
0x454: {  	_ = 	snop  }
0x455: {  	[tilespmem:s28], [sflag:$0x1] =	stream.linear.gather [hbm4b:s23+s14], $0x1000, $0x38;
	[tilespmem:$0x1BA00] =	vst v63  }
0x456: {  	_ =	swait.ge [sflag:s9], $0x1000  }
0x457: {  	[sflag:s9] =	ssyncset.done $0x0  }
0x458: {  	[sflag:s9] =	ssyncadd.s32 $0xFFFFF000  }
0x459: {  	_ =	swait.ge [sflag:s9], $0x1000  }
0x45a: {  	[sflag:s9] =	ssyncset.done $0x0  }
0x45b: {  	[sflag:s9] =	ssyncadd.s32 $0xFFFFF000  }
0x45c: {  	_ =	swait.ge [sflag:s9], $0x1000  }
0x45d: {  	[sflag:s9] =	ssyncset.done $0x0  }
0x45e: {  	[sflag:s9] =	ssyncadd.s32 $0xFFFFF000  }
0x45f: {  	_ =	swait.ge [sflag:s9], $0x1000  }
0x460: {  	[sflag:s9] =	ssyncset.done $0x0  }
0x461: {  	[sflag:s9] =	ssyncadd.s32 $0xFFFFF000  }
0x462: {  	_ =	swait.ge [sflag:s11], $0x1000  }
0x463: {  	[sflag:s11] =	ssyncset.done $0x0  }
0x464: {  	s15 =	simm.s32 $0x0;
	[sflag:s11] =	ssyncadd.s32 $0xFFFFF000  }
.LBB2_48:
0x465: {  	s5 =	sshll.u32 s15, $0x8;
	s12 =	sshll.u32 s15, $0x7  }
0x466: {  	s16 =	sand.u32 $0x800, s5;
	s12 =	sand.u32 $0x380, s12  }
0x467: {  	s23 =	sand.u32 $0x400, s14;
	s19 =	sor.u32 s16, s12  }
0x468: {  	s20 =	sand.u32 $0x70, s14;
	s12 =	sor.u32 s23, s19  }
0x469: {  	s12 =	sor.u32 s20, s12  }
0x46a: {  	v2 =	vld [tilespmem:s12+$0x14A00]  }
0x46b: {  	v3 =	vld [tilespmem:s12+$0x15A00]  }
0x46c: {  	v4 =	vld [tilespmem:s12+$0x16A00];
	_ =	sdelay $0x2  }
0x46d: {  	v2 =	vmax.f32 v2, $-9.999998800e-01  }
0x46e: {  	v3 =	vmax.f32 v3, $-9.999998800e-01;
	v2 =	vmin.f32 v2, $9.999998800e-01  }
0x46f: {  	v4 =	vmax.f32 v4, $-9.999998800e-01;
	v3 =	vmin.f32 v3, $9.999998800e-01;
	v2 =	vadd.f32 $1.000000000e+00, v2  }
0x470: {  	v4 =	vmin.f32 v4, $9.999998800e-01;
	v3 =	vadd.f32 $1.000000000e+00, v3  }
0x471: {  	v5 =	vld [tilespmem:s12+$0x17A00];
	v4 =	vadd.f32 $1.000000000e+00, v4;
	v2 =	vmul.f32 $4.000000000e+00, v2  }
0x472: {  	v3 =	vmul.f32 $4.000000000e+00, v3  }
0x473: {  	v4 =	vmul.f32 $4.000000000e+00, v4;
	v2 =	vtrunc.f32 v2  }
0x474: {  	v3 =	vtrunc.f32 v3;
	v2 =	vcvt.f32.s32 v2  }
0x475: {  	v3 =	vcvt.f32.s32 v3  }
0x476: {  	s17 =	simm.s32 $0x10;
	s21 =	simm.s32 $0x80;
	s5 =	sand.u32 $0x3FFFFF00, s5;
	v5 =	vshll.u32 v5, $0x9;
	v4 =	vtrunc.f32 v4;
	v2 =	vshll.u32 v2, $0x6  }
0x477: {  	s22 =	sand.u32 $0x70, s17;
	s16 =	sadd.s32 $0x18A00, s5;
	s5 =	sand.u32 $0x80, s14;
	v3 =	vshll.u32 v3, $0x3;
	v5 =	vadd.s32 v5, v2;
	v2 =	vcvt.f32.s32 v4  }
0x478: {  	s23 =	simm.s32 $0x20;
	s5 =	sadd.s32 s5, s16;
	s12 =	sand.u32 $0x400, s21;
	v3 =	vadd.s32 v3, v5  }
.LBB2_49:
0x479: {  	p0 =	sne.s32 s23, $0xF0;
	s12 =	sor.u32 s12, s19;
	v2 =	vadd.s32 v2, v3;
	s5 =	sadd.s32 s20, s5  }
0x47a: {  	s20 =	smov.u32 s22;
	s12 =	sor.u32 s22, s12;
	[tilespmem:s5+$0x0] =	vst v2;
	s5 =	smov.u32 s17  }
0x47b: {  	s17 =	smov.u32 s23;
	v2 =	vld [tilespmem:s12+$0x14A00]  }
0x47c: {  	v3 =	vld [tilespmem:s12+$0x15A00]  }
0x47d: {  	v4 =	vld [tilespmem:s12+$0x16A00];
	_ =	sdelay $0x2  }
0x47e: {  	v2 =	vmax.f32 v2, $-9.999998800e-01  }
0x47f: {  	v2 =	vmin.f32 v2, $9.999998800e-01;
	v3 =	vmax.f32 v3, $-9.999998800e-01  }
0x480: {  	v2 =	vadd.f32 $1.000000000e+00, v2;
	v3 =	vmin.f32 v3, $9.999998800e-01;
	v4 =	vmax.f32 v4, $-9.999998800e-01  }
0x481: {  	v3 =	vadd.f32 $1.000000000e+00, v3;
	v4 =	vmin.f32 v4, $9.999998800e-01  }
0x482: {  	v5 =	vld [tilespmem:s12+$0x17A00];
	v2 =	vmul.f32 $4.000000000e+00, v2;
	v4 =	vadd.f32 $1.000000000e+00, v4  }
0x483: {  	v3 =	vmul.f32 $4.000000000e+00, v3  }
0x484: {  	v2 =	vtrunc.f32 v2;
	v4 =	vmul.f32 $4.000000000e+00, v4  }
.Ltmp23:
0x485: {  	v2 =	vcvt.f32.s32 v2;
	v3 =	vtrunc.f32 v3;
	(pc) =	sbr.rel @p0 .LBB2_49-.Ltmp23, $4  }
0x486: {  	v3 =	vcvt.f32.s32 v3  }
0x487: {  	v4 =	vtrunc.f32 v4;
	v5 =	vshll.u32 v5, $0x9;
	v2 =	vshll.u32 v2, $0x6  }
0x488: {  	s21 =	sadd.s32 $0x80, s21;
	s22 =	sand.u32 $0x70, s23;
	s5 =	sand.u32 $0x80, s5;
	v5 =	vadd.s32 v5, v2;
	v3 =	vshll.u32 v3, $0x3;
	v2 =	vcvt.f32.s32 v4  }
0x489: {  	s23 =	sadd.s32 $0x10, s23;
	s5 =	sadd.s32 s5, s16;
	s12 =	sand.u32 $0x400, s21;
	v3 =	vadd.s32 v3, v5  }
0x48a: {  	s12 =	sor.u32 s12, s19;
	v2 =	vadd.s32 v2, v3;
	s5 =	sadd.s32 s20, s5  }
0x48b: {  	s12 =	sor.u32 s22, s12;
	[tilespmem:s5+$0x0] =	vst v2  }
0x48c: {  	v2 =	vld [tilespmem:s12+$0x14A00]  }
0x48d: {  	v3 =	vld [tilespmem:s12+$0x15A00]  }
0x48e: {  	v4 =	vld [tilespmem:s12+$0x16A00];
	_ =	sdelay $0x2  }
0x48f: {  	v2 =	vmax.f32 v2, $-9.999998800e-01  }
0x490: {  	v3 =	vmax.f32 v3, $-9.999998800e-01;
	v2 =	vmin.f32 v2, $9.999998800e-01  }
0x491: {  	v4 =	vmax.f32 v4, $-9.999998800e-01;
	v3 =	vmin.f32 v3, $9.999998800e-01;
	v2 =	vadd.f32 $1.000000000e+00, v2  }
0x492: {  	v4 =	vmin.f32 v4, $9.999998800e-01;
	v3 =	vadd.f32 $1.000000000e+00, v3  }
0x493: {  	v5 =	vld [tilespmem:s12+$0x17A00];
	v4 =	vadd.f32 $1.000000000e+00, v4;
	v2 =	vmul.f32 $4.000000000e+00, v2  }
0x494: {  	v3 =	vmul.f32 $4.000000000e+00, v3  }
0x495: {  	v4 =	vmul.f32 $4.000000000e+00, v4;
	v2 =	vtrunc.f32 v2  }
0x496: {  	s15 =	sadd.s32 $0x1, s15;
	v3 =	vtrunc.f32 v3;
	v2 =	vcvt.f32.s32 v2  }
0x497: {  	p0 =	sne.s32 s15, $0x10;
	v3 =	vcvt.f32.s32 v3  }
.Ltmp24:
0x498: {  	v5 =	vshll.u32 v5, $0x9;
	v4 =	vtrunc.f32 v4;
	v2 =	vshll.u32 v2, $0x6;
	(pc) =	sbr.rel @p0 .LBB2_48-.Ltmp24, $4  }
0x499: {  	s23 =	sand.u32 $0x80, s17;
	v4 =	vcvt.f32.s32 v4;
	v3 =	vshll.u32 v3, $0x3;
	v2 =	vadd.s32 v5, v2  }
0x49a: {  	s5 =	sadd.s32 s23, s16;
	v2 =	vadd.s32 v3, v2  }
0x49b: {  	s5 =	sadd.s32 s22, s5;
	v2 =	vadd.s32 v4, v2  }
0x49c: {  	[tilespmem:s5+$0x0] =	vst v2  }
0x49d: {  	s5 =	sld [smem:$0x7D3]  }
0x49e: {  	[spmem:s2] =	stream.indirect.scatter.add.f32 [tilespmem:s8], [sflag:$0x3], $0x1, s10, s6, $0xb8;
	[tilespmem:$0x1BA00] =	vst v63  }
0x49f: {  	s14 =	simm.s32 $0x0;
	s21 =	sld [smem:$0x7D4]  }
0x4a0: {  	[tilespmem:s29], [sflag:$0x2] =	stream.linear.gather [hbm4b:s5+s14], $0x1000, $0x38;
	[tilespmem:$0x1BA00] =	vst v63  }
0x4a1: {  	s22 =	sld [smem:$0x7D5]  }
0x4a2: {  	[tilespmem:s30], [sflag:$0x2] =	stream.linear.gather [hbm4b:s21+s14], $0x1000, $0x38;
	[tilespmem:$0x1BA00] =	vst v63  }
0x4a3: {  	s23 =	sld [smem:$0x7E9]  }
0x4a4: {  	[tilespmem:s31], [sflag:$0x2] =	stream.linear.gather [hbm4b:s22+s14], $0x1000, $0x38;
	[tilespmem:$0x1BA00] =	vst v63  }
0x4a5: {  	_ = 	snop  }
0x4a6: {  	[tilespmem:s0], [sflag:$0x2] =	stream.linear.gather [hbm4b:s23+s14], $0x1000, $0x38;
	[tilespmem:$0x1BA00] =	vst v63  }
0x4a7: {  	_ =	swait.ge [sflag:s4], $0x1000  }
0x4a8: {  	[sflag:s4] =	ssyncset.done $0x0  }
0x4a9: {  	[sflag:s4] =	ssyncadd.s32 $0xFFFFF000  }
0x4aa: {  	_ =	swait.ge [sflag:s4], $0x1000  }
0x4ab: {  	[sflag:s4] =	ssyncset.done $0x0  }
0x4ac: {  	[sflag:s4] =	ssyncadd.s32 $0xFFFFF000  }
0x4ad: {  	_ =	swait.ge [sflag:s4], $0x1000  }
0x4ae: {  	[sflag:s4] =	ssyncset.done $0x0  }
0x4af: {  	[sflag:s4] =	ssyncadd.s32 $0xFFFFF000  }
0x4b0: {  	_ =	swait.ge [sflag:s4], $0x1000  }
0x4b1: {  	[sflag:s4] =	ssyncset.done $0x0  }
0x4b2: {  	[sflag:s4] =	ssyncadd.s32 $0xFFFFF000  }
0x4b3: {  	_ =	swait.ge [sflag:s11], $0x1000  }
0x4b4: {  	[sflag:s11] =	ssyncset.done $0x0  }
0x4b5: {  	s15 =	simm.s32 $0x0;
	[sflag:s11] =	ssyncadd.s32 $0xFFFFF000  }
.LBB2_52:
0x4b6: {  	s5 =	sshll.u32 s15, $0x8;
	s12 =	sshll.u32 s15, $0x7  }
0x4b7: {  	s16 =	sand.u32 $0x800, s5;
	s12 =	sand.u32 $0x380, s12  }
0x4b8: {  	s23 =	sand.u32 $0x400, s14;
	s19 =	sor.u32 s16, s12  }
0x4b9: {  	s20 =	sand.u32 $0x70, s14;
	s12 =	sor.u32 s23, s19  }
0x4ba: {  	s12 =	sor.u32 s20, s12  }
0x4bb: {  	v2 =	vld [tilespmem:s12+$0xFA00]  }
0x4bc: {  	v3 =	vld [tilespmem:s12+$0x10A00]  }
0x4bd: {  	v4 =	vld [tilespmem:s12+$0x11A00];
	_ =	sdelay $0x2  }
0x4be: {  	v2 =	vmax.f32 v2, $-9.999998800e-01  }
0x4bf: {  	v3 =	vmax.f32 v3, $-9.999998800e-01;
	v2 =	vmin.f32 v2, $9.999998800e-01  }
0x4c0: {  	v4 =	vmax.f32 v4, $-9.999998800e-01;
	v3 =	vmin.f32 v3, $9.999998800e-01;
	v2 =	vadd.f32 $1.000000000e+00, v2  }
0x4c1: {  	v4 =	vmin.f32 v4, $9.999998800e-01;
	v3 =	vadd.f32 $1.000000000e+00, v3  }
0x4c2: {  	v5 =	vld [tilespmem:s12+$0x12A00];
	v4 =	vadd.f32 $1.000000000e+00, v4;
	v2 =	vmul.f32 $4.000000000e+00, v2  }
0x4c3: {  	v3 =	vmul.f32 $4.000000000e+00, v3  }
0x4c4: {  	v4 =	vmul.f32 $4.000000000e+00, v4;
	v2 =	vtrunc.f32 v2  }
0x4c5: {  	v3 =	vtrunc.f32 v3;
	v2 =	vcvt.f32.s32 v2  }
0x4c6: {  	v3 =	vcvt.f32.s32 v3  }
0x4c7: {  	s17 =	simm.s32 $0x10;
	s21 =	simm.s32 $0x80;
	s5 =	sand.u32 $0x3FFFFF00, s5;
	v5 =	vshll.u32 v5, $0x9;
	v4 =	vtrunc.f32 v4;
	v2 =	vshll.u32 v2, $0x6  }
0x4c8: {  	s22 =	sand.u32 $0x70, s17;
	s16 =	sadd.s32 $0x13A00, s5;
	s5 =	sand.u32 $0x80, s14;
	v3 =	vshll.u32 v3, $0x3;
	v5 =	vadd.s32 v5, v2;
	v2 =	vcvt.f32.s32 v4  }
0x4c9: {  	s23 =	simm.s32 $0x20;
	s5 =	sadd.s32 s5, s16;
	s12 =	sand.u32 $0x400, s21;
	v3 =	vadd.s32 v3, v5  }
.LBB2_53:
0x4ca: {  	p0 =	sne.s32 s23, $0xF0;
	s12 =	sor.u32 s12, s19;
	v2 =	vadd.s32 v2, v3;
	s5 =	sadd.s32 s20, s5  }
0x4cb: {  	s20 =	smov.u32 s22;
	s12 =	sor.u32 s22, s12;
	[tilespmem:s5+$0x0] =	vst v2;
	s5 =	smov.u32 s17  }
0x4cc: {  	s17 =	smov.u32 s23;
	v2 =	vld [tilespmem:s12+$0xFA00]  }
0x4cd: {  	v3 =	vld [tilespmem:s12+$0x10A00]  }
0x4ce: {  	v4 =	vld [tilespmem:s12+$0x11A00];
	_ =	sdelay $0x2  }
0x4cf: {  	v2 =	vmax.f32 v2, $-9.999998800e-01  }
0x4d0: {  	v2 =	vmin.f32 v2, $9.999998800e-01;
	v3 =	vmax.f32 v3, $-9.999998800e-01  }
0x4d1: {  	v2 =	vadd.f32 $1.000000000e+00, v2;
	v3 =	vmin.f32 v3, $9.999998800e-01;
	v4 =	vmax.f32 v4, $-9.999998800e-01  }
0x4d2: {  	v3 =	vadd.f32 $1.000000000e+00, v3;
	v4 =	vmin.f32 v4, $9.999998800e-01  }
0x4d3: {  	v5 =	vld [tilespmem:s12+$0x12A00];
	v2 =	vmul.f32 $4.000000000e+00, v2;
	v4 =	vadd.f32 $1.000000000e+00, v4  }
0x4d4: {  	v3 =	vmul.f32 $4.000000000e+00, v3  }
0x4d5: {  	v2 =	vtrunc.f32 v2;
	v4 =	vmul.f32 $4.000000000e+00, v4  }
.Ltmp25:
0x4d6: {  	v2 =	vcvt.f32.s32 v2;
	v3 =	vtrunc.f32 v3;
	(pc) =	sbr.rel @p0 .LBB2_53-.Ltmp25, $4  }
0x4d7: {  	v3 =	vcvt.f32.s32 v3  }
0x4d8: {  	v4 =	vtrunc.f32 v4;
	v5 =	vshll.u32 v5, $0x9;
	v2 =	vshll.u32 v2, $0x6  }
0x4d9: {  	s21 =	sadd.s32 $0x80, s21;
	s22 =	sand.u32 $0x70, s23;
	s5 =	sand.u32 $0x80, s5;
	v5 =	vadd.s32 v5, v2;
	v3 =	vshll.u32 v3, $0x3;
	v2 =	vcvt.f32.s32 v4  }
0x4da: {  	s23 =	sadd.s32 $0x10, s23;
	s5 =	sadd.s32 s5, s16;
	s12 =	sand.u32 $0x400, s21;
	v3 =	vadd.s32 v3, v5  }
0x4db: {  	s12 =	sor.u32 s12, s19;
	v2 =	vadd.s32 v2, v3;
	s5 =	sadd.s32 s20, s5  }
0x4dc: {  	s12 =	sor.u32 s22, s12;
	[tilespmem:s5+$0x0] =	vst v2  }
0x4dd: {  	v2 =	vld [tilespmem:s12+$0xFA00]  }
0x4de: {  	v3 =	vld [tilespmem:s12+$0x10A00]  }
0x4df: {  	v4 =	vld [tilespmem:s12+$0x11A00];
	_ =	sdelay $0x2  }
0x4e0: {  	v2 =	vmax.f32 v2, $-9.999998800e-01  }
0x4e1: {  	v3 =	vmax.f32 v3, $-9.999998800e-01;
	v2 =	vmin.f32 v2, $9.999998800e-01  }
0x4e2: {  	v4 =	vmax.f32 v4, $-9.999998800e-01;
	v3 =	vmin.f32 v3, $9.999998800e-01;
	v2 =	vadd.f32 $1.000000000e+00, v2  }
0x4e3: {  	v4 =	vmin.f32 v4, $9.999998800e-01;
	v3 =	vadd.f32 $1.000000000e+00, v3  }
0x4e4: {  	v5 =	vld [tilespmem:s12+$0x12A00];
	v4 =	vadd.f32 $1.000000000e+00, v4;
	v2 =	vmul.f32 $4.000000000e+00, v2  }
0x4e5: {  	v3 =	vmul.f32 $4.000000000e+00, v3  }
0x4e6: {  	v4 =	vmul.f32 $4.000000000e+00, v4;
	v2 =	vtrunc.f32 v2  }
0x4e7: {  	s15 =	sadd.s32 $0x1, s15;
	v3 =	vtrunc.f32 v3;
	v2 =	vcvt.f32.s32 v2  }
0x4e8: {  	p0 =	sne.s32 s15, $0x10;
	v3 =	vcvt.f32.s32 v3  }
.Ltmp26:
0x4e9: {  	v5 =	vshll.u32 v5, $0x9;
	v4 =	vtrunc.f32 v4;
	v2 =	vshll.u32 v2, $0x6;
	(pc) =	sbr.rel @p0 .LBB2_52-.Ltmp26, $4  }
0x4ea: {  	s23 =	sand.u32 $0x80, s17;
	v4 =	vcvt.f32.s32 v4;
	v3 =	vshll.u32 v3, $0x3;
	v2 =	vadd.s32 v5, v2  }
0x4eb: {  	s5 =	sadd.s32 s23, s16;
	v2 =	vadd.s32 v3, v2  }
0x4ec: {  	s5 =	sadd.s32 s22, s5;
	v2 =	vadd.s32 v4, v2  }
0x4ed: {  	[tilespmem:s5+$0x0] =	vst v2  }
0x4ee: {  	s5 =	sld [smem:$0x7D6]  }
0x4ef: {  	[spmem:s2] =	stream.indirect.scatter.add.f32 [tilespmem:s8], [sflag:$0x3], $0x1, s7, s6, $0xb8;
	[tilespmem:$0x1BA00] =	vst v63  }
0x4f0: {  	s14 =	simm.s32 $0x0;
	s21 =	sld [smem:$0x7D7]  }
0x4f1: {  	[tilespmem:s24], [sflag:$0x1] =	stream.linear.gather [hbm4b:s5+s14], $0x1000, $0x38;
	[tilespmem:$0x1BA00] =	vst v63  }
0x4f2: {  	s22 =	sld [smem:$0x7D8]  }
0x4f3: {  	[tilespmem:s25], [sflag:$0x1] =	stream.linear.gather [hbm4b:s21+s14], $0x1000, $0x38;
	[tilespmem:$0x1BA00] =	vst v63  }
0x4f4: {  	s23 =	sld [smem:$0x7EA]  }
0x4f5: {  	[tilespmem:s26], [sflag:$0x1] =	stream.linear.gather [hbm4b:s22+s14], $0x1000, $0x38;
	[tilespmem:$0x1BA00] =	vst v63  }
0x4f6: {  	_ = 	snop  }
0x4f7: {  	[tilespmem:s28], [sflag:$0x1] =	stream.linear.gather [hbm4b:s23+s14], $0x1000, $0x38;
	[tilespmem:$0x1BA00] =	vst v63  }
0x4f8: {  	_ =	swait.ge [sflag:s9], $0x1000  }
0x4f9: {  	[sflag:s9] =	ssyncset.done $0x0  }
0x4fa: {  	[sflag:s9] =	ssyncadd.s32 $0xFFFFF000  }
0x4fb: {  	_ =	swait.ge [sflag:s9], $0x1000  }
0x4fc: {  	[sflag:s9] =	ssyncset.done $0x0  }
0x4fd: {  	[sflag:s9] =	ssyncadd.s32 $0xFFFFF000  }
0x4fe: {  	_ =	swait.ge [sflag:s9], $0x1000  }
0x4ff: {  	[sflag:s9] =	ssyncset.done $0x0  }
0x500: {  	[sflag:s9] =	ssyncadd.s32 $0xFFFFF000  }
0x501: {  	_ =	swait.ge [sflag:s9], $0x1000  }
0x502: {  	[sflag:s9] =	ssyncset.done $0x0  }
0x503: {  	[sflag:s9] =	ssyncadd.s32 $0xFFFFF000  }
0x504: {  	_ =	swait.ge [sflag:s11], $0x1000  }
0x505: {  	[sflag:s11] =	ssyncset.done $0x0  }
0x506: {  	s15 =	simm.s32 $0x0;
	[sflag:s11] =	ssyncadd.s32 $0xFFFFF000  }
.LBB2_56:
0x507: {  	s5 =	sshll.u32 s15, $0x8;
	s12 =	sshll.u32 s15, $0x7  }
0x508: {  	s16 =	sand.u32 $0x800, s5;
	s12 =	sand.u32 $0x380, s12  }
0x509: {  	s23 =	sand.u32 $0x400, s14;
	s19 =	sor.u32 s16, s12  }
0x50a: {  	s20 =	sand.u32 $0x70, s14;
	s12 =	sor.u32 s23, s19  }
0x50b: {  	s12 =	sor.u32 s20, s12  }
0x50c: {  	v2 =	vld [tilespmem:s12+$0x14A00]  }
0x50d: {  	v3 =	vld [tilespmem:s12+$0x15A00]  }
0x50e: {  	v4 =	vld [tilespmem:s12+$0x16A00];
	_ =	sdelay $0x2  }
0x50f: {  	v2 =	vmax.f32 v2, $-9.999998800e-01  }
0x510: {  	v3 =	vmax.f32 v3, $-9.999998800e-01;
	v2 =	vmin.f32 v2, $9.999998800e-01  }
0x511: {  	v4 =	vmax.f32 v4, $-9.999998800e-01;
	v3 =	vmin.f32 v3, $9.999998800e-01;
	v2 =	vadd.f32 $1.000000000e+00, v2  }
0x512: {  	v4 =	vmin.f32 v4, $9.999998800e-01;
	v3 =	vadd.f32 $1.000000000e+00, v3  }
0x513: {  	v5 =	vld [tilespmem:s12+$0x17A00];
	v4 =	vadd.f32 $1.000000000e+00, v4;
	v2 =	vmul.f32 $4.000000000e+00, v2  }
0x514: {  	v3 =	vmul.f32 $4.000000000e+00, v3  }
0x515: {  	v4 =	vmul.f32 $4.000000000e+00, v4;
	v2 =	vtrunc.f32 v2  }
0x516: {  	v3 =	vtrunc.f32 v3;
	v2 =	vcvt.f32.s32 v2  }
0x517: {  	v3 =	vcvt.f32.s32 v3  }
0x518: {  	s17 =	simm.s32 $0x10;
	s21 =	simm.s32 $0x80;
	s5 =	sand.u32 $0x3FFFFF00, s5;
	v5 =	vshll.u32 v5, $0x9;
	v4 =	vtrunc.f32 v4;
	v2 =	vshll.u32 v2, $0x6  }
0x519: {  	s22 =	sand.u32 $0x70, s17;
	s16 =	sadd.s32 $0x18A00, s5;
	s5 =	sand.u32 $0x80, s14;
	v3 =	vshll.u32 v3, $0x3;
	v5 =	vadd.s32 v5, v2;
	v2 =	vcvt.f32.s32 v4  }
0x51a: {  	s23 =	simm.s32 $0x20;
	s5 =	sadd.s32 s5, s16;
	s12 =	sand.u32 $0x400, s21;
	v3 =	vadd.s32 v3, v5  }
.LBB2_57:
0x51b: {  	p0 =	sne.s32 s23, $0xF0;
	s12 =	sor.u32 s12, s19;
	v2 =	vadd.s32 v2, v3;
	s5 =	sadd.s32 s20, s5  }
0x51c: {  	s20 =	smov.u32 s22;
	s12 =	sor.u32 s22, s12;
	[tilespmem:s5+$0x0] =	vst v2;
	s5 =	smov.u32 s17  }
0x51d: {  	s17 =	smov.u32 s23;
	v2 =	vld [tilespmem:s12+$0x14A00]  }
0x51e: {  	v3 =	vld [tilespmem:s12+$0x15A00]  }
0x51f: {  	v4 =	vld [tilespmem:s12+$0x16A00];
	_ =	sdelay $0x2  }
0x520: {  	v2 =	vmax.f32 v2, $-9.999998800e-01  }
0x521: {  	v2 =	vmin.f32 v2, $9.999998800e-01;
	v3 =	vmax.f32 v3, $-9.999998800e-01  }
0x522: {  	v2 =	vadd.f32 $1.000000000e+00, v2;
	v3 =	vmin.f32 v3, $9.999998800e-01;
	v4 =	vmax.f32 v4, $-9.999998800e-01  }
0x523: {  	v3 =	vadd.f32 $1.000000000e+00, v3;
	v4 =	vmin.f32 v4, $9.999998800e-01  }
0x524: {  	v5 =	vld [tilespmem:s12+$0x17A00];
	v2 =	vmul.f32 $4.000000000e+00, v2;
	v4 =	vadd.f32 $1.000000000e+00, v4  }
0x525: {  	v3 =	vmul.f32 $4.000000000e+00, v3  }
0x526: {  	v2 =	vtrunc.f32 v2;
	v4 =	vmul.f32 $4.000000000e+00, v4  }
.Ltmp27:
0x527: {  	v2 =	vcvt.f32.s32 v2;
	v3 =	vtrunc.f32 v3;
	(pc) =	sbr.rel @p0 .LBB2_57-.Ltmp27, $4  }
0x528: {  	v3 =	vcvt.f32.s32 v3  }
0x529: {  	v4 =	vtrunc.f32 v4;
	v5 =	vshll.u32 v5, $0x9;
	v2 =	vshll.u32 v2, $0x6  }
0x52a: {  	s21 =	sadd.s32 $0x80, s21;
	s22 =	sand.u32 $0x70, s23;
	s5 =	sand.u32 $0x80, s5;
	v5 =	vadd.s32 v5, v2;
	v3 =	vshll.u32 v3, $0x3;
	v2 =	vcvt.f32.s32 v4  }
0x52b: {  	s23 =	sadd.s32 $0x10, s23;
	s5 =	sadd.s32 s5, s16;
	s12 =	sand.u32 $0x400, s21;
	v3 =	vadd.s32 v3, v5  }
0x52c: {  	s12 =	sor.u32 s12, s19;
	v2 =	vadd.s32 v2, v3;
	s5 =	sadd.s32 s20, s5  }
0x52d: {  	s12 =	sor.u32 s22, s12;
	[tilespmem:s5+$0x0] =	vst v2  }
0x52e: {  	v2 =	vld [tilespmem:s12+$0x14A00]  }
0x52f: {  	v3 =	vld [tilespmem:s12+$0x15A00]  }
0x530: {  	v4 =	vld [tilespmem:s12+$0x16A00];
	_ =	sdelay $0x2  }
0x531: {  	v2 =	vmax.f32 v2, $-9.999998800e-01  }
0x532: {  	v3 =	vmax.f32 v3, $-9.999998800e-01;
	v2 =	vmin.f32 v2, $9.999998800e-01  }
0x533: {  	v4 =	vmax.f32 v4, $-9.999998800e-01;
	v3 =	vmin.f32 v3, $9.999998800e-01;
	v2 =	vadd.f32 $1.000000000e+00, v2  }
0x534: {  	v4 =	vmin.f32 v4, $9.999998800e-01;
	v3 =	vadd.f32 $1.000000000e+00, v3  }
0x535: {  	v5 =	vld [tilespmem:s12+$0x17A00];
	v4 =	vadd.f32 $1.000000000e+00, v4;
	v2 =	vmul.f32 $4.000000000e+00, v2  }
0x536: {  	v3 =	vmul.f32 $4.000000000e+00, v3  }
0x537: {  	v4 =	vmul.f32 $4.000000000e+00, v4;
	v2 =	vtrunc.f32 v2  }
0x538: {  	s15 =	sadd.s32 $0x1, s15;
	v3 =	vtrunc.f32 v3;
	v2 =	vcvt.f32.s32 v2  }
0x539: {  	p0 =	sne.s32 s15, $0x10;
	v3 =	vcvt.f32.s32 v3  }
.Ltmp28:
0x53a: {  	v5 =	vshll.u32 v5, $0x9;
	v4 =	vtrunc.f32 v4;
	v2 =	vshll.u32 v2, $0x6;
	(pc) =	sbr.rel @p0 .LBB2_56-.Ltmp28, $4  }
0x53b: {  	s23 =	sand.u32 $0x80, s17;
	v4 =	vcvt.f32.s32 v4;
	v3 =	vshll.u32 v3, $0x3;
	v2 =	vadd.s32 v5, v2  }
0x53c: {  	s5 =	sadd.s32 s23, s16;
	v2 =	vadd.s32 v3, v2  }
0x53d: {  	s5 =	sadd.s32 s22, s5;
	v2 =	vadd.s32 v4, v2  }
0x53e: {  	[tilespmem:s5+$0x0] =	vst v2  }
0x53f: {  	s5 =	sld [smem:$0x7D9]  }
0x540: {  	[spmem:s2] =	stream.indirect.scatter.add.f32 [tilespmem:s8], [sflag:$0x3], $0x1, s10, s6, $0xb8;
	[tilespmem:$0x1BA00] =	vst v63  }
0x541: {  	s14 =	simm.s32 $0x0;
	s21 =	sld [smem:$0x7DA]  }
0x542: {  	[tilespmem:s29], [sflag:$0x2] =	stream.linear.gather [hbm4b:s5+s14], $0x1000, $0x38;
	[tilespmem:$0x1BA00] =	vst v63  }
0x543: {  	s22 =	sld [smem:$0x7DB]  }
0x544: {  	[tilespmem:s30], [sflag:$0x2] =	stream.linear.gather [hbm4b:s21+s14], $0x1000, $0x38;
	[tilespmem:$0x1BA00] =	vst v63  }
0x545: {  	s23 =	sld [smem:$0x7EB]  }
0x546: {  	[tilespmem:s31], [sflag:$0x2] =	stream.linear.gather [hbm4b:s22+s14], $0x1000, $0x38;
	[tilespmem:$0x1BA00] =	vst v63  }
0x547: {  	_ = 	snop  }
0x548: {  	[tilespmem:s0], [sflag:$0x2] =	stream.linear.gather [hbm4b:s23+s14], $0x1000, $0x38;
	[tilespmem:$0x1BA00] =	vst v63  }
0x549: {  	_ =	swait.ge [sflag:s4], $0x1000  }
0x54a: {  	[sflag:s4] =	ssyncset.done $0x0  }
0x54b: {  	[sflag:s4] =	ssyncadd.s32 $0xFFFFF000  }
0x54c: {  	_ =	swait.ge [sflag:s4], $0x1000  }
0x54d: {  	[sflag:s4] =	ssyncset.done $0x0  }
0x54e: {  	[sflag:s4] =	ssyncadd.s32 $0xFFFFF000  }
0x54f: {  	_ =	swait.ge [sflag:s4], $0x1000  }
0x550: {  	[sflag:s4] =	ssyncset.done $0x0  }
0x551: {  	[sflag:s4] =	ssyncadd.s32 $0xFFFFF000  }
0x552: {  	_ =	swait.ge [sflag:s4], $0x1000  }
0x553: {  	[sflag:s4] =	ssyncset.done $0x0  }
0x554: {  	[sflag:s4] =	ssyncadd.s32 $0xFFFFF000  }
0x555: {  	_ =	swait.ge [sflag:s11], $0x1000  }
0x556: {  	[sflag:s11] =	ssyncset.done $0x0  }
0x557: {  	s15 =	simm.s32 $0x0;
	[sflag:s11] =	ssyncadd.s32 $0xFFFFF000  }
.LBB2_60:
0x558: {  	s5 =	sshll.u32 s15, $0x8;
	s12 =	sshll.u32 s15, $0x7  }
0x559: {  	s16 =	sand.u32 $0x800, s5;
	s12 =	sand.u32 $0x380, s12  }
0x55a: {  	s23 =	sand.u32 $0x400, s14;
	s19 =	sor.u32 s16, s12  }
0x55b: {  	s20 =	sand.u32 $0x70, s14;
	s12 =	sor.u32 s23, s19  }
0x55c: {  	s12 =	sor.u32 s20, s12  }
0x55d: {  	v2 =	vld [tilespmem:s12+$0xFA00]  }
0x55e: {  	v3 =	vld [tilespmem:s12+$0x10A00]  }
0x55f: {  	v4 =	vld [tilespmem:s12+$0x11A00];
	_ =	sdelay $0x2  }
0x560: {  	v2 =	vmax.f32 v2, $-9.999998800e-01  }
0x561: {  	v3 =	vmax.f32 v3, $-9.999998800e-01;
	v2 =	vmin.f32 v2, $9.999998800e-01  }
0x562: {  	v4 =	vmax.f32 v4, $-9.999998800e-01;
	v3 =	vmin.f32 v3, $9.999998800e-01;
	v2 =	vadd.f32 $1.000000000e+00, v2  }
0x563: {  	v4 =	vmin.f32 v4, $9.999998800e-01;
	v3 =	vadd.f32 $1.000000000e+00, v3  }
0x564: {  	v5 =	vld [tilespmem:s12+$0x12A00];
	v4 =	vadd.f32 $1.000000000e+00, v4;
	v2 =	vmul.f32 $4.000000000e+00, v2  }
0x565: {  	v3 =	vmul.f32 $4.000000000e+00, v3  }
0x566: {  	v4 =	vmul.f32 $4.000000000e+00, v4;
	v2 =	vtrunc.f32 v2  }
0x567: {  	v3 =	vtrunc.f32 v3;
	v2 =	vcvt.f32.s32 v2  }
0x568: {  	v3 =	vcvt.f32.s32 v3  }
0x569: {  	s17 =	simm.s32 $0x10;
	s21 =	simm.s32 $0x80;
	s5 =	sand.u32 $0x3FFFFF00, s5;
	v5 =	vshll.u32 v5, $0x9;
	v4 =	vtrunc.f32 v4;
	v2 =	vshll.u32 v2, $0x6  }
0x56a: {  	s22 =	sand.u32 $0x70, s17;
	s16 =	sadd.s32 $0x13A00, s5;
	s5 =	sand.u32 $0x80, s14;
	v3 =	vshll.u32 v3, $0x3;
	v5 =	vadd.s32 v5, v2;
	v2 =	vcvt.f32.s32 v4  }
0x56b: {  	s23 =	simm.s32 $0x20;
	s5 =	sadd.s32 s5, s16;
	s12 =	sand.u32 $0x400, s21;
	v3 =	vadd.s32 v3, v5  }
.LBB2_61:
0x56c: {  	p0 =	sne.s32 s23, $0xF0;
	s12 =	sor.u32 s12, s19;
	v2 =	vadd.s32 v2, v3;
	s5 =	sadd.s32 s20, s5  }
0x56d: {  	s20 =	smov.u32 s22;
	s12 =	sor.u32 s22, s12;
	[tilespmem:s5+$0x0] =	vst v2;
	s5 =	smov.u32 s17  }
0x56e: {  	s17 =	smov.u32 s23;
	v2 =	vld [tilespmem:s12+$0xFA00]  }
0x56f: {  	v3 =	vld [tilespmem:s12+$0x10A00]  }
0x570: {  	v4 =	vld [tilespmem:s12+$0x11A00];
	_ =	sdelay $0x2  }
0x571: {  	v2 =	vmax.f32 v2, $-9.999998800e-01  }
0x572: {  	v2 =	vmin.f32 v2, $9.999998800e-01;
	v3 =	vmax.f32 v3, $-9.999998800e-01  }
0x573: {  	v2 =	vadd.f32 $1.000000000e+00, v2;
	v3 =	vmin.f32 v3, $9.999998800e-01;
	v4 =	vmax.f32 v4, $-9.999998800e-01  }
0x574: {  	v3 =	vadd.f32 $1.000000000e+00, v3;
	v4 =	vmin.f32 v4, $9.999998800e-01  }
0x575: {  	v5 =	vld [tilespmem:s12+$0x12A00];
	v2 =	vmul.f32 $4.000000000e+00, v2;
	v4 =	vadd.f32 $1.000000000e+00, v4  }
0x576: {  	v3 =	vmul.f32 $4.000000000e+00, v3  }
0x577: {  	v2 =	vtrunc.f32 v2;
	v4 =	vmul.f32 $4.000000000e+00, v4  }
.Ltmp29:
0x578: {  	v2 =	vcvt.f32.s32 v2;
	v3 =	vtrunc.f32 v3;
	(pc) =	sbr.rel @p0 .LBB2_61-.Ltmp29, $4  }
0x579: {  	v3 =	vcvt.f32.s32 v3  }
0x57a: {  	v4 =	vtrunc.f32 v4;
	v5 =	vshll.u32 v5, $0x9;
	v2 =	vshll.u32 v2, $0x6  }
0x57b: {  	s21 =	sadd.s32 $0x80, s21;
	s22 =	sand.u32 $0x70, s23;
	s5 =	sand.u32 $0x80, s5;
	v5 =	vadd.s32 v5, v2;
	v3 =	vshll.u32 v3, $0x3;
	v2 =	vcvt.f32.s32 v4  }
0x57c: {  	s23 =	sadd.s32 $0x10, s23;
	s5 =	sadd.s32 s5, s16;
	s12 =	sand.u32 $0x400, s21;
	v3 =	vadd.s32 v3, v5  }
0x57d: {  	s12 =	sor.u32 s12, s19;
	v2 =	vadd.s32 v2, v3;
	s5 =	sadd.s32 s20, s5  }
0x57e: {  	s12 =	sor.u32 s22, s12;
	[tilespmem:s5+$0x0] =	vst v2  }
0x57f: {  	v2 =	vld [tilespmem:s12+$0xFA00]  }
0x580: {  	v3 =	vld [tilespmem:s12+$0x10A00]  }
0x581: {  	v4 =	vld [tilespmem:s12+$0x11A00];
	_ =	sdelay $0x2  }
0x582: {  	v2 =	vmax.f32 v2, $-9.999998800e-01  }
0x583: {  	v3 =	vmax.f32 v3, $-9.999998800e-01;
	v2 =	vmin.f32 v2, $9.999998800e-01  }
0x584: {  	v4 =	vmax.f32 v4, $-9.999998800e-01;
	v3 =	vmin.f32 v3, $9.999998800e-01;
	v2 =	vadd.f32 $1.000000000e+00, v2  }
0x585: {  	v4 =	vmin.f32 v4, $9.999998800e-01;
	v3 =	vadd.f32 $1.000000000e+00, v3  }
0x586: {  	v5 =	vld [tilespmem:s12+$0x12A00];
	v4 =	vadd.f32 $1.000000000e+00, v4;
	v2 =	vmul.f32 $4.000000000e+00, v2  }
0x587: {  	v3 =	vmul.f32 $4.000000000e+00, v3  }
0x588: {  	v4 =	vmul.f32 $4.000000000e+00, v4;
	v2 =	vtrunc.f32 v2  }
0x589: {  	s15 =	sadd.s32 $0x1, s15;
	v3 =	vtrunc.f32 v3;
	v2 =	vcvt.f32.s32 v2  }
0x58a: {  	p0 =	sne.s32 s15, $0x10;
	v3 =	vcvt.f32.s32 v3  }
.Ltmp30:
0x58b: {  	v5 =	vshll.u32 v5, $0x9;
	v4 =	vtrunc.f32 v4;
	v2 =	vshll.u32 v2, $0x6;
	(pc) =	sbr.rel @p0 .LBB2_60-.Ltmp30, $4  }
0x58c: {  	s23 =	sand.u32 $0x80, s17;
	v4 =	vcvt.f32.s32 v4;
	v3 =	vshll.u32 v3, $0x3;
	v2 =	vadd.s32 v5, v2  }
0x58d: {  	s5 =	sadd.s32 s23, s16;
	v2 =	vadd.s32 v3, v2  }
0x58e: {  	s5 =	sadd.s32 s22, s5;
	v2 =	vadd.s32 v4, v2  }
0x58f: {  	[tilespmem:s5+$0x0] =	vst v2  }
0x590: {  	[spmem:s2] =	stream.indirect.scatter.add.f32 [tilespmem:s8], [sflag:$0x3], $0x1, s7, s6, $0xb8;
	[tilespmem:$0x1BA00] =	vst v63  }
0x591: {  	_ =	swait.ge [sflag:s9], $0x1000  }
0x592: {  	[sflag:s9] =	ssyncset.done $0x0  }
0x593: {  	[sflag:s9] =	ssyncadd.s32 $0xFFFFF000  }
0x594: {  	_ =	swait.ge [sflag:s9], $0x1000  }
0x595: {  	[sflag:s9] =	ssyncset.done $0x0  }
0x596: {  	[sflag:s9] =	ssyncadd.s32 $0xFFFFF000  }
0x597: {  	_ =	swait.ge [sflag:s9], $0x1000  }
0x598: {  	[sflag:s9] =	ssyncset.done $0x0  }
0x599: {  	[sflag:s9] =	ssyncadd.s32 $0xFFFFF000  }
0x59a: {  	_ =	swait.ge [sflag:s9], $0x1000  }
0x59b: {  	[sflag:s9] =	ssyncset.done $0x0  }
0x59c: {  	[sflag:s9] =	ssyncadd.s32 $0xFFFFF000  }
0x59d: {  	_ =	swait.ge [sflag:s11], $0x1000  }
0x59e: {  	[sflag:s11] =	ssyncset.done $0x0  }
0x59f: {  	s14 =	simm.s32 $0x0;
	s15 =	simm.s32 $0x0;
	[sflag:s11] =	ssyncadd.s32 $0xFFFFF000  }
.LBB2_64:
0x5a0: {  	s5 =	sshll.u32 s15, $0x8;
	s12 =	sshll.u32 s15, $0x7  }
0x5a1: {  	s16 =	sand.u32 $0x800, s5;
	s12 =	sand.u32 $0x380, s12  }
0x5a2: {  	s23 =	sand.u32 $0x400, s14;
	s19 =	sor.u32 s16, s12  }
0x5a3: {  	s20 =	sand.u32 $0x70, s14;
	s12 =	sor.u32 s23, s19  }
0x5a4: {  	s12 =	sor.u32 s20, s12  }
0x5a5: {  	v2 =	vld [tilespmem:s12+$0x14A00]  }
0x5a6: {  	v3 =	vld [tilespmem:s12+$0x15A00]  }
0x5a7: {  	v4 =	vld [tilespmem:s12+$0x16A00];
	_ =	sdelay $0x2  }
0x5a8: {  	v2 =	vmax.f32 v2, $-9.999998800e-01  }
0x5a9: {  	v3 =	vmax.f32 v3, $-9.999998800e-01;
	v2 =	vmin.f32 v2, $9.999998800e-01  }
0x5aa: {  	v4 =	vmax.f32 v4, $-9.999998800e-01;
	v3 =	vmin.f32 v3, $9.999998800e-01;
	v2 =	vadd.f32 $1.000000000e+00, v2  }
0x5ab: {  	v4 =	vmin.f32 v4, $9.999998800e-01;
	v3 =	vadd.f32 $1.000000000e+00, v3  }
0x5ac: {  	v5 =	vld [tilespmem:s12+$0x17A00];
	v4 =	vadd.f32 $1.000000000e+00, v4;
	v2 =	vmul.f32 $4.000000000e+00, v2  }
0x5ad: {  	v3 =	vmul.f32 $4.000000000e+00, v3  }
0x5ae: {  	v4 =	vmul.f32 $4.000000000e+00, v4;
	v2 =	vtrunc.f32 v2  }
0x5af: {  	v3 =	vtrunc.f32 v3;
	v2 =	vcvt.f32.s32 v2  }
0x5b0: {  	v3 =	vcvt.f32.s32 v3  }
0x5b1: {  	s17 =	simm.s32 $0x10;
	s21 =	simm.s32 $0x80;
	s5 =	sand.u32 $0x3FFFFF00, s5;
	v5 =	vshll.u32 v5, $0x9;
	v4 =	vtrunc.f32 v4;
	v2 =	vshll.u32 v2, $0x6  }
0x5b2: {  	s22 =	sand.u32 $0x70, s17;
	s16 =	sadd.s32 $0x18A00, s5;
	s5 =	sand.u32 $0x80, s14;
	v3 =	vshll.u32 v3, $0x3;
	v5 =	vadd.s32 v5, v2;
	v2 =	vcvt.f32.s32 v4  }
0x5b3: {  	s23 =	simm.s32 $0x20;
	s5 =	sadd.s32 s5, s16;
	s12 =	sand.u32 $0x400, s21;
	v3 =	vadd.s32 v3, v5  }
.LBB2_65:
0x5b4: {  	p0 =	sne.s32 s23, $0xF0;
	s12 =	sor.u32 s12, s19;
	v2 =	vadd.s32 v2, v3;
	s5 =	sadd.s32 s20, s5  }
0x5b5: {  	s20 =	smov.u32 s22;
	s12 =	sor.u32 s22, s12;
	[tilespmem:s5+$0x0] =	vst v2;
	s5 =	smov.u32 s17  }
0x5b6: {  	s17 =	smov.u32 s23;
	v2 =	vld [tilespmem:s12+$0x14A00]  }
0x5b7: {  	v3 =	vld [tilespmem:s12+$0x15A00]  }
0x5b8: {  	v4 =	vld [tilespmem:s12+$0x16A00];
	_ =	sdelay $0x2  }
0x5b9: {  	v2 =	vmax.f32 v2, $-9.999998800e-01  }
0x5ba: {  	v2 =	vmin.f32 v2, $9.999998800e-01;
	v3 =	vmax.f32 v3, $-9.999998800e-01  }
0x5bb: {  	v2 =	vadd.f32 $1.000000000e+00, v2;
	v3 =	vmin.f32 v3, $9.999998800e-01;
	v4 =	vmax.f32 v4, $-9.999998800e-01  }
0x5bc: {  	v3 =	vadd.f32 $1.000000000e+00, v3;
	v4 =	vmin.f32 v4, $9.999998800e-01  }
0x5bd: {  	v5 =	vld [tilespmem:s12+$0x17A00];
	v2 =	vmul.f32 $4.000000000e+00, v2;
	v4 =	vadd.f32 $1.000000000e+00, v4  }
0x5be: {  	v3 =	vmul.f32 $4.000000000e+00, v3  }
0x5bf: {  	v2 =	vtrunc.f32 v2;
	v4 =	vmul.f32 $4.000000000e+00, v4  }
.Ltmp31:
0x5c0: {  	v2 =	vcvt.f32.s32 v2;
	v3 =	vtrunc.f32 v3;
	(pc) =	sbr.rel @p0 .LBB2_65-.Ltmp31, $4  }
0x5c1: {  	v3 =	vcvt.f32.s32 v3  }
0x5c2: {  	v4 =	vtrunc.f32 v4;
	v5 =	vshll.u32 v5, $0x9;
	v2 =	vshll.u32 v2, $0x6  }
0x5c3: {  	s21 =	sadd.s32 $0x80, s21;
	s22 =	sand.u32 $0x70, s23;
	s5 =	sand.u32 $0x80, s5;
	v5 =	vadd.s32 v5, v2;
	v3 =	vshll.u32 v3, $0x3;
	v2 =	vcvt.f32.s32 v4  }
0x5c4: {  	s23 =	sadd.s32 $0x10, s23;
	s5 =	sadd.s32 s5, s16;
	s12 =	sand.u32 $0x400, s21;
	v3 =	vadd.s32 v3, v5  }
0x5c5: {  	s12 =	sor.u32 s12, s19;
	v2 =	vadd.s32 v2, v3;
	s5 =	sadd.s32 s20, s5  }
0x5c6: {  	s12 =	sor.u32 s22, s12;
	[tilespmem:s5+$0x0] =	vst v2  }
0x5c7: {  	v2 =	vld [tilespmem:s12+$0x14A00]  }
0x5c8: {  	v3 =	vld [tilespmem:s12+$0x15A00]  }
0x5c9: {  	v4 =	vld [tilespmem:s12+$0x16A00];
	_ =	sdelay $0x2  }
0x5ca: {  	v2 =	vmax.f32 v2, $-9.999998800e-01  }
0x5cb: {  	v3 =	vmax.f32 v3, $-9.999998800e-01;
	v2 =	vmin.f32 v2, $9.999998800e-01  }
0x5cc: {  	v4 =	vmax.f32 v4, $-9.999998800e-01;
	v3 =	vmin.f32 v3, $9.999998800e-01;
	v2 =	vadd.f32 $1.000000000e+00, v2  }
0x5cd: {  	v4 =	vmin.f32 v4, $9.999998800e-01;
	v3 =	vadd.f32 $1.000000000e+00, v3  }
0x5ce: {  	v5 =	vld [tilespmem:s12+$0x17A00];
	v4 =	vadd.f32 $1.000000000e+00, v4;
	v2 =	vmul.f32 $4.000000000e+00, v2  }
0x5cf: {  	v3 =	vmul.f32 $4.000000000e+00, v3  }
0x5d0: {  	v4 =	vmul.f32 $4.000000000e+00, v4;
	v2 =	vtrunc.f32 v2  }
0x5d1: {  	s15 =	sadd.s32 $0x1, s15;
	v3 =	vtrunc.f32 v3;
	v2 =	vcvt.f32.s32 v2  }
0x5d2: {  	p0 =	sne.s32 s15, $0x10;
	v3 =	vcvt.f32.s32 v3  }
.Ltmp32:
0x5d3: {  	v5 =	vshll.u32 v5, $0x9;
	v4 =	vtrunc.f32 v4;
	v2 =	vshll.u32 v2, $0x6;
	(pc) =	sbr.rel @p0 .LBB2_64-.Ltmp32, $4  }
0x5d4: {  	s23 =	sand.u32 $0x80, s17;
	v4 =	vcvt.f32.s32 v4;
	v3 =	vshll.u32 v3, $0x3;
	v2 =	vadd.s32 v5, v2  }
0x5d5: {  	s5 =	sadd.s32 s23, s16;
	v2 =	vadd.s32 v3, v2  }
0x5d6: {  	s5 =	sadd.s32 s22, s5;
	v2 =	vadd.s32 v4, v2  }
0x5d7: {  	[tilespmem:s5+$0x0] =	vst v2  }
0x5d8: {  	[spmem:s2] =	stream.indirect.scatter.add.f32 [tilespmem:s8], [sflag:$0x3], $0x1, s10, s6, $0xb8;
	[tilespmem:$0x1BA00] =	vst v63  }
0x5d9: {  	_ =	swait.ge [sflag:s11], $0x1000  }
0x5da: {  	[sflag:s11] =	ssyncset.done $0x0  }
0x5db: {  	[sflag:s11] =	ssyncadd.s32 $0xFFFFF000  }
0x5dc: {  	_ =	swait.ge [sflag:s11], $0x1000  }
0x5dd: {  	[sflag:s11] =	ssyncset.done $0x0  }
0x5de: {  	[sflag:s11] =	ssyncadd.s32 $0xFFFFF000  }
0x5df: {  	[bflag:$0x0] =	sbarrier.arrive $0xFFFF  }
0x5e0: {  	s15 =	sld [smem:$0x7FD]  }
0x5e1: {  	s5 =	stileid.u32;
	s14 =	sld [smem:$0x7EC]  }
0x5e2: {  	s5 =	sshll.u32 s5, $0x6  }
0x5e3: {  	s22 =	simm.s32 $0x5;
	s5 =	sor.u32 $0x1C05, s5;
	s12 =	sshrl.u32 s15, $0x3  }
0x5e4: {  	[hbm:s14], [sflag:s5] =	dma.local [spmem:s12], $0x1F40  }
0x5e5: {  	_ =	swait.ge [sflag:s22], $0x1F40  }
0x5e6: {  	s23 =	sld [smem:$0x7ED];
	_ =	sdelay $0x1  }
0x5e7: {  	s13 =	sadd.s32 $0x1, s13  }
0x5e8: {  	p0 =	sne.s32 s13, s23  }
.Ltmp33:
0x5e9: {  	_ = 	snop;
	(pc) =	sbr.rel @p0 .LBB2_1-.Ltmp33, $3  }
0x5ea: {  	_ =	sdelay $0x1  }
0x5eb: {  	[sflag:s22] =	ssyncset.done $0x0  }
0x5ec: {  	[sflag:s22] =	ssyncadd.s32 $0xFFFFE0C0  }
0x5ed: {  	_ =	sfence.sel $0x180000  }
0x5ee: {  	[bflag:$0x0] =	sbarrier.arrive $0xFFFF  }
0x5ef: {  	_ =	strace $0x90000047  }
0x5f0: {  	s0 =	stileid.u32;
	[bflag:$0x2] =	sbarrier.arrive $0xFFFF  }
0x5f1: {  	p0 =	sne.s32 s0, $0x0;
	s0 =	rddreg [dreg:$0x4]  }
0x5f2: {  	s0 =	sadd.s32 @!p0 $0x100000, s0  }
0x5f3: {  	[sflag:s0] =	ssyncadd.tile.s32 @!p0 $0x1;
	_ =	shalt  }
.Lfunc_end2:
_tile_overlayer_lowered:
.L_overlay_start_2:
0x5f4: {  	(tag) =	ssettag $0x2  }
0x5f5: {  	s0 =	rddreg [dreg:$0x0];
	s2 =	stileid.u32  }
0x5f6: {  	s1 =	rddreg [dreg:$0x1];
	p0 =	sne.s32 s2, $0x0  }
0x5f7: {  	s3 =	rddreg [dreg:$0x2];
	[bflag:$0x3] =	sbarrier.arrive $0xFFFF;
	s2 =	simm.s32 @!p0 $0x1C05  }
0x5f8: {  	[timem:s3], [sflag:s2] =	dma.local @!p0 [hbm:s0], s1  }
0x5f9: {  	s0 =	simm.s32 @!p0 $0x5  }
0x5fa: {  	_ =	swait.ge @!p0 [sflag:s0], s1  }
0x5fb: {  	s1 =	ssub.s32 @!p0 $0x0, s1;
	[sflag:s0] =	ssyncset.done @!p0 $0x0  }
0x5fc: {  	[sflag:s0] =	ssyncadd.s32 @!p0 s1  }
0x5fd: {  	[bflag:$0x3] =	sbarrier.arrive $0xFFFF  }
0x5fe: {  	_ =	shalt  }

</sc_bundles>
